<compile_context>
chip_gen: v7x
topology: tpu7x:2x2x1
jax: 0.10.2.dev20260603
libtpu: 0.0.44.dev20260713+nightly
codegen_flags: <defaults>
</compile_context>

<pallas_src>
import functools

import jax
import jax.numpy as jnp
from jax import lax
from jax.experimental import pallas as pl
from jax.experimental.pallas import tpu as pltpu
from jax.experimental.pallas import tpu_sc as plsc

N_NODES = 10000
N_EDGES = 320000
D_IN = 128
D_HID = 64
D_OUT = 32

NC = 2
NS = 16
NW = NC * NS
BLK = 128
NB = 10240 // BLK
E_PAD = NW * NB * BLK
N_PAD = 10016
ROWS_PER_SUB = N_PAD // NS
MM_BLK = 512
GRID = (N_PAD + MM_BLK - 1) // MM_BLK

_ZCHUNKS = [(o, min(BLK, ROWS_PER_SUB - o)) for o in range(0, ROWS_PER_SUB, BLK)]

_mesh = plsc.VectorSubcoreMesh(core_axis_name="core", subcore_axis_name="subcore")
_sc_params = pltpu.CompilerParams(use_tc_tiling_on_sc=False)


def _worker_id():
    return lax.axis_index("core") * NS + lax.axis_index("subcore")


def _zero_fill(ref, width):
    z = jnp.zeros((16,), jnp.float32)

    @pl.loop(0, BLK)
    def _(r):
        for t in range(width // 16):
            ref[r, pl.ds(t * 16, 16)] = z


DEG_W = 16


@functools.partial(
    pl.kernel,
    out_type=jax.ShapeDtypeStruct((NC, N_PAD, DEG_W), jnp.float32),
    mesh=_mesh,
    scratch_types=[
        pltpu.VMEM((NB, BLK), jnp.int32),
        pltpu.VMEM((BLK, DEG_W), jnp.float32),
        pltpu.VMEM((BLK, DEG_W), jnp.float32),
        pltpu.VMEM_SHARED((N_PAD, DEG_W), jnp.float32),
    ],
    compiler_params=_sc_params,
)
def _deg_kernel(dst_hbm, out_hbm, idx_v, ones_v, zero_v, acc_sh):
    c = lax.axis_index("core")
    s = lax.axis_index("subcore")
    wid = _worker_id()

    one = jnp.ones((16,), jnp.float32)

    @pl.loop(0, BLK)
    def _(r):
        ones_v[r, pl.ds(0, 16)] = one

    _zero_fill(zero_v, DEG_W)
    for o, sz in _ZCHUNKS:
        pltpu.sync_copy(
            zero_v.at[pl.ds(0, sz)], acc_sh.at[pl.ds(s * ROWS_PER_SUB + o, sz)]
        )
    pltpu.sync_copy(dst_hbm.at[wid], idx_v)
    plsc.subcore_barrier()

    @pl.loop(0, NB)
    def _(j):
        pltpu.sync_copy(ones_v, acc_sh.at[idx_v.at[j]], add=True)

    plsc.subcore_barrier()
    pltpu.sync_copy(
        acc_sh.at[pl.ds(s * ROWS_PER_SUB, ROWS_PER_SUB)],
        out_hbm.at[c, pl.ds(s * ROWS_PER_SUB, ROWS_PER_SUB)],
    )


NBUF = 8


def _make_prop(d_feat, table_in_spmem):
    scratch = [
        pltpu.VMEM((NB, BLK), jnp.int32),
        pltpu.VMEM((NB, BLK), jnp.int32),
        [pltpu.VMEM((BLK, d_feat), jnp.float32)] * NBUF,
        pltpu.VMEM((BLK, d_feat), jnp.float32),
        pltpu.VMEM_SHARED((N_PAD, d_feat), jnp.float32)
        if table_in_spmem
        else None,
        pltpu.VMEM_SHARED((N_PAD, d_feat), jnp.float32),
        [pltpu.SemaphoreType.DMA] * NBUF,
        [pltpu.SemaphoreType.DMA] * NBUF,
    ]

    @functools.partial(
        pl.kernel,
        out_type=jax.ShapeDtypeStruct((NC, N_PAD, d_feat), jnp.float32),
        mesh=_mesh,
        scratch_types=[t for t in scratch if t is not None],
        compiler_params=_sc_params,
    )
    def _prop(g_hbm, src_hbm, dst_hbm, out_hbm, src_v, dst_v, bufs, zero_v, *rest):
        if table_in_spmem:
            g_sh, acc_sh, gsems, ssems = rest
        else:
            acc_sh, gsems, ssems = rest
            g_sh = None
        c = lax.axis_index("core")
        s = lax.axis_index("subcore")
        wid = _worker_id()

        rs = s * ROWS_PER_SUB
        table = g_sh if table_in_spmem else g_hbm
        if table_in_spmem:
            pltpu.sync_copy(
                g_hbm.at[pl.ds(rs, ROWS_PER_SUB)], g_sh.at[pl.ds(rs, ROWS_PER_SUB)]
            )
        _zero_fill(zero_v, d_feat)
        for o, sz in _ZCHUNKS:
            pltpu.sync_copy(zero_v.at[pl.ds(0, sz)], acc_sh.at[pl.ds(rs + o, sz)])
        pltpu.sync_copy(src_hbm.at[wid], src_v)
        pltpu.sync_copy(dst_hbm.at[wid], dst_v)
        plsc.subcore_barrier()

        for b in range(NBUF):
            pltpu.async_copy(table.at[src_v.at[b]], bufs[b], gsems[b])

        @pl.loop(0, NB, step=NBUF)
        def _(j):
            for b in range(NBUF):
                jj = j + b
                pltpu.make_async_copy(table.at[src_v.at[jj]], bufs[b], gsems[b]).wait()
                pltpu.async_copy(bufs[b], acc_sh.at[dst_v.at[jj]], ssems[b], add=True)
            for b in range(NBUF):
                jn = j + b + NBUF

                @pl.when(jn < NB)
                def _():
                    pltpu.make_async_copy(
                        bufs[b], acc_sh.at[dst_v.at[0]], ssems[b]
                    ).wait()
                    pltpu.async_copy(table.at[src_v.at[jn]], bufs[b], gsems[b])

        for b in range(NBUF):
            pltpu.make_async_copy(bufs[b], acc_sh.at[dst_v.at[0]], ssems[b]).wait()

        plsc.subcore_barrier()
        pltpu.sync_copy(
            acc_sh.at[pl.ds(rs, ROWS_PER_SUB)],
            out_hbm.at[c, pl.ds(rs, ROWS_PER_SUB)],
        )

    return _prop


_prop32 = _make_prop(D_OUT, table_in_spmem=True)


def _prep_body(deg_ref, x_ref, w_ref, dinv_ref, ga_ref, gb_ref):
    h = jnp.dot(
        x_ref[...], w_ref[...], preferred_element_type=jnp.float32,
        precision=lax.Precision.HIGHEST,
    )
    deg = deg_ref[0, :, 0:1] + deg_ref[1, :, 0:1] + 1.0
    dinv = lax.rsqrt(deg)
    dinv_ref[...] = dinv
    g = h * dinv
    ga_ref[...] = g[:, :D_OUT]
    gb_ref[...] = g[:, D_OUT:]


def _prep(deg_part, x_p, w1):
    return pl.pallas_call(
        _prep_body,
        grid=(GRID,),
        in_specs=[
            pl.BlockSpec((NC, MM_BLK, DEG_W), lambda i: (0, i, 0)),
            pl.BlockSpec((MM_BLK, D_IN), lambda i: (i, 0)),
            pl.BlockSpec((D_IN, D_HID), lambda i: (0, 0)),
        ],
        out_specs=[
            pl.BlockSpec((MM_BLK, 1), lambda i: (i, 0)),
            pl.BlockSpec((MM_BLK, D_OUT), lambda i: (i, 0)),
            pl.BlockSpec((MM_BLK, D_OUT), lambda i: (i, 0)),
        ],
        out_shape=[
            jax.ShapeDtypeStruct((N_PAD, 1), jnp.float32),
            jax.ShapeDtypeStruct((N_PAD, D_OUT), jnp.float32),
            jax.ShapeDtypeStruct((N_PAD, D_OUT), jnp.float32),
        ],
    )(deg_part, x_p, w1)


def _mid_body(pa_ref, pb_ref, ga_ref, gb_ref, dinv_ref, b_ref, w_ref, o_ref):
    p = jnp.concatenate(
        [pa_ref[0] + pa_ref[1] + ga_ref[...], pb_ref[0] + pb_ref[1] + gb_ref[...]],
        axis=1,
    )
    pre = p * dinv_ref[...] + b_ref[...]
    h = jnp.maximum(pre, 0.0)
    o_ref[...] = jnp.dot(
        h, w_ref[...], preferred_element_type=jnp.float32,
        precision=lax.Precision.HIGHEST,
    ) * dinv_ref[...]


def _mid(part1a, part1b, g1a, g1b, dinv, b1, w2):
    return pl.pallas_call(
        _mid_body,
        grid=(GRID,),
        in_specs=[
            pl.BlockSpec((NC, MM_BLK, D_OUT), lambda i: (0, i, 0)),
            pl.BlockSpec((NC, MM_BLK, D_OUT), lambda i: (0, i, 0)),
            pl.BlockSpec((MM_BLK, D_OUT), lambda i: (i, 0)),
            pl.BlockSpec((MM_BLK, D_OUT), lambda i: (i, 0)),
            pl.BlockSpec((MM_BLK, 1), lambda i: (i, 0)),
            pl.BlockSpec((1, D_HID), lambda i: (0, 0)),
            pl.BlockSpec((D_HID, D_OUT), lambda i: (0, 0)),
        ],
        out_specs=pl.BlockSpec((MM_BLK, D_OUT), lambda i: (i, 0)),
        out_shape=jax.ShapeDtypeStruct((N_PAD, D_OUT), jnp.float32),
    )(part1a, part1b, g1a, g1b, dinv, b1, w2)


def _final_body(p_ref, g_ref, dinv_ref, b_ref, o_ref):
    tot = p_ref[0] + p_ref[1] + g_ref[...]
    o_ref[...] = tot * dinv_ref[...] + b_ref[...]


def _final(part2, g2, dinv, b2):
    return pl.pallas_call(
        _final_body,
        grid=(GRID,),
        in_specs=[
            pl.BlockSpec((NC, MM_BLK, D_OUT), lambda i: (0, i, 0)),
            pl.BlockSpec((MM_BLK, D_OUT), lambda i: (i, 0)),
            pl.BlockSpec((MM_BLK, 1), lambda i: (i, 0)),
            pl.BlockSpec((1, D_OUT), lambda i: (0, 0)),
        ],
        out_specs=pl.BlockSpec((MM_BLK, D_OUT), lambda i: (i, 0)),
        out_shape=jax.ShapeDtypeStruct((N_NODES, D_OUT), jnp.float32),
    )(part2, g2, dinv, b2)


def kernel(x, edge_index, W1, b1, W2, b2):
    ei = edge_index.astype(jnp.int32)
    pad = E_PAD - N_EDGES
    src = jnp.concatenate([ei[0], jnp.zeros((pad,), jnp.int32)]).reshape(NW, NB, BLK)
    dst = jnp.concatenate([ei[1], jnp.full((pad,), N_NODES, jnp.int32)]).reshape(NW, NB, BLK)
    x_p = jnp.concatenate([x, jnp.zeros((N_PAD - N_NODES, D_IN), x.dtype)], axis=0)

    deg_part = _deg_kernel(dst)
    dinv, g1a, g1b = _prep(deg_part, x_p, W1)
    part1a = _prop32(g1a, src, dst)
    part1b = _prop32(g1b, src, dst)
    g2 = _mid(part1a, part1b, g1a, g1b, dinv, b1.reshape(1, D_HID), W2)
    part2 = _prop32(g2, src, dst)
    return _final(part2, g2, dinv, b2.reshape(1, D_OUT))

# --- scband reference (transcript-rebuilt; emitter-appended) ---
"""Pipeline reference for scband-gnnfeature-extractor-25821343383961 (READ-ONLY COPY).

The authoritative reference and input builder live on the scoring server;
editing this copy changes nothing except your own understanding.
"""

import jax, jax.numpy as jnp
import numpy as np

N_NODES = 10000
N_EDGES = 320000
D_IN = 128
D_HID = 64
D_OUT = 32


def glorot(key, shape):
    limit = float(np.sqrt(6.0 / (shape[0] + shape[1])))
    return jax.random.uniform(key, shape, dtype=jnp.float32, minval=-limit, maxval=limit)


def setup_inputs(seed: int = 0) -> dict:
    key = jax.random.key(seed)
    k_x, k_e, k_w1, k_w2 = jax.random.split(key, 4)
    x = jax.random.normal(k_x, (N_NODES, D_IN), dtype=jnp.float32)
    edge_index = jax.random.randint(k_e, (2, N_EDGES), 0, N_NODES, dtype=jnp.int64)
    W1 = glorot(k_w1, (D_IN, D_HID))
    b1 = jnp.zeros((D_HID,), dtype=jnp.float32)
    W2 = glorot(k_w2, (D_HID, D_OUT))
    b2 = jnp.zeros((D_OUT,), dtype=jnp.float32)
    return {"x": x, "edge_index": edge_index, "W1": W1, "b1": b1, "W2": W2, "b2": b2}


def gcn_conv(x, edge_index, W, b, num_nodes):
    # PyG GCNConv: add self-loops, symmetric normalization D^-1/2 A_hat D^-1/2, linear, bias
    loop = jnp.arange(num_nodes, dtype=edge_index.dtype)
    src = jnp.concatenate([edge_index[0], loop])
    dst = jnp.concatenate([edge_index[1], loop])
    h = x @ W
    ones = jnp.ones(src.shape[0], dtype=jnp.float32)
    deg = jax.ops.segment_sum(ones, dst, num_segments=num_nodes)
    deg_inv_sqrt = jnp.where(deg > 0, jax.lax.rsqrt(jnp.maximum(deg, 1e-12)), 0.0)
    norm = deg_inv_sqrt[src] * deg_inv_sqrt[dst]
    msgs = h[src] * norm[:, None]
    out = jax.ops.segment_sum(msgs, dst, num_segments=num_nodes)
    return out + b


def reference(x, edge_index, W1, b1, W2, b2):
    h = gcn_conv(x, edge_index, W1, b1, N_NODES)
    h = jax.nn.relu(h)
    out = gcn_conv(h, edge_index, W2, b2, N_NODES)
    return out

if __name__ == "__main__":
    import jax
    _d = setup_inputs()
    print(jax.jit(kernel)(*tuple(_d.values())))

</pallas_src>

<mosaic_0001>
#map = affine_map<(d0, d1) -> (0, 0, 0)>
module attributes {stable_mosaic.version = 14 : i64} {
  func.func @_deg_kernel(%arg0: i32, %arg1: i32, %arg2: memref<32x80x128xi32, #tpu.memory_space<hbm>>, %arg3: memref<2x10016x16xf32, #tpu.memory_space<hbm>>, %arg4: memref<80x128xi32, #tpu.memory_space<vmem>>, %arg5: memref<128x16xf32, #tpu.memory_space<vmem>>, %arg6: memref<128x16xf32, #tpu.memory_space<vmem>>, %arg7: memref<10016x16xf32, #tpu.memory_space<vmem_shared>>) attributes {dimension_semantics = [#tpu.dimension_semantics<core_parallel>, #tpu.dimension_semantics<subcore_parallel>], iteration_bounds = array<i64: 2, 16>, scalar_prefetch = 0 : i64, scratch_operands = 4 : i64, tpu.core_type = #tpu.core_type<sc_vector_subcore>, window_params = [{transform_indices = #map}, {transform_indices = #map}]} {
    %mul3A = arith.constant 16 : i32
    %mul3A_0 = arith.muli %arg0, %mul3A : i32
    %add3A = arith.addi %mul3A_0, %arg1 : i32
    %broadcast_in_dim3A = arith.constant 1.000000e+00 : f32
    %broadcast_in_dim3A_1 = vector.broadcast %broadcast_in_dim3A : f32 to vector<16xf32>
    %scan3A = arith.constant 0 : i32
    %scan3A_2 = arith.constant 128 : i32
    %scan3A_3 = arith.addi %scan3A, %scan3A_2 : i32
    %scan3A_4 = arith.constant 1 : i32
    scf.for %scan3A_43 = %scan3A to %scan3A_3 step %scan3A_4  : i32 {
      %mul3A_44 = arith.constant 1 : i32
      %mul3A_45 = arith.muli %scan3A_43, %mul3A_44 : i32
      %add3A_46 = arith.constant 0 : i32
      %add3A_47 = arith.addi %add3A_46, %mul3A_45 : i32
      %swap3A = arith.index_cast %add3A_47 : i32 to index
      %swap3A_48 = arith.constant 0 : index
      %swap3A_49 = tpu.vector_load %arg5[%swap3A, %swap3A_48] {strides = array<i32>} : memref<128x16xf32, #tpu.memory_space<vmem>>, vector<1x16xf32>,
      %swap3A_50 = vector.shape_cast %swap3A_49 : vector<1x16xf32> to vector<16xf32>
      %swap3A_51 = vector.shape_cast %broadcast_in_dim3A_1 : vector<16xf32> to vector<1x16xf32>
      tpu.vector_store %arg5[%swap3A, %swap3A_48], %swap3A_51 {strides = array<i32>} : memref<128x16xf32, #tpu.memory_space<vmem>>, vector<1x16xf32>,
    }
    %scan3A_5 = arith.constant 128 : i32
    %broadcast_in_dim3A_6 = arith.constant 0.000000e+00 : f32
    %broadcast_in_dim3A_7 = vector.broadcast %broadcast_in_dim3A_6 : f32 to vector<16xf32>
    %scan3A_8 = arith.constant 0 : i32
    %scan3A_9 = arith.constant 128 : i32
    %scan3A_10 = arith.addi %scan3A_8, %scan3A_9 : i32
    %scan3A_11 = arith.constant 1 : i32
    scf.for %scan3A_43 = %scan3A_8 to %scan3A_10 step %scan3A_11  : i32 {
      %mul3A_44 = arith.constant 1 : i32
      %mul3A_45 = arith.muli %scan3A_43, %mul3A_44 : i32
      %add3A_46 = arith.constant 0 : i32
      %add3A_47 = arith.addi %add3A_46, %mul3A_45 : i32
      %swap3A = arith.index_cast %add3A_47 : i32 to index
      %swap3A_48 = arith.constant 0 : index
      %swap3A_49 = tpu.vector_load %arg6[%swap3A, %swap3A_48] {strides = array<i32>} : memref<128x16xf32, #tpu.memory_space<vmem>>, vector<1x16xf32>,
      %swap3A_50 = vector.shape_cast %swap3A_49 : vector<1x16xf32> to vector<16xf32>
      %swap3A_51 = vector.shape_cast %broadcast_in_dim3A_7 : vector<16xf32> to vector<1x16xf32>
      tpu.vector_store %arg6[%swap3A, %swap3A_48], %swap3A_51 {strides = array<i32>} : memref<128x16xf32, #tpu.memory_space<vmem>>, vector<1x16xf32>,
    }
    %scan3A_12 = arith.constant 128 : i32
    %mul3A_13 = arith.constant 626 : i32
    %mul3A_14 = arith.muli %arg1, %mul3A_13 : i32
    %add3A_15 = arith.constant 0 : i32
    %add3A_16 = arith.addi %mul3A_14, %add3A_15 : i32
    "tpu.region"() ({
      %run_scoped3A = tpu.sem_alloc : memref<!tpu.dma_semaphore, #tpu.memory_space<semaphore_mem>>
      %dma_start3A = arith.constant 0 : i32
      %dma_start3A_43 = arith.constant 0 : i32
      %dma_start3A_44 = tpu.memref_slice %arg6[%dma_start3A, %dma_start3A_43] : memref<128x16xf32, #tpu.memory_space<vmem>> -> memref<128x16xf32, #tpu.memory_space<vmem>>
      %dma_start3A_45 = arith.constant 0 : i32
      %dma_start3A_46 = tpu.memref_slice %arg7[%add3A_16, %dma_start3A_45] : memref<10016x16xf32, #tpu.memory_space<vmem_shared>> -> memref<128x16xf32, #tpu.memory_space<vmem_shared>>
      %dma_start3A_47 = arith.constant 0 : i32
      %dma_start3A_48 = tpu.memref_slice %arg7[%add3A_16, %dma_start3A_47] : memref<10016x16xf32, #tpu.memory_space<vmem_shared>> -> memref<128x16xf32, #tpu.memory_space<vmem_shared>>
      %dma_start3A_49 = arith.constant 0 : i32
      %dma_start3A_50 = arith.constant 0 : i32
      %dma_start3A_51 = tpu.memref_slice %arg6[%dma_start3A_49, %dma_start3A_50] : memref<128x16xf32, #tpu.memory_space<vmem>> -> memref<128x16xf32, #tpu.memory_space<vmem>>
      tpu.enqueue_dma source(%dma_start3A_51 : memref<128x16xf32, #tpu.memory_space<vmem>>) target(%dma_start3A_48 : memref<128x16xf32, #tpu.memory_space<vmem_shared>>) target_semaphore(%run_scoped3A : memref<!tpu.dma_semaphore, #tpu.memory_space<semaphore_mem>>)
      %dma_wait3A = arith.constant 0 : i32
      %dma_wait3A_52 = arith.constant 0 : i32
      %dma_wait3A_53 = tpu.memref_slice %arg6[%dma_wait3A, %dma_wait3A_52] : memref<128x16xf32, #tpu.memory_space<vmem>> -> memref<128x16xf32, #tpu.memory_space<vmem>>
      %dma_wait3A_54 = arith.constant 0 : i32
      %dma_wait3A_55 = tpu.memref_slice %arg7[%add3A_16, %dma_wait3A_54] : memref<10016x16xf32, #tpu.memory_space<vmem_shared>> -> memref<128x16xf32, #tpu.memory_space<vmem_shared>>
      %dma_wait3A_56 = arith.constant 0 : i32
      %dma_wait3A_57 = tpu.memref_slice %arg7[%add3A_16, %dma_wait3A_56] : memref<10016x16xf32, #tpu.memory_space<vmem_shared>> -> memref<128x16xf32, #tpu.memory_space<vmem_shared>>
      %dma_wait3A_58 = arith.constant 0 : i32
      %dma_wait3A_59 = arith.constant 0 : i32
      %dma_wait3A_60 = tpu.memref_slice %arg6[%dma_wait3A_58, %dma_wait3A_59] : memref<128x16xf32, #tpu.memory_space<vmem>> -> memref<128x16xf32, #tpu.memory_space<vmem>>
      tpu.wait_dma2 semaphore(%run_scoped3A : memref<!tpu.dma_semaphore, #tpu.memory_space<semaphore_mem>>) src(%dma_wait3A_60 : memref<128x16xf32, #tpu.memory_space<vmem>>) dst(%dma_wait3A_57 : memref<128x16xf32, #tpu.memory_space<vmem_shared>>)
      tpu.yield
    }) : () -> ()
    %mul3A_17 = arith.constant 626 : i32
    %mul3A_18 = arith.muli %arg1, %mul3A_17 : i32
    %add3A_19 = arith.constant 128 : i32
    %add3A_20 = arith.addi %mul3A_18, %add3A_19 : i32
    "tpu.region"() ({
      %run_scoped3A = tpu.sem_alloc : memref<!tpu.dma_semaphore, #tpu.memory_space<semaphore_mem>>
      %dma_start3A = arith.constant 0 : i32
      %dma_start3A_43 = arith.constant 0 : i32
      %dma_start3A_44 = tpu.memref_slice %arg6[%dma_start3A, %dma_start3A_43] : memref<128x16xf32, #tpu.memory_space<vmem>> -> memref<128x16xf32, #tpu.memory_space<vmem>>
      %dma_start3A_45 = arith.constant 0 : i32
      %dma_start3A_46 = tpu.memref_slice %arg7[%add3A_20, %dma_start3A_45] : memref<10016x16xf32, #tpu.memory_space<vmem_shared>> -> memref<128x16xf32, #tpu.memory_space<vmem_shared>>
      %dma_start3A_47 = arith.constant 0 : i32
      %dma_start3A_48 = tpu.memref_slice %arg7[%add3A_20, %dma_start3A_47] : memref<10016x16xf32, #tpu.memory_space<vmem_shared>> -> memref<128x16xf32, #tpu.memory_space<vmem_shared>>
      %dma_start3A_49 = arith.constant 0 : i32
      %dma_start3A_50 = arith.constant 0 : i32
      %dma_start3A_51 = tpu.memref_slice %arg6[%dma_start3A_49, %dma_start3A_50] : memref<128x16xf32, #tpu.memory_space<vmem>> -> memref<128x16xf32, #tpu.memory_space<vmem>>
      tpu.enqueue_dma source(%dma_start3A_51 : memref<128x16xf32, #tpu.memory_space<vmem>>) target(%dma_start3A_48 : memref<128x16xf32, #tpu.memory_space<vmem_shared>>) target_semaphore(%run_scoped3A : memref<!tpu.dma_semaphore, #tpu.memory_space<semaphore_mem>>)
      %dma_wait3A = arith.constant 0 : i32
      %dma_wait3A_52 = arith.constant 0 : i32
      %dma_wait3A_53 = tpu.memref_slice %arg6[%dma_wait3A, %dma_wait3A_52] : memref<128x16xf32, #tpu.memory_space<vmem>> -> memref<128x16xf32, #tpu.memory_space<vmem>>
      %dma_wait3A_54 = arith.constant 0 : i32
      %dma_wait3A_55 = tpu.memref_slice %arg7[%add3A_20, %dma_wait3A_54] : memref<10016x16xf32, #tpu.memory_space<vmem_shared>> -> memref<128x16xf32, #tpu.memory_space<vmem_shared>>
      %dma_wait3A_56 = arith.constant 0 : i32
      %dma_wait3A_57 = tpu.memref_slice %arg7[%add3A_20, %dma_wait3A_56] : memref<10016x16xf32, #tpu.memory_space<vmem_shared>> -> memref<128x16xf32, #tpu.memory_space<vmem_shared>>
      %dma_wait3A_58 = arith.constant 0 : i32
      %dma_wait3A_59 = arith.constant 0 : i32
      %dma_wait3A_60 = tpu.memref_slice %arg6[%dma_wait3A_58, %dma_wait3A_59] : memref<128x16xf32, #tpu.memory_space<vmem>> -> memref<128x16xf32, #tpu.memory_space<vmem>>
      tpu.wait_dma2 semaphore(%run_scoped3A : memref<!tpu.dma_semaphore, #tpu.memory_space<semaphore_mem>>) src(%dma_wait3A_60 : memref<128x16xf32, #tpu.memory_space<vmem>>) dst(%dma_wait3A_57 : memref<128x16xf32, #tpu.memory_space<vmem_shared>>)
      tpu.yield
    }) : () -> ()
    %mul3A_21 = arith.constant 626 : i32
    %mul3A_22 = arith.muli %arg1, %mul3A_21 : i32
    %add3A_23 = arith.constant 256 : i32
    %add3A_24 = arith.addi %mul3A_22, %add3A_23 : i32
    "tpu.region"() ({
      %run_scoped3A = tpu.sem_alloc : memref<!tpu.dma_semaphore, #tpu.memory_space<semaphore_mem>>
      %dma_start3A = arith.constant 0 : i32
      %dma_start3A_43 = arith.constant 0 : i32
      %dma_start3A_44 = tpu.memref_slice %arg6[%dma_start3A, %dma_start3A_43] : memref<128x16xf32, #tpu.memory_space<vmem>> -> memref<128x16xf32, #tpu.memory_space<vmem>>
      %dma_start3A_45 = arith.constant 0 : i32
      %dma_start3A_46 = tpu.memref_slice %arg7[%add3A_24, %dma_start3A_45] : memref<10016x16xf32, #tpu.memory_space<vmem_shared>> -> memref<128x16xf32, #tpu.memory_space<vmem_shared>>
      %dma_start3A_47 = arith.constant 0 : i32
      %dma_start3A_48 = tpu.memref_slice %arg7[%add3A_24, %dma_start3A_47] : memref<10016x16xf32, #tpu.memory_space<vmem_shared>> -> memref<128x16xf32, #tpu.memory_space<vmem_shared>>
      %dma_start3A_49 = arith.constant 0 : i32
      %dma_start3A_50 = arith.constant 0 : i32
      %dma_start3A_51 = tpu.memref_slice %arg6[%dma_start3A_49, %dma_start3A_50] : memref<128x16xf32, #tpu.memory_space<vmem>> -> memref<128x16xf32, #tpu.memory_space<vmem>>
      tpu.enqueue_dma source(%dma_start3A_51 : memref<128x16xf32, #tpu.memory_space<vmem>>) target(%dma_start3A_48 : memref<128x16xf32, #tpu.memory_space<vmem_shared>>) target_semaphore(%run_scoped3A : memref<!tpu.dma_semaphore, #tpu.memory_space<semaphore_mem>>)
      %dma_wait3A = arith.constant 0 : i32
      %dma_wait3A_52 = arith.constant 0 : i32
      %dma_wait3A_53 = tpu.memref_slice %arg6[%dma_wait3A, %dma_wait3A_52] : memref<128x16xf32, #tpu.memory_space<vmem>> -> memref<128x16xf32, #tpu.memory_space<vmem>>
      %dma_wait3A_54 = arith.constant 0 : i32
      %dma_wait3A_55 = tpu.memref_slice %arg7[%add3A_24, %dma_wait3A_54] : memref<10016x16xf32, #tpu.memory_space<vmem_shared>> -> memref<128x16xf32, #tpu.memory_space<vmem_shared>>
      %dma_wait3A_56 = arith.constant 0 : i32
      %dma_wait3A_57 = tpu.memref_slice %arg7[%add3A_24, %dma_wait3A_56] : memref<10016x16xf32, #tpu.memory_space<vmem_shared>> -> memref<128x16xf32, #tpu.memory_space<vmem_shared>>
      %dma_wait3A_58 = arith.constant 0 : i32
      %dma_wait3A_59 = arith.constant 0 : i32
      %dma_wait3A_60 = tpu.memref_slice %arg6[%dma_wait3A_58, %dma_wait3A_59] : memref<128x16xf32, #tpu.memory_space<vmem>> -> memref<128x16xf32, #tpu.memory_space<vmem>>
      tpu.wait_dma2 semaphore(%run_scoped3A : memref<!tpu.dma_semaphore, #tpu.memory_space<semaphore_mem>>) src(%dma_wait3A_60 : memref<128x16xf32, #tpu.memory_space<vmem>>) dst(%dma_wait3A_57 : memref<128x16xf32, #tpu.memory_space<vmem_shared>>)
      tpu.yield
    }) : () -> ()
    %mul3A_25 = arith.constant 626 : i32
    %mul3A_26 = arith.muli %arg1, %mul3A_25 : i32
    %add3A_27 = arith.constant 384 : i32
    %add3A_28 = arith.addi %mul3A_26, %add3A_27 : i32
    "tpu.region"() ({
      %run_scoped3A = tpu.sem_alloc : memref<!tpu.dma_semaphore, #tpu.memory_space<semaphore_mem>>
      %dma_start3A = arith.constant 0 : i32
      %dma_start3A_43 = arith.constant 0 : i32
      %dma_start3A_44 = tpu.memref_slice %arg6[%dma_start3A, %dma_start3A_43] : memref<128x16xf32, #tpu.memory_space<vmem>> -> memref<128x16xf32, #tpu.memory_space<vmem>>
      %dma_start3A_45 = arith.constant 0 : i32
      %dma_start3A_46 = tpu.memref_slice %arg7[%add3A_28, %dma_start3A_45] : memref<10016x16xf32, #tpu.memory_space<vmem_shared>> -> memref<128x16xf32, #tpu.memory_space<vmem_shared>>
      %dma_start3A_47 = arith.constant 0 : i32
      %dma_start3A_48 = tpu.memref_slice %arg7[%add3A_28, %dma_start3A_47] : memref<10016x16xf32, #tpu.memory_space<vmem_shared>> -> memref<128x16xf32, #tpu.memory_space<vmem_shared>>
      %dma_start3A_49 = arith.constant 0 : i32
      %dma_start3A_50 = arith.constant 0 : i32
      %dma_start3A_51 = tpu.memref_slice %arg6[%dma_start3A_49, %dma_start3A_50] : memref<128x16xf32, #tpu.memory_space<vmem>> -> memref<128x16xf32, #tpu.memory_space<vmem>>
      tpu.enqueue_dma source(%dma_start3A_51 : memref<128x16xf32, #tpu.memory_space<vmem>>) target(%dma_start3A_48 : memref<128x16xf32, #tpu.memory_space<vmem_shared>>) target_semaphore(%run_scoped3A : memref<!tpu.dma_semaphore, #tpu.memory_space<semaphore_mem>>)
      %dma_wait3A = arith.constant 0 : i32
      %dma_wait3A_52 = arith.constant 0 : i32
      %dma_wait3A_53 = tpu.memref_slice %arg6[%dma_wait3A, %dma_wait3A_52] : memref<128x16xf32, #tpu.memory_space<vmem>> -> memref<128x16xf32, #tpu.memory_space<vmem>>
      %dma_wait3A_54 = arith.constant 0 : i32
      %dma_wait3A_55 = tpu.memref_slice %arg7[%add3A_28, %dma_wait3A_54] : memref<10016x16xf32, #tpu.memory_space<vmem_shared>> -> memref<128x16xf32, #tpu.memory_space<vmem_shared>>
      %dma_wait3A_56 = arith.constant 0 : i32
      %dma_wait3A_57 = tpu.memref_slice %arg7[%add3A_28, %dma_wait3A_56] : memref<10016x16xf32, #tpu.memory_space<vmem_shared>> -> memref<128x16xf32, #tpu.memory_space<vmem_shared>>
      %dma_wait3A_58 = arith.constant 0 : i32
      %dma_wait3A_59 = arith.constant 0 : i32
      %dma_wait3A_60 = tpu.memref_slice %arg6[%dma_wait3A_58, %dma_wait3A_59] : memref<128x16xf32, #tpu.memory_space<vmem>> -> memref<128x16xf32, #tpu.memory_space<vmem>>
      tpu.wait_dma2 semaphore(%run_scoped3A : memref<!tpu.dma_semaphore, #tpu.memory_space<semaphore_mem>>) src(%dma_wait3A_60 : memref<128x16xf32, #tpu.memory_space<vmem>>) dst(%dma_wait3A_57 : memref<128x16xf32, #tpu.memory_space<vmem_shared>>)
      tpu.yield
    }) : () -> ()
    %mul3A_29 = arith.constant 626 : i32
    %mul3A_30 = arith.muli %arg1, %mul3A_29 : i32
    %add3A_31 = arith.constant 512 : i32
    %add3A_32 = arith.addi %mul3A_30, %add3A_31 : i32
    "tpu.region"() ({
      %run_scoped3A = tpu.sem_alloc : memref<!tpu.dma_semaphore, #tpu.memory_space<semaphore_mem>>
      %dma_start3A = arith.constant 0 : i32
      %dma_start3A_43 = arith.constant 0 : i32
      %dma_start3A_44 = tpu.memref_slice %arg6[%dma_start3A, %dma_start3A_43] : memref<128x16xf32, #tpu.memory_space<vmem>> -> memref<114x16xf32, #tpu.memory_space<vmem>>
      %dma_start3A_45 = arith.constant 0 : i32
      %dma_start3A_46 = tpu.memref_slice %arg7[%add3A_32, %dma_start3A_45] : memref<10016x16xf32, #tpu.memory_space<vmem_shared>> -> memref<114x16xf32, #tpu.memory_space<vmem_shared>>
      %dma_start3A_47 = arith.constant 0 : i32
      %dma_start3A_48 = tpu.memref_slice %arg7[%add3A_32, %dma_start3A_47] : memref<10016x16xf32, #tpu.memory_space<vmem_shared>> -> memref<114x16xf32, #tpu.memory_space<vmem_shared>>
      %dma_start3A_49 = arith.constant 0 : i32
      %dma_start3A_50 = arith.constant 0 : i32
      %dma_start3A_51 = tpu.memref_slice %arg6[%dma_start3A_49, %dma_start3A_50] : memref<128x16xf32, #tpu.memory_space<vmem>> -> memref<114x16xf32, #tpu.memory_space<vmem>>
      tpu.enqueue_dma source(%dma_start3A_51 : memref<114x16xf32, #tpu.memory_space<vmem>>) target(%dma_start3A_48 : memref<114x16xf32, #tpu.memory_space<vmem_shared>>) target_semaphore(%run_scoped3A : memref<!tpu.dma_semaphore, #tpu.memory_space<semaphore_mem>>)
      %dma_wait3A = arith.constant 0 : i32
      %dma_wait3A_52 = arith.constant 0 : i32
      %dma_wait3A_53 = tpu.memref_slice %arg6[%dma_wait3A, %dma_wait3A_52] : memref<128x16xf32, #tpu.memory_space<vmem>> -> memref<114x16xf32, #tpu.memory_space<vmem>>
      %dma_wait3A_54 = arith.constant 0 : i32
      %dma_wait3A_55 = tpu.memref_slice %arg7[%add3A_32, %dma_wait3A_54] : memref<10016x16xf32, #tpu.memory_space<vmem_shared>> -> memref<114x16xf32, #tpu.memory_space<vmem_shared>>
      %dma_wait3A_56 = arith.constant 0 : i32
      %dma_wait3A_57 = tpu.memref_slice %arg7[%add3A_32, %dma_wait3A_56] : memref<10016x16xf32, #tpu.memory_space<vmem_shared>> -> memref<114x16xf32, #tpu.memory_space<vmem_shared>>
      %dma_wait3A_58 = arith.constant 0 : i32
      %dma_wait3A_59 = arith.constant 0 : i32
      %dma_wait3A_60 = tpu.memref_slice %arg6[%dma_wait3A_58, %dma_wait3A_59] : memref<128x16xf32, #tpu.memory_space<vmem>> -> memref<114x16xf32, #tpu.memory_space<vmem>>
      tpu.wait_dma2 semaphore(%run_scoped3A : memref<!tpu.dma_semaphore, #tpu.memory_space<semaphore_mem>>) src(%dma_wait3A_60 : memref<114x16xf32, #tpu.memory_space<vmem>>) dst(%dma_wait3A_57 : memref<114x16xf32, #tpu.memory_space<vmem_shared>>)
      tpu.yield
    }) : () -> ()
    "tpu.region"() ({
      %run_scoped3A = tpu.sem_alloc : memref<!tpu.dma_semaphore, #tpu.memory_space<semaphore_mem>>
      %dma_start3A = arith.constant 0 : i32
      %dma_start3A_43 = arith.constant 0 : i32
      %dma_start3A_44 = tpu.memref_slice %arg2[%add3A, %dma_start3A, %dma_start3A_43] : memref<32x80x128xi32, #tpu.memory_space<hbm>> -> memref<1x80x128xi32, #tpu.memory_space<hbm>>
      %dma_start3A_45 = tpu.memref_squeeze %dma_start3A_44 : memref<1x80x128xi32, #tpu.memory_space<hbm>> -> memref<80x128xi32, #tpu.memory_space<hbm>>
      %dma_start3A_46 = arith.constant 0 : i32
      %dma_start3A_47 = arith.constant 0 : i32
      %dma_start3A_48 = tpu.memref_slice %arg2[%add3A, %dma_start3A_46, %dma_start3A_47] : memref<32x80x128xi32, #tpu.memory_space<hbm>> -> memref<1x80x128xi32, #tpu.memory_space<hbm>>
      %dma_start3A_49 = tpu.memref_squeeze %dma_start3A_48 : memref<1x80x128xi32, #tpu.memory_space<hbm>> -> memref<80x128xi32, #tpu.memory_space<hbm>>
      tpu.enqueue_dma source(%dma_start3A_49 : memref<80x128xi32, #tpu.memory_space<hbm>>) target(%arg4 : memref<80x128xi32, #tpu.memory_space<vmem>>) target_semaphore(%run_scoped3A : memref<!tpu.dma_semaphore, #tpu.memory_space<semaphore_mem>>)
      %dma_wait3A = arith.constant 0 : i32
      %dma_wait3A_50 = arith.constant 0 : i32
      %dma_wait3A_51 = tpu.memref_slice %arg2[%add3A, %dma_wait3A, %dma_wait3A_50] : memref<32x80x128xi32, #tpu.memory_space<hbm>> -> memref<1x80x128xi32, #tpu.memory_space<hbm>>
      %dma_wait3A_52 = tpu.memref_squeeze %dma_wait3A_51 : memref<1x80x128xi32, #tpu.memory_space<hbm>> -> memref<80x128xi32, #tpu.memory_space<hbm>>
      %dma_wait3A_53 = arith.constant 0 : i32
      %dma_wait3A_54 = arith.constant 0 : i32
      %dma_wait3A_55 = tpu.memref_slice %arg2[%add3A, %dma_wait3A_53, %dma_wait3A_54] : memref<32x80x128xi32, #tpu.memory_space<hbm>> -> memref<1x80x128xi32, #tpu.memory_space<hbm>>
      %dma_wait3A_56 = tpu.memref_squeeze %dma_wait3A_55 : memref<1x80x128xi32, #tpu.memory_space<hbm>> -> memref<80x128xi32, #tpu.memory_space<hbm>>
      tpu.wait_dma2 semaphore(%run_scoped3A : memref<!tpu.dma_semaphore, #tpu.memory_space<semaphore_mem>>) src(%dma_wait3A_56 : memref<80x128xi32, #tpu.memory_space<hbm>>) dst(%arg4 : memref<80x128xi32, #tpu.memory_space<vmem>>)
      tpu.yield
    }) : () -> ()
    %barrier3A = arith.constant 0 : index
    tpu.barrier barrier_id(%barrier3A)
    %scan3A_33 = arith.constant 0 : i32
    %scan3A_34 = arith.constant 80 : i32
    %scan3A_35 = arith.addi %scan3A_33, %scan3A_34 : i32
    %scan3A_36 = arith.constant 1 : i32
    scf.for %scan3A_43 = %scan3A_33 to %scan3A_35 step %scan3A_36  : i32 {
      %mul3A_44 = arith.constant 1 : i32
      %mul3A_45 = arith.muli %scan3A_43, %mul3A_44 : i32
      %add3A_46 = arith.constant 0 : i32
      %add3A_47 = arith.addi %add3A_46, %mul3A_45 : i32
      "tpu.region"() ({
        %run_scoped3A = tpu.sem_alloc : memref<!tpu.dma_semaphore, #tpu.memory_space<semaphore_mem>>
        %dma_start3A = arith.constant 0 : i32
        %dma_start3A_48 = tpu.memref_slice %arg4[%add3A_47, %dma_start3A] : memref<80x128xi32, #tpu.memory_space<vmem>> -> memref<1x128xi32, #tpu.memory_space<vmem>>
        %dma_start3A_49 = tpu.memref_squeeze %dma_start3A_48 : memref<1x128xi32, #tpu.memory_space<vmem>> -> memref<128xi32, #tpu.memory_space<vmem>>
        %dma_start3A_50 = arith.constant 0 : i32
        %dma_start3A_51 = arith.constant 0 : i32
        %dma_start3A_52 = tpu.memref_slice %arg7[%dma_start3A_50, %dma_start3A_51] : memref<10016x16xf32, #tpu.memory_space<vmem_shared>> -> memref<10016x16xf32, #tpu.memory_space<vmem_shared>>
        tpu.enqueue_indirect_dma source(%arg5 : memref<128x16xf32, #tpu.memory_space<vmem>>) target(%dma_start3A_52 : memref<10016x16xf32, #tpu.memory_space<vmem_shared>>) offsets(%dma_start3A_49 : memref<128xi32, #tpu.memory_space<vmem>>) semaphore(%run_scoped3A : memref<!tpu.dma_semaphore, #tpu.memory_space<semaphore_mem>>) {add = true}
        %dma_wait3A = arith.constant 0 : i32
        %dma_wait3A_53 = tpu.memref_slice %arg4[%add3A_47, %dma_wait3A] : memref<80x128xi32, #tpu.memory_space<vmem>> -> memref<1x128xi32, #tpu.memory_space<vmem>>
        %dma_wait3A_54 = tpu.memref_squeeze %dma_wait3A_53 : memref<1x128xi32, #tpu.memory_space<vmem>> -> memref<128xi32, #tpu.memory_space<vmem>>
        %dma_wait3A_55 = arith.constant 0 : i32
        %dma_wait3A_56 = arith.constant 0 : i32
        %dma_wait3A_57 = tpu.memref_slice %arg7[%dma_wait3A_55, %dma_wait3A_56] : memref<10016x16xf32, #tpu.memory_space<vmem_shared>> -> memref<10016x16xf32, #tpu.memory_space<vmem_shared>>
        tpu.wait_indirect_dma semaphore(%run_scoped3A : memref<!tpu.dma_semaphore, #tpu.memory_space<semaphore_mem>>) src(%arg5 : memref<128x16xf32, #tpu.memory_space<vmem>>) dst(%dma_wait3A_57 : memref<10016x16xf32, #tpu.memory_space<vmem_shared>>)
        tpu.yield
      }) : () -> ()
    }
    %scan3A_37 = arith.constant 80 : i32
    %barrier3A_38 = arith.constant 0 : index
    tpu.barrier barrier_id(%barrier3A_38)
    %mul3A_39 = arith.constant 626 : i32
    %mul3A_40 = arith.muli %arg1, %mul3A_39 : i32
    %mul3A_41 = arith.constant 626 : i32
    %mul3A_42 = arith.muli %arg1, %mul3A_41 : i32
    "tpu.region"() ({
      %run_scoped3A = tpu.sem_alloc : memref<!tpu.dma_semaphore, #tpu.memory_space<semaphore_mem>>
      %dma_start3A = arith.constant 0 : i32
      %dma_start3A_43 = tpu.memref_slice %arg3[%arg0, %mul3A_42, %dma_start3A] : memref<2x10016x16xf32, #tpu.memory_space<hbm>> -> memref<1x626x16xf32, #tpu.memory_space<hbm>>
      %dma_start3A_44 = tpu.memref_squeeze %dma_start3A_43 : memref<1x626x16xf32, #tpu.memory_space<hbm>> -> memref<626x16xf32, #tpu.memory_space<hbm>>
      %dma_start3A_45 = arith.constant 0 : i32
      %dma_start3A_46 = tpu.memref_slice %arg7[%mul3A_40, %dma_start3A_45] : memref<10016x16xf32, #tpu.memory_space<vmem_shared>> -> memref<626x16xf32, #tpu.memory_space<vmem_shared>>
      tpu.enqueue_dma source(%dma_start3A_46 : memref<626x16xf32, #tpu.memory_space<vmem_shared>>) target(%dma_start3A_44 : memref<626x16xf32, #tpu.memory_space<hbm>>) target_semaphore(%run_scoped3A : memref<!tpu.dma_semaphore, #tpu.memory_space<semaphore_mem>>)
      %dma_wait3A = arith.constant 0 : i32
      %dma_wait3A_47 = tpu.memref_slice %arg3[%arg0, %mul3A_42, %dma_wait3A] : memref<2x10016x16xf32, #tpu.memory_space<hbm>> -> memref<1x626x16xf32, #tpu.memory_space<hbm>>
      %dma_wait3A_48 = tpu.memref_squeeze %dma_wait3A_47 : memref<1x626x16xf32, #tpu.memory_space<hbm>> -> memref<626x16xf32, #tpu.memory_space<hbm>>
      %dma_wait3A_49 = arith.constant 0 : i32
      %dma_wait3A_50 = tpu.memref_slice %arg7[%mul3A_40, %dma_wait3A_49] : memref<10016x16xf32, #tpu.memory_space<vmem_shared>> -> memref<626x16xf32, #tpu.memory_space<vmem_shared>>
      tpu.wait_dma2 semaphore(%run_scoped3A : memref<!tpu.dma_semaphore, #tpu.memory_space<semaphore_mem>>) src(%dma_wait3A_50 : memref<626x16xf32, #tpu.memory_space<vmem_shared>>) dst(%dma_wait3A_48 : memref<626x16xf32, #tpu.memory_space<hbm>>)
      tpu.yield
    }) : () -> ()
    return
  }
}

#map = affine_map<(d0, d1) -> (0, 0)>
#map1 = affine_map<(d0, d1) -> (0, 0, 0)>
module attributes {stable_mosaic.version = 14 : i64} {
  func.func @_prop(%arg0: i32, %arg1: i32, %arg2: memref<10016x32xf32, #tpu.memory_space<hbm>>, %arg3: memref<32x80x128xi32, #tpu.memory_space<hbm>>, %arg4: memref<32x80x128xi32, #tpu.memory_space<hbm>>, %arg5: memref<2x10016x32xf32, #tpu.memory_space<hbm>>, %arg6: memref<80x128xi32, #tpu.memory_space<vmem>>, %arg7: memref<80x128xi32, #tpu.memory_space<vmem>>, %arg8: memref<128x32xf32, #tpu.memory_space<vmem>>, %arg9: memref<128x32xf32, #tpu.memory_space<vmem>>, %arg10: memref<128x32xf32, #tpu.memory_space<vmem>>, %arg11: memref<128x32xf32, #tpu.memory_space<vmem>>, %arg12: memref<128x32xf32, #tpu.memory_space<vmem>>, %arg13: memref<128x32xf32, #tpu.memory_space<vmem>>, %arg14: memref<128x32xf32, #tpu.memory_space<vmem>>, %arg15: memref<128x32xf32, #tpu.memory_space<vmem>>, %arg16: memref<128x32xf32, #tpu.memory_space<vmem>>, %arg17: memref<10016x32xf32, #tpu.memory_space<vmem_shared>>, %arg18: memref<10016x32xf32, #tpu.memory_space<vmem_shared>>, %arg19: memref<!tpu.dma_semaphore, #tpu.memory_space<semaphore_mem>>, %arg20: memref<!tpu.dma_semaphore, #tpu.memory_space<semaphore_mem>>, %arg21: memref<!tpu.dma_semaphore, #tpu.memory_space<semaphore_mem>>, %arg22: memref<!tpu.dma_semaphore, #tpu.memory_space<semaphore_mem>>, %arg23: memref<!tpu.dma_semaphore, #tpu.memory_space<semaphore_mem>>, %arg24: memref<!tpu.dma_semaphore, #tpu.memory_space<semaphore_mem>>, %arg25: memref<!tpu.dma_semaphore, #tpu.memory_space<semaphore_mem>>, %arg26: memref<!tpu.dma_semaphore, #tpu.memory_space<semaphore_mem>>, %arg27: memref<!tpu.dma_semaphore, #tpu.memory_space<semaphore_mem>>, %arg28: memref<!tpu.dma_semaphore, #tpu.memory_space<semaphore_mem>>, %arg29: memref<!tpu.dma_semaphore, #tpu.memory_space<semaphore_mem>>, %arg30: memref<!tpu.dma_semaphore, #tpu.memory_space<semaphore_mem>>, %arg31: memref<!tpu.dma_semaphore, #tpu.memory_space<semaphore_mem>>, %arg32: memref<!tpu.dma_semaphore, #tpu.memory_space<semaphore_mem>>, %arg33: memref<!tpu.dma_semaphore, #tpu.memory_space<semaphore_mem>>, %arg34: memref<!tpu.dma_semaphore, #tpu.memory_space<semaphore_mem>>) attributes {dimension_semantics = [#tpu.dimension_semantics<core_parallel>, #tpu.dimension_semantics<subcore_parallel>], iteration_bounds = array<i64: 2, 16>, scalar_prefetch = 0 : i64, scratch_operands = 29 : i64, tpu.core_type = #tpu.core_type<sc_vector_subcore>, window_params = [{transform_indices = #map}, {transform_indices = #map1}, {transform_indices = #map1}, {transform_indices = #map1}]} {
    %mul3A = arith.constant 16 : i32
    %mul3A_0 = arith.muli %arg0, %mul3A : i32
    %add3A = arith.addi %mul3A_0, %arg1 : i32
    %mul3A_1 = arith.constant 626 : i32
    %mul3A_2 = arith.muli %arg1, %mul3A_1 : i32
    "tpu.region"() ({
      %run_scoped3A = tpu.sem_alloc : memref<!tpu.dma_semaphore, #tpu.memory_space<semaphore_mem>>
      %dma_start3A_134 = arith.constant 0 : i32
      %dma_start3A_135 = tpu.memref_slice %arg17[%mul3A_2, %dma_start3A_134] : memref<10016x32xf32, #tpu.memory_space<vmem_shared>> -> memref<626x32xf32, #tpu.memory_space<vmem_shared>>
      %dma_start3A_136 = arith.constant 0 : i32
      %dma_start3A_137 = tpu.memref_slice %arg2[%mul3A_2, %dma_start3A_136] : memref<10016x32xf32, #tpu.memory_space<hbm>> -> memref<626x32xf32, #tpu.memory_space<hbm>>
      tpu.enqueue_dma source(%dma_start3A_137 : memref<626x32xf32, #tpu.memory_space<hbm>>) target(%dma_start3A_135 : memref<626x32xf32, #tpu.memory_space<vmem_shared>>) target_semaphore(%run_scoped3A : memref<!tpu.dma_semaphore, #tpu.memory_space<semaphore_mem>>)
      %dma_wait3A_138 = arith.constant 0 : i32
      %dma_wait3A_139 = tpu.memref_slice %arg17[%mul3A_2, %dma_wait3A_138] : memref<10016x32xf32, #tpu.memory_space<vmem_shared>> -> memref<626x32xf32, #tpu.memory_space<vmem_shared>>
      %dma_wait3A_140 = arith.constant 0 : i32
      %dma_wait3A_141 = tpu.memref_slice %arg2[%mul3A_2, %dma_wait3A_140] : memref<10016x32xf32, #tpu.memory_space<hbm>> -> memref<626x32xf32, #tpu.memory_space<hbm>>
      tpu.wait_dma2 semaphore(%run_scoped3A : memref<!tpu.dma_semaphore, #tpu.memory_space<semaphore_mem>>) src(%dma_wait3A_141 : memref<626x32xf32, #tpu.memory_space<hbm>>) dst(%dma_wait3A_139 : memref<626x32xf32, #tpu.memory_space<vmem_shared>>)
      tpu.yield
    }) : () -> ()
    %broadcast_in_dim3A = arith.constant 0.000000e+00 : f32
    %broadcast_in_dim3A_3 = vector.broadcast %broadcast_in_dim3A : f32 to vector<16xf32>
    %scan3A = arith.constant 0 : i32
    %scan3A_4 = arith.constant 128 : i32
    %scan3A_5 = arith.addi %scan3A, %scan3A_4 : i32
    %scan3A_6 = arith.constant 1 : i32
    scf.for %scan3A_134 = %scan3A to %scan3A_5 step %scan3A_6  : i32 {
      %mul3A_135 = arith.constant 1 : i32
      %mul3A_136 = arith.muli %scan3A_134, %mul3A_135 : i32
      %add3A_137 = arith.constant 0 : i32
      %add3A_138 = arith.addi %add3A_137, %mul3A_136 : i32
      %swap3A = arith.index_cast %add3A_138 : i32 to index
      %swap3A_139 = arith.constant 0 : index
      %swap3A_140 = tpu.vector_load %arg16[%swap3A, %swap3A_139] {strides = array<i32>} : memref<128x32xf32, #tpu.memory_space<vmem>>, vector<1x16xf32>,
      %swap3A_141 = vector.shape_cast %swap3A_140 : vector<1x16xf32> to vector<16xf32>
      %swap3A_142 = vector.shape_cast %broadcast_in_dim3A_3 : vector<16xf32> to vector<1x16xf32>
      tpu.vector_store %arg16[%swap3A, %swap3A_139], %swap3A_142 {strides = array<i32>} : memref<128x32xf32, #tpu.memory_space<vmem>>, vector<1x16xf32>,
      %swap3A_143 = arith.index_cast %add3A_138 : i32 to index
      %swap3A_144 = arith.constant 16 : index
      %swap3A_145 = tpu.vector_load %arg16[%swap3A_143, %swap3A_144] {strides = array<i32>} : memref<128x32xf32, #tpu.memory_space<vmem>>, vector<1x16xf32>,
      %swap3A_146 = vector.shape_cast %swap3A_145 : vector<1x16xf32> to vector<16xf32>
      %swap3A_147 = vector.shape_cast %broadcast_in_dim3A_3 : vector<16xf32> to vector<1x16xf32>
      tpu.vector_store %arg16[%swap3A_143, %swap3A_144], %swap3A_147 {strides = array<i32>} : memref<128x32xf32, #tpu.memory_space<vmem>>, vector<1x16xf32>,
    }
    %scan3A_7 = arith.constant 128 : i32
    %add3A_8 = arith.constant 0 : i32
    %add3A_9 = arith.addi %mul3A_2, %add3A_8 : i32
    "tpu.region"() ({
      %run_scoped3A = tpu.sem_alloc : memref<!tpu.dma_semaphore, #tpu.memory_space<semaphore_mem>>
      %dma_start3A_134 = arith.constant 0 : i32
      %dma_start3A_135 = arith.constant 0 : i32
      %dma_start3A_136 = tpu.memref_slice %arg16[%dma_start3A_134, %dma_start3A_135] : memref<128x32xf32, #tpu.memory_space<vmem>> -> memref<128x32xf32, #tpu.memory_space<vmem>>
      %dma_start3A_137 = arith.constant 0 : i32
      %dma_start3A_138 = tpu.memref_slice %arg18[%add3A_9, %dma_start3A_137] : memref<10016x32xf32, #tpu.memory_space<vmem_shared>> -> memref<128x32xf32, #tpu.memory_space<vmem_shared>>
      %dma_start3A_139 = arith.constant 0 : i32
      %dma_start3A_140 = tpu.memref_slice %arg18[%add3A_9, %dma_start3A_139] : memref<10016x32xf32, #tpu.memory_space<vmem_shared>> -> memref<128x32xf32, #tpu.memory_space<vmem_shared>>
      %dma_start3A_141 = arith.constant 0 : i32
      %dma_start3A_142 = arith.constant 0 : i32
      %dma_start3A_143 = tpu.memref_slice %arg16[%dma_start3A_141, %dma_start3A_142] : memref<128x32xf32, #tpu.memory_space<vmem>> -> memref<128x32xf32, #tpu.memory_space<vmem>>
      tpu.enqueue_dma source(%dma_start3A_143 : memref<128x32xf32, #tpu.memory_space<vmem>>) target(%dma_start3A_140 : memref<128x32xf32, #tpu.memory_space<vmem_shared>>) target_semaphore(%run_scoped3A : memref<!tpu.dma_semaphore, #tpu.memory_space<semaphore_mem>>)
      %dma_wait3A_144 = arith.constant 0 : i32
      %dma_wait3A_145 = arith.constant 0 : i32
      %dma_wait3A_146 = tpu.memref_slice %arg16[%dma_wait3A_144, %dma_wait3A_145] : memref<128x32xf32, #tpu.memory_space<vmem>> -> memref<128x32xf32, #tpu.memory_space<vmem>>
      %dma_wait3A_147 = arith.constant 0 : i32
      %dma_wait3A_148 = tpu.memref_slice %arg18[%add3A_9, %dma_wait3A_147] : memref<10016x32xf32, #tpu.memory_space<vmem_shared>> -> memref<128x32xf32, #tpu.memory_space<vmem_shared>>
      %dma_wait3A_149 = arith.constant 0 : i32
      %dma_wait3A_150 = tpu.memref_slice %arg18[%add3A_9, %dma_wait3A_149] : memref<10016x32xf32, #tpu.memory_space<vmem_shared>> -> memref<128x32xf32, #tpu.memory_space<vmem_shared>>
      %dma_wait3A_151 = arith.constant 0 : i32
      %dma_wait3A_152 = arith.constant 0 : i32
      %dma_wait3A_153 = tpu.memref_slice %arg16[%dma_wait3A_151, %dma_wait3A_152] : memref<128x32xf32, #tpu.memory_space<vmem>> -> memref<128x32xf32, #tpu.memory_space<vmem>>
      tpu.wait_dma2 semaphore(%run_scoped3A : memref<!tpu.dma_semaphore, #tpu.memory_space<semaphore_mem>>) src(%dma_wait3A_153 : memref<128x32xf32, #tpu.memory_space<vmem>>) dst(%dma_wait3A_150 : memref<128x32xf32, #tpu.memory_space<vmem_shared>>)
      tpu.yield
    }) : () -> ()
    %add3A_10 = arith.constant 128 : i32
    %add3A_11 = arith.addi %mul3A_2, %add3A_10 : i32
    "tpu.region"() ({
      %run_scoped3A = tpu.sem_alloc : memref<!tpu.dma_semaphore, #tpu.memory_space<semaphore_mem>>
      %dma_start3A_134 = arith.constant 0 : i32
      %dma_start3A_135 = arith.constant 0 : i32
      %dma_start3A_136 = tpu.memref_slice %arg16[%dma_start3A_134, %dma_start3A_135] : memref<128x32xf32, #tpu.memory_space<vmem>> -> memref<128x32xf32, #tpu.memory_space<vmem>>
      %dma_start3A_137 = arith.constant 0 : i32
      %dma_start3A_138 = tpu.memref_slice %arg18[%add3A_11, %dma_start3A_137] : memref<10016x32xf32, #tpu.memory_space<vmem_shared>> -> memref<128x32xf32, #tpu.memory_space<vmem_shared>>
      %dma_start3A_139 = arith.constant 0 : i32
      %dma_start3A_140 = tpu.memref_slice %arg18[%add3A_11, %dma_start3A_139] : memref<10016x32xf32, #tpu.memory_space<vmem_shared>> -> memref<128x32xf32, #tpu.memory_space<vmem_shared>>
      %dma_start3A_141 = arith.constant 0 : i32
      %dma_start3A_142 = arith.constant 0 : i32
      %dma_start3A_143 = tpu.memref_slice %arg16[%dma_start3A_141, %dma_start3A_142] : memref<128x32xf32, #tpu.memory_space<vmem>> -> memref<128x32xf32, #tpu.memory_space<vmem>>
      tpu.enqueue_dma source(%dma_start3A_143 : memref<128x32xf32, #tpu.memory_space<vmem>>) target(%dma_start3A_140 : memref<128x32xf32, #tpu.memory_space<vmem_shared>>) target_semaphore(%run_scoped3A : memref<!tpu.dma_semaphore, #tpu.memory_space<semaphore_mem>>)
      %dma_wait3A_144 = arith.constant 0 : i32
      %dma_wait3A_145 = arith.constant 0 : i32
      %dma_wait3A_146 = tpu.memref_slice %arg16[%dma_wait3A_144, %dma_wait3A_145] : memref<128x32xf32, #tpu.memory_space<vmem>> -> memref<128x32xf32, #tpu.memory_space<vmem>>
      %dma_wait3A_147 = arith.constant 0 : i32
      %dma_wait3A_148 = tpu.memref_slice %arg18[%add3A_11, %dma_wait3A_147] : memref<10016x32xf32, #tpu.memory_space<vmem_shared>> -> memref<128x32xf32, #tpu.memory_space<vmem_shared>>
      %dma_wait3A_149 = arith.constant 0 : i32
      %dma_wait3A_150 = tpu.memref_slice %arg18[%add3A_11, %dma_wait3A_149] : memref<10016x32xf32, #tpu.memory_space<vmem_shared>> -> memref<128x32xf32, #tpu.memory_space<vmem_shared>>
      %dma_wait3A_151 = arith.constant 0 : i32
      %dma_wait3A_152 = arith.constant 0 : i32
      %dma_wait3A_153 = tpu.memref_slice %arg16[%dma_wait3A_151, %dma_wait3A_152] : memref<128x32xf32, #tpu.memory_space<vmem>> -> memref<128x32xf32, #tpu.memory_space<vmem>>
      tpu.wait_dma2 semaphore(%run_scoped3A : memref<!tpu.dma_semaphore, #tpu.memory_space<semaphore_mem>>) src(%dma_wait3A_153 : memref<128x32xf32, #tpu.memory_space<vmem>>) dst(%dma_wait3A_150 : memref<128x32xf32, #tpu.memory_space<vmem_shared>>)
      tpu.yield
    }) : () -> ()
    %add3A_12 = arith.constant 256 : i32
    %add3A_13 = arith.addi %mul3A_2, %add3A_12 : i32
    "tpu.region"() ({
      %run_scoped3A = tpu.sem_alloc : memref<!tpu.dma_semaphore, #tpu.memory_space<semaphore_mem>>
      %dma_start3A_134 = arith.constant 0 : i32
      %dma_start3A_135 = arith.constant 0 : i32
      %dma_start3A_136 = tpu.memref_slice %arg16[%dma_start3A_134, %dma_start3A_135] : memref<128x32xf32, #tpu.memory_space<vmem>> -> memref<128x32xf32, #tpu.memory_space<vmem>>
      %dma_start3A_137 = arith.constant 0 : i32
      %dma_start3A_138 = tpu.memref_slice %arg18[%add3A_13, %dma_start3A_137] : memref<10016x32xf32, #tpu.memory_space<vmem_shared>> -> memref<128x32xf32, #tpu.memory_space<vmem_shared>>
      %dma_start3A_139 = arith.constant 0 : i32
      %dma_start3A_140 = tpu.memref_slice %arg18[%add3A_13, %dma_start3A_139] : memref<10016x32xf32, #tpu.memory_space<vmem_shared>> -> memref<128x32xf32, #tpu.memory_space<vmem_shared>>
      %dma_start3A_141 = arith.constant 0 : i32
      %dma_start3A_142 = arith.constant 0 : i32
      %dma_start3A_143 = tpu.memref_slice %arg16[%dma_start3A_141, %dma_start3A_142] : memref<128x32xf32, #tpu.memory_space<vmem>> -> memref<128x32xf32, #tpu.memory_space<vmem>>
      tpu.enqueue_dma source(%dma_start3A_143 : memref<128x32xf32, #tpu.memory_space<vmem>>) target(%dma_start3A_140 : memref<128x32xf32, #tpu.memory_space<vmem_shared>>) target_semaphore(%run_scoped3A : memref<!tpu.dma_semaphore, #tpu.memory_space<semaphore_mem>>)
      %dma_wait3A_144 = arith.constant 0 : i32
      %dma_wait3A_145 = arith.constant 0 : i32
      %dma_wait3A_146 = tpu.memref_slice %arg16[%dma_wait3A_144, %dma_wait3A_145] : memref<128x32xf32, #tpu.memory_space<vmem>> -> memref<128x32xf32, #tpu.memory_space<vmem>>
      %dma_wait3A_147 = arith.constant 0 : i32
      %dma_wait3A_148 = tpu.memref_slice %arg18[%add3A_13, %dma_wait3A_147] : memref<10016x32xf32, #tpu.memory_space<vmem_shared>> -> memref<128x32xf32, #tpu.memory_space<vmem_shared>>
      %dma_wait3A_149 = arith.constant 0 : i32
      %dma_wait3A_150 = tpu.memref_slice %arg18[%add3A_13, %dma_wait3A_149] : memref<10016x32xf32, #tpu.memory_space<vmem_shared>> -> memref<128x32xf32, #tpu.memory_space<vmem_shared>>
      %dma_wait3A_151 = arith.constant 0 : i32
      %dma_wait3A_152 = arith.constant 0 : i32
      %dma_wait3A_153 = tpu.memref_slice %arg16[%dma_wait3A_151, %dma_wait3A_152] : memref<128x32xf32, #tpu.memory_space<vmem>> -> memref<128x32xf32, #tpu.memory_space<vmem>>
      tpu.wait_dma2 semaphore(%run_scoped3A : memref<!tpu.dma_semaphore, #tpu.memory_space<semaphore_mem>>) src(%dma_wait3A_153 : memref<128x32xf32, #tpu.memory_space<vmem>>) dst(%dma_wait3A_150 : memref<128x32xf32, #tpu.memory_space<vmem_shared>>)
      tpu.yield
    }) : () -> ()
    %add3A_14 = arith.constant 384 : i32
    %add3A_15 = arith.addi %mul3A_2, %add3A_14 : i32
    "tpu.region"() ({
      %run_scoped3A = tpu.sem_alloc : memref<!tpu.dma_semaphore, #tpu.memory_space<semaphore_mem>>
      %dma_start3A_134 = arith.constant 0 : i32
      %dma_start3A_135 = arith.constant 0 : i32
      %dma_start3A_136 = tpu.memref_slice %arg16[%dma_start3A_134, %dma_start3A_135] : memref<128x32xf32, #tpu.memory_space<vmem>> -> memref<128x32xf32, #tpu.memory_space<vmem>>
      %dma_start3A_137 = arith.constant 0 : i32
      %dma_start3A_138 = tpu.memref_slice %arg18[%add3A_15, %dma_start3A_137] : memref<10016x32xf32, #tpu.memory_space<vmem_shared>> -> memref<128x32xf32, #tpu.memory_space<vmem_shared>>
      %dma_start3A_139 = arith.constant 0 : i32
      %dma_start3A_140 = tpu.memref_slice %arg18[%add3A_15, %dma_start3A_139] : memref<10016x32xf32, #tpu.memory_space<vmem_shared>> -> memref<128x32xf32, #tpu.memory_space<vmem_shared>>
      %dma_start3A_141 = arith.constant 0 : i32
      %dma_start3A_142 = arith.constant 0 : i32
      %dma_start3A_143 = tpu.memref_slice %arg16[%dma_start3A_141, %dma_start3A_142] : memref<128x32xf32, #tpu.memory_space<vmem>> -> memref<128x32xf32, #tpu.memory_space<vmem>>
      tpu.enqueue_dma source(%dma_start3A_143 : memref<128x32xf32, #tpu.memory_space<vmem>>) target(%dma_start3A_140 : memref<128x32xf32, #tpu.memory_space<vmem_shared>>) target_semaphore(%run_scoped3A : memref<!tpu.dma_semaphore, #tpu.memory_space<semaphore_mem>>)
      %dma_wait3A_144 = arith.constant 0 : i32
      %dma_wait3A_145 = arith.constant 0 : i32
      %dma_wait3A_146 = tpu.memref_slice %arg16[%dma_wait3A_144, %dma_wait3A_145] : memref<128x32xf32, #tpu.memory_space<vmem>> -> memref<128x32xf32, #tpu.memory_space<vmem>>
      %dma_wait3A_147 = arith.constant 0 : i32
      %dma_wait3A_148 = tpu.memref_slice %arg18[%add3A_15, %dma_wait3A_147] : memref<10016x32xf32, #tpu.memory_space<vmem_shared>> -> memref<128x32xf32, #tpu.memory_space<vmem_shared>>
      %dma_wait3A_149 = arith.constant 0 : i32
      %dma_wait3A_150 = tpu.memref_slice %arg18[%add3A_15, %dma_wait3A_149] : memref<10016x32xf32, #tpu.memory_space<vmem_shared>> -> memref<128x32xf32, #tpu.memory_space<vmem_shared>>
      %dma_wait3A_151 = arith.constant 0 : i32
      %dma_wait3A_152 = arith.constant 0 : i32
      %dma_wait3A_153 = tpu.memref_slice %arg16[%dma_wait3A_151, %dma_wait3A_152] : memref<128x32xf32, #tpu.memory_space<vmem>> -> memref<128x32xf32, #tpu.memory_space<vmem>>
      tpu.wait_dma2 semaphore(%run_scoped3A : memref<!tpu.dma_semaphore, #tpu.memory_space<semaphore_mem>>) src(%dma_wait3A_153 : memref<128x32xf32, #tpu.memory_space<vmem>>) dst(%dma_wait3A_150 : memref<128x32xf32, #tpu.memory_space<vmem_shared>>)
      tpu.yield
    }) : () -> ()
    %add3A_16 = arith.constant 512 : i32
    %add3A_17 = arith.addi %mul3A_2, %add3A_16 : i32
    "tpu.region"() ({
      %run_scoped3A = tpu.sem_alloc : memref<!tpu.dma_semaphore, #tpu.memory_space<semaphore_mem>>
      %dma_start3A_134 = arith.constant 0 : i32
      %dma_start3A_135 = arith.constant 0 : i32
      %dma_start3A_136 = tpu.memref_slice %arg16[%dma_start3A_134, %dma_start3A_135] : memref<128x32xf32, #tpu.memory_space<vmem>> -> memref<114x32xf32, #tpu.memory_space<vmem>>
      %dma_start3A_137 = arith.constant 0 : i32
      %dma_start3A_138 = tpu.memref_slice %arg18[%add3A_17, %dma_start3A_137] : memref<10016x32xf32, #tpu.memory_space<vmem_shared>> -> memref<114x32xf32, #tpu.memory_space<vmem_shared>>
      %dma_start3A_139 = arith.constant 0 : i32
      %dma_start3A_140 = tpu.memref_slice %arg18[%add3A_17, %dma_start3A_139] : memref<10016x32xf32, #tpu.memory_space<vmem_shared>> -> memref<114x32xf32, #tpu.memory_space<vmem_shared>>
      %dma_start3A_141 = arith.constant 0 : i32
      %dma_start3A_142 = arith.constant 0 : i32
      %dma_start3A_143 = tpu.memref_slice %arg16[%dma_start3A_141, %dma_start3A_142] : memref<128x32xf32, #tpu.memory_space<vmem>> -> memref<114x32xf32, #tpu.memory_space<vmem>>
      tpu.enqueue_dma source(%dma_start3A_143 : memref<114x32xf32, #tpu.memory_space<vmem>>) target(%dma_start3A_140 : memref<114x32xf32, #tpu.memory_space<vmem_shared>>) target_semaphore(%run_scoped3A : memref<!tpu.dma_semaphore, #tpu.memory_space<semaphore_mem>>)
      %dma_wait3A_144 = arith.constant 0 : i32
      %dma_wait3A_145 = arith.constant 0 : i32
      %dma_wait3A_146 = tpu.memref_slice %arg16[%dma_wait3A_144, %dma_wait3A_145] : memref<128x32xf32, #tpu.memory_space<vmem>> -> memref<114x32xf32, #tpu.memory_space<vmem>>
      %dma_wait3A_147 = arith.constant 0 : i32
      %dma_wait3A_148 = tpu.memref_slice %arg18[%add3A_17, %dma_wait3A_147] : memref<10016x32xf32, #tpu.memory_space<vmem_shared>> -> memref<114x32xf32, #tpu.memory_space<vmem_shared>>
      %dma_wait3A_149 = arith.constant 0 : i32
      %dma_wait3A_150 = tpu.memref_slice %arg18[%add3A_17, %dma_wait3A_149] : memref<10016x32xf32, #tpu.memory_space<vmem_shared>> -> memref<114x32xf32, #tpu.memory_space<vmem_shared>>
      %dma_wait3A_151 = arith.constant 0 : i32
      %dma_wait3A_152 = arith.constant 0 : i32
      %dma_wait3A_153 = tpu.memref_slice %arg16[%dma_wait3A_151, %dma_wait3A_152] : memref<128x32xf32, #tpu.memory_space<vmem>> -> memref<114x32xf32, #tpu.memory_space<vmem>>
      tpu.wait_dma2 semaphore(%run_scoped3A : memref<!tpu.dma_semaphore, #tpu.memory_space<semaphore_mem>>) src(%dma_wait3A_153 : memref<114x32xf32, #tpu.memory_space<vmem>>) dst(%dma_wait3A_150 : memref<114x32xf32, #tpu.memory_space<vmem_shared>>)
      tpu.yield
    }) : () -> ()
    "tpu.region"() ({
      %run_scoped3A = tpu.sem_alloc : memref<!tpu.dma_semaphore, #tpu.memory_space<semaphore_mem>>
      %dma_start3A_134 = arith.constant 0 : i32
      %dma_start3A_135 = arith.constant 0 : i32
      %dma_start3A_136 = tpu.memref_slice %arg3[%add3A, %dma_start3A_134, %dma_start3A_135] : memref<32x80x128xi32, #tpu.memory_space<hbm>> -> memref<1x80x128xi32, #tpu.memory_space<hbm>>
      %dma_start3A_137 = tpu.memref_squeeze %dma_start3A_136 : memref<1x80x128xi32, #tpu.memory_space<hbm>> -> memref<80x128xi32, #tpu.memory_space<hbm>>
      %dma_start3A_138 = arith.constant 0 : i32
      %dma_start3A_139 = arith.constant 0 : i32
      %dma_start3A_140 = tpu.memref_slice %arg3[%add3A, %dma_start3A_138, %dma_start3A_139] : memref<32x80x128xi32, #tpu.memory_space<hbm>> -> memref<1x80x128xi32, #tpu.memory_space<hbm>>
      %dma_start3A_141 = tpu.memref_squeeze %dma_start3A_140 : memref<1x80x128xi32, #tpu.memory_space<hbm>> -> memref<80x128xi32, #tpu.memory_space<hbm>>
      tpu.enqueue_dma source(%dma_start3A_141 : memref<80x128xi32, #tpu.memory_space<hbm>>) target(%arg6 : memref<80x128xi32, #tpu.memory_space<vmem>>) target_semaphore(%run_scoped3A : memref<!tpu.dma_semaphore, #tpu.memory_space<semaphore_mem>>)
      %dma_wait3A_142 = arith.constant 0 : i32
      %dma_wait3A_143 = arith.constant 0 : i32
      %dma_wait3A_144 = tpu.memref_slice %arg3[%add3A, %dma_wait3A_142, %dma_wait3A_143] : memref<32x80x128xi32, #tpu.memory_space<hbm>> -> memref<1x80x128xi32, #tpu.memory_space<hbm>>
      %dma_wait3A_145 = tpu.memref_squeeze %dma_wait3A_144 : memref<1x80x128xi32, #tpu.memory_space<hbm>> -> memref<80x128xi32, #tpu.memory_space<hbm>>
      %dma_wait3A_146 = arith.constant 0 : i32
      %dma_wait3A_147 = arith.constant 0 : i32
      %dma_wait3A_148 = tpu.memref_slice %arg3[%add3A, %dma_wait3A_146, %dma_wait3A_147] : memref<32x80x128xi32, #tpu.memory_space<hbm>> -> memref<1x80x128xi32, #tpu.memory_space<hbm>>
      %dma_wait3A_149 = tpu.memref_squeeze %dma_wait3A_148 : memref<1x80x128xi32, #tpu.memory_space<hbm>> -> memref<80x128xi32, #tpu.memory_space<hbm>>
      tpu.wait_dma2 semaphore(%run_scoped3A : memref<!tpu.dma_semaphore, #tpu.memory_space<semaphore_mem>>) src(%dma_wait3A_149 : memref<80x128xi32, #tpu.memory_space<hbm>>) dst(%arg6 : memref<80x128xi32, #tpu.memory_space<vmem>>)
      tpu.yield
    }) : () -> ()
    "tpu.region"() ({
      %run_scoped3A = tpu.sem_alloc : memref<!tpu.dma_semaphore, #tpu.memory_space<semaphore_mem>>
      %dma_start3A_134 = arith.constant 0 : i32
      %dma_start3A_135 = arith.constant 0 : i32
      %dma_start3A_136 = tpu.memref_slice %arg4[%add3A, %dma_start3A_134, %dma_start3A_135] : memref<32x80x128xi32, #tpu.memory_space<hbm>> -> memref<1x80x128xi32, #tpu.memory_space<hbm>>
      %dma_start3A_137 = tpu.memref_squeeze %dma_start3A_136 : memref<1x80x128xi32, #tpu.memory_space<hbm>> -> memref<80x128xi32, #tpu.memory_space<hbm>>
      %dma_start3A_138 = arith.constant 0 : i32
      %dma_start3A_139 = arith.constant 0 : i32
      %dma_start3A_140 = tpu.memref_slice %arg4[%add3A, %dma_start3A_138, %dma_start3A_139] : memref<32x80x128xi32, #tpu.memory_space<hbm>> -> memref<1x80x128xi32, #tpu.memory_space<hbm>>
      %dma_start3A_141 = tpu.memref_squeeze %dma_start3A_140 : memref<1x80x128xi32, #tpu.memory_space<hbm>> -> memref<80x128xi32, #tpu.memory_space<hbm>>
      tpu.enqueue_dma source(%dma_start3A_141 : memref<80x128xi32, #tpu.memory_space<hbm>>) target(%arg7 : memref<80x128xi32, #tpu.memory_space<vmem>>) target_semaphore(%run_scoped3A : memref<!tpu.dma_semaphore, #tpu.memory_space<semaphore_mem>>)
      %dma_wait3A_142 = arith.constant 0 : i32
      %dma_wait3A_143 = arith.constant 0 : i32
      %dma_wait3A_144 = tpu.memref_slice %arg4[%add3A, %dma_wait3A_142, %dma_wait3A_143] : memref<32x80x128xi32, #tpu.memory_space<hbm>> -> memref<1x80x128xi32, #tpu.memory_space<hbm>>
      %dma_wait3A_145 = tpu.memref_squeeze %dma_wait3A_144 : memref<1x80x128xi32, #tpu.memory_space<hbm>> -> memref<80x128xi32, #tpu.memory_space<hbm>>
      %dma_wait3A_146 = arith.constant 0 : i32
      %dma_wait3A_147 = arith.constant 0 : i32
      %dma_wait3A_148 = tpu.memref_slice %arg4[%add3A, %dma_wait3A_146, %dma_wait3A_147] : memref<32x80x128xi32, #tpu.memory_space<hbm>> -> memref<1x80x128xi32, #tpu.memory_space<hbm>>
      %dma_wait3A_149 = tpu.memref_squeeze %dma_wait3A_148 : memref<1x80x128xi32, #tpu.memory_space<hbm>> -> memref<80x128xi32, #tpu.memory_space<hbm>>
      tpu.wait_dma2 semaphore(%run_scoped3A : memref<!tpu.dma_semaphore, #tpu.memory_space<semaphore_mem>>) src(%dma_wait3A_149 : memref<80x128xi32, #tpu.memory_space<hbm>>) dst(%arg7 : memref<80x128xi32, #tpu.memory_space<vmem>>)
      tpu.yield
    }) : () -> ()
    %barrier3A = arith.constant 0 : index
    tpu.barrier barrier_id(%barrier3A)
    %dma_start3A = arith.constant 0 : i32
    %dma_start3A_18 = arith.constant 0 : i32
    %dma_start3A_19 = tpu.memref_slice %arg6[%dma_start3A, %dma_start3A_18] : memref<80x128xi32, #tpu.memory_space<vmem>> -> memref<1x128xi32, #tpu.memory_space<vmem>>
    %dma_start3A_20 = tpu.memref_squeeze %dma_start3A_19 : memref<1x128xi32, #tpu.memory_space<vmem>> -> memref<128xi32, #tpu.memory_space<vmem>>
    %dma_start3A_21 = arith.constant 0 : i32
    %dma_start3A_22 = arith.constant 0 : i32
    %dma_start3A_23 = tpu.memref_slice %arg17[%dma_start3A_21, %dma_start3A_22] : memref<10016x32xf32, #tpu.memory_space<vmem_shared>> -> memref<10016x32xf32, #tpu.memory_space<vmem_shared>>
    tpu.enqueue_indirect_dma source(%dma_start3A_23 : memref<10016x32xf32, #tpu.memory_space<vmem_shared>>) target(%arg8 : memref<128x32xf32, #tpu.memory_space<vmem>>) offsets(%dma_start3A_20 : memref<128xi32, #tpu.memory_space<vmem>>) semaphore(%arg19 : memref<!tpu.dma_semaphore, #tpu.memory_space<semaphore_mem>>)
    %dma_start3A_24 = arith.constant 1 : i32
    %dma_start3A_25 = arith.constant 0 : i32
    %dma_start3A_26 = tpu.memref_slice %arg6[%dma_start3A_24, %dma_start3A_25] : memref<80x128xi32, #tpu.memory_space<vmem>> -> memref<1x128xi32, #tpu.memory_space<vmem>>
    %dma_start3A_27 = tpu.memref_squeeze %dma_start3A_26 : memref<1x128xi32, #tpu.memory_space<vmem>> -> memref<128xi32, #tpu.memory_space<vmem>>
    %dma_start3A_28 = arith.constant 0 : i32
    %dma_start3A_29 = arith.constant 0 : i32
    %dma_start3A_30 = tpu.memref_slice %arg17[%dma_start3A_28, %dma_start3A_29] : memref<10016x32xf32, #tpu.memory_space<vmem_shared>> -> memref<10016x32xf32, #tpu.memory_space<vmem_shared>>
    tpu.enqueue_indirect_dma source(%dma_start3A_30 : memref<10016x32xf32, #tpu.memory_space<vmem_shared>>) target(%arg9 : memref<128x32xf32, #tpu.memory_space<vmem>>) offsets(%dma_start3A_27 : memref<128xi32, #tpu.memory_space<vmem>>) semaphore(%arg20 : memref<!tpu.dma_semaphore, #tpu.memory_space<semaphore_mem>>)
    %dma_start3A_31 = arith.constant 2 : i32
    %dma_start3A_32 = arith.constant 0 : i32
    %dma_start3A_33 = tpu.memref_slice %arg6[%dma_start3A_31, %dma_start3A_32] : memref<80x128xi32, #tpu.memory_space<vmem>> -> memref<1x128xi32, #tpu.memory_space<vmem>>
    %dma_start3A_34 = tpu.memref_squeeze %dma_start3A_33 : memref<1x128xi32, #tpu.memory_space<vmem>> -> memref<128xi32, #tpu.memory_space<vmem>>
    %dma_start3A_35 = arith.constant 0 : i32
    %dma_start3A_36 = arith.constant 0 : i32
    %dma_start3A_37 = tpu.memref_slice %arg17[%dma_start3A_35, %dma_start3A_36] : memref<10016x32xf32, #tpu.memory_space<vmem_shared>> -> memref<10016x32xf32, #tpu.memory_space<vmem_shared>>
    tpu.enqueue_indirect_dma source(%dma_start3A_37 : memref<10016x32xf32, #tpu.memory_space<vmem_shared>>) target(%arg10 : memref<128x32xf32, #tpu.memory_space<vmem>>) offsets(%dma_start3A_34 : memref<128xi32, #tpu.memory_space<vmem>>) semaphore(%arg21 : memref<!tpu.dma_semaphore, #tpu.memory_space<semaphore_mem>>)
    %dma_start3A_38 = arith.constant 3 : i32
    %dma_start3A_39 = arith.constant 0 : i32
    %dma_start3A_40 = tpu.memref_slice %arg6[%dma_start3A_38, %dma_start3A_39] : memref<80x128xi32, #tpu.memory_space<vmem>> -> memref<1x128xi32, #tpu.memory_space<vmem>>
    %dma_start3A_41 = tpu.memref_squeeze %dma_start3A_40 : memref<1x128xi32, #tpu.memory_space<vmem>> -> memref<128xi32, #tpu.memory_space<vmem>>
    %dma_start3A_42 = arith.constant 0 : i32
    %dma_start3A_43 = arith.constant 0 : i32
    %dma_start3A_44 = tpu.memref_slice %arg17[%dma_start3A_42, %dma_start3A_43] : memref<10016x32xf32, #tpu.memory_space<vmem_shared>> -> memref<10016x32xf32, #tpu.memory_space<vmem_shared>>
    tpu.enqueue_indirect_dma source(%dma_start3A_44 : memref<10016x32xf32, #tpu.memory_space<vmem_shared>>) target(%arg11 : memref<128x32xf32, #tpu.memory_space<vmem>>) offsets(%dma_start3A_41 : memref<128xi32, #tpu.memory_space<vmem>>) semaphore(%arg22 : memref<!tpu.dma_semaphore, #tpu.memory_space<semaphore_mem>>)
    %dma_start3A_45 = arith.constant 4 : i32
    %dma_start3A_46 = arith.constant 0 : i32
    %dma_start3A_47 = tpu.memref_slice %arg6[%dma_start3A_45, %dma_start3A_46] : memref<80x128xi32, #tpu.memory_space<vmem>> -> memref<1x128xi32, #tpu.memory_space<vmem>>
    %dma_start3A_48 = tpu.memref_squeeze %dma_start3A_47 : memref<1x128xi32, #tpu.memory_space<vmem>> -> memref<128xi32, #tpu.memory_space<vmem>>
    %dma_start3A_49 = arith.constant 0 : i32
    %dma_start3A_50 = arith.constant 0 : i32
    %dma_start3A_51 = tpu.memref_slice %arg17[%dma_start3A_49, %dma_start3A_50] : memref<10016x32xf32, #tpu.memory_space<vmem_shared>> -> memref<10016x32xf32, #tpu.memory_space<vmem_shared>>
    tpu.enqueue_indirect_dma source(%dma_start3A_51 : memref<10016x32xf32, #tpu.memory_space<vmem_shared>>) target(%arg12 : memref<128x32xf32, #tpu.memory_space<vmem>>) offsets(%dma_start3A_48 : memref<128xi32, #tpu.memory_space<vmem>>) semaphore(%arg23 : memref<!tpu.dma_semaphore, #tpu.memory_space<semaphore_mem>>)
    %dma_start3A_52 = arith.constant 5 : i32
    %dma_start3A_53 = arith.constant 0 : i32
    %dma_start3A_54 = tpu.memref_slice %arg6[%dma_start3A_52, %dma_start3A_53] : memref<80x128xi32, #tpu.memory_space<vmem>> -> memref<1x128xi32, #tpu.memory_space<vmem>>
    %dma_start3A_55 = tpu.memref_squeeze %dma_start3A_54 : memref<1x128xi32, #tpu.memory_space<vmem>> -> memref<128xi32, #tpu.memory_space<vmem>>
    %dma_start3A_56 = arith.constant 0 : i32
    %dma_start3A_57 = arith.constant 0 : i32
    %dma_start3A_58 = tpu.memref_slice %arg17[%dma_start3A_56, %dma_start3A_57] : memref<10016x32xf32, #tpu.memory_space<vmem_shared>> -> memref<10016x32xf32, #tpu.memory_space<vmem_shared>>
    tpu.enqueue_indirect_dma source(%dma_start3A_58 : memref<10016x32xf32, #tpu.memory_space<vmem_shared>>) target(%arg13 : memref<128x32xf32, #tpu.memory_space<vmem>>) offsets(%dma_start3A_55 : memref<128xi32, #tpu.memory_space<vmem>>) semaphore(%arg24 : memref<!tpu.dma_semaphore, #tpu.memory_space<semaphore_mem>>)
    %dma_start3A_59 = arith.constant 6 : i32
    %dma_start3A_60 = arith.constant 0 : i32
    %dma_start3A_61 = tpu.memref_slice %arg6[%dma_start3A_59, %dma_start3A_60] : memref<80x128xi32, #tpu.memory_space<vmem>> -> memref<1x128xi32, #tpu.memory_space<vmem>>
    %dma_start3A_62 = tpu.memref_squeeze %dma_start3A_61 : memref<1x128xi32, #tpu.memory_space<vmem>> -> memref<128xi32, #tpu.memory_space<vmem>>
    %dma_start3A_63 = arith.constant 0 : i32
    %dma_start3A_64 = arith.constant 0 : i32
    %dma_start3A_65 = tpu.memref_slice %arg17[%dma_start3A_63, %dma_start3A_64] : memref<10016x32xf32, #tpu.memory_space<vmem_shared>> -> memref<10016x32xf32, #tpu.memory_space<vmem_shared>>
    tpu.enqueue_indirect_dma source(%dma_start3A_65 : memref<10016x32xf32, #tpu.memory_space<vmem_shared>>) target(%arg14 : memref<128x32xf32, #tpu.memory_space<vmem>>) offsets(%dma_start3A_62 : memref<128xi32, #tpu.memory_space<vmem>>) semaphore(%arg25 : memref<!tpu.dma_semaphore, #tpu.memory_space<semaphore_mem>>)
    %dma_start3A_66 = arith.constant 7 : i32
    %dma_start3A_67 = arith.constant 0 : i32
    %dma_start3A_68 = tpu.memref_slice %arg6[%dma_start3A_66, %dma_start3A_67] : memref<80x128xi32, #tpu.memory_space<vmem>> -> memref<1x128xi32, #tpu.memory_space<vmem>>
    %dma_start3A_69 = tpu.memref_squeeze %dma_start3A_68 : memref<1x128xi32, #tpu.memory_space<vmem>> -> memref<128xi32, #tpu.memory_space<vmem>>
    %dma_start3A_70 = arith.constant 0 : i32
    %dma_start3A_71 = arith.constant 0 : i32
    %dma_start3A_72 = tpu.memref_slice %arg17[%dma_start3A_70, %dma_start3A_71] : memref<10016x32xf32, #tpu.memory_space<vmem_shared>> -> memref<10016x32xf32, #tpu.memory_space<vmem_shared>>
    tpu.enqueue_indirect_dma source(%dma_start3A_72 : memref<10016x32xf32, #tpu.memory_space<vmem_shared>>) target(%arg15 : memref<128x32xf32, #tpu.memory_space<vmem>>) offsets(%dma_start3A_69 : memref<128xi32, #tpu.memory_space<vmem>>) semaphore(%arg26 : memref<!tpu.dma_semaphore, #tpu.memory_space<semaphore_mem>>)
    %scan3A_73 = arith.constant 0 : i32
    %scan3A_74 = arith.constant 10 : i32
    %scan3A_75 = arith.addi %scan3A_73, %scan3A_74 : i32
    %scan3A_76 = arith.constant 1 : i32
    scf.for %scan3A_134 = %scan3A_73 to %scan3A_75 step %scan3A_76  : i32 {
      %mul3A_135 = arith.constant 8 : i32
      %mul3A_136 = arith.muli %scan3A_134, %mul3A_135 : i32
      %add3A_137 = arith.constant 0 : i32
      %add3A_138 = arith.addi %add3A_137, %mul3A_136 : i32
      %add3A_139 = arith.constant 0 : i32
      %add3A_140 = arith.addi %add3A_138, %add3A_139 : i32
      %dma_wait3A_141 = arith.constant 0 : i32
      %dma_wait3A_142 = tpu.memref_slice %arg6[%add3A_140, %dma_wait3A_141] : memref<80x128xi32, #tpu.memory_space<vmem>> -> memref<1x128xi32, #tpu.memory_space<vmem>>
      %dma_wait3A_143 = tpu.memref_squeeze %dma_wait3A_142 : memref<1x128xi32, #tpu.memory_space<vmem>> -> memref<128xi32, #tpu.memory_space<vmem>>
      %dma_wait3A_144 = arith.constant 0 : i32
      %dma_wait3A_145 = arith.constant 0 : i32
      %dma_wait3A_146 = tpu.memref_slice %arg17[%dma_wait3A_144, %dma_wait3A_145] : memref<10016x32xf32, #tpu.memory_space<vmem_shared>> -> memref<10016x32xf32, #tpu.memory_space<vmem_shared>>
      tpu.wait_indirect_dma semaphore(%arg19 : memref<!tpu.dma_semaphore, #tpu.memory_space<semaphore_mem>>) src(%dma_wait3A_146 : memref<10016x32xf32, #tpu.memory_space<vmem_shared>>) dst(%arg8 : memref<128x32xf32, #tpu.memory_space<vmem>>)
      %dma_start3A_147 = arith.constant 0 : i32
      %dma_start3A_148 = tpu.memref_slice %arg7[%add3A_140, %dma_start3A_147] : memref<80x128xi32, #tpu.memory_space<vmem>> -> memref<1x128xi32, #tpu.memory_space<vmem>>
      %dma_start3A_149 = tpu.memref_squeeze %dma_start3A_148 : memref<1x128xi32, #tpu.memory_space<vmem>> -> memref<128xi32, #tpu.memory_space<vmem>>
      %dma_start3A_150 = arith.constant 0 : i32
      %dma_start3A_151 = arith.constant 0 : i32
      %dma_start3A_152 = tpu.memref_slice %arg18[%dma_start3A_150, %dma_start3A_151] : memref<10016x32xf32, #tpu.memory_space<vmem_shared>> -> memref<10016x32xf32, #tpu.memory_space<vmem_shared>>
      tpu.enqueue_indirect_dma source(%arg8 : memref<128x32xf32, #tpu.memory_space<vmem>>) target(%dma_start3A_152 : memref<10016x32xf32, #tpu.memory_space<vmem_shared>>) offsets(%dma_start3A_149 : memref<128xi32, #tpu.memory_space<vmem>>) semaphore(%arg27 : memref<!tpu.dma_semaphore, #tpu.memory_space<semaphore_mem>>) {add = true}
      %add3A_153 = arith.constant 1 : i32
      %add3A_154 = arith.addi %add3A_138, %add3A_153 : i32
      %dma_wait3A_155 = arith.constant 0 : i32
      %dma_wait3A_156 = tpu.memref_slice %arg6[%add3A_154, %dma_wait3A_155] : memref<80x128xi32, #tpu.memory_space<vmem>> -> memref<1x128xi32, #tpu.memory_space<vmem>>
      %dma_wait3A_157 = tpu.memref_squeeze %dma_wait3A_156 : memref<1x128xi32, #tpu.memory_space<vmem>> -> memref<128xi32, #tpu.memory_space<vmem>>
      %dma_wait3A_158 = arith.constant 0 : i32
      %dma_wait3A_159 = arith.constant 0 : i32
      %dma_wait3A_160 = tpu.memref_slice %arg17[%dma_wait3A_158, %dma_wait3A_159] : memref<10016x32xf32, #tpu.memory_space<vmem_shared>> -> memref<10016x32xf32, #tpu.memory_space<vmem_shared>>
      tpu.wait_indirect_dma semaphore(%arg20 : memref<!tpu.dma_semaphore, #tpu.memory_space<semaphore_mem>>) src(%dma_wait3A_160 : memref<10016x32xf32, #tpu.memory_space<vmem_shared>>) dst(%arg9 : memref<128x32xf32, #tpu.memory_space<vmem>>)
      %dma_start3A_161 = arith.constant 0 : i32
      %dma_start3A_162 = tpu.memref_slice %arg7[%add3A_154, %dma_start3A_161] : memref<80x128xi32, #tpu.memory_space<vmem>> -> memref<1x128xi32, #tpu.memory_space<vmem>>
      %dma_start3A_163 = tpu.memref_squeeze %dma_start3A_162 : memref<1x128xi32, #tpu.memory_space<vmem>> -> memref<128xi32, #tpu.memory_space<vmem>>
      %dma_start3A_164 = arith.constant 0 : i32
      %dma_start3A_165 = arith.constant 0 : i32
      %dma_start3A_166 = tpu.memref_slice %arg18[%dma_start3A_164, %dma_start3A_165] : memref<10016x32xf32, #tpu.memory_space<vmem_shared>> -> memref<10016x32xf32, #tpu.memory_space<vmem_shared>>
      tpu.enqueue_indirect_dma source(%arg9 : memref<128x32xf32, #tpu.memory_space<vmem>>) target(%dma_start3A_166 : memref<10016x32xf32, #tpu.memory_space<vmem_shared>>) offsets(%dma_start3A_163 : memref<128xi32, #tpu.memory_space<vmem>>) semaphore(%arg28 : memref<!tpu.dma_semaphore, #tpu.memory_space<semaphore_mem>>) {add = true}
      %add3A_167 = arith.constant 2 : i32
      %add3A_168 = arith.addi %add3A_138, %add3A_167 : i32
      %dma_wait3A_169 = arith.constant 0 : i32
      %dma_wait3A_170 = tpu.memref_slice %arg6[%add3A_168, %dma_wait3A_169] : memref<80x128xi32, #tpu.memory_space<vmem>> -> memref<1x128xi32, #tpu.memory_space<vmem>>
      %dma_wait3A_171 = tpu.memref_squeeze %dma_wait3A_170 : memref<1x128xi32, #tpu.memory_space<vmem>> -> memref<128xi32, #tpu.memory_space<vmem>>
      %dma_wait3A_172 = arith.constant 0 : i32
      %dma_wait3A_173 = arith.constant 0 : i32
      %dma_wait3A_174 = tpu.memref_slice %arg17[%dma_wait3A_172, %dma_wait3A_173] : memref<10016x32xf32, #tpu.memory_space<vmem_shared>> -> memref<10016x32xf32, #tpu.memory_space<vmem_shared>>
      tpu.wait_indirect_dma semaphore(%arg21 : memref<!tpu.dma_semaphore, #tpu.memory_space<semaphore_mem>>) src(%dma_wait3A_174 : memref<10016x32xf32, #tpu.memory_space<vmem_shared>>) dst(%arg10 : memref<128x32xf32, #tpu.memory_space<vmem>>)
      %dma_start3A_175 = arith.constant 0 : i32
      %dma_start3A_176 = tpu.memref_slice %arg7[%add3A_168, %dma_start3A_175] : memref<80x128xi32, #tpu.memory_space<vmem>> -> memref<1x128xi32, #tpu.memory_space<vmem>>
      %dma_start3A_177 = tpu.memref_squeeze %dma_start3A_176 : memref<1x128xi32, #tpu.memory_space<vmem>> -> memref<128xi32, #tpu.memory_space<vmem>>
      %dma_start3A_178 = arith.constant 0 : i32
      %dma_start3A_179 = arith.constant 0 : i32
      %dma_start3A_180 = tpu.memref_slice %arg18[%dma_start3A_178, %dma_start3A_179] : memref<10016x32xf32, #tpu.memory_space<vmem_shared>> -> memref<10016x32xf32, #tpu.memory_space<vmem_shared>>
      tpu.enqueue_indirect_dma source(%arg10 : memref<128x32xf32, #tpu.memory_space<vmem>>) target(%dma_start3A_180 : memref<10016x32xf32, #tpu.memory_space<vmem_shared>>) offsets(%dma_start3A_177 : memref<128xi32, #tpu.memory_space<vmem>>) semaphore(%arg29 : memref<!tpu.dma_semaphore, #tpu.memory_space<semaphore_mem>>) {add = true}
      %add3A_181 = arith.constant 3 : i32
      %add3A_182 = arith.addi %add3A_138, %add3A_181 : i32
      %dma_wait3A_183 = arith.constant 0 : i32
      %dma_wait3A_184 = tpu.memref_slice %arg6[%add3A_182, %dma_wait3A_183] : memref<80x128xi32, #tpu.memory_space<vmem>> -> memref<1x128xi32, #tpu.memory_space<vmem>>
      %dma_wait3A_185 = tpu.memref_squeeze %dma_wait3A_184 : memref<1x128xi32, #tpu.memory_space<vmem>> -> memref<128xi32, #tpu.memory_space<vmem>>
      %dma_wait3A_186 = arith.constant 0 : i32
      %dma_wait3A_187 = arith.constant 0 : i32
      %dma_wait3A_188 = tpu.memref_slice %arg17[%dma_wait3A_186, %dma_wait3A_187] : memref<10016x32xf32, #tpu.memory_space<vmem_shared>> -> memref<10016x32xf32, #tpu.memory_space<vmem_shared>>
      tpu.wait_indirect_dma semaphore(%arg22 : memref<!tpu.dma_semaphore, #tpu.memory_space<semaphore_mem>>) src(%dma_wait3A_188 : memref<10016x32xf32, #tpu.memory_space<vmem_shared>>) dst(%arg11 : memref<128x32xf32, #tpu.memory_space<vmem>>)
      %dma_start3A_189 = arith.constant 0 : i32
      %dma_start3A_190 = tpu.memref_slice %arg7[%add3A_182, %dma_start3A_189] : memref<80x128xi32, #tpu.memory_space<vmem>> -> memref<1x128xi32, #tpu.memory_space<vmem>>
      %dma_start3A_191 = tpu.memref_squeeze %dma_start3A_190 : memref<1x128xi32, #tpu.memory_space<vmem>> -> memref<128xi32, #tpu.memory_space<vmem>>
      %dma_start3A_192 = arith.constant 0 : i32
      %dma_start3A_193 = arith.constant 0 : i32
      %dma_start3A_194 = tpu.memref_slice %arg18[%dma_start3A_192, %dma_start3A_193] : memref<10016x32xf32, #tpu.memory_space<vmem_shared>> -> memref<10016x32xf32, #tpu.memory_space<vmem_shared>>
      tpu.enqueue_indirect_dma source(%arg11 : memref<128x32xf32, #tpu.memory_space<vmem>>) target(%dma_start3A_194 : memref<10016x32xf32, #tpu.memory_space<vmem_shared>>) offsets(%dma_start3A_191 : memref<128xi32, #tpu.memory_space<vmem>>) semaphore(%arg30 : memref<!tpu.dma_semaphore, #tpu.memory_space<semaphore_mem>>) {add = true}
      %add3A_195 = arith.constant 4 : i32
      %add3A_196 = arith.addi %add3A_138, %add3A_195 : i32
      %dma_wait3A_197 = arith.constant 0 : i32
      %dma_wait3A_198 = tpu.memref_slice %arg6[%add3A_196, %dma_wait3A_197] : memref<80x128xi32, #tpu.memory_space<vmem>> -> memref<1x128xi32, #tpu.memory_space<vmem>>
      %dma_wait3A_199 = tpu.memref_squeeze %dma_wait3A_198 : memref<1x128xi32, #tpu.memory_space<vmem>> -> memref<128xi32, #tpu.memory_space<vmem>>
      %dma_wait3A_200 = arith.constant 0 : i32
      %dma_wait3A_201 = arith.constant 0 : i32
      %dma_wait3A_202 = tpu.memref_slice %arg17[%dma_wait3A_200, %dma_wait3A_201] : memref<10016x32xf32, #tpu.memory_space<vmem_shared>> -> memref<10016x32xf32, #tpu.memory_space<vmem_shared>>
      tpu.wait_indirect_dma semaphore(%arg23 : memref<!tpu.dma_semaphore, #tpu.memory_space<semaphore_mem>>) src(%dma_wait3A_202 : memref<10016x32xf32, #tpu.memory_space<vmem_shared>>) dst(%arg12 : memref<128x32xf32, #tpu.memory_space<vmem>>)
      %dma_start3A_203 = arith.constant 0 : i32
      %dma_start3A_204 = tpu.memref_slice %arg7[%add3A_196, %dma_start3A_203] : memref<80x128xi32, #tpu.memory_space<vmem>> -> memref<1x128xi32, #tpu.memory_space<vmem>>
      %dma_start3A_205 = tpu.memref_squeeze %dma_start3A_204 : memref<1x128xi32, #tpu.memory_space<vmem>> -> memref<128xi32, #tpu.memory_space<vmem>>
      %dma_start3A_206 = arith.constant 0 : i32
      %dma_start3A_207 = arith.constant 0 : i32
      %dma_start3A_208 = tpu.memref_slice %arg18[%dma_start3A_206, %dma_start3A_207] : memref<10016x32xf32, #tpu.memory_space<vmem_shared>> -> memref<10016x32xf32, #tpu.memory_space<vmem_shared>>
      tpu.enqueue_indirect_dma source(%arg12 : memref<128x32xf32, #tpu.memory_space<vmem>>) target(%dma_start3A_208 : memref<10016x32xf32, #tpu.memory_space<vmem_shared>>) offsets(%dma_start3A_205 : memref<128xi32, #tpu.memory_space<vmem>>) semaphore(%arg31 : memref<!tpu.dma_semaphore, #tpu.memory_space<semaphore_mem>>) {add = true}
      %add3A_209 = arith.constant 5 : i32
      %add3A_210 = arith.addi %add3A_138, %add3A_209 : i32
      %dma_wait3A_211 = arith.constant 0 : i32
      %dma_wait3A_212 = tpu.memref_slice %arg6[%add3A_210, %dma_wait3A_211] : memref<80x128xi32, #tpu.memory_space<vmem>> -> memref<1x128xi32, #tpu.memory_space<vmem>>
      %dma_wait3A_213 = tpu.memref_squeeze %dma_wait3A_212 : memref<1x128xi32, #tpu.memory_space<vmem>> -> memref<128xi32, #tpu.memory_space<vmem>>
      %dma_wait3A_214 = arith.constant 0 : i32
      %dma_wait3A_215 = arith.constant 0 : i32
      %dma_wait3A_216 = tpu.memref_slice %arg17[%dma_wait3A_214, %dma_wait3A_215] : memref<10016x32xf32, #tpu.memory_space<vmem_shared>> -> memref<10016x32xf32, #tpu.memory_space<vmem_shared>>
      tpu.wait_indirect_dma semaphore(%arg24 : memref<!tpu.dma_semaphore, #tpu.memory_space<semaphore_mem>>) src(%dma_wait3A_216 : memref<10016x32xf32, #tpu.memory_space<vmem_shared>>) dst(%arg13 : memref<128x32xf32, #tpu.memory_space<vmem>>)
      %dma_start3A_217 = arith.constant 0 : i32
      %dma_start3A_218 = tpu.memref_slice %arg7[%add3A_210, %dma_start3A_217] : memref<80x128xi32, #tpu.memory_space<vmem>> -> memref<1x128xi32, #tpu.memory_space<vmem>>
      %dma_start3A_219 = tpu.memref_squeeze %dma_start3A_218 : memref<1x128xi32, #tpu.memory_space<vmem>> -> memref<128xi32, #tpu.memory_space<vmem>>
      %dma_start3A_220 = arith.constant 0 : i32
      %dma_start3A_221 = arith.constant 0 : i32
      %dma_start3A_222 = tpu.memref_slice %arg18[%dma_start3A_220, %dma_start3A_221] : memref<10016x32xf32, #tpu.memory_space<vmem_shared>> -> memref<10016x32xf32, #tpu.memory_space<vmem_shared>>
      tpu.enqueue_indirect_dma source(%arg13 : memref<128x32xf32, #tpu.memory_space<vmem>>) target(%dma_start3A_222 : memref<10016x32xf32, #tpu.memory_space<vmem_shared>>) offsets(%dma_start3A_219 : memref<128xi32, #tpu.memory_space<vmem>>) semaphore(%arg32 : memref<!tpu.dma_semaphore, #tpu.memory_space<semaphore_mem>>) {add = true}
      %add3A_223 = arith.constant 6 : i32
      %add3A_224 = arith.addi %add3A_138, %add3A_223 : i32
      %dma_wait3A_225 = arith.constant 0 : i32
      %dma_wait3A_226 = tpu.memref_slice %arg6[%add3A_224, %dma_wait3A_225] : memref<80x128xi32, #tpu.memory_space<vmem>> -> memref<1x128xi32, #tpu.memory_space<vmem>>
      %dma_wait3A_227 = tpu.memref_squeeze %dma_wait3A_226 : memref<1x128xi32, #tpu.memory_space<vmem>> -> memref<128xi32, #tpu.memory_space<vmem>>
      %dma_wait3A_228 = arith.constant 0 : i32
      %dma_wait3A_229 = arith.constant 0 : i32
      %dma_wait3A_230 = tpu.memref_slice %arg17[%dma_wait3A_228, %dma_wait3A_229] : memref<10016x32xf32, #tpu.memory_space<vmem_shared>> -> memref<10016x32xf32, #tpu.memory_space<vmem_shared>>
      tpu.wait_indirect_dma semaphore(%arg25 : memref<!tpu.dma_semaphore, #tpu.memory_space<semaphore_mem>>) src(%dma_wait3A_230 : memref<10016x32xf32, #tpu.memory_space<vmem_shared>>) dst(%arg14 : memref<128x32xf32, #tpu.memory_space<vmem>>)
      %dma_start3A_231 = arith.constant 0 : i32
      %dma_start3A_232 = tpu.memref_slice %arg7[%add3A_224, %dma_start3A_231] : memref<80x128xi32, #tpu.memory_space<vmem>> -> memref<1x128xi32, #tpu.memory_space<vmem>>
      %dma_start3A_233 = tpu.memref_squeeze %dma_start3A_232 : memref<1x128xi32, #tpu.memory_space<vmem>> -> memref<128xi32, #tpu.memory_space<vmem>>
      %dma_start3A_234 = arith.constant 0 : i32
      %dma_start3A_235 = arith.constant 0 : i32
      %dma_start3A_236 = tpu.memref_slice %arg18[%dma_start3A_234, %dma_start3A_235] : memref<10016x32xf32, #tpu.memory_space<vmem_shared>> -> memref<10016x32xf32, #tpu.memory_space<vmem_shared>>
      tpu.enqueue_indirect_dma source(%arg14 : memref<128x32xf32, #tpu.memory_space<vmem>>) target(%dma_start3A_236 : memref<10016x32xf32, #tpu.memory_space<vmem_shared>>) offsets(%dma_start3A_233 : memref<128xi32, #tpu.memory_space<vmem>>) semaphore(%arg33 : memref<!tpu.dma_semaphore, #tpu.memory_space<semaphore_mem>>) {add = true}
      %add3A_237 = arith.constant 7 : i32
      %add3A_238 = arith.addi %add3A_138, %add3A_237 : i32
      %dma_wait3A_239 = arith.constant 0 : i32
      %dma_wait3A_240 = tpu.memref_slice %arg6[%add3A_238, %dma_wait3A_239] : memref<80x128xi32, #tpu.memory_space<vmem>> -> memref<1x128xi32, #tpu.memory_space<vmem>>
      %dma_wait3A_241 = tpu.memref_squeeze %dma_wait3A_240 : memref<1x128xi32, #tpu.memory_space<vmem>> -> memref<128xi32, #tpu.memory_space<vmem>>
      %dma_wait3A_242 = arith.constant 0 : i32
      %dma_wait3A_243 = arith.constant 0 : i32
      %dma_wait3A_244 = tpu.memref_slice %arg17[%dma_wait3A_242, %dma_wait3A_243] : memref<10016x32xf32, #tpu.memory_space<vmem_shared>> -> memref<10016x32xf32, #tpu.memory_space<vmem_shared>>
      tpu.wait_indirect_dma semaphore(%arg26 : memref<!tpu.dma_semaphore, #tpu.memory_space<semaphore_mem>>) src(%dma_wait3A_244 : memref<10016x32xf32, #tpu.memory_space<vmem_shared>>) dst(%arg15 : memref<128x32xf32, #tpu.memory_space<vmem>>)
      %dma_start3A_245 = arith.constant 0 : i32
      %dma_start3A_246 = tpu.memref_slice %arg7[%add3A_238, %dma_start3A_245] : memref<80x128xi32, #tpu.memory_space<vmem>> -> memref<1x128xi32, #tpu.memory_space<vmem>>
      %dma_start3A_247 = tpu.memref_squeeze %dma_start3A_246 : memref<1x128xi32, #tpu.memory_space<vmem>> -> memref<128xi32, #tpu.memory_space<vmem>>
      %dma_start3A_248 = arith.constant 0 : i32
      %dma_start3A_249 = arith.constant 0 : i32
      %dma_start3A_250 = tpu.memref_slice %arg18[%dma_start3A_248, %dma_start3A_249] : memref<10016x32xf32, #tpu.memory_space<vmem_shared>> -> memref<10016x32xf32, #tpu.memory_space<vmem_shared>>
      tpu.enqueue_indirect_dma source(%arg15 : memref<128x32xf32, #tpu.memory_space<vmem>>) target(%dma_start3A_250 : memref<10016x32xf32, #tpu.memory_space<vmem_shared>>) offsets(%dma_start3A_247 : memref<128xi32, #tpu.memory_space<vmem>>) semaphore(%arg34 : memref<!tpu.dma_semaphore, #tpu.memory_space<semaphore_mem>>) {add = true}
      %add3A_251 = arith.constant 0 : i32
      %add3A_252 = arith.addi %add3A_138, %add3A_251 : i32
      %add3A_253 = arith.constant 8 : i32
      %add3A_254 = arith.addi %add3A_252, %add3A_253 : i32
      %lt3A = arith.constant 80 : i32
      %lt3A_255 = arith.cmpi slt, %add3A_254, %lt3A : i32
      %convert_element_type3A = arith.extui %lt3A_255 : i1 to i32
      %cond3A = arith.constant 0 : i32
      %cond3A_256 = arith.cmpi ne, %convert_element_type3A, %cond3A : i32
      scf.if %cond3A_256 {
        %dma_wait3A_320 = arith.constant 0 : i32
        %dma_wait3A_321 = arith.constant 0 : i32
        %dma_wait3A_322 = tpu.memref_slice %arg7[%dma_wait3A_320, %dma_wait3A_321] : memref<80x128xi32, #tpu.memory_space<vmem>> -> memref<1x128xi32, #tpu.memory_space<vmem>>
        %dma_wait3A_323 = tpu.memref_squeeze %dma_wait3A_322 : memref<1x128xi32, #tpu.memory_space<vmem>> -> memref<128xi32, #tpu.memory_space<vmem>>
        %dma_wait3A_324 = arith.constant 0 : i32
        %dma_wait3A_325 = arith.constant 0 : i32
        %dma_wait3A_326 = tpu.memref_slice %arg18[%dma_wait3A_324, %dma_wait3A_325] : memref<10016x32xf32, #tpu.memory_space<vmem_shared>> -> memref<10016x32xf32, #tpu.memory_space<vmem_shared>>
        tpu.wait_indirect_dma semaphore(%arg27 : memref<!tpu.dma_semaphore, #tpu.memory_space<semaphore_mem>>) src(%arg8 : memref<128x32xf32, #tpu.memory_space<vmem>>) dst(%dma_wait3A_326 : memref<10016x32xf32, #tpu.memory_space<vmem_shared>>)
        %dma_start3A_327 = arith.constant 0 : i32
        %dma_start3A_328 = tpu.memref_slice %arg6[%add3A_254, %dma_start3A_327] : memref<80x128xi32, #tpu.memory_space<vmem>> -> memref<1x128xi32, #tpu.memory_space<vmem>>
        %dma_start3A_329 = tpu.memref_squeeze %dma_start3A_328 : memref<1x128xi32, #tpu.memory_space<vmem>> -> memref<128xi32, #tpu.memory_space<vmem>>
        %dma_start3A_330 = arith.constant 0 : i32
        %dma_start3A_331 = arith.constant 0 : i32
        %dma_start3A_332 = tpu.memref_slice %arg17[%dma_start3A_330, %dma_start3A_331] : memref<10016x32xf32, #tpu.memory_space<vmem_shared>> -> memref<10016x32xf32, #tpu.memory_space<vmem_shared>>
        tpu.enqueue_indirect_dma source(%dma_start3A_332 : memref<10016x32xf32, #tpu.memory_space<vmem_shared>>) target(%arg8 : memref<128x32xf32, #tpu.memory_space<vmem>>) offsets(%dma_start3A_329 : memref<128xi32, #tpu.memory_space<vmem>>) semaphore(%arg19 : memref<!tpu.dma_semaphore, #tpu.memory_space<semaphore_mem>>)
      } else {
      }
      %add3A_257 = arith.constant 1 : i32
      %add3A_258 = arith.addi %add3A_138, %add3A_257 : i32
      %add3A_259 = arith.constant 8 : i32
      %add3A_260 = arith.addi %add3A_258, %add3A_259 : i32
      %lt3A_261 = arith.constant 80 : i32
      %lt3A_262 = arith.cmpi slt, %add3A_260, %lt3A_261 : i32
      %convert_element_type3A_263 = arith.extui %lt3A_262 : i1 to i32
      %cond3A_264 = arith.constant 0 : i32
      %cond3A_265 = arith.cmpi ne, %convert_element_type3A_263, %cond3A_264 : i32
      scf.if %cond3A_265 {
        %dma_wait3A_320 = arith.constant 0 : i32
        %dma_wait3A_321 = arith.constant 0 : i32
        %dma_wait3A_322 = tpu.memref_slice %arg7[%dma_wait3A_320, %dma_wait3A_321] : memref<80x128xi32, #tpu.memory_space<vmem>> -> memref<1x128xi32, #tpu.memory_space<vmem>>
        %dma_wait3A_323 = tpu.memref_squeeze %dma_wait3A_322 : memref<1x128xi32, #tpu.memory_space<vmem>> -> memref<128xi32, #tpu.memory_space<vmem>>
        %dma_wait3A_324 = arith.constant 0 : i32
        %dma_wait3A_325 = arith.constant 0 : i32
        %dma_wait3A_326 = tpu.memref_slice %arg18[%dma_wait3A_324, %dma_wait3A_325] : memref<10016x32xf32, #tpu.memory_space<vmem_shared>> -> memref<10016x32xf32, #tpu.memory_space<vmem_shared>>
        tpu.wait_indirect_dma semaphore(%arg28 : memref<!tpu.dma_semaphore, #tpu.memory_space<semaphore_mem>>) src(%arg9 : memref<128x32xf32, #tpu.memory_space<vmem>>) dst(%dma_wait3A_326 : memref<10016x32xf32, #tpu.memory_space<vmem_shared>>)
        %dma_start3A_327 = arith.constant 0 : i32
        %dma_start3A_328 = tpu.memref_slice %arg6[%add3A_260, %dma_start3A_327] : memref<80x128xi32, #tpu.memory_space<vmem>> -> memref<1x128xi32, #tpu.memory_space<vmem>>
        %dma_start3A_329 = tpu.memref_squeeze %dma_start3A_328 : memref<1x128xi32, #tpu.memory_space<vmem>> -> memref<128xi32, #tpu.memory_space<vmem>>
        %dma_start3A_330 = arith.constant 0 : i32
        %dma_start3A_331 = arith.constant 0 : i32
        %dma_start3A_332 = tpu.memref_slice %arg17[%dma_start3A_330, %dma_start3A_331] : memref<10016x32xf32, #tpu.memory_space<vmem_shared>> -> memref<10016x32xf32, #tpu.memory_space<vmem_shared>>
        tpu.enqueue_indirect_dma source(%dma_start3A_332 : memref<10016x32xf32, #tpu.memory_space<vmem_shared>>) target(%arg9 : memref<128x32xf32, #tpu.memory_space<vmem>>) offsets(%dma_start3A_329 : memref<128xi32, #tpu.memory_space<vmem>>) semaphore(%arg20 : memref<!tpu.dma_semaphore, #tpu.memory_space<semaphore_mem>>)
      } else {
      }
      %add3A_266 = arith.constant 2 : i32
      %add3A_267 = arith.addi %add3A_138, %add3A_266 : i32
      %add3A_268 = arith.constant 8 : i32
      %add3A_269 = arith.addi %add3A_267, %add3A_268 : i32
      %lt3A_270 = arith.constant 80 : i32
      %lt3A_271 = arith.cmpi slt, %add3A_269, %lt3A_270 : i32
      %convert_element_type3A_272 = arith.extui %lt3A_271 : i1 to i32
      %cond3A_273 = arith.constant 0 : i32
      %cond3A_274 = arith.cmpi ne, %convert_element_type3A_272, %cond3A_273 : i32
      scf.if %cond3A_274 {
        %dma_wait3A_320 = arith.constant 0 : i32
        %dma_wait3A_321 = arith.constant 0 : i32
        %dma_wait3A_322 = tpu.memref_slice %arg7[%dma_wait3A_320, %dma_wait3A_321] : memref<80x128xi32, #tpu.memory_space<vmem>> -> memref<1x128xi32, #tpu.memory_space<vmem>>
        %dma_wait3A_323 = tpu.memref_squeeze %dma_wait3A_322 : memref<1x128xi32, #tpu.memory_space<vmem>> -> memref<128xi32, #tpu.memory_space<vmem>>
        %dma_wait3A_324 = arith.constant 0 : i32
        %dma_wait3A_325 = arith.constant 0 : i32
        %dma_wait3A_326 = tpu.memref_slice %arg18[%dma_wait3A_324, %dma_wait3A_325] : memref<10016x32xf32, #tpu.memory_space<vmem_shared>> -> memref<10016x32xf32, #tpu.memory_space<vmem_shared>>
        tpu.wait_indirect_dma semaphore(%arg29 : memref<!tpu.dma_semaphore, #tpu.memory_space<semaphore_mem>>) src(%arg10 : memref<128x32xf32, #tpu.memory_space<vmem>>) dst(%dma_wait3A_326 : memref<10016x32xf32, #tpu.memory_space<vmem_shared>>)
        %dma_start3A_327 = arith.constant 0 : i32
        %dma_start3A_328 = tpu.memref_slice %arg6[%add3A_269, %dma_start3A_327] : memref<80x128xi32, #tpu.memory_space<vmem>> -> memref<1x128xi32, #tpu.memory_space<vmem>>
        %dma_start3A_329 = tpu.memref_squeeze %dma_start3A_328 : memref<1x128xi32, #tpu.memory_space<vmem>> -> memref<128xi32, #tpu.memory_space<vmem>>
        %dma_start3A_330 = arith.constant 0 : i32
        %dma_start3A_331 = arith.constant 0 : i32
        %dma_start3A_332 = tpu.memref_slice %arg17[%dma_start3A_330, %dma_start3A_331] : memref<10016x32xf32, #tpu.memory_space<vmem_shared>> -> memref<10016x32xf32, #tpu.memory_space<vmem_shared>>
        tpu.enqueue_indirect_dma source(%dma_start3A_332 : memref<10016x32xf32, #tpu.memory_space<vmem_shared>>) target(%arg10 : memref<128x32xf32, #tpu.memory_space<vmem>>) offsets(%dma_start3A_329 : memref<128xi32, #tpu.memory_space<vmem>>) semaphore(%arg21 : memref<!tpu.dma_semaphore, #tpu.memory_space<semaphore_mem>>)
      } else {
      }
      %add3A_275 = arith.constant 3 : i32
      %add3A_276 = arith.addi %add3A_138, %add3A_275 : i32
      %add3A_277 = arith.constant 8 : i32
      %add3A_278 = arith.addi %add3A_276, %add3A_277 : i32
      %lt3A_279 = arith.constant 80 : i32
      %lt3A_280 = arith.cmpi slt, %add3A_278, %lt3A_279 : i32
      %convert_element_type3A_281 = arith.extui %lt3A_280 : i1 to i32
      %cond3A_282 = arith.constant 0 : i32
      %cond3A_283 = arith.cmpi ne, %convert_element_type3A_281, %cond3A_282 : i32
      scf.if %cond3A_283 {
        %dma_wait3A_320 = arith.constant 0 : i32
        %dma_wait3A_321 = arith.constant 0 : i32
        %dma_wait3A_322 = tpu.memref_slice %arg7[%dma_wait3A_320, %dma_wait3A_321] : memref<80x128xi32, #tpu.memory_space<vmem>> -> memref<1x128xi32, #tpu.memory_space<vmem>>
        %dma_wait3A_323 = tpu.memref_squeeze %dma_wait3A_322 : memref<1x128xi32, #tpu.memory_space<vmem>> -> memref<128xi32, #tpu.memory_space<vmem>>
        %dma_wait3A_324 = arith.constant 0 : i32
        %dma_wait3A_325 = arith.constant 0 : i32
        %dma_wait3A_326 = tpu.memref_slice %arg18[%dma_wait3A_324, %dma_wait3A_325] : memref<10016x32xf32, #tpu.memory_space<vmem_shared>> -> memref<10016x32xf32, #tpu.memory_space<vmem_shared>>
        tpu.wait_indirect_dma semaphore(%arg30 : memref<!tpu.dma_semaphore, #tpu.memory_space<semaphore_mem>>) src(%arg11 : memref<128x32xf32, #tpu.memory_space<vmem>>) dst(%dma_wait3A_326 : memref<10016x32xf32, #tpu.memory_space<vmem_shared>>)
        %dma_start3A_327 = arith.constant 0 : i32
        %dma_start3A_328 = tpu.memref_slice %arg6[%add3A_278, %dma_start3A_327] : memref<80x128xi32, #tpu.memory_space<vmem>> -> memref<1x128xi32, #tpu.memory_space<vmem>>
        %dma_start3A_329 = tpu.memref_squeeze %dma_start3A_328 : memref<1x128xi32, #tpu.memory_space<vmem>> -> memref<128xi32, #tpu.memory_space<vmem>>
        %dma_start3A_330 = arith.constant 0 : i32
        %dma_start3A_331 = arith.constant 0 : i32
        %dma_start3A_332 = tpu.memref_slice %arg17[%dma_start3A_330, %dma_start3A_331] : memref<10016x32xf32, #tpu.memory_space<vmem_shared>> -> memref<10016x32xf32, #tpu.memory_space<vmem_shared>>
        tpu.enqueue_indirect_dma source(%dma_start3A_332 : memref<10016x32xf32, #tpu.memory_space<vmem_shared>>) target(%arg11 : memref<128x32xf32, #tpu.memory_space<vmem>>) offsets(%dma_start3A_329 : memref<128xi32, #tpu.memory_space<vmem>>) semaphore(%arg22 : memref<!tpu.dma_semaphore, #tpu.memory_space<semaphore_mem>>)
      } else {
      }
      %add3A_284 = arith.constant 4 : i32
      %add3A_285 = arith.addi %add3A_138, %add3A_284 : i32
      %add3A_286 = arith.constant 8 : i32
      %add3A_287 = arith.addi %add3A_285, %add3A_286 : i32
      %lt3A_288 = arith.constant 80 : i32
      %lt3A_289 = arith.cmpi slt, %add3A_287, %lt3A_288 : i32
      %convert_element_type3A_290 = arith.extui %lt3A_289 : i1 to i32
      %cond3A_291 = arith.constant 0 : i32
      %cond3A_292 = arith.cmpi ne, %convert_element_type3A_290, %cond3A_291 : i32
      scf.if %cond3A_292 {
        %dma_wait3A_320 = arith.constant 0 : i32
        %dma_wait3A_321 = arith.constant 0 : i32
        %dma_wait3A_322 = tpu.memref_slice %arg7[%dma_wait3A_320, %dma_wait3A_321] : memref<80x128xi32, #tpu.memory_space<vmem>> -> memref<1x128xi32, #tpu.memory_space<vmem>>
        %dma_wait3A_323 = tpu.memref_squeeze %dma_wait3A_322 : memref<1x128xi32, #tpu.memory_space<vmem>> -> memref<128xi32, #tpu.memory_space<vmem>>
        %dma_wait3A_324 = arith.constant 0 : i32
        %dma_wait3A_325 = arith.constant 0 : i32
        %dma_wait3A_326 = tpu.memref_slice %arg18[%dma_wait3A_324, %dma_wait3A_325] : memref<10016x32xf32, #tpu.memory_space<vmem_shared>> -> memref<10016x32xf32, #tpu.memory_space<vmem_shared>>
        tpu.wait_indirect_dma semaphore(%arg31 : memref<!tpu.dma_semaphore, #tpu.memory_space<semaphore_mem>>) src(%arg12 : memref<128x32xf32, #tpu.memory_space<vmem>>) dst(%dma_wait3A_326 : memref<10016x32xf32, #tpu.memory_space<vmem_shared>>)
        %dma_start3A_327 = arith.constant 0 : i32
        %dma_start3A_328 = tpu.memref_slice %arg6[%add3A_287, %dma_start3A_327] : memref<80x128xi32, #tpu.memory_space<vmem>> -> memref<1x128xi32, #tpu.memory_space<vmem>>
        %dma_start3A_329 = tpu.memref_squeeze %dma_start3A_328 : memref<1x128xi32, #tpu.memory_space<vmem>> -> memref<128xi32, #tpu.memory_space<vmem>>
        %dma_start3A_330 = arith.constant 0 : i32
        %dma_start3A_331 = arith.constant 0 : i32
        %dma_start3A_332 = tpu.memref_slice %arg17[%dma_start3A_330, %dma_start3A_331] : memref<10016x32xf32, #tpu.memory_space<vmem_shared>> -> memref<10016x32xf32, #tpu.memory_space<vmem_shared>>
        tpu.enqueue_indirect_dma source(%dma_start3A_332 : memref<10016x32xf32, #tpu.memory_space<vmem_shared>>) target(%arg12 : memref<128x32xf32, #tpu.memory_space<vmem>>) offsets(%dma_start3A_329 : memref<128xi32, #tpu.memory_space<vmem>>) semaphore(%arg23 : memref<!tpu.dma_semaphore, #tpu.memory_space<semaphore_mem>>)
      } else {
      }
      %add3A_293 = arith.constant 5 : i32
      %add3A_294 = arith.addi %add3A_138, %add3A_293 : i32
      %add3A_295 = arith.constant 8 : i32
      %add3A_296 = arith.addi %add3A_294, %add3A_295 : i32
      %lt3A_297 = arith.constant 80 : i32
      %lt3A_298 = arith.cmpi slt, %add3A_296, %lt3A_297 : i32
      %convert_element_type3A_299 = arith.extui %lt3A_298 : i1 to i32
      %cond3A_300 = arith.constant 0 : i32
      %cond3A_301 = arith.cmpi ne, %convert_element_type3A_299, %cond3A_300 : i32
      scf.if %cond3A_301 {
        %dma_wait3A_320 = arith.constant 0 : i32
        %dma_wait3A_321 = arith.constant 0 : i32
        %dma_wait3A_322 = tpu.memref_slice %arg7[%dma_wait3A_320, %dma_wait3A_321] : memref<80x128xi32, #tpu.memory_space<vmem>> -> memref<1x128xi32, #tpu.memory_space<vmem>>
        %dma_wait3A_323 = tpu.memref_squeeze %dma_wait3A_322 : memref<1x128xi32, #tpu.memory_space<vmem>> -> memref<128xi32, #tpu.memory_space<vmem>>
        %dma_wait3A_324 = arith.constant 0 : i32
        %dma_wait3A_325 = arith.constant 0 : i32
        %dma_wait3A_326 = tpu.memref_slice %arg18[%dma_wait3A_324, %dma_wait3A_325] : memref<10016x32xf32, #tpu.memory_space<vmem_shared>> -> memref<10016x32xf32, #tpu.memory_space<vmem_shared>>
        tpu.wait_indirect_dma semaphore(%arg32 : memref<!tpu.dma_semaphore, #tpu.memory_space<semaphore_mem>>) src(%arg13 : memref<128x32xf32, #tpu.memory_space<vmem>>) dst(%dma_wait3A_326 : memref<10016x32xf32, #tpu.memory_space<vmem_shared>>)
        %dma_start3A_327 = arith.constant 0 : i32
        %dma_start3A_328 = tpu.memref_slice %arg6[%add3A_296, %dma_start3A_327] : memref<80x128xi32, #tpu.memory_space<vmem>> -> memref<1x128xi32, #tpu.memory_space<vmem>>
        %dma_start3A_329 = tpu.memref_squeeze %dma_start3A_328 : memref<1x128xi32, #tpu.memory_space<vmem>> -> memref<128xi32, #tpu.memory_space<vmem>>
        %dma_start3A_330 = arith.constant 0 : i32
        %dma_start3A_331 = arith.constant 0 : i32
        %dma_start3A_332 = tpu.memref_slice %arg17[%dma_start3A_330, %dma_start3A_331] : memref<10016x32xf32, #tpu.memory_space<vmem_shared>> -> memref<10016x32xf32, #tpu.memory_space<vmem_shared>>
        tpu.enqueue_indirect_dma source(%dma_start3A_332 : memref<10016x32xf32, #tpu.memory_space<vmem_shared>>) target(%arg13 : memref<128x32xf32, #tpu.memory_space<vmem>>) offsets(%dma_start3A_329 : memref<128xi32, #tpu.memory_space<vmem>>) semaphore(%arg24 : memref<!tpu.dma_semaphore, #tpu.memory_space<semaphore_mem>>)
      } else {
      }
      %add3A_302 = arith.constant 6 : i32
      %add3A_303 = arith.addi %add3A_138, %add3A_302 : i32
      %add3A_304 = arith.constant 8 : i32
      %add3A_305 = arith.addi %add3A_303, %add3A_304 : i32
      %lt3A_306 = arith.constant 80 : i32
      %lt3A_307 = arith.cmpi slt, %add3A_305, %lt3A_306 : i32
      %convert_element_type3A_308 = arith.extui %lt3A_307 : i1 to i32
      %cond3A_309 = arith.constant 0 : i32
      %cond3A_310 = arith.cmpi ne, %convert_element_type3A_308, %cond3A_309 : i32
      scf.if %cond3A_310 {
        %dma_wait3A_320 = arith.constant 0 : i32
        %dma_wait3A_321 = arith.constant 0 : i32
        %dma_wait3A_322 = tpu.memref_slice %arg7[%dma_wait3A_320, %dma_wait3A_321] : memref<80x128xi32, #tpu.memory_space<vmem>> -> memref<1x128xi32, #tpu.memory_space<vmem>>
        %dma_wait3A_323 = tpu.memref_squeeze %dma_wait3A_322 : memref<1x128xi32, #tpu.memory_space<vmem>> -> memref<128xi32, #tpu.memory_space<vmem>>
        %dma_wait3A_324 = arith.constant 0 : i32
        %dma_wait3A_325 = arith.constant 0 : i32
        %dma_wait3A_326 = tpu.memref_slice %arg18[%dma_wait3A_324, %dma_wait3A_325] : memref<10016x32xf32, #tpu.memory_space<vmem_shared>> -> memref<10016x32xf32, #tpu.memory_space<vmem_shared>>
        tpu.wait_indirect_dma semaphore(%arg33 : memref<!tpu.dma_semaphore, #tpu.memory_space<semaphore_mem>>) src(%arg14 : memref<128x32xf32, #tpu.memory_space<vmem>>) dst(%dma_wait3A_326 : memref<10016x32xf32, #tpu.memory_space<vmem_shared>>)
        %dma_start3A_327 = arith.constant 0 : i32
        %dma_start3A_328 = tpu.memref_slice %arg6[%add3A_305, %dma_start3A_327] : memref<80x128xi32, #tpu.memory_space<vmem>> -> memref<1x128xi32, #tpu.memory_space<vmem>>
        %dma_start3A_329 = tpu.memref_squeeze %dma_start3A_328 : memref<1x128xi32, #tpu.memory_space<vmem>> -> memref<128xi32, #tpu.memory_space<vmem>>
        %dma_start3A_330 = arith.constant 0 : i32
        %dma_start3A_331 = arith.constant 0 : i32
        %dma_start3A_332 = tpu.memref_slice %arg17[%dma_start3A_330, %dma_start3A_331] : memref<10016x32xf32, #tpu.memory_space<vmem_shared>> -> memref<10016x32xf32, #tpu.memory_space<vmem_shared>>
        tpu.enqueue_indirect_dma source(%dma_start3A_332 : memref<10016x32xf32, #tpu.memory_space<vmem_shared>>) target(%arg14 : memref<128x32xf32, #tpu.memory_space<vmem>>) offsets(%dma_start3A_329 : memref<128xi32, #tpu.memory_space<vmem>>) semaphore(%arg25 : memref<!tpu.dma_semaphore, #tpu.memory_space<semaphore_mem>>)
      } else {
      }
      %add3A_311 = arith.constant 7 : i32
      %add3A_312 = arith.addi %add3A_138, %add3A_311 : i32
      %add3A_313 = arith.constant 8 : i32
      %add3A_314 = arith.addi %add3A_312, %add3A_313 : i32
      %lt3A_315 = arith.constant 80 : i32
      %lt3A_316 = arith.cmpi slt, %add3A_314, %lt3A_315 : i32
      %convert_element_type3A_317 = arith.extui %lt3A_316 : i1 to i32
      %cond3A_318 = arith.constant 0 : i32
      %cond3A_319 = arith.cmpi ne, %convert_element_type3A_317, %cond3A_318 : i32
      scf.if %cond3A_319 {
        %dma_wait3A_320 = arith.constant 0 : i32
        %dma_wait3A_321 = arith.constant 0 : i32
        %dma_wait3A_322 = tpu.memref_slice %arg7[%dma_wait3A_320, %dma_wait3A_321] : memref<80x128xi32, #tpu.memory_space<vmem>> -> memref<1x128xi32, #tpu.memory_space<vmem>>
        %dma_wait3A_323 = tpu.memref_squeeze %dma_wait3A_322 : memref<1x128xi32, #tpu.memory_space<vmem>> -> memref<128xi32, #tpu.memory_space<vmem>>
        %dma_wait3A_324 = arith.constant 0 : i32
        %dma_wait3A_325 = arith.constant 0 : i32
        %dma_wait3A_326 = tpu.memref_slice %arg18[%dma_wait3A_324, %dma_wait3A_325] : memref<10016x32xf32, #tpu.memory_space<vmem_shared>> -> memref<10016x32xf32, #tpu.memory_space<vmem_shared>>
        tpu.wait_indirect_dma semaphore(%arg34 : memref<!tpu.dma_semaphore, #tpu.memory_space<semaphore_mem>>) src(%arg15 : memref<128x32xf32, #tpu.memory_space<vmem>>) dst(%dma_wait3A_326 : memref<10016x32xf32, #tpu.memory_space<vmem_shared>>)
        %dma_start3A_327 = arith.constant 0 : i32
        %dma_start3A_328 = tpu.memref_slice %arg6[%add3A_314, %dma_start3A_327] : memref<80x128xi32, #tpu.memory_space<vmem>> -> memref<1x128xi32, #tpu.memory_space<vmem>>
        %dma_start3A_329 = tpu.memref_squeeze %dma_start3A_328 : memref<1x128xi32, #tpu.memory_space<vmem>> -> memref<128xi32, #tpu.memory_space<vmem>>
        %dma_start3A_330 = arith.constant 0 : i32
        %dma_start3A_331 = arith.constant 0 : i32
        %dma_start3A_332 = tpu.memref_slice %arg17[%dma_start3A_330, %dma_start3A_331] : memref<10016x32xf32, #tpu.memory_space<vmem_shared>> -> memref<10016x32xf32, #tpu.memory_space<vmem_shared>>
        tpu.enqueue_indirect_dma source(%dma_start3A_332 : memref<10016x32xf32, #tpu.memory_space<vmem_shared>>) target(%arg15 : memref<128x32xf32, #tpu.memory_space<vmem>>) offsets(%dma_start3A_329 : memref<128xi32, #tpu.memory_space<vmem>>) semaphore(%arg26 : memref<!tpu.dma_semaphore, #tpu.memory_space<semaphore_mem>>)
      } else {
      }
    }
    %scan3A_77 = arith.constant 10 : i32
    %dma_wait3A = arith.constant 0 : i32
    %dma_wait3A_78 = arith.constant 0 : i32
    %dma_wait3A_79 = tpu.memref_slice %arg7[%dma_wait3A, %dma_wait3A_78] : memref<80x128xi32, #tpu.memory_space<vmem>> -> memref<1x128xi32, #tpu.memory_space<vmem>>
    %dma_wait3A_80 = tpu.memref_squeeze %dma_wait3A_79 : memref<1x128xi32, #tpu.memory_space<vmem>> -> memref<128xi32, #tpu.memory_space<vmem>>
    %dma_wait3A_81 = arith.constant 0 : i32
    %dma_wait3A_82 = arith.constant 0 : i32
    %dma_wait3A_83 = tpu.memref_slice %arg18[%dma_wait3A_81, %dma_wait3A_82] : memref<10016x32xf32, #tpu.memory_space<vmem_shared>> -> memref<10016x32xf32, #tpu.memory_space<vmem_shared>>
    tpu.wait_indirect_dma semaphore(%arg27 : memref<!tpu.dma_semaphore, #tpu.memory_space<semaphore_mem>>) src(%arg8 : memref<128x32xf32, #tpu.memory_space<vmem>>) dst(%dma_wait3A_83 : memref<10016x32xf32, #tpu.memory_space<vmem_shared>>)
    %dma_wait3A_84 = arith.constant 0 : i32
    %dma_wait3A_85 = arith.constant 0 : i32
    %dma_wait3A_86 = tpu.memref_slice %arg7[%dma_wait3A_84, %dma_wait3A_85] : memref<80x128xi32, #tpu.memory_space<vmem>> -> memref<1x128xi32, #tpu.memory_space<vmem>>
    %dma_wait3A_87 = tpu.memref_squeeze %dma_wait3A_86 : memref<1x128xi32, #tpu.memory_space<vmem>> -> memref<128xi32, #tpu.memory_space<vmem>>
    %dma_wait3A_88 = arith.constant 0 : i32
    %dma_wait3A_89 = arith.constant 0 : i32
    %dma_wait3A_90 = tpu.memref_slice %arg18[%dma_wait3A_88, %dma_wait3A_89] : memref<10016x32xf32, #tpu.memory_space<vmem_shared>> -> memref<10016x32xf32, #tpu.memory_space<vmem_shared>>
    tpu.wait_indirect_dma semaphore(%arg28 : memref<!tpu.dma_semaphore, #tpu.memory_space<semaphore_mem>>) src(%arg9 : memref<128x32xf32, #tpu.memory_space<vmem>>) dst(%dma_wait3A_90 : memref<10016x32xf32, #tpu.memory_space<vmem_shared>>)
    %dma_wait3A_91 = arith.constant 0 : i32
    %dma_wait3A_92 = arith.constant 0 : i32
    %dma_wait3A_93 = tpu.memref_slice %arg7[%dma_wait3A_91, %dma_wait3A_92] : memref<80x128xi32, #tpu.memory_space<vmem>> -> memref<1x128xi32, #tpu.memory_space<vmem>>
    %dma_wait3A_94 = tpu.memref_squeeze %dma_wait3A_93 : memref<1x128xi32, #tpu.memory_space<vmem>> -> memref<128xi32, #tpu.memory_space<vmem>>
    %dma_wait3A_95 = arith.constant 0 : i32
    %dma_wait3A_96 = arith.constant 0 : i32
    %dma_wait3A_97 = tpu.memref_slice %arg18[%dma_wait3A_95, %dma_wait3A_96] : memref<10016x32xf32, #tpu.memory_space<vmem_shared>> -> memref<10016x32xf32, #tpu.memory_space<vmem_shared>>
    tpu.wait_indirect_dma semaphore(%arg29 : memref<!tpu.dma_semaphore, #tpu.memory_space<semaphore_mem>>) src(%arg10 : memref<128x32xf32, #tpu.memory_space<vmem>>) dst(%dma_wait3A_97 : memref<10016x32xf32, #tpu.memory_space<vmem_shared>>)
    %dma_wait3A_98 = arith.constant 0 : i32
    %dma_wait3A_99 = arith.constant 0 : i32
    %dma_wait3A_100 = tpu.memref_slice %arg7[%dma_wait3A_98, %dma_wait3A_99] : memref<80x128xi32, #tpu.memory_space<vmem>> -> memref<1x128xi32, #tpu.memory_space<vmem>>
    %dma_wait3A_101 = tpu.memref_squeeze %dma_wait3A_100 : memref<1x128xi32, #tpu.memory_space<vmem>> -> memref<128xi32, #tpu.memory_space<vmem>>
    %dma_wait3A_102 = arith.constant 0 : i32
    %dma_wait3A_103 = arith.constant 0 : i32
    %dma_wait3A_104 = tpu.memref_slice %arg18[%dma_wait3A_102, %dma_wait3A_103] : memref<10016x32xf32, #tpu.memory_space<vmem_shared>> -> memref<10016x32xf32, #tpu.memory_space<vmem_shared>>
    tpu.wait_indirect_dma semaphore(%arg30 : memref<!tpu.dma_semaphore, #tpu.memory_space<semaphore_mem>>) src(%arg11 : memref<128x32xf32, #tpu.memory_space<vmem>>) dst(%dma_wait3A_104 : memref<10016x32xf32, #tpu.memory_space<vmem_shared>>)
    %dma_wait3A_105 = arith.constant 0 : i32
    %dma_wait3A_106 = arith.constant 0 : i32
    %dma_wait3A_107 = tpu.memref_slice %arg7[%dma_wait3A_105, %dma_wait3A_106] : memref<80x128xi32, #tpu.memory_space<vmem>> -> memref<1x128xi32, #tpu.memory_space<vmem>>
    %dma_wait3A_108 = tpu.memref_squeeze %dma_wait3A_107 : memref<1x128xi32, #tpu.memory_space<vmem>> -> memref<128xi32, #tpu.memory_space<vmem>>
    %dma_wait3A_109 = arith.constant 0 : i32
    %dma_wait3A_110 = arith.constant 0 : i32
    %dma_wait3A_111 = tpu.memref_slice %arg18[%dma_wait3A_109, %dma_wait3A_110] : memref<10016x32xf32, #tpu.memory_space<vmem_shared>> -> memref<10016x32xf32, #tpu.memory_space<vmem_shared>>
    tpu.wait_indirect_dma semaphore(%arg31 : memref<!tpu.dma_semaphore, #tpu.memory_space<semaphore_mem>>) src(%arg12 : memref<128x32xf32, #tpu.memory_space<vmem>>) dst(%dma_wait3A_111 : memref<10016x32xf32, #tpu.memory_space<vmem_shared>>)
    %dma_wait3A_112 = arith.constant 0 : i32
    %dma_wait3A_113 = arith.constant 0 : i32
    %dma_wait3A_114 = tpu.memref_slice %arg7[%dma_wait3A_112, %dma_wait3A_113] : memref<80x128xi32, #tpu.memory_space<vmem>> -> memref<1x128xi32, #tpu.memory_space<vmem>>
    %dma_wait3A_115 = tpu.memref_squeeze %dma_wait3A_114 : memref<1x128xi32, #tpu.memory_space<vmem>> -> memref<128xi32, #tpu.memory_space<vmem>>
    %dma_wait3A_116 = arith.constant 0 : i32
    %dma_wait3A_117 = arith.constant 0 : i32
    %dma_wait3A_118 = tpu.memref_slice %arg18[%dma_wait3A_116, %dma_wait3A_117] : memref<10016x32xf32, #tpu.memory_space<vmem_shared>> -> memref<10016x32xf32, #tpu.memory_space<vmem_shared>>
    tpu.wait_indirect_dma semaphore(%arg32 : memref<!tpu.dma_semaphore, #tpu.memory_space<semaphore_mem>>) src(%arg13 : memref<128x32xf32, #tpu.memory_space<vmem>>) dst(%dma_wait3A_118 : memref<10016x32xf32, #tpu.memory_space<vmem_shared>>)
    %dma_wait3A_119 = arith.constant 0 : i32
    %dma_wait3A_120 = arith.constant 0 : i32
    %dma_wait3A_121 = tpu.memref_slice %arg7[%dma_wait3A_119, %dma_wait3A_120] : memref<80x128xi32, #tpu.memory_space<vmem>> -> memref<1x128xi32, #tpu.memory_space<vmem>>
    %dma_wait3A_122 = tpu.memref_squeeze %dma_wait3A_121 : memref<1x128xi32, #tpu.memory_space<vmem>> -> memref<128xi32, #tpu.memory_space<vmem>>
    %dma_wait3A_123 = arith.constant 0 : i32
    %dma_wait3A_124 = arith.constant 0 : i32
    %dma_wait3A_125 = tpu.memref_slice %arg18[%dma_wait3A_123, %dma_wait3A_124] : memref<10016x32xf32, #tpu.memory_space<vmem_shared>> -> memref<10016x32xf32, #tpu.memory_space<vmem_shared>>
    tpu.wait_indirect_dma semaphore(%arg33 : memref<!tpu.dma_semaphore, #tpu.memory_space<semaphore_mem>>) src(%arg14 : memref<128x32xf32, #tpu.memory_space<vmem>>) dst(%dma_wait3A_125 : memref<10016x32xf32, #tpu.memory_space<vmem_shared>>)
    %dma_wait3A_126 = arith.constant 0 : i32
    %dma_wait3A_127 = arith.constant 0 : i32
    %dma_wait3A_128 = tpu.memref_slice %arg7[%dma_wait3A_126, %dma_wait3A_127] : memref<80x128xi32, #tpu.memory_space<vmem>> -> memref<1x128xi32, #tpu.memory_space<vmem>>
    %dma_wait3A_129 = tpu.memref_squeeze %dma_wait3A_128 : memref<1x128xi32, #tpu.memory_space<vmem>> -> memref<128xi32, #tpu.memory_space<vmem>>
    %dma_wait3A_130 = arith.constant 0 : i32
    %dma_wait3A_131 = arith.constant 0 : i32
    %dma_wait3A_132 = tpu.memref_slice %arg18[%dma_wait3A_130, %dma_wait3A_131] : memref<10016x32xf32, #tpu.memory_space<vmem_shared>> -> memref<10016x32xf32, #tpu.memory_space<vmem_shared>>
    tpu.wait_indirect_dma semaphore(%arg34 : memref<!tpu.dma_semaphore, #tpu.memory_space<semaphore_mem>>) src(%arg15 : memref<128x32xf32, #tpu.memory_space<vmem>>) dst(%dma_wait3A_132 : memref<10016x32xf32, #tpu.memory_space<vmem_shared>>)
    %barrier3A_133 = arith.constant 0 : index
    tpu.barrier barrier_id(%barrier3A_133)
    "tpu.region"() ({
      %run_scoped3A = tpu.sem_alloc : memref<!tpu.dma_semaphore, #tpu.memory_space<semaphore_mem>>
      %dma_start3A_134 = arith.constant 0 : i32
      %dma_start3A_135 = tpu.memref_slice %arg5[%arg0, %mul3A_2, %dma_start3A_134] : memref<2x10016x32xf32, #tpu.memory_space<hbm>> -> memref<1x626x32xf32, #tpu.memory_space<hbm>>
      %dma_start3A_136 = tpu.memref_squeeze %dma_start3A_135 : memref<1x626x32xf32, #tpu.memory_space<hbm>> -> memref<626x32xf32, #tpu.memory_space<hbm>>
      %dma_start3A_137 = arith.constant 0 : i32
      %dma_start3A_138 = tpu.memref_slice %arg18[%mul3A_2, %dma_start3A_137] : memref<10016x32xf32, #tpu.memory_space<vmem_shared>> -> memref<626x32xf32, #tpu.memory_space<vmem_shared>>
      tpu.enqueue_dma source(%dma_start3A_138 : memref<626x32xf32, #tpu.memory_space<vmem_shared>>) target(%dma_start3A_136 : memref<626x32xf32, #tpu.memory_space<hbm>>) target_semaphore(%run_scoped3A : memref<!tpu.dma_semaphore, #tpu.memory_space<semaphore_mem>>)
      %dma_wait3A_139 = arith.constant 0 : i32
      %dma_wait3A_140 = tpu.memref_slice %arg5[%arg0, %mul3A_2, %dma_wait3A_139] : memref<2x10016x32xf32, #tpu.memory_space<hbm>> -> memref<1x626x32xf32, #tpu.memory_space<hbm>>
      %dma_wait3A_141 = tpu.memref_squeeze %dma_wait3A_140 : memref<1x626x32xf32, #tpu.memory_space<hbm>> -> memref<626x32xf32, #tpu.memory_space<hbm>>
      %dma_wait3A_142 = arith.constant 0 : i32
      %dma_wait3A_143 = tpu.memref_slice %arg18[%mul3A_2, %dma_wait3A_142] : memref<10016x32xf32, #tpu.memory_space<vmem_shared>> -> memref<626x32xf32, #tpu.memory_space<vmem_shared>>
      tpu.wait_dma2 semaphore(%run_scoped3A : memref<!tpu.dma_semaphore, #tpu.memory_space<semaphore_mem>>) src(%dma_wait3A_143 : memref<626x32xf32, #tpu.memory_space<vmem_shared>>) dst(%dma_wait3A_141 : memref<626x32xf32, #tpu.memory_space<hbm>>)
      tpu.yield
    }) : () -> ()
    return
  }
}

#map = affine_map<(d0, d1) -> (0, 0)>
#map1 = affine_map<(d0, d1) -> (0, 0, 0)>
module attributes {stable_mosaic.version = 14 : i64} {
  func.func @_prop(%arg0: i32, %arg1: i32, %arg2: memref<10016x32xf32, #tpu.memory_space<hbm>>, %arg3: memref<32x80x128xi32, #tpu.memory_space<hbm>>, %arg4: memref<32x80x128xi32, #tpu.memory_space<hbm>>, %arg5: memref<2x10016x32xf32, #tpu.memory_space<hbm>>, %arg6: memref<80x128xi32, #tpu.memory_space<vmem>>, %arg7: memref<80x128xi32, #tpu.memory_space<vmem>>, %arg8: memref<128x32xf32, #tpu.memory_space<vmem>>, %arg9: memref<128x32xf32, #tpu.memory_space<vmem>>, %arg10: memref<128x32xf32, #tpu.memory_space<vmem>>, %arg11: memref<128x32xf32, #tpu.memory_space<vmem>>, %arg12: memref<128x32xf32, #tpu.memory_space<vmem>>, %arg13: memref<128x32xf32, #tpu.memory_space<vmem>>, %arg14: memref<128x32xf32, #tpu.memory_space<vmem>>, %arg15: memref<128x32xf32, #tpu.memory_space<vmem>>, %arg16: memref<128x32xf32, #tpu.memory_space<vmem>>, %arg17: memref<10016x32xf32, #tpu.memory_space<vmem_shared>>, %arg18: memref<10016x32xf32, #tpu.memory_space<vmem_shared>>, %arg19: memref<!tpu.dma_semaphore, #tpu.memory_space<semaphore_mem>>, %arg20: memref<!tpu.dma_semaphore, #tpu.memory_space<semaphore_mem>>, %arg21: memref<!tpu.dma_semaphore, #tpu.memory_space<semaphore_mem>>, %arg22: memref<!tpu.dma_semaphore, #tpu.memory_space<semaphore_mem>>, %arg23: memref<!tpu.dma_semaphore, #tpu.memory_space<semaphore_mem>>, %arg24: memref<!tpu.dma_semaphore, #tpu.memory_space<semaphore_mem>>, %arg25: memref<!tpu.dma_semaphore, #tpu.memory_space<semaphore_mem>>, %arg26: memref<!tpu.dma_semaphore, #tpu.memory_space<semaphore_mem>>, %arg27: memref<!tpu.dma_semaphore, #tpu.memory_space<semaphore_mem>>, %arg28: memref<!tpu.dma_semaphore, #tpu.memory_space<semaphore_mem>>, %arg29: memref<!tpu.dma_semaphore, #tpu.memory_space<semaphore_mem>>, %arg30: memref<!tpu.dma_semaphore, #tpu.memory_space<semaphore_mem>>, %arg31: memref<!tpu.dma_semaphore, #tpu.memory_space<semaphore_mem>>, %arg32: memref<!tpu.dma_semaphore, #tpu.memory_space<semaphore_mem>>, %arg33: memref<!tpu.dma_semaphore, #tpu.memory_space<semaphore_mem>>, %arg34: memref<!tpu.dma_semaphore, #tpu.memory_space<semaphore_mem>>) attributes {dimension_semantics = [#tpu.dimension_semantics<core_parallel>, #tpu.dimension_semantics<subcore_parallel>], iteration_bounds = array<i64: 2, 16>, scalar_prefetch = 0 : i64, scratch_operands = 29 : i64, tpu.core_type = #tpu.core_type<sc_vector_subcore>, window_params = [{transform_indices = #map}, {transform_indices = #map1}, {transform_indices = #map1}, {transform_indices = #map1}]} {
    %mul3A = arith.constant 16 : i32
    %mul3A_0 = arith.muli %arg0, %mul3A : i32
    %add3A = arith.addi %mul3A_0, %arg1 : i32
    %mul3A_1 = arith.constant 626 : i32
    %mul3A_2 = arith.muli %arg1, %mul3A_1 : i32
    "tpu.region"() ({
      %run_scoped3A = tpu.sem_alloc : memref<!tpu.dma_semaphore, #tpu.memory_space<semaphore_mem>>
      %dma_start3A_134 = arith.constant 0 : i32
      %dma_start3A_135 = tpu.memref_slice %arg17[%mul3A_2, %dma_start3A_134] : memref<10016x32xf32, #tpu.memory_space<vmem_shared>> -> memref<626x32xf32, #tpu.memory_space<vmem_shared>>
      %dma_start3A_136 = arith.constant 0 : i32
      %dma_start3A_137 = tpu.memref_slice %arg2[%mul3A_2, %dma_start3A_136] : memref<10016x32xf32, #tpu.memory_space<hbm>> -> memref<626x32xf32, #tpu.memory_space<hbm>>
      tpu.enqueue_dma source(%dma_start3A_137 : memref<626x32xf32, #tpu.memory_space<hbm>>) target(%dma_start3A_135 : memref<626x32xf32, #tpu.memory_space<vmem_shared>>) target_semaphore(%run_scoped3A : memref<!tpu.dma_semaphore, #tpu.memory_space<semaphore_mem>>)
      %dma_wait3A_138 = arith.constant 0 : i32
      %dma_wait3A_139 = tpu.memref_slice %arg17[%mul3A_2, %dma_wait3A_138] : memref<10016x32xf32, #tpu.memory_space<vmem_shared>> -> memref<626x32xf32, #tpu.memory_space<vmem_shared>>
      %dma_wait3A_140 = arith.constant 0 : i32
      %dma_wait3A_141 = tpu.memref_slice %arg2[%mul3A_2, %dma_wait3A_140] : memref<10016x32xf32, #tpu.memory_space<hbm>> -> memref<626x32xf32, #tpu.memory_space<hbm>>
      tpu.wait_dma2 semaphore(%run_scoped3A : memref<!tpu.dma_semaphore, #tpu.memory_space<semaphore_mem>>) src(%dma_wait3A_141 : memref<626x32xf32, #tpu.memory_space<hbm>>) dst(%dma_wait3A_139 : memref<626x32xf32, #tpu.memory_space<vmem_shared>>)
      tpu.yield
    }) : () -> ()
    %broadcast_in_dim3A = arith.constant 0.000000e+00 : f32
    %broadcast_in_dim3A_3 = vector.broadcast %broadcast_in_dim3A : f32 to vector<16xf32>
    %scan3A = arith.constant 0 : i32
    %scan3A_4 = arith.constant 128 : i32
    %scan3A_5 = arith.addi %scan3A, %scan3A_4 : i32
    %scan3A_6 = arith.constant 1 : i32
    scf.for %scan3A_134 = %scan3A to %scan3A_5 step %scan3A_6  : i32 {
      %mul3A_135 = arith.constant 1 : i32
      %mul3A_136 = arith.muli %scan3A_134, %mul3A_135 : i32
      %add3A_137 = arith.constant 0 : i32
      %add3A_138 = arith.addi %add3A_137, %mul3A_136 : i32
      %swap3A = arith.index_cast %add3A_138 : i32 to index
      %swap3A_139 = arith.constant 0 : index
      %swap3A_140 = tpu.vector_load %arg16[%swap3A, %swap3A_139] {strides = array<i32>} : memref<128x32xf32, #tpu.memory_space<vmem>>, vector<1x16xf32>,
      %swap3A_141 = vector.shape_cast %swap3A_140 : vector<1x16xf32> to vector<16xf32>
      %swap3A_142 = vector.shape_cast %broadcast_in_dim3A_3 : vector<16xf32> to vector<1x16xf32>
      tpu.vector_store %arg16[%swap3A, %swap3A_139], %swap3A_142 {strides = array<i32>} : memref<128x32xf32, #tpu.memory_space<vmem>>, vector<1x16xf32>,
      %swap3A_143 = arith.index_cast %add3A_138 : i32 to index
      %swap3A_144 = arith.constant 16 : index
      %swap3A_145 = tpu.vector_load %arg16[%swap3A_143, %swap3A_144] {strides = array<i32>} : memref<128x32xf32, #tpu.memory_space<vmem>>, vector<1x16xf32>,
      %swap3A_146 = vector.shape_cast %swap3A_145 : vector<1x16xf32> to vector<16xf32>
      %swap3A_147 = vector.shape_cast %broadcast_in_dim3A_3 : vector<16xf32> to vector<1x16xf32>
      tpu.vector_store %arg16[%swap3A_143, %swap3A_144], %swap3A_147 {strides = array<i32>} : memref<128x32xf32, #tpu.memory_space<vmem>>, vector<1x16xf32>,
    }
    %scan3A_7 = arith.constant 128 : i32
    %add3A_8 = arith.constant 0 : i32
    %add3A_9 = arith.addi %mul3A_2, %add3A_8 : i32
    "tpu.region"() ({
      %run_scoped3A = tpu.sem_alloc : memref<!tpu.dma_semaphore, #tpu.memory_space<semaphore_mem>>
      %dma_start3A_134 = arith.constant 0 : i32
      %dma_start3A_135 = arith.constant 0 : i32
      %dma_start3A_136 = tpu.memref_slice %arg16[%dma_start3A_134, %dma_start3A_135] : memref<128x32xf32, #tpu.memory_space<vmem>> -> memref<128x32xf32, #tpu.memory_space<vmem>>
      %dma_start3A_137 = arith.constant 0 : i32
      %dma_start3A_138 = tpu.memref_slice %arg18[%add3A_9, %dma_start3A_137] : memref<10016x32xf32, #tpu.memory_space<vmem_shared>> -> memref<128x32xf32, #tpu.memory_space<vmem_shared>>
      %dma_start3A_139 = arith.constant 0 : i32
      %dma_start3A_140 = tpu.memref_slice %arg18[%add3A_9, %dma_start3A_139] : memref<10016x32xf32, #tpu.memory_space<vmem_shared>> -> memref<128x32xf32, #tpu.memory_space<vmem_shared>>
      %dma_start3A_141 = arith.constant 0 : i32
      %dma_start3A_142 = arith.constant 0 : i32
      %dma_start3A_143 = tpu.memref_slice %arg16[%dma_start3A_141, %dma_start3A_142] : memref<128x32xf32, #tpu.memory_space<vmem>> -> memref<128x32xf32, #tpu.memory_space<vmem>>
      tpu.enqueue_dma source(%dma_start3A_143 : memref<128x32xf32, #tpu.memory_space<vmem>>) target(%dma_start3A_140 : memref<128x32xf32, #tpu.memory_space<vmem_shared>>) target_semaphore(%run_scoped3A : memref<!tpu.dma_semaphore, #tpu.memory_space<semaphore_mem>>)
      %dma_wait3A_144 = arith.constant 0 : i32
      %dma_wait3A_145 = arith.constant 0 : i32
      %dma_wait3A_146 = tpu.memref_slice %arg16[%dma_wait3A_144, %dma_wait3A_145] : memref<128x32xf32, #tpu.memory_space<vmem>> -> memref<128x32xf32, #tpu.memory_space<vmem>>
      %dma_wait3A_147 = arith.constant 0 : i32
      %dma_wait3A_148 = tpu.memref_slice %arg18[%add3A_9, %dma_wait3A_147] : memref<10016x32xf32, #tpu.memory_space<vmem_shared>> -> memref<128x32xf32, #tpu.memory_space<vmem_shared>>
      %dma_wait3A_149 = arith.constant 0 : i32
      %dma_wait3A_150 = tpu.memref_slice %arg18[%add3A_9, %dma_wait3A_149] : memref<10016x32xf32, #tpu.memory_space<vmem_shared>> -> memref<128x32xf32, #tpu.memory_space<vmem_shared>>
      %dma_wait3A_151 = arith.constant 0 : i32
      %dma_wait3A_152 = arith.constant 0 : i32
      %dma_wait3A_153 = tpu.memref_slice %arg16[%dma_wait3A_151, %dma_wait3A_152] : memref<128x32xf32, #tpu.memory_space<vmem>> -> memref<128x32xf32, #tpu.memory_space<vmem>>
      tpu.wait_dma2 semaphore(%run_scoped3A : memref<!tpu.dma_semaphore, #tpu.memory_space<semaphore_mem>>) src(%dma_wait3A_153 : memref<128x32xf32, #tpu.memory_space<vmem>>) dst(%dma_wait3A_150 : memref<128x32xf32, #tpu.memory_space<vmem_shared>>)
      tpu.yield
    }) : () -> ()
    %add3A_10 = arith.constant 128 : i32
    %add3A_11 = arith.addi %mul3A_2, %add3A_10 : i32
    "tpu.region"() ({
      %run_scoped3A = tpu.sem_alloc : memref<!tpu.dma_semaphore, #tpu.memory_space<semaphore_mem>>
      %dma_start3A_134 = arith.constant 0 : i32
      %dma_start3A_135 = arith.constant 0 : i32
      %dma_start3A_136 = tpu.memref_slice %arg16[%dma_start3A_134, %dma_start3A_135] : memref<128x32xf32, #tpu.memory_space<vmem>> -> memref<128x32xf32, #tpu.memory_space<vmem>>
      %dma_start3A_137 = arith.constant 0 : i32
      %dma_start3A_138 = tpu.memref_slice %arg18[%add3A_11, %dma_start3A_137] : memref<10016x32xf32, #tpu.memory_space<vmem_shared>> -> memref<128x32xf32, #tpu.memory_space<vmem_shared>>
      %dma_start3A_139 = arith.constant 0 : i32
      %dma_start3A_140 = tpu.memref_slice %arg18[%add3A_11, %dma_start3A_139] : memref<10016x32xf32, #tpu.memory_space<vmem_shared>> -> memref<128x32xf32, #tpu.memory_space<vmem_shared>>
      %dma_start3A_141 = arith.constant 0 : i32
      %dma_start3A_142 = arith.constant 0 : i32
      %dma_start3A_143 = tpu.memref_slice %arg16[%dma_start3A_141, %dma_start3A_142] : memref<128x32xf32, #tpu.memory_space<vmem>> -> memref<128x32xf32, #tpu.memory_space<vmem>>
      tpu.enqueue_dma source(%dma_start3A_143 : memref<128x32xf32, #tpu.memory_space<vmem>>) target(%dma_start3A_140 : memref<128x32xf32, #tpu.memory_space<vmem_shared>>) target_semaphore(%run_scoped3A : memref<!tpu.dma_semaphore, #tpu.memory_space<semaphore_mem>>)
      %dma_wait3A_144 = arith.constant 0 : i32
      %dma_wait3A_145 = arith.constant 0 : i32
      %dma_wait3A_146 = tpu.memref_slice %arg16[%dma_wait3A_144, %dma_wait3A_145] : memref<128x32xf32, #tpu.memory_space<vmem>> -> memref<128x32xf32, #tpu.memory_space<vmem>>
      %dma_wait3A_147 = arith.constant 0 : i32
      %dma_wait3A_148 = tpu.memref_slice %arg18[%add3A_11, %dma_wait3A_147] : memref<10016x32xf32, #tpu.memory_space<vmem_shared>> -> memref<128x32xf32, #tpu.memory_space<vmem_shared>>
      %dma_wait3A_149 = arith.constant 0 : i32
      %dma_wait3A_150 = tpu.memref_slice %arg18[%add3A_11, %dma_wait3A_149] : memref<10016x32xf32, #tpu.memory_space<vmem_shared>> -> memref<128x32xf32, #tpu.memory_space<vmem_shared>>
      %dma_wait3A_151 = arith.constant 0 : i32
      %dma_wait3A_152 = arith.constant 0 : i32
      %dma_wait3A_153 = tpu.memref_slice %arg16[%dma_wait3A_151, %dma_wait3A_152] : memref<128x32xf32, #tpu.memory_space<vmem>> -> memref<128x32xf32, #tpu.memory_space<vmem>>
      tpu.wait_dma2 semaphore(%run_scoped3A : memref<!tpu.dma_semaphore, #tpu.memory_space<semaphore_mem>>) src(%dma_wait3A_153 : memref<128x32xf32, #tpu.memory_space<vmem>>) dst(%dma_wait3A_150 : memref<128x32xf32, #tpu.memory_space<vmem_shared>>)
      tpu.yield
    }) : () -> ()
    %add3A_12 = arith.constant 256 : i32
    %add3A_13 = arith.addi %mul3A_2, %add3A_12 : i32
    "tpu.region"() ({
      %run_scoped3A = tpu.sem_alloc : memref<!tpu.dma_semaphore, #tpu.memory_space<semaphore_mem>>
      %dma_start3A_134 = arith.constant 0 : i32
      %dma_start3A_135 = arith.constant 0 : i32
      %dma_start3A_136 = tpu.memref_slice %arg16[%dma_start3A_134, %dma_start3A_135] : memref<128x32xf32, #tpu.memory_space<vmem>> -> memref<128x32xf32, #tpu.memory_space<vmem>>
      %dma_start3A_137 = arith.constant 0 : i32
      %dma_start3A_138 = tpu.memref_slice %arg18[%add3A_13, %dma_start3A_137] : memref<10016x32xf32, #tpu.memory_space<vmem_shared>> -> memref<128x32xf32, #tpu.memory_space<vmem_shared>>
      %dma_start3A_139 = arith.constant 0 : i32
      %dma_start3A_140 = tpu.memref_slice %arg18[%add3A_13, %dma_start3A_139] : memref<10016x32xf32, #tpu.memory_space<vmem_shared>> -> memref<128x32xf32, #tpu.memory_space<vmem_shared>>
      %dma_start3A_141 = arith.constant 0 : i32
      %dma_start3A_142 = arith.constant 0 : i32
      %dma_start3A_143 = tpu.memref_slice %arg16[%dma_start3A_141, %dma_start3A_142] : memref<128x32xf32, #tpu.memory_space<vmem>> -> memref<128x32xf32, #tpu.memory_space<vmem>>
      tpu.enqueue_dma source(%dma_start3A_143 : memref<128x32xf32, #tpu.memory_space<vmem>>) target(%dma_start3A_140 : memref<128x32xf32, #tpu.memory_space<vmem_shared>>) target_semaphore(%run_scoped3A : memref<!tpu.dma_semaphore, #tpu.memory_space<semaphore_mem>>)
      %dma_wait3A_144 = arith.constant 0 : i32
      %dma_wait3A_145 = arith.constant 0 : i32
      %dma_wait3A_146 = tpu.memref_slice %arg16[%dma_wait3A_144, %dma_wait3A_145] : memref<128x32xf32, #tpu.memory_space<vmem>> -> memref<128x32xf32, #tpu.memory_space<vmem>>
      %dma_wait3A_147 = arith.constant 0 : i32
      %dma_wait3A_148 = tpu.memref_slice %arg18[%add3A_13, %dma_wait3A_147] : memref<10016x32xf32, #tpu.memory_space<vmem_shared>> -> memref<128x32xf32, #tpu.memory_space<vmem_shared>>
      %dma_wait3A_149 = arith.constant 0 : i32
      %dma_wait3A_150 = tpu.memref_slice %arg18[%add3A_13, %dma_wait3A_149] : memref<10016x32xf32, #tpu.memory_space<vmem_shared>> -> memref<128x32xf32, #tpu.memory_space<vmem_shared>>
      %dma_wait3A_151 = arith.constant 0 : i32
      %dma_wait3A_152 = arith.constant 0 : i32
      %dma_wait3A_153 = tpu.memref_slice %arg16[%dma_wait3A_151, %dma_wait3A_152] : memref<128x32xf32, #tpu.memory_space<vmem>> -> memref<128x32xf32, #tpu.memory_space<vmem>>
      tpu.wait_dma2 semaphore(%run_scoped3A : memref<!tpu.dma_semaphore, #tpu.memory_space<semaphore_mem>>) src(%dma_wait3A_153 : memref<128x32xf32, #tpu.memory_space<vmem>>) dst(%dma_wait3A_150 : memref<128x32xf32, #tpu.memory_space<vmem_shared>>)
      tpu.yield
    }) : () -> ()
    %add3A_14 = arith.constant 384 : i32
    %add3A_15 = arith.addi %mul3A_2, %add3A_14 : i32
    "tpu.region"() ({
      %run_scoped3A = tpu.sem_alloc : memref<!tpu.dma_semaphore, #tpu.memory_space<semaphore_mem>>
      %dma_start3A_134 = arith.constant 0 : i32
      %dma_start3A_135 = arith.constant 0 : i32
      %dma_start3A_136 = tpu.memref_slice %arg16[%dma_start3A_134, %dma_start3A_135] : memref<128x32xf32, #tpu.memory_space<vmem>> -> memref<128x32xf32, #tpu.memory_space<vmem>>
      %dma_start3A_137 = arith.constant 0 : i32
      %dma_start3A_138 = tpu.memref_slice %arg18[%add3A_15, %dma_start3A_137] : memref<10016x32xf32, #tpu.memory_space<vmem_shared>> -> memref<128x32xf32, #tpu.memory_space<vmem_shared>>
      %dma_start3A_139 = arith.constant 0 : i32
      %dma_start3A_140 = tpu.memref_slice %arg18[%add3A_15, %dma_start3A_139] : memref<10016x32xf32, #tpu.memory_space<vmem_shared>> -> memref<128x32xf32, #tpu.memory_space<vmem_shared>>
      %dma_start3A_141 = arith.constant 0 : i32
      %dma_start3A_142 = arith.constant 0 : i32
      %dma_start3A_143 = tpu.memref_slice %arg16[%dma_start3A_141, %dma_start3A_142] : memref<128x32xf32, #tpu.memory_space<vmem>> -> memref<128x32xf32, #tpu.memory_space<vmem>>
      tpu.enqueue_dma source(%dma_start3A_143 : memref<128x32xf32, #tpu.memory_space<vmem>>) target(%dma_start3A_140 : memref<128x32xf32, #tpu.memory_space<vmem_shared>>) target_semaphore(%run_scoped3A : memref<!tpu.dma_semaphore, #tpu.memory_space<semaphore_mem>>)
      %dma_wait3A_144 = arith.constant 0 : i32
      %dma_wait3A_145 = arith.constant 0 : i32
      %dma_wait3A_146 = tpu.memref_slice %arg16[%dma_wait3A_144, %dma_wait3A_145] : memref<128x32xf32, #tpu.memory_space<vmem>> -> memref<128x32xf32, #tpu.memory_space<vmem>>
      %dma_wait3A_147 = arith.constant 0 : i32
      %dma_wait3A_148 = tpu.memref_slice %arg18[%add3A_15, %dma_wait3A_147] : memref<10016x32xf32, #tpu.memory_space<vmem_shared>> -> memref<128x32xf32, #tpu.memory_space<vmem_shared>>
      %dma_wait3A_149 = arith.constant 0 : i32
      %dma_wait3A_150 = tpu.memref_slice %arg18[%add3A_15, %dma_wait3A_149] : memref<10016x32xf32, #tpu.memory_space<vmem_shared>> -> memref<128x32xf32, #tpu.memory_space<vmem_shared>>
      %dma_wait3A_151 = arith.constant 0 : i32
      %dma_wait3A_152 = arith.constant 0 : i32
      %dma_wait3A_153 = tpu.memref_slice %arg16[%dma_wait3A_151, %dma_wait3A_152] : memref<128x32xf32, #tpu.memory_space<vmem>> -> memref<128x32xf32, #tpu.memory_space<vmem>>
      tpu.wait_dma2 semaphore(%run_scoped3A : memref<!tpu.dma_semaphore, #tpu.memory_space<semaphore_mem>>) src(%dma_wait3A_153 : memref<128x32xf32, #tpu.memory_space<vmem>>) dst(%dma_wait3A_150 : memref<128x32xf32, #tpu.memory_space<vmem_shared>>)
      tpu.yield
    }) : () -> ()
    %add3A_16 = arith.constant 512 : i32
    %add3A_17 = arith.addi %mul3A_2, %add3A_16 : i32
    "tpu.region"() ({
      %run_scoped3A = tpu.sem_alloc : memref<!tpu.dma_semaphore, #tpu.memory_space<semaphore_mem>>
      %dma_start3A_134 = arith.constant 0 : i32
      %dma_start3A_135 = arith.constant 0 : i32
      %dma_start3A_136 = tpu.memref_slice %arg16[%dma_start3A_134, %dma_start3A_135] : memref<128x32xf32, #tpu.memory_space<vmem>> -> memref<114x32xf32, #tpu.memory_space<vmem>>
      %dma_start3A_137 = arith.constant 0 : i32
      %dma_start3A_138 = tpu.memref_slice %arg18[%add3A_17, %dma_start3A_137] : memref<10016x32xf32, #tpu.memory_space<vmem_shared>> -> memref<114x32xf32, #tpu.memory_space<vmem_shared>>
      %dma_start3A_139 = arith.constant 0 : i32
      %dma_start3A_140 = tpu.memref_slice %arg18[%add3A_17, %dma_start3A_139] : memref<10016x32xf32, #tpu.memory_space<vmem_shared>> -> memref<114x32xf32, #tpu.memory_space<vmem_shared>>
      %dma_start3A_141 = arith.constant 0 : i32
      %dma_start3A_142 = arith.constant 0 : i32
      %dma_start3A_143 = tpu.memref_slice %arg16[%dma_start3A_141, %dma_start3A_142] : memref<128x32xf32, #tpu.memory_space<vmem>> -> memref<114x32xf32, #tpu.memory_space<vmem>>
      tpu.enqueue_dma source(%dma_start3A_143 : memref<114x32xf32, #tpu.memory_space<vmem>>) target(%dma_start3A_140 : memref<114x32xf32, #tpu.memory_space<vmem_shared>>) target_semaphore(%run_scoped3A : memref<!tpu.dma_semaphore, #tpu.memory_space<semaphore_mem>>)
      %dma_wait3A_144 = arith.constant 0 : i32
      %dma_wait3A_145 = arith.constant 0 : i32
      %dma_wait3A_146 = tpu.memref_slice %arg16[%dma_wait3A_144, %dma_wait3A_145] : memref<128x32xf32, #tpu.memory_space<vmem>> -> memref<114x32xf32, #tpu.memory_space<vmem>>
      %dma_wait3A_147 = arith.constant 0 : i32
      %dma_wait3A_148 = tpu.memref_slice %arg18[%add3A_17, %dma_wait3A_147] : memref<10016x32xf32, #tpu.memory_space<vmem_shared>> -> memref<114x32xf32, #tpu.memory_space<vmem_shared>>
      %dma_wait3A_149 = arith.constant 0 : i32
      %dma_wait3A_150 = tpu.memref_slice %arg18[%add3A_17, %dma_wait3A_149] : memref<10016x32xf32, #tpu.memory_space<vmem_shared>> -> memref<114x32xf32, #tpu.memory_space<vmem_shared>>
      %dma_wait3A_151 = arith.constant 0 : i32
      %dma_wait3A_152 = arith.constant 0 : i32
      %dma_wait3A_153 = tpu.memref_slice %arg16[%dma_wait3A_151, %dma_wait3A_152] : memref<128x32xf32, #tpu.memory_space<vmem>> -> memref<114x32xf32, #tpu.memory_space<vmem>>
      tpu.wait_dma2 semaphore(%run_scoped3A : memref<!tpu.dma_semaphore, #tpu.memory_space<semaphore_mem>>) src(%dma_wait3A_153 : memref<114x32xf32, #tpu.memory_space<vmem>>) dst(%dma_wait3A_150 : memref<114x32xf32, #tpu.memory_space<vmem_shared>>)
      tpu.yield
    }) : () -> ()
    "tpu.region"() ({
      %run_scoped3A = tpu.sem_alloc : memref<!tpu.dma_semaphore, #tpu.memory_space<semaphore_mem>>
      %dma_start3A_134 = arith.constant 0 : i32
      %dma_start3A_135 = arith.constant 0 : i32
      %dma_start3A_136 = tpu.memref_slice %arg3[%add3A, %dma_start3A_134, %dma_start3A_135] : memref<32x80x128xi32, #tpu.memory_space<hbm>> -> memref<1x80x128xi32, #tpu.memory_space<hbm>>
      %dma_start3A_137 = tpu.memref_squeeze %dma_start3A_136 : memref<1x80x128xi32, #tpu.memory_space<hbm>> -> memref<80x128xi32, #tpu.memory_space<hbm>>
      %dma_start3A_138 = arith.constant 0 : i32
      %dma_start3A_139 = arith.constant 0 : i32
      %dma_start3A_140 = tpu.memref_slice %arg3[%add3A, %dma_start3A_138, %dma_start3A_139] : memref<32x80x128xi32, #tpu.memory_space<hbm>> -> memref<1x80x128xi32, #tpu.memory_space<hbm>>
      %dma_start3A_141 = tpu.memref_squeeze %dma_start3A_140 : memref<1x80x128xi32, #tpu.memory_space<hbm>> -> memref<80x128xi32, #tpu.memory_space<hbm>>
      tpu.enqueue_dma source(%dma_start3A_141 : memref<80x128xi32, #tpu.memory_space<hbm>>) target(%arg6 : memref<80x128xi32, #tpu.memory_space<vmem>>) target_semaphore(%run_scoped3A : memref<!tpu.dma_semaphore, #tpu.memory_space<semaphore_mem>>)
      %dma_wait3A_142 = arith.constant 0 : i32
      %dma_wait3A_143 = arith.constant 0 : i32
      %dma_wait3A_144 = tpu.memref_slice %arg3[%add3A, %dma_wait3A_142, %dma_wait3A_143] : memref<32x80x128xi32, #tpu.memory_space<hbm>> -> memref<1x80x128xi32, #tpu.memory_space<hbm>>
      %dma_wait3A_145 = tpu.memref_squeeze %dma_wait3A_144 : memref<1x80x128xi32, #tpu.memory_space<hbm>> -> memref<80x128xi32, #tpu.memory_space<hbm>>
      %dma_wait3A_146 = arith.constant 0 : i32
      %dma_wait3A_147 = arith.constant 0 : i32
      %dma_wait3A_148 = tpu.memref_slice %arg3[%add3A, %dma_wait3A_146, %dma_wait3A_147] : memref<32x80x128xi32, #tpu.memory_space<hbm>> -> memref<1x80x128xi32, #tpu.memory_space<hbm>>
      %dma_wait3A_149 = tpu.memref_squeeze %dma_wait3A_148 : memref<1x80x128xi32, #tpu.memory_space<hbm>> -> memref<80x128xi32, #tpu.memory_space<hbm>>
      tpu.wait_dma2 semaphore(%run_scoped3A : memref<!tpu.dma_semaphore, #tpu.memory_space<semaphore_mem>>) src(%dma_wait3A_149 : memref<80x128xi32, #tpu.memory_space<hbm>>) dst(%arg6 : memref<80x128xi32, #tpu.memory_space<vmem>>)
      tpu.yield
    }) : () -> ()
    "tpu.region"() ({
      %run_scoped3A = tpu.sem_alloc : memref<!tpu.dma_semaphore, #tpu.memory_space<semaphore_mem>>
      %dma_start3A_134 = arith.constant 0 : i32
      %dma_start3A_135 = arith.constant 0 : i32
      %dma_start3A_136 = tpu.memref_slice %arg4[%add3A, %dma_start3A_134, %dma_start3A_135] : memref<32x80x128xi32, #tpu.memory_space<hbm>> -> memref<1x80x128xi32, #tpu.memory_space<hbm>>
      %dma_start3A_137 = tpu.memref_squeeze %dma_start3A_136 : memref<1x80x128xi32, #tpu.memory_space<hbm>> -> memref<80x128xi32, #tpu.memory_space<hbm>>
      %dma_start3A_138 = arith.constant 0 : i32
      %dma_start3A_139 = arith.constant 0 : i32
      %dma_start3A_140 = tpu.memref_slice %arg4[%add3A, %dma_start3A_138, %dma_start3A_139] : memref<32x80x128xi32, #tpu.memory_space<hbm>> -> memref<1x80x128xi32, #tpu.memory_space<hbm>>
      %dma_start3A_141 = tpu.memref_squeeze %dma_start3A_140 : memref<1x80x128xi32, #tpu.memory_space<hbm>> -> memref<80x128xi32, #tpu.memory_space<hbm>>
      tpu.enqueue_dma source(%dma_start3A_141 : memref<80x128xi32, #tpu.memory_space<hbm>>) target(%arg7 : memref<80x128xi32, #tpu.memory_space<vmem>>) target_semaphore(%run_scoped3A : memref<!tpu.dma_semaphore, #tpu.memory_space<semaphore_mem>>)
      %dma_wait3A_142 = arith.constant 0 : i32
      %dma_wait3A_143 = arith.constant 0 : i32
      %dma_wait3A_144 = tpu.memref_slice %arg4[%add3A, %dma_wait3A_142, %dma_wait3A_143] : memref<32x80x128xi32, #tpu.memory_space<hbm>> -> memref<1x80x128xi32, #tpu.memory_space<hbm>>
      %dma_wait3A_145 = tpu.memref_squeeze %dma_wait3A_144 : memref<1x80x128xi32, #tpu.memory_space<hbm>> -> memref<80x128xi32, #tpu.memory_space<hbm>>
      %dma_wait3A_146 = arith.constant 0 : i32
      %dma_wait3A_147 = arith.constant 0 : i32
      %dma_wait3A_148 = tpu.memref_slice %arg4[%add3A, %dma_wait3A_146, %dma_wait3A_147] : memref<32x80x128xi32, #tpu.memory_space<hbm>> -> memref<1x80x128xi32, #tpu.memory_space<hbm>>
      %dma_wait3A_149 = tpu.memref_squeeze %dma_wait3A_148 : memref<1x80x128xi32, #tpu.memory_space<hbm>> -> memref<80x128xi32, #tpu.memory_space<hbm>>
      tpu.wait_dma2 semaphore(%run_scoped3A : memref<!tpu.dma_semaphore, #tpu.memory_space<semaphore_mem>>) src(%dma_wait3A_149 : memref<80x128xi32, #tpu.memory_space<hbm>>) dst(%arg7 : memref<80x128xi32, #tpu.memory_space<vmem>>)
      tpu.yield
    }) : () -> ()
    %barrier3A = arith.constant 0 : index
    tpu.barrier barrier_id(%barrier3A)
    %dma_start3A = arith.constant 0 : i32
    %dma_start3A_18 = arith.constant 0 : i32
    %dma_start3A_19 = tpu.memref_slice %arg6[%dma_start3A, %dma_start3A_18] : memref<80x128xi32, #tpu.memory_space<vmem>> -> memref<1x128xi32, #tpu.memory_space<vmem>>
    %dma_start3A_20 = tpu.memref_squeeze %dma_start3A_19 : memref<1x128xi32, #tpu.memory_space<vmem>> -> memref<128xi32, #tpu.memory_space<vmem>>
    %dma_start3A_21 = arith.constant 0 : i32
    %dma_start3A_22 = arith.constant 0 : i32
    %dma_start3A_23 = tpu.memref_slice %arg17[%dma_start3A_21, %dma_start3A_22] : memref<10016x32xf32, #tpu.memory_space<vmem_shared>> -> memref<10016x32xf32, #tpu.memory_space<vmem_shared>>
    tpu.enqueue_indirect_dma source(%dma_start3A_23 : memref<10016x32xf32, #tpu.memory_space<vmem_shared>>) target(%arg8 : memref<128x32xf32, #tpu.memory_space<vmem>>) offsets(%dma_start3A_20 : memref<128xi32, #tpu.memory_space<vmem>>) semaphore(%arg19 : memref<!tpu.dma_semaphore, #tpu.memory_space<semaphore_mem>>)
    %dma_start3A_24 = arith.constant 1 : i32
    %dma_start3A_25 = arith.constant 0 : i32
    %dma_start3A_26 = tpu.memref_slice %arg6[%dma_start3A_24, %dma_start3A_25] : memref<80x128xi32, #tpu.memory_space<vmem>> -> memref<1x128xi32, #tpu.memory_space<vmem>>
    %dma_start3A_27 = tpu.memref_squeeze %dma_start3A_26 : memref<1x128xi32, #tpu.memory_space<vmem>> -> memref<128xi32, #tpu.memory_space<vmem>>
    %dma_start3A_28 = arith.constant 0 : i32
    %dma_start3A_29 = arith.constant 0 : i32
    %dma_start3A_30 = tpu.memref_slice %arg17[%dma_start3A_28, %dma_start3A_29] : memref<10016x32xf32, #tpu.memory_space<vmem_shared>> -> memref<10016x32xf32, #tpu.memory_space<vmem_shared>>
    tpu.enqueue_indirect_dma source(%dma_start3A_30 : memref<10016x32xf32, #tpu.memory_space<vmem_shared>>) target(%arg9 : memref<128x32xf32, #tpu.memory_space<vmem>>) offsets(%dma_start3A_27 : memref<128xi32, #tpu.memory_space<vmem>>) semaphore(%arg20 : memref<!tpu.dma_semaphore, #tpu.memory_space<semaphore_mem>>)
    %dma_start3A_31 = arith.constant 2 : i32
    %dma_start3A_32 = arith.constant 0 : i32
    %dma_start3A_33 = tpu.memref_slice %arg6[%dma_start3A_31, %dma_start3A_32] : memref<80x128xi32, #tpu.memory_space<vmem>> -> memref<1x128xi32, #tpu.memory_space<vmem>>
    %dma_start3A_34 = tpu.memref_squeeze %dma_start3A_33 : memref<1x128xi32, #tpu.memory_space<vmem>> -> memref<128xi32, #tpu.memory_space<vmem>>
    %dma_start3A_35 = arith.constant 0 : i32
    %dma_start3A_36 = arith.constant 0 : i32
    %dma_start3A_37 = tpu.memref_slice %arg17[%dma_start3A_35, %dma_start3A_36] : memref<10016x32xf32, #tpu.memory_space<vmem_shared>> -> memref<10016x32xf32, #tpu.memory_space<vmem_shared>>
    tpu.enqueue_indirect_dma source(%dma_start3A_37 : memref<10016x32xf32, #tpu.memory_space<vmem_shared>>) target(%arg10 : memref<128x32xf32, #tpu.memory_space<vmem>>) offsets(%dma_start3A_34 : memref<128xi32, #tpu.memory_space<vmem>>) semaphore(%arg21 : memref<!tpu.dma_semaphore, #tpu.memory_space<semaphore_mem>>)
    %dma_start3A_38 = arith.constant 3 : i32
    %dma_start3A_39 = arith.constant 0 : i32
    %dma_start3A_40 = tpu.memref_slice %arg6[%dma_start3A_38, %dma_start3A_39] : memref<80x128xi32, #tpu.memory_space<vmem>> -> memref<1x128xi32, #tpu.memory_space<vmem>>
    %dma_start3A_41 = tpu.memref_squeeze %dma_start3A_40 : memref<1x128xi32, #tpu.memory_space<vmem>> -> memref<128xi32, #tpu.memory_space<vmem>>
    %dma_start3A_42 = arith.constant 0 : i32
    %dma_start3A_43 = arith.constant 0 : i32
    %dma_start3A_44 = tpu.memref_slice %arg17[%dma_start3A_42, %dma_start3A_43] : memref<10016x32xf32, #tpu.memory_space<vmem_shared>> -> memref<10016x32xf32, #tpu.memory_space<vmem_shared>>
    tpu.enqueue_indirect_dma source(%dma_start3A_44 : memref<10016x32xf32, #tpu.memory_space<vmem_shared>>) target(%arg11 : memref<128x32xf32, #tpu.memory_space<vmem>>) offsets(%dma_start3A_41 : memref<128xi32, #tpu.memory_space<vmem>>) semaphore(%arg22 : memref<!tpu.dma_semaphore, #tpu.memory_space<semaphore_mem>>)
    %dma_start3A_45 = arith.constant 4 : i32
    %dma_start3A_46 = arith.constant 0 : i32
    %dma_start3A_47 = tpu.memref_slice %arg6[%dma_start3A_45, %dma_start3A_46] : memref<80x128xi32, #tpu.memory_space<vmem>> -> memref<1x128xi32, #tpu.memory_space<vmem>>
    %dma_start3A_48 = tpu.memref_squeeze %dma_start3A_47 : memref<1x128xi32, #tpu.memory_space<vmem>> -> memref<128xi32, #tpu.memory_space<vmem>>
    %dma_start3A_49 = arith.constant 0 : i32
    %dma_start3A_50 = arith.constant 0 : i32
    %dma_start3A_51 = tpu.memref_slice %arg17[%dma_start3A_49, %dma_start3A_50] : memref<10016x32xf32, #tpu.memory_space<vmem_shared>> -> memref<10016x32xf32, #tpu.memory_space<vmem_shared>>
    tpu.enqueue_indirect_dma source(%dma_start3A_51 : memref<10016x32xf32, #tpu.memory_space<vmem_shared>>) target(%arg12 : memref<128x32xf32, #tpu.memory_space<vmem>>) offsets(%dma_start3A_48 : memref<128xi32, #tpu.memory_space<vmem>>) semaphore(%arg23 : memref<!tpu.dma_semaphore, #tpu.memory_space<semaphore_mem>>)
    %dma_start3A_52 = arith.constant 5 : i32
    %dma_start3A_53 = arith.constant 0 : i32
    %dma_start3A_54 = tpu.memref_slice %arg6[%dma_start3A_52, %dma_start3A_53] : memref<80x128xi32, #tpu.memory_space<vmem>> -> memref<1x128xi32, #tpu.memory_space<vmem>>
    %dma_start3A_55 = tpu.memref_squeeze %dma_start3A_54 : memref<1x128xi32, #tpu.memory_space<vmem>> -> memref<128xi32, #tpu.memory_space<vmem>>
    %dma_start3A_56 = arith.constant 0 : i32
    %dma_start3A_57 = arith.constant 0 : i32
    %dma_start3A_58 = tpu.memref_slice %arg17[%dma_start3A_56, %dma_start3A_57] : memref<10016x32xf32, #tpu.memory_space<vmem_shared>> -> memref<10016x32xf32, #tpu.memory_space<vmem_shared>>
    tpu.enqueue_indirect_dma source(%dma_start3A_58 : memref<10016x32xf32, #tpu.memory_space<vmem_shared>>) target(%arg13 : memref<128x32xf32, #tpu.memory_space<vmem>>) offsets(%dma_start3A_55 : memref<128xi32, #tpu.memory_space<vmem>>) semaphore(%arg24 : memref<!tpu.dma_semaphore, #tpu.memory_space<semaphore_mem>>)
    %dma_start3A_59 = arith.constant 6 : i32
    %dma_start3A_60 = arith.constant 0 : i32
    %dma_start3A_61 = tpu.memref_slice %arg6[%dma_start3A_59, %dma_start3A_60] : memref<80x128xi32, #tpu.memory_space<vmem>> -> memref<1x128xi32, #tpu.memory_space<vmem>>
    %dma_start3A_62 = tpu.memref_squeeze %dma_start3A_61 : memref<1x128xi32, #tpu.memory_space<vmem>> -> memref<128xi32, #tpu.memory_space<vmem>>
    %dma_start3A_63 = arith.constant 0 : i32
    %dma_start3A_64 = arith.constant 0 : i32
    %dma_start3A_65 = tpu.memref_slice %arg17[%dma_start3A_63, %dma_start3A_64] : memref<10016x32xf32, #tpu.memory_space<vmem_shared>> -> memref<10016x32xf32, #tpu.memory_space<vmem_shared>>
    tpu.enqueue_indirect_dma source(%dma_start3A_65 : memref<10016x32xf32, #tpu.memory_space<vmem_shared>>) target(%arg14 : memref<128x32xf32, #tpu.memory_space<vmem>>) offsets(%dma_start3A_62 : memref<128xi32, #tpu.memory_space<vmem>>) semaphore(%arg25 : memref<!tpu.dma_semaphore, #tpu.memory_space<semaphore_mem>>)
    %dma_start3A_66 = arith.constant 7 : i32
    %dma_start3A_67 = arith.constant 0 : i32
    %dma_start3A_68 = tpu.memref_slice %arg6[%dma_start3A_66, %dma_start3A_67] : memref<80x128xi32, #tpu.memory_space<vmem>> -> memref<1x128xi32, #tpu.memory_space<vmem>>
    %dma_start3A_69 = tpu.memref_squeeze %dma_start3A_68 : memref<1x128xi32, #tpu.memory_space<vmem>> -> memref<128xi32, #tpu.memory_space<vmem>>
    %dma_start3A_70 = arith.constant 0 : i32
    %dma_start3A_71 = arith.constant 0 : i32
    %dma_start3A_72 = tpu.memref_slice %arg17[%dma_start3A_70, %dma_start3A_71] : memref<10016x32xf32, #tpu.memory_space<vmem_shared>> -> memref<10016x32xf32, #tpu.memory_space<vmem_shared>>
    tpu.enqueue_indirect_dma source(%dma_start3A_72 : memref<10016x32xf32, #tpu.memory_space<vmem_shared>>) target(%arg15 : memref<128x32xf32, #tpu.memory_space<vmem>>) offsets(%dma_start3A_69 : memref<128xi32, #tpu.memory_space<vmem>>) semaphore(%arg26 : memref<!tpu.dma_semaphore, #tpu.memory_space<semaphore_mem>>)
    %scan3A_73 = arith.constant 0 : i32
    %scan3A_74 = arith.constant 10 : i32
    %scan3A_75 = arith.addi %scan3A_73, %scan3A_74 : i32
    %scan3A_76 = arith.constant 1 : i32
    scf.for %scan3A_134 = %scan3A_73 to %scan3A_75 step %scan3A_76  : i32 {
      %mul3A_135 = arith.constant 8 : i32
      %mul3A_136 = arith.muli %scan3A_134, %mul3A_135 : i32
      %add3A_137 = arith.constant 0 : i32
      %add3A_138 = arith.addi %add3A_137, %mul3A_136 : i32
      %add3A_139 = arith.constant 0 : i32
      %add3A_140 = arith.addi %add3A_138, %add3A_139 : i32
      %dma_wait3A_141 = arith.constant 0 : i32
      %dma_wait3A_142 = tpu.memref_slice %arg6[%add3A_140, %dma_wait3A_141] : memref<80x128xi32, #tpu.memory_space<vmem>> -> memref<1x128xi32, #tpu.memory_space<vmem>>
      %dma_wait3A_143 = tpu.memref_squeeze %dma_wait3A_142 : memref<1x128xi32, #tpu.memory_space<vmem>> -> memref<128xi32, #tpu.memory_space<vmem>>
      %dma_wait3A_144 = arith.constant 0 : i32
      %dma_wait3A_145 = arith.constant 0 : i32
      %dma_wait3A_146 = tpu.memref_slice %arg17[%dma_wait3A_144, %dma_wait3A_145] : memref<10016x32xf32, #tpu.memory_space<vmem_shared>> -> memref<10016x32xf32, #tpu.memory_space<vmem_shared>>
      tpu.wait_indirect_dma semaphore(%arg19 : memref<!tpu.dma_semaphore, #tpu.memory_space<semaphore_mem>>) src(%dma_wait3A_146 : memref<10016x32xf32, #tpu.memory_space<vmem_shared>>) dst(%arg8 : memref<128x32xf32, #tpu.memory_space<vmem>>)
      %dma_start3A_147 = arith.constant 0 : i32
      %dma_start3A_148 = tpu.memref_slice %arg7[%add3A_140, %dma_start3A_147] : memref<80x128xi32, #tpu.memory_space<vmem>> -> memref<1x128xi32, #tpu.memory_space<vmem>>
      %dma_start3A_149 = tpu.memref_squeeze %dma_start3A_148 : memref<1x128xi32, #tpu.memory_space<vmem>> -> memref<128xi32, #tpu.memory_space<vmem>>
      %dma_start3A_150 = arith.constant 0 : i32
      %dma_start3A_151 = arith.constant 0 : i32
      %dma_start3A_152 = tpu.memref_slice %arg18[%dma_start3A_150, %dma_start3A_151] : memref<10016x32xf32, #tpu.memory_space<vmem_shared>> -> memref<10016x32xf32, #tpu.memory_space<vmem_shared>>
      tpu.enqueue_indirect_dma source(%arg8 : memref<128x32xf32, #tpu.memory_space<vmem>>) target(%dma_start3A_152 : memref<10016x32xf32, #tpu.memory_space<vmem_shared>>) offsets(%dma_start3A_149 : memref<128xi32, #tpu.memory_space<vmem>>) semaphore(%arg27 : memref<!tpu.dma_semaphore, #tpu.memory_space<semaphore_mem>>) {add = true}
      %add3A_153 = arith.constant 1 : i32
      %add3A_154 = arith.addi %add3A_138, %add3A_153 : i32
      %dma_wait3A_155 = arith.constant 0 : i32
      %dma_wait3A_156 = tpu.memref_slice %arg6[%add3A_154, %dma_wait3A_155] : memref<80x128xi32, #tpu.memory_space<vmem>> -> memref<1x128xi32, #tpu.memory_space<vmem>>
      %dma_wait3A_157 = tpu.memref_squeeze %dma_wait3A_156 : memref<1x128xi32, #tpu.memory_space<vmem>> -> memref<128xi32, #tpu.memory_space<vmem>>
      %dma_wait3A_158 = arith.constant 0 : i32
      %dma_wait3A_159 = arith.constant 0 : i32
      %dma_wait3A_160 = tpu.memref_slice %arg17[%dma_wait3A_158, %dma_wait3A_159] : memref<10016x32xf32, #tpu.memory_space<vmem_shared>> -> memref<10016x32xf32, #tpu.memory_space<vmem_shared>>
      tpu.wait_indirect_dma semaphore(%arg20 : memref<!tpu.dma_semaphore, #tpu.memory_space<semaphore_mem>>) src(%dma_wait3A_160 : memref<10016x32xf32, #tpu.memory_space<vmem_shared>>) dst(%arg9 : memref<128x32xf32, #tpu.memory_space<vmem>>)
      %dma_start3A_161 = arith.constant 0 : i32
      %dma_start3A_162 = tpu.memref_slice %arg7[%add3A_154, %dma_start3A_161] : memref<80x128xi32, #tpu.memory_space<vmem>> -> memref<1x128xi32, #tpu.memory_space<vmem>>
      %dma_start3A_163 = tpu.memref_squeeze %dma_start3A_162 : memref<1x128xi32, #tpu.memory_space<vmem>> -> memref<128xi32, #tpu.memory_space<vmem>>
      %dma_start3A_164 = arith.constant 0 : i32
      %dma_start3A_165 = arith.constant 0 : i32
      %dma_start3A_166 = tpu.memref_slice %arg18[%dma_start3A_164, %dma_start3A_165] : memref<10016x32xf32, #tpu.memory_space<vmem_shared>> -> memref<10016x32xf32, #tpu.memory_space<vmem_shared>>
      tpu.enqueue_indirect_dma source(%arg9 : memref<128x32xf32, #tpu.memory_space<vmem>>) target(%dma_start3A_166 : memref<10016x32xf32, #tpu.memory_space<vmem_shared>>) offsets(%dma_start3A_163 : memref<128xi32, #tpu.memory_space<vmem>>) semaphore(%arg28 : memref<!tpu.dma_semaphore, #tpu.memory_space<semaphore_mem>>) {add = true}
      %add3A_167 = arith.constant 2 : i32
      %add3A_168 = arith.addi %add3A_138, %add3A_167 : i32
      %dma_wait3A_169 = arith.constant 0 : i32
      %dma_wait3A_170 = tpu.memref_slice %arg6[%add3A_168, %dma_wait3A_169] : memref<80x128xi32, #tpu.memory_space<vmem>> -> memref<1x128xi32, #tpu.memory_space<vmem>>
      %dma_wait3A_171 = tpu.memref_squeeze %dma_wait3A_170 : memref<1x128xi32, #tpu.memory_space<vmem>> -> memref<128xi32, #tpu.memory_space<vmem>>
      %dma_wait3A_172 = arith.constant 0 : i32
      %dma_wait3A_173 = arith.constant 0 : i32
      %dma_wait3A_174 = tpu.memref_slice %arg17[%dma_wait3A_172, %dma_wait3A_173] : memref<10016x32xf32, #tpu.memory_space<vmem_shared>> -> memref<10016x32xf32, #tpu.memory_space<vmem_shared>>
      tpu.wait_indirect_dma semaphore(%arg21 : memref<!tpu.dma_semaphore, #tpu.memory_space<semaphore_mem>>) src(%dma_wait3A_174 : memref<10016x32xf32, #tpu.memory_space<vmem_shared>>) dst(%arg10 : memref<128x32xf32, #tpu.memory_space<vmem>>)
      %dma_start3A_175 = arith.constant 0 : i32
      %dma_start3A_176 = tpu.memref_slice %arg7[%add3A_168, %dma_start3A_175] : memref<80x128xi32, #tpu.memory_space<vmem>> -> memref<1x128xi32, #tpu.memory_space<vmem>>
      %dma_start3A_177 = tpu.memref_squeeze %dma_start3A_176 : memref<1x128xi32, #tpu.memory_space<vmem>> -> memref<128xi32, #tpu.memory_space<vmem>>
      %dma_start3A_178 = arith.constant 0 : i32
      %dma_start3A_179 = arith.constant 0 : i32
      %dma_start3A_180 = tpu.memref_slice %arg18[%dma_start3A_178, %dma_start3A_179] : memref<10016x32xf32, #tpu.memory_space<vmem_shared>> -> memref<10016x32xf32, #tpu.memory_space<vmem_shared>>
      tpu.enqueue_indirect_dma source(%arg10 : memref<128x32xf32, #tpu.memory_space<vmem>>) target(%dma_start3A_180 : memref<10016x32xf32, #tpu.memory_space<vmem_shared>>) offsets(%dma_start3A_177 : memref<128xi32, #tpu.memory_space<vmem>>) semaphore(%arg29 : memref<!tpu.dma_semaphore, #tpu.memory_space<semaphore_mem>>) {add = true}
      %add3A_181 = arith.constant 3 : i32
      %add3A_182 = arith.addi %add3A_138, %add3A_181 : i32
      %dma_wait3A_183 = arith.constant 0 : i32
      %dma_wait3A_184 = tpu.memref_slice %arg6[%add3A_182, %dma_wait3A_183] : memref<80x128xi32, #tpu.memory_space<vmem>> -> memref<1x128xi32, #tpu.memory_space<vmem>>
      %dma_wait3A_185 = tpu.memref_squeeze %dma_wait3A_184 : memref<1x128xi32, #tpu.memory_space<vmem>> -> memref<128xi32, #tpu.memory_space<vmem>>
      %dma_wait3A_186 = arith.constant 0 : i32
      %dma_wait3A_187 = arith.constant 0 : i32
      %dma_wait3A_188 = tpu.memref_slice %arg17[%dma_wait3A_186, %dma_wait3A_187] : memref<10016x32xf32, #tpu.memory_space<vmem_shared>> -> memref<10016x32xf32, #tpu.memory_space<vmem_shared>>
      tpu.wait_indirect_dma semaphore(%arg22 : memref<!tpu.dma_semaphore, #tpu.memory_space<semaphore_mem>>) src(%dma_wait3A_188 : memref<10016x32xf32, #tpu.memory_space<vmem_shared>>) dst(%arg11 : memref<128x32xf32, #tpu.memory_space<vmem>>)
      %dma_start3A_189 = arith.constant 0 : i32
      %dma_start3A_190 = tpu.memref_slice %arg7[%add3A_182, %dma_start3A_189] : memref<80x128xi32, #tpu.memory_space<vmem>> -> memref<1x128xi32, #tpu.memory_space<vmem>>
      %dma_start3A_191 = tpu.memref_squeeze %dma_start3A_190 : memref<1x128xi32, #tpu.memory_space<vmem>> -> memref<128xi32, #tpu.memory_space<vmem>>
      %dma_start3A_192 = arith.constant 0 : i32
      %dma_start3A_193 = arith.constant 0 : i32
      %dma_start3A_194 = tpu.memref_slice %arg18[%dma_start3A_192, %dma_start3A_193] : memref<10016x32xf32, #tpu.memory_space<vmem_shared>> -> memref<10016x32xf32, #tpu.memory_space<vmem_shared>>
      tpu.enqueue_indirect_dma source(%arg11 : memref<128x32xf32, #tpu.memory_space<vmem>>) target(%dma_start3A_194 : memref<10016x32xf32, #tpu.memory_space<vmem_shared>>) offsets(%dma_start3A_191 : memref<128xi32, #tpu.memory_space<vmem>>) semaphore(%arg30 : memref<!tpu.dma_semaphore, #tpu.memory_space<semaphore_mem>>) {add = true}
      %add3A_195 = arith.constant 4 : i32
      %add3A_196 = arith.addi %add3A_138, %add3A_195 : i32
      %dma_wait3A_197 = arith.constant 0 : i32
      %dma_wait3A_198 = tpu.memref_slice %arg6[%add3A_196, %dma_wait3A_197] : memref<80x128xi32, #tpu.memory_space<vmem>> -> memref<1x128xi32, #tpu.memory_space<vmem>>
      %dma_wait3A_199 = tpu.memref_squeeze %dma_wait3A_198 : memref<1x128xi32, #tpu.memory_space<vmem>> -> memref<128xi32, #tpu.memory_space<vmem>>
      %dma_wait3A_200 = arith.constant 0 : i32
      %dma_wait3A_201 = arith.constant 0 : i32
      %dma_wait3A_202 = tpu.memref_slice %arg17[%dma_wait3A_200, %dma_wait3A_201] : memref<10016x32xf32, #tpu.memory_space<vmem_shared>> -> memref<10016x32xf32, #tpu.memory_space<vmem_shared>>
      tpu.wait_indirect_dma semaphore(%arg23 : memref<!tpu.dma_semaphore, #tpu.memory_space<semaphore_mem>>) src(%dma_wait3A_202 : memref<10016x32xf32, #tpu.memory_space<vmem_shared>>) dst(%arg12 : memref<128x32xf32, #tpu.memory_space<vmem>>)
      %dma_start3A_203 = arith.constant 0 : i32
      %dma_start3A_204 = tpu.memref_slice %arg7[%add3A_196, %dma_start3A_203] : memref<80x128xi32, #tpu.memory_space<vmem>> -> memref<1x128xi32, #tpu.memory_space<vmem>>
      %dma_start3A_205 = tpu.memref_squeeze %dma_start3A_204 : memref<1x128xi32, #tpu.memory_space<vmem>> -> memref<128xi32, #tpu.memory_space<vmem>>
      %dma_start3A_206 = arith.constant 0 : i32
      %dma_start3A_207 = arith.constant 0 : i32
      %dma_start3A_208 = tpu.memref_slice %arg18[%dma_start3A_206, %dma_start3A_207] : memref<10016x32xf32, #tpu.memory_space<vmem_shared>> -> memref<10016x32xf32, #tpu.memory_space<vmem_shared>>
      tpu.enqueue_indirect_dma source(%arg12 : memref<128x32xf32, #tpu.memory_space<vmem>>) target(%dma_start3A_208 : memref<10016x32xf32, #tpu.memory_space<vmem_shared>>) offsets(%dma_start3A_205 : memref<128xi32, #tpu.memory_space<vmem>>) semaphore(%arg31 : memref<!tpu.dma_semaphore, #tpu.memory_space<semaphore_mem>>) {add = true}
      %add3A_209 = arith.constant 5 : i32
      %add3A_210 = arith.addi %add3A_138, %add3A_209 : i32
      %dma_wait3A_211 = arith.constant 0 : i32
      %dma_wait3A_212 = tpu.memref_slice %arg6[%add3A_210, %dma_wait3A_211] : memref<80x128xi32, #tpu.memory_space<vmem>> -> memref<1x128xi32, #tpu.memory_space<vmem>>
      %dma_wait3A_213 = tpu.memref_squeeze %dma_wait3A_212 : memref<1x128xi32, #tpu.memory_space<vmem>> -> memref<128xi32, #tpu.memory_space<vmem>>
      %dma_wait3A_214 = arith.constant 0 : i32
      %dma_wait3A_215 = arith.constant 0 : i32
      %dma_wait3A_216 = tpu.memref_slice %arg17[%dma_wait3A_214, %dma_wait3A_215] : memref<10016x32xf32, #tpu.memory_space<vmem_shared>> -> memref<10016x32xf32, #tpu.memory_space<vmem_shared>>
      tpu.wait_indirect_dma semaphore(%arg24 : memref<!tpu.dma_semaphore, #tpu.memory_space<semaphore_mem>>) src(%dma_wait3A_216 : memref<10016x32xf32, #tpu.memory_space<vmem_shared>>) dst(%arg13 : memref<128x32xf32, #tpu.memory_space<vmem>>)
      %dma_start3A_217 = arith.constant 0 : i32
      %dma_start3A_218 = tpu.memref_slice %arg7[%add3A_210, %dma_start3A_217] : memref<80x128xi32, #tpu.memory_space<vmem>> -> memref<1x128xi32, #tpu.memory_space<vmem>>
      %dma_start3A_219 = tpu.memref_squeeze %dma_start3A_218 : memref<1x128xi32, #tpu.memory_space<vmem>> -> memref<128xi32, #tpu.memory_space<vmem>>
      %dma_start3A_220 = arith.constant 0 : i32
      %dma_start3A_221 = arith.constant 0 : i32
      %dma_start3A_222 = tpu.memref_slice %arg18[%dma_start3A_220, %dma_start3A_221] : memref<10016x32xf32, #tpu.memory_space<vmem_shared>> -> memref<10016x32xf32, #tpu.memory_space<vmem_shared>>
      tpu.enqueue_indirect_dma source(%arg13 : memref<128x32xf32, #tpu.memory_space<vmem>>) target(%dma_start3A_222 : memref<10016x32xf32, #tpu.memory_space<vmem_shared>>) offsets(%dma_start3A_219 : memref<128xi32, #tpu.memory_space<vmem>>) semaphore(%arg32 : memref<!tpu.dma_semaphore, #tpu.memory_space<semaphore_mem>>) {add = true}
      %add3A_223 = arith.constant 6 : i32
      %add3A_224 = arith.addi %add3A_138, %add3A_223 : i32
      %dma_wait3A_225 = arith.constant 0 : i32
      %dma_wait3A_226 = tpu.memref_slice %arg6[%add3A_224, %dma_wait3A_225] : memref<80x128xi32, #tpu.memory_space<vmem>> -> memref<1x128xi32, #tpu.memory_space<vmem>>
      %dma_wait3A_227 = tpu.memref_squeeze %dma_wait3A_226 : memref<1x128xi32, #tpu.memory_space<vmem>> -> memref<128xi32, #tpu.memory_space<vmem>>
      %dma_wait3A_228 = arith.constant 0 : i32
      %dma_wait3A_229 = arith.constant 0 : i32
      %dma_wait3A_230 = tpu.memref_slice %arg17[%dma_wait3A_228, %dma_wait3A_229] : memref<10016x32xf32, #tpu.memory_space<vmem_shared>> -> memref<10016x32xf32, #tpu.memory_space<vmem_shared>>
      tpu.wait_indirect_dma semaphore(%arg25 : memref<!tpu.dma_semaphore, #tpu.memory_space<semaphore_mem>>) src(%dma_wait3A_230 : memref<10016x32xf32, #tpu.memory_space<vmem_shared>>) dst(%arg14 : memref<128x32xf32, #tpu.memory_space<vmem>>)
      %dma_start3A_231 = arith.constant 0 : i32
      %dma_start3A_232 = tpu.memref_slice %arg7[%add3A_224, %dma_start3A_231] : memref<80x128xi32, #tpu.memory_space<vmem>> -> memref<1x128xi32, #tpu.memory_space<vmem>>
      %dma_start3A_233 = tpu.memref_squeeze %dma_start3A_232 : memref<1x128xi32, #tpu.memory_space<vmem>> -> memref<128xi32, #tpu.memory_space<vmem>>
      %dma_start3A_234 = arith.constant 0 : i32
      %dma_start3A_235 = arith.constant 0 : i32
      %dma_start3A_236 = tpu.memref_slice %arg18[%dma_start3A_234, %dma_start3A_235] : memref<10016x32xf32, #tpu.memory_space<vmem_shared>> -> memref<10016x32xf32, #tpu.memory_space<vmem_shared>>
      tpu.enqueue_indirect_dma source(%arg14 : memref<128x32xf32, #tpu.memory_space<vmem>>) target(%dma_start3A_236 : memref<10016x32xf32, #tpu.memory_space<vmem_shared>>) offsets(%dma_start3A_233 : memref<128xi32, #tpu.memory_space<vmem>>) semaphore(%arg33 : memref<!tpu.dma_semaphore, #tpu.memory_space<semaphore_mem>>) {add = true}
      %add3A_237 = arith.constant 7 : i32
      %add3A_238 = arith.addi %add3A_138, %add3A_237 : i32
      %dma_wait3A_239 = arith.constant 0 : i32
      %dma_wait3A_240 = tpu.memref_slice %arg6[%add3A_238, %dma_wait3A_239] : memref<80x128xi32, #tpu.memory_space<vmem>> -> memref<1x128xi32, #tpu.memory_space<vmem>>
      %dma_wait3A_241 = tpu.memref_squeeze %dma_wait3A_240 : memref<1x128xi32, #tpu.memory_space<vmem>> -> memref<128xi32, #tpu.memory_space<vmem>>
      %dma_wait3A_242 = arith.constant 0 : i32
      %dma_wait3A_243 = arith.constant 0 : i32
      %dma_wait3A_244 = tpu.memref_slice %arg17[%dma_wait3A_242, %dma_wait3A_243] : memref<10016x32xf32, #tpu.memory_space<vmem_shared>> -> memref<10016x32xf32, #tpu.memory_space<vmem_shared>>
      tpu.wait_indirect_dma semaphore(%arg26 : memref<!tpu.dma_semaphore, #tpu.memory_space<semaphore_mem>>) src(%dma_wait3A_244 : memref<10016x32xf32, #tpu.memory_space<vmem_shared>>) dst(%arg15 : memref<128x32xf32, #tpu.memory_space<vmem>>)
      %dma_start3A_245 = arith.constant 0 : i32
      %dma_start3A_246 = tpu.memref_slice %arg7[%add3A_238, %dma_start3A_245] : memref<80x128xi32, #tpu.memory_space<vmem>> -> memref<1x128xi32, #tpu.memory_space<vmem>>
      %dma_start3A_247 = tpu.memref_squeeze %dma_start3A_246 : memref<1x128xi32, #tpu.memory_space<vmem>> -> memref<128xi32, #tpu.memory_space<vmem>>
      %dma_start3A_248 = arith.constant 0 : i32
      %dma_start3A_249 = arith.constant 0 : i32
      %dma_start3A_250 = tpu.memref_slice %arg18[%dma_start3A_248, %dma_start3A_249] : memref<10016x32xf32, #tpu.memory_space<vmem_shared>> -> memref<10016x32xf32, #tpu.memory_space<vmem_shared>>
      tpu.enqueue_indirect_dma source(%arg15 : memref<128x32xf32, #tpu.memory_space<vmem>>) target(%dma_start3A_250 : memref<10016x32xf32, #tpu.memory_space<vmem_shared>>) offsets(%dma_start3A_247 : memref<128xi32, #tpu.memory_space<vmem>>) semaphore(%arg34 : memref<!tpu.dma_semaphore, #tpu.memory_space<semaphore_mem>>) {add = true}
      %add3A_251 = arith.constant 0 : i32
      %add3A_252 = arith.addi %add3A_138, %add3A_251 : i32
      %add3A_253 = arith.constant 8 : i32
      %add3A_254 = arith.addi %add3A_252, %add3A_253 : i32
      %lt3A = arith.constant 80 : i32
      %lt3A_255 = arith.cmpi slt, %add3A_254, %lt3A : i32
      %convert_element_type3A = arith.extui %lt3A_255 : i1 to i32
      %cond3A = arith.constant 0 : i32
      %cond3A_256 = arith.cmpi ne, %convert_element_type3A, %cond3A : i32
      scf.if %cond3A_256 {
        %dma_wait3A_320 = arith.constant 0 : i32
        %dma_wait3A_321 = arith.constant 0 : i32
        %dma_wait3A_322 = tpu.memref_slice %arg7[%dma_wait3A_320, %dma_wait3A_321] : memref<80x128xi32, #tpu.memory_space<vmem>> -> memref<1x128xi32, #tpu.memory_space<vmem>>
        %dma_wait3A_323 = tpu.memref_squeeze %dma_wait3A_322 : memref<1x128xi32, #tpu.memory_space<vmem>> -> memref<128xi32, #tpu.memory_space<vmem>>
        %dma_wait3A_324 = arith.constant 0 : i32
        %dma_wait3A_325 = arith.constant 0 : i32
        %dma_wait3A_326 = tpu.memref_slice %arg18[%dma_wait3A_324, %dma_wait3A_325] : memref<10016x32xf32, #tpu.memory_space<vmem_shared>> -> memref<10016x32xf32, #tpu.memory_space<vmem_shared>>
        tpu.wait_indirect_dma semaphore(%arg27 : memref<!tpu.dma_semaphore, #tpu.memory_space<semaphore_mem>>) src(%arg8 : memref<128x32xf32, #tpu.memory_space<vmem>>) dst(%dma_wait3A_326 : memref<10016x32xf32, #tpu.memory_space<vmem_shared>>)
        %dma_start3A_327 = arith.constant 0 : i32
        %dma_start3A_328 = tpu.memref_slice %arg6[%add3A_254, %dma_start3A_327] : memref<80x128xi32, #tpu.memory_space<vmem>> -> memref<1x128xi32, #tpu.memory_space<vmem>>
        %dma_start3A_329 = tpu.memref_squeeze %dma_start3A_328 : memref<1x128xi32, #tpu.memory_space<vmem>> -> memref<128xi32, #tpu.memory_space<vmem>>
        %dma_start3A_330 = arith.constant 0 : i32
        %dma_start3A_331 = arith.constant 0 : i32
        %dma_start3A_332 = tpu.memref_slice %arg17[%dma_start3A_330, %dma_start3A_331] : memref<10016x32xf32, #tpu.memory_space<vmem_shared>> -> memref<10016x32xf32, #tpu.memory_space<vmem_shared>>
        tpu.enqueue_indirect_dma source(%dma_start3A_332 : memref<10016x32xf32, #tpu.memory_space<vmem_shared>>) target(%arg8 : memref<128x32xf32, #tpu.memory_space<vmem>>) offsets(%dma_start3A_329 : memref<128xi32, #tpu.memory_space<vmem>>) semaphore(%arg19 : memref<!tpu.dma_semaphore, #tpu.memory_space<semaphore_mem>>)
      } else {
      }
      %add3A_257 = arith.constant 1 : i32
      %add3A_258 = arith.addi %add3A_138, %add3A_257 : i32
      %add3A_259 = arith.constant 8 : i32
      %add3A_260 = arith.addi %add3A_258, %add3A_259 : i32
      %lt3A_261 = arith.constant 80 : i32
      %lt3A_262 = arith.cmpi slt, %add3A_260, %lt3A_261 : i32
      %convert_element_type3A_263 = arith.extui %lt3A_262 : i1 to i32
      %cond3A_264 = arith.constant 0 : i32
      %cond3A_265 = arith.cmpi ne, %convert_element_type3A_263, %cond3A_264 : i32
      scf.if %cond3A_265 {
        %dma_wait3A_320 = arith.constant 0 : i32
        %dma_wait3A_321 = arith.constant 0 : i32
        %dma_wait3A_322 = tpu.memref_slice %arg7[%dma_wait3A_320, %dma_wait3A_321] : memref<80x128xi32, #tpu.memory_space<vmem>> -> memref<1x128xi32, #tpu.memory_space<vmem>>
        %dma_wait3A_323 = tpu.memref_squeeze %dma_wait3A_322 : memref<1x128xi32, #tpu.memory_space<vmem>> -> memref<128xi32, #tpu.memory_space<vmem>>
        %dma_wait3A_324 = arith.constant 0 : i32
        %dma_wait3A_325 = arith.constant 0 : i32
        %dma_wait3A_326 = tpu.memref_slice %arg18[%dma_wait3A_324, %dma_wait3A_325] : memref<10016x32xf32, #tpu.memory_space<vmem_shared>> -> memref<10016x32xf32, #tpu.memory_space<vmem_shared>>
        tpu.wait_indirect_dma semaphore(%arg28 : memref<!tpu.dma_semaphore, #tpu.memory_space<semaphore_mem>>) src(%arg9 : memref<128x32xf32, #tpu.memory_space<vmem>>) dst(%dma_wait3A_326 : memref<10016x32xf32, #tpu.memory_space<vmem_shared>>)
        %dma_start3A_327 = arith.constant 0 : i32
        %dma_start3A_328 = tpu.memref_slice %arg6[%add3A_260, %dma_start3A_327] : memref<80x128xi32, #tpu.memory_space<vmem>> -> memref<1x128xi32, #tpu.memory_space<vmem>>
        %dma_start3A_329 = tpu.memref_squeeze %dma_start3A_328 : memref<1x128xi32, #tpu.memory_space<vmem>> -> memref<128xi32, #tpu.memory_space<vmem>>
        %dma_start3A_330 = arith.constant 0 : i32
        %dma_start3A_331 = arith.constant 0 : i32
        %dma_start3A_332 = tpu.memref_slice %arg17[%dma_start3A_330, %dma_start3A_331] : memref<10016x32xf32, #tpu.memory_space<vmem_shared>> -> memref<10016x32xf32, #tpu.memory_space<vmem_shared>>
        tpu.enqueue_indirect_dma source(%dma_start3A_332 : memref<10016x32xf32, #tpu.memory_space<vmem_shared>>) target(%arg9 : memref<128x32xf32, #tpu.memory_space<vmem>>) offsets(%dma_start3A_329 : memref<128xi32, #tpu.memory_space<vmem>>) semaphore(%arg20 : memref<!tpu.dma_semaphore, #tpu.memory_space<semaphore_mem>>)
      } else {
      }
      %add3A_266 = arith.constant 2 : i32
      %add3A_267 = arith.addi %add3A_138, %add3A_266 : i32
      %add3A_268 = arith.constant 8 : i32
      %add3A_269 = arith.addi %add3A_267, %add3A_268 : i32
      %lt3A_270 = arith.constant 80 : i32
      %lt3A_271 = arith.cmpi slt, %add3A_269, %lt3A_270 : i32
      %convert_element_type3A_272 = arith.extui %lt3A_271 : i1 to i32
      %cond3A_273 = arith.constant 0 : i32
      %cond3A_274 = arith.cmpi ne, %convert_element_type3A_272, %cond3A_273 : i32
      scf.if %cond3A_274 {
        %dma_wait3A_320 = arith.constant 0 : i32
        %dma_wait3A_321 = arith.constant 0 : i32
        %dma_wait3A_322 = tpu.memref_slice %arg7[%dma_wait3A_320, %dma_wait3A_321] : memref<80x128xi32, #tpu.memory_space<vmem>> -> memref<1x128xi32, #tpu.memory_space<vmem>>
        %dma_wait3A_323 = tpu.memref_squeeze %dma_wait3A_322 : memref<1x128xi32, #tpu.memory_space<vmem>> -> memref<128xi32, #tpu.memory_space<vmem>>
        %dma_wait3A_324 = arith.constant 0 : i32
        %dma_wait3A_325 = arith.constant 0 : i32
        %dma_wait3A_326 = tpu.memref_slice %arg18[%dma_wait3A_324, %dma_wait3A_325] : memref<10016x32xf32, #tpu.memory_space<vmem_shared>> -> memref<10016x32xf32, #tpu.memory_space<vmem_shared>>
        tpu.wait_indirect_dma semaphore(%arg29 : memref<!tpu.dma_semaphore, #tpu.memory_space<semaphore_mem>>) src(%arg10 : memref<128x32xf32, #tpu.memory_space<vmem>>) dst(%dma_wait3A_326 : memref<10016x32xf32, #tpu.memory_space<vmem_shared>>)
        %dma_start3A_327 = arith.constant 0 : i32
        %dma_start3A_328 = tpu.memref_slice %arg6[%add3A_269, %dma_start3A_327] : memref<80x128xi32, #tpu.memory_space<vmem>> -> memref<1x128xi32, #tpu.memory_space<vmem>>
        %dma_start3A_329 = tpu.memref_squeeze %dma_start3A_328 : memref<1x128xi32, #tpu.memory_space<vmem>> -> memref<128xi32, #tpu.memory_space<vmem>>
        %dma_start3A_330 = arith.constant 0 : i32
        %dma_start3A_331 = arith.constant 0 : i32
        %dma_start3A_332 = tpu.memref_slice %arg17[%dma_start3A_330, %dma_start3A_331] : memref<10016x32xf32, #tpu.memory_space<vmem_shared>> -> memref<10016x32xf32, #tpu.memory_space<vmem_shared>>
        tpu.enqueue_indirect_dma source(%dma_start3A_332 : memref<10016x32xf32, #tpu.memory_space<vmem_shared>>) target(%arg10 : memref<128x32xf32, #tpu.memory_space<vmem>>) offsets(%dma_start3A_329 : memref<128xi32, #tpu.memory_space<vmem>>) semaphore(%arg21 : memref<!tpu.dma_semaphore, #tpu.memory_space<semaphore_mem>>)
      } else {
      }
      %add3A_275 = arith.constant 3 : i32
      %add3A_276 = arith.addi %add3A_138, %add3A_275 : i32
      %add3A_277 = arith.constant 8 : i32
      %add3A_278 = arith.addi %add3A_276, %add3A_277 : i32
      %lt3A_279 = arith.constant 80 : i32
      %lt3A_280 = arith.cmpi slt, %add3A_278, %lt3A_279 : i32
      %convert_element_type3A_281 = arith.extui %lt3A_280 : i1 to i32
      %cond3A_282 = arith.constant 0 : i32
      %cond3A_283 = arith.cmpi ne, %convert_element_type3A_281, %cond3A_282 : i32
      scf.if %cond3A_283 {
        %dma_wait3A_320 = arith.constant 0 : i32
        %dma_wait3A_321 = arith.constant 0 : i32
        %dma_wait3A_322 = tpu.memref_slice %arg7[%dma_wait3A_320, %dma_wait3A_321] : memref<80x128xi32, #tpu.memory_space<vmem>> -> memref<1x128xi32, #tpu.memory_space<vmem>>
        %dma_wait3A_323 = tpu.memref_squeeze %dma_wait3A_322 : memref<1x128xi32, #tpu.memory_space<vmem>> -> memref<128xi32, #tpu.memory_space<vmem>>
        %dma_wait3A_324 = arith.constant 0 : i32
        %dma_wait3A_325 = arith.constant 0 : i32
        %dma_wait3A_326 = tpu.memref_slice %arg18[%dma_wait3A_324, %dma_wait3A_325] : memref<10016x32xf32, #tpu.memory_space<vmem_shared>> -> memref<10016x32xf32, #tpu.memory_space<vmem_shared>>
        tpu.wait_indirect_dma semaphore(%arg30 : memref<!tpu.dma_semaphore, #tpu.memory_space<semaphore_mem>>) src(%arg11 : memref<128x32xf32, #tpu.memory_space<vmem>>) dst(%dma_wait3A_326 : memref<10016x32xf32, #tpu.memory_space<vmem_shared>>)
        %dma_start3A_327 = arith.constant 0 : i32
        %dma_start3A_328 = tpu.memref_slice %arg6[%add3A_278, %dma_start3A_327] : memref<80x128xi32, #tpu.memory_space<vmem>> -> memref<1x128xi32, #tpu.memory_space<vmem>>
        %dma_start3A_329 = tpu.memref_squeeze %dma_start3A_328 : memref<1x128xi32, #tpu.memory_space<vmem>> -> memref<128xi32, #tpu.memory_space<vmem>>
        %dma_start3A_330 = arith.constant 0 : i32
        %dma_start3A_331 = arith.constant 0 : i32
        %dma_start3A_332 = tpu.memref_slice %arg17[%dma_start3A_330, %dma_start3A_331] : memref<10016x32xf32, #tpu.memory_space<vmem_shared>> -> memref<10016x32xf32, #tpu.memory_space<vmem_shared>>
        tpu.enqueue_indirect_dma source(%dma_start3A_332 : memref<10016x32xf32, #tpu.memory_space<vmem_shared>>) target(%arg11 : memref<128x32xf32, #tpu.memory_space<vmem>>) offsets(%dma_start3A_329 : memref<128xi32, #tpu.memory_space<vmem>>) semaphore(%arg22 : memref<!tpu.dma_semaphore, #tpu.memory_space<semaphore_mem>>)
      } else {
      }
      %add3A_284 = arith.constant 4 : i32
      %add3A_285 = arith.addi %add3A_138, %add3A_284 : i32
      %add3A_286 = arith.constant 8 : i32
      %add3A_287 = arith.addi %add3A_285, %add3A_286 : i32
      %lt3A_288 = arith.constant 80 : i32
      %lt3A_289 = arith.cmpi slt, %add3A_287, %lt3A_288 : i32
      %convert_element_type3A_290 = arith.extui %lt3A_289 : i1 to i32
      %cond3A_291 = arith.constant 0 : i32
      %cond3A_292 = arith.cmpi ne, %convert_element_type3A_290, %cond3A_291 : i32
      scf.if %cond3A_292 {
        %dma_wait3A_320 = arith.constant 0 : i32
        %dma_wait3A_321 = arith.constant 0 : i32
        %dma_wait3A_322 = tpu.memref_slice %arg7[%dma_wait3A_320, %dma_wait3A_321] : memref<80x128xi32, #tpu.memory_space<vmem>> -> memref<1x128xi32, #tpu.memory_space<vmem>>
        %dma_wait3A_323 = tpu.memref_squeeze %dma_wait3A_322 : memref<1x128xi32, #tpu.memory_space<vmem>> -> memref<128xi32, #tpu.memory_space<vmem>>
        %dma_wait3A_324 = arith.constant 0 : i32
        %dma_wait3A_325 = arith.constant 0 : i32
        %dma_wait3A_326 = tpu.memref_slice %arg18[%dma_wait3A_324, %dma_wait3A_325] : memref<10016x32xf32, #tpu.memory_space<vmem_shared>> -> memref<10016x32xf32, #tpu.memory_space<vmem_shared>>
        tpu.wait_indirect_dma semaphore(%arg31 : memref<!tpu.dma_semaphore, #tpu.memory_space<semaphore_mem>>) src(%arg12 : memref<128x32xf32, #tpu.memory_space<vmem>>) dst(%dma_wait3A_326 : memref<10016x32xf32, #tpu.memory_space<vmem_shared>>)
        %dma_start3A_327 = arith.constant 0 : i32
        %dma_start3A_328 = tpu.memref_slice %arg6[%add3A_287, %dma_start3A_327] : memref<80x128xi32, #tpu.memory_space<vmem>> -> memref<1x128xi32, #tpu.memory_space<vmem>>
        %dma_start3A_329 = tpu.memref_squeeze %dma_start3A_328 : memref<1x128xi32, #tpu.memory_space<vmem>> -> memref<128xi32, #tpu.memory_space<vmem>>
        %dma_start3A_330 = arith.constant 0 : i32
        %dma_start3A_331 = arith.constant 0 : i32
        %dma_start3A_332 = tpu.memref_slice %arg17[%dma_start3A_330, %dma_start3A_331] : memref<10016x32xf32, #tpu.memory_space<vmem_shared>> -> memref<10016x32xf32, #tpu.memory_space<vmem_shared>>
        tpu.enqueue_indirect_dma source(%dma_start3A_332 : memref<10016x32xf32, #tpu.memory_space<vmem_shared>>) target(%arg12 : memref<128x32xf32, #tpu.memory_space<vmem>>) offsets(%dma_start3A_329 : memref<128xi32, #tpu.memory_space<vmem>>) semaphore(%arg23 : memref<!tpu.dma_semaphore, #tpu.memory_space<semaphore_mem>>)
      } else {
      }
      %add3A_293 = arith.constant 5 : i32
      %add3A_294 = arith.addi %add3A_138, %add3A_293 : i32
      %add3A_295 = arith.constant 8 : i32
      %add3A_296 = arith.addi %add3A_294, %add3A_295 : i32
      %lt3A_297 = arith.constant 80 : i32
      %lt3A_298 = arith.cmpi slt, %add3A_296, %lt3A_297 : i32
      %convert_element_type3A_299 = arith.extui %lt3A_298 : i1 to i32
      %cond3A_300 = arith.constant 0 : i32
      %cond3A_301 = arith.cmpi ne, %convert_element_type3A_299, %cond3A_300 : i32
      scf.if %cond3A_301 {
        %dma_wait3A_320 = arith.constant 0 : i32
        %dma_wait3A_321 = arith.constant 0 : i32
        %dma_wait3A_322 = tpu.memref_slice %arg7[%dma_wait3A_320, %dma_wait3A_321] : memref<80x128xi32, #tpu.memory_space<vmem>> -> memref<1x128xi32, #tpu.memory_space<vmem>>
        %dma_wait3A_323 = tpu.memref_squeeze %dma_wait3A_322 : memref<1x128xi32, #tpu.memory_space<vmem>> -> memref<128xi32, #tpu.memory_space<vmem>>
        %dma_wait3A_324 = arith.constant 0 : i32
        %dma_wait3A_325 = arith.constant 0 : i32
        %dma_wait3A_326 = tpu.memref_slice %arg18[%dma_wait3A_324, %dma_wait3A_325] : memref<10016x32xf32, #tpu.memory_space<vmem_shared>> -> memref<10016x32xf32, #tpu.memory_space<vmem_shared>>
        tpu.wait_indirect_dma semaphore(%arg32 : memref<!tpu.dma_semaphore, #tpu.memory_space<semaphore_mem>>) src(%arg13 : memref<128x32xf32, #tpu.memory_space<vmem>>) dst(%dma_wait3A_326 : memref<10016x32xf32, #tpu.memory_space<vmem_shared>>)
        %dma_start3A_327 = arith.constant 0 : i32
        %dma_start3A_328 = tpu.memref_slice %arg6[%add3A_296, %dma_start3A_327] : memref<80x128xi32, #tpu.memory_space<vmem>> -> memref<1x128xi32, #tpu.memory_space<vmem>>
        %dma_start3A_329 = tpu.memref_squeeze %dma_start3A_328 : memref<1x128xi32, #tpu.memory_space<vmem>> -> memref<128xi32, #tpu.memory_space<vmem>>
        %dma_start3A_330 = arith.constant 0 : i32
        %dma_start3A_331 = arith.constant 0 : i32
        %dma_start3A_332 = tpu.memref_slice %arg17[%dma_start3A_330, %dma_start3A_331] : memref<10016x32xf32, #tpu.memory_space<vmem_shared>> -> memref<10016x32xf32, #tpu.memory_space<vmem_shared>>
        tpu.enqueue_indirect_dma source(%dma_start3A_332 : memref<10016x32xf32, #tpu.memory_space<vmem_shared>>) target(%arg13 : memref<128x32xf32, #tpu.memory_space<vmem>>) offsets(%dma_start3A_329 : memref<128xi32, #tpu.memory_space<vmem>>) semaphore(%arg24 : memref<!tpu.dma_semaphore, #tpu.memory_space<semaphore_mem>>)
      } else {
      }
      %add3A_302 = arith.constant 6 : i32
      %add3A_303 = arith.addi %add3A_138, %add3A_302 : i32
      %add3A_304 = arith.constant 8 : i32
      %add3A_305 = arith.addi %add3A_303, %add3A_304 : i32
      %lt3A_306 = arith.constant 80 : i32
      %lt3A_307 = arith.cmpi slt, %add3A_305, %lt3A_306 : i32
      %convert_element_type3A_308 = arith.extui %lt3A_307 : i1 to i32
      %cond3A_309 = arith.constant 0 : i32
      %cond3A_310 = arith.cmpi ne, %convert_element_type3A_308, %cond3A_309 : i32
      scf.if %cond3A_310 {
        %dma_wait3A_320 = arith.constant 0 : i32
        %dma_wait3A_321 = arith.constant 0 : i32
        %dma_wait3A_322 = tpu.memref_slice %arg7[%dma_wait3A_320, %dma_wait3A_321] : memref<80x128xi32, #tpu.memory_space<vmem>> -> memref<1x128xi32, #tpu.memory_space<vmem>>
        %dma_wait3A_323 = tpu.memref_squeeze %dma_wait3A_322 : memref<1x128xi32, #tpu.memory_space<vmem>> -> memref<128xi32, #tpu.memory_space<vmem>>
        %dma_wait3A_324 = arith.constant 0 : i32
        %dma_wait3A_325 = arith.constant 0 : i32
        %dma_wait3A_326 = tpu.memref_slice %arg18[%dma_wait3A_324, %dma_wait3A_325] : memref<10016x32xf32, #tpu.memory_space<vmem_shared>> -> memref<10016x32xf32, #tpu.memory_space<vmem_shared>>
        tpu.wait_indirect_dma semaphore(%arg33 : memref<!tpu.dma_semaphore, #tpu.memory_space<semaphore_mem>>) src(%arg14 : memref<128x32xf32, #tpu.memory_space<vmem>>) dst(%dma_wait3A_326 : memref<10016x32xf32, #tpu.memory_space<vmem_shared>>)
        %dma_start3A_327 = arith.constant 0 : i32
        %dma_start3A_328 = tpu.memref_slice %arg6[%add3A_305, %dma_start3A_327] : memref<80x128xi32, #tpu.memory_space<vmem>> -> memref<1x128xi32, #tpu.memory_space<vmem>>
        %dma_start3A_329 = tpu.memref_squeeze %dma_start3A_328 : memref<1x128xi32, #tpu.memory_space<vmem>> -> memref<128xi32, #tpu.memory_space<vmem>>
        %dma_start3A_330 = arith.constant 0 : i32
        %dma_start3A_331 = arith.constant 0 : i32
        %dma_start3A_332 = tpu.memref_slice %arg17[%dma_start3A_330, %dma_start3A_331] : memref<10016x32xf32, #tpu.memory_space<vmem_shared>> -> memref<10016x32xf32, #tpu.memory_space<vmem_shared>>
        tpu.enqueue_indirect_dma source(%dma_start3A_332 : memref<10016x32xf32, #tpu.memory_space<vmem_shared>>) target(%arg14 : memref<128x32xf32, #tpu.memory_space<vmem>>) offsets(%dma_start3A_329 : memref<128xi32, #tpu.memory_space<vmem>>) semaphore(%arg25 : memref<!tpu.dma_semaphore, #tpu.memory_space<semaphore_mem>>)
      } else {
      }
      %add3A_311 = arith.constant 7 : i32
      %add3A_312 = arith.addi %add3A_138, %add3A_311 : i32
      %add3A_313 = arith.constant 8 : i32
      %add3A_314 = arith.addi %add3A_312, %add3A_313 : i32
      %lt3A_315 = arith.constant 80 : i32
      %lt3A_316 = arith.cmpi slt, %add3A_314, %lt3A_315 : i32
      %convert_element_type3A_317 = arith.extui %lt3A_316 : i1 to i32
      %cond3A_318 = arith.constant 0 : i32
      %cond3A_319 = arith.cmpi ne, %convert_element_type3A_317, %cond3A_318 : i32
      scf.if %cond3A_319 {
        %dma_wait3A_320 = arith.constant 0 : i32
        %dma_wait3A_321 = arith.constant 0 : i32
        %dma_wait3A_322 = tpu.memref_slice %arg7[%dma_wait3A_320, %dma_wait3A_321] : memref<80x128xi32, #tpu.memory_space<vmem>> -> memref<1x128xi32, #tpu.memory_space<vmem>>
        %dma_wait3A_323 = tpu.memref_squeeze %dma_wait3A_322 : memref<1x128xi32, #tpu.memory_space<vmem>> -> memref<128xi32, #tpu.memory_space<vmem>>
        %dma_wait3A_324 = arith.constant 0 : i32
        %dma_wait3A_325 = arith.constant 0 : i32
        %dma_wait3A_326 = tpu.memref_slice %arg18[%dma_wait3A_324, %dma_wait3A_325] : memref<10016x32xf32, #tpu.memory_space<vmem_shared>> -> memref<10016x32xf32, #tpu.memory_space<vmem_shared>>
        tpu.wait_indirect_dma semaphore(%arg34 : memref<!tpu.dma_semaphore, #tpu.memory_space<semaphore_mem>>) src(%arg15 : memref<128x32xf32, #tpu.memory_space<vmem>>) dst(%dma_wait3A_326 : memref<10016x32xf32, #tpu.memory_space<vmem_shared>>)
        %dma_start3A_327 = arith.constant 0 : i32
        %dma_start3A_328 = tpu.memref_slice %arg6[%add3A_314, %dma_start3A_327] : memref<80x128xi32, #tpu.memory_space<vmem>> -> memref<1x128xi32, #tpu.memory_space<vmem>>
        %dma_start3A_329 = tpu.memref_squeeze %dma_start3A_328 : memref<1x128xi32, #tpu.memory_space<vmem>> -> memref<128xi32, #tpu.memory_space<vmem>>
        %dma_start3A_330 = arith.constant 0 : i32
        %dma_start3A_331 = arith.constant 0 : i32
        %dma_start3A_332 = tpu.memref_slice %arg17[%dma_start3A_330, %dma_start3A_331] : memref<10016x32xf32, #tpu.memory_space<vmem_shared>> -> memref<10016x32xf32, #tpu.memory_space<vmem_shared>>
        tpu.enqueue_indirect_dma source(%dma_start3A_332 : memref<10016x32xf32, #tpu.memory_space<vmem_shared>>) target(%arg15 : memref<128x32xf32, #tpu.memory_space<vmem>>) offsets(%dma_start3A_329 : memref<128xi32, #tpu.memory_space<vmem>>) semaphore(%arg26 : memref<!tpu.dma_semaphore, #tpu.memory_space<semaphore_mem>>)
      } else {
      }
    }
    %scan3A_77 = arith.constant 10 : i32
    %dma_wait3A = arith.constant 0 : i32
    %dma_wait3A_78 = arith.constant 0 : i32
    %dma_wait3A_79 = tpu.memref_slice %arg7[%dma_wait3A, %dma_wait3A_78] : memref<80x128xi32, #tpu.memory_space<vmem>> -> memref<1x128xi32, #tpu.memory_space<vmem>>
    %dma_wait3A_80 = tpu.memref_squeeze %dma_wait3A_79 : memref<1x128xi32, #tpu.memory_space<vmem>> -> memref<128xi32, #tpu.memory_space<vmem>>
    %dma_wait3A_81 = arith.constant 0 : i32
    %dma_wait3A_82 = arith.constant 0 : i32
    %dma_wait3A_83 = tpu.memref_slice %arg18[%dma_wait3A_81, %dma_wait3A_82] : memref<10016x32xf32, #tpu.memory_space<vmem_shared>> -> memref<10016x32xf32, #tpu.memory_space<vmem_shared>>
    tpu.wait_indirect_dma semaphore(%arg27 : memref<!tpu.dma_semaphore, #tpu.memory_space<semaphore_mem>>) src(%arg8 : memref<128x32xf32, #tpu.memory_space<vmem>>) dst(%dma_wait3A_83 : memref<10016x32xf32, #tpu.memory_space<vmem_shared>>)
    %dma_wait3A_84 = arith.constant 0 : i32
    %dma_wait3A_85 = arith.constant 0 : i32
    %dma_wait3A_86 = tpu.memref_slice %arg7[%dma_wait3A_84, %dma_wait3A_85] : memref<80x128xi32, #tpu.memory_space<vmem>> -> memref<1x128xi32, #tpu.memory_space<vmem>>
    %dma_wait3A_87 = tpu.memref_squeeze %dma_wait3A_86 : memref<1x128xi32, #tpu.memory_space<vmem>> -> memref<128xi32, #tpu.memory_space<vmem>>
    %dma_wait3A_88 = arith.constant 0 : i32
    %dma_wait3A_89 = arith.constant 0 : i32
    %dma_wait3A_90 = tpu.memref_slice %arg18[%dma_wait3A_88, %dma_wait3A_89] : memref<10016x32xf32, #tpu.memory_space<vmem_shared>> -> memref<10016x32xf32, #tpu.memory_space<vmem_shared>>
    tpu.wait_indirect_dma semaphore(%arg28 : memref<!tpu.dma_semaphore, #tpu.memory_space<semaphore_mem>>) src(%arg9 : memref<128x32xf32, #tpu.memory_space<vmem>>) dst(%dma_wait3A_90 : memref<10016x32xf32, #tpu.memory_space<vmem_shared>>)
    %dma_wait3A_91 = arith.constant 0 : i32
    %dma_wait3A_92 = arith.constant 0 : i32
    %dma_wait3A_93 = tpu.memref_slice %arg7[%dma_wait3A_91, %dma_wait3A_92] : memref<80x128xi32, #tpu.memory_space<vmem>> -> memref<1x128xi32, #tpu.memory_space<vmem>>
    %dma_wait3A_94 = tpu.memref_squeeze %dma_wait3A_93 : memref<1x128xi32, #tpu.memory_space<vmem>> -> memref<128xi32, #tpu.memory_space<vmem>>
    %dma_wait3A_95 = arith.constant 0 : i32
    %dma_wait3A_96 = arith.constant 0 : i32
    %dma_wait3A_97 = tpu.memref_slice %arg18[%dma_wait3A_95, %dma_wait3A_96] : memref<10016x32xf32, #tpu.memory_space<vmem_shared>> -> memref<10016x32xf32, #tpu.memory_space<vmem_shared>>
    tpu.wait_indirect_dma semaphore(%arg29 : memref<!tpu.dma_semaphore, #tpu.memory_space<semaphore_mem>>) src(%arg10 : memref<128x32xf32, #tpu.memory_space<vmem>>) dst(%dma_wait3A_97 : memref<10016x32xf32, #tpu.memory_space<vmem_shared>>)
    %dma_wait3A_98 = arith.constant 0 : i32
    %dma_wait3A_99 = arith.constant 0 : i32
    %dma_wait3A_100 = tpu.memref_slice %arg7[%dma_wait3A_98, %dma_wait3A_99] : memref<80x128xi32, #tpu.memory_space<vmem>> -> memref<1x128xi32, #tpu.memory_space<vmem>>
    %dma_wait3A_101 = tpu.memref_squeeze %dma_wait3A_100 : memref<1x128xi32, #tpu.memory_space<vmem>> -> memref<128xi32, #tpu.memory_space<vmem>>
    %dma_wait3A_102 = arith.constant 0 : i32
    %dma_wait3A_103 = arith.constant 0 : i32
    %dma_wait3A_104 = tpu.memref_slice %arg18[%dma_wait3A_102, %dma_wait3A_103] : memref<10016x32xf32, #tpu.memory_space<vmem_shared>> -> memref<10016x32xf32, #tpu.memory_space<vmem_shared>>
    tpu.wait_indirect_dma semaphore(%arg30 : memref<!tpu.dma_semaphore, #tpu.memory_space<semaphore_mem>>) src(%arg11 : memref<128x32xf32, #tpu.memory_space<vmem>>) dst(%dma_wait3A_104 : memref<10016x32xf32, #tpu.memory_space<vmem_shared>>)
    %dma_wait3A_105 = arith.constant 0 : i32
    %dma_wait3A_106 = arith.constant 0 : i32
    %dma_wait3A_107 = tpu.memref_slice %arg7[%dma_wait3A_105, %dma_wait3A_106] : memref<80x128xi32, #tpu.memory_space<vmem>> -> memref<1x128xi32, #tpu.memory_space<vmem>>
    %dma_wait3A_108 = tpu.memref_squeeze %dma_wait3A_107 : memref<1x128xi32, #tpu.memory_space<vmem>> -> memref<128xi32, #tpu.memory_space<vmem>>
    %dma_wait3A_109 = arith.constant 0 : i32
    %dma_wait3A_110 = arith.constant 0 : i32
    %dma_wait3A_111 = tpu.memref_slice %arg18[%dma_wait3A_109, %dma_wait3A_110] : memref<10016x32xf32, #tpu.memory_space<vmem_shared>> -> memref<10016x32xf32, #tpu.memory_space<vmem_shared>>
    tpu.wait_indirect_dma semaphore(%arg31 : memref<!tpu.dma_semaphore, #tpu.memory_space<semaphore_mem>>) src(%arg12 : memref<128x32xf32, #tpu.memory_space<vmem>>) dst(%dma_wait3A_111 : memref<10016x32xf32, #tpu.memory_space<vmem_shared>>)
    %dma_wait3A_112 = arith.constant 0 : i32
    %dma_wait3A_113 = arith.constant 0 : i32
    %dma_wait3A_114 = tpu.memref_slice %arg7[%dma_wait3A_112, %dma_wait3A_113] : memref<80x128xi32, #tpu.memory_space<vmem>> -> memref<1x128xi32, #tpu.memory_space<vmem>>
    %dma_wait3A_115 = tpu.memref_squeeze %dma_wait3A_114 : memref<1x128xi32, #tpu.memory_space<vmem>> -> memref<128xi32, #tpu.memory_space<vmem>>
    %dma_wait3A_116 = arith.constant 0 : i32
    %dma_wait3A_117 = arith.constant 0 : i32
    %dma_wait3A_118 = tpu.memref_slice %arg18[%dma_wait3A_116, %dma_wait3A_117] : memref<10016x32xf32, #tpu.memory_space<vmem_shared>> -> memref<10016x32xf32, #tpu.memory_space<vmem_shared>>
    tpu.wait_indirect_dma semaphore(%arg32 : memref<!tpu.dma_semaphore, #tpu.memory_space<semaphore_mem>>) src(%arg13 : memref<128x32xf32, #tpu.memory_space<vmem>>) dst(%dma_wait3A_118 : memref<10016x32xf32, #tpu.memory_space<vmem_shared>>)
    %dma_wait3A_119 = arith.constant 0 : i32
    %dma_wait3A_120 = arith.constant 0 : i32
    %dma_wait3A_121 = tpu.memref_slice %arg7[%dma_wait3A_119, %dma_wait3A_120] : memref<80x128xi32, #tpu.memory_space<vmem>> -> memref<1x128xi32, #tpu.memory_space<vmem>>
    %dma_wait3A_122 = tpu.memref_squeeze %dma_wait3A_121 : memref<1x128xi32, #tpu.memory_space<vmem>> -> memref<128xi32, #tpu.memory_space<vmem>>
    %dma_wait3A_123 = arith.constant 0 : i32
    %dma_wait3A_124 = arith.constant 0 : i32
    %dma_wait3A_125 = tpu.memref_slice %arg18[%dma_wait3A_123, %dma_wait3A_124] : memref<10016x32xf32, #tpu.memory_space<vmem_shared>> -> memref<10016x32xf32, #tpu.memory_space<vmem_shared>>
    tpu.wait_indirect_dma semaphore(%arg33 : memref<!tpu.dma_semaphore, #tpu.memory_space<semaphore_mem>>) src(%arg14 : memref<128x32xf32, #tpu.memory_space<vmem>>) dst(%dma_wait3A_125 : memref<10016x32xf32, #tpu.memory_space<vmem_shared>>)
    %dma_wait3A_126 = arith.constant 0 : i32
    %dma_wait3A_127 = arith.constant 0 : i32
    %dma_wait3A_128 = tpu.memref_slice %arg7[%dma_wait3A_126, %dma_wait3A_127] : memref<80x128xi32, #tpu.memory_space<vmem>> -> memref<1x128xi32, #tpu.memory_space<vmem>>
    %dma_wait3A_129 = tpu.memref_squeeze %dma_wait3A_128 : memref<1x128xi32, #tpu.memory_space<vmem>> -> memref<128xi32, #tpu.memory_space<vmem>>
    %dma_wait3A_130 = arith.constant 0 : i32
    %dma_wait3A_131 = arith.constant 0 : i32
    %dma_wait3A_132 = tpu.memref_slice %arg18[%dma_wait3A_130, %dma_wait3A_131] : memref<10016x32xf32, #tpu.memory_space<vmem_shared>> -> memref<10016x32xf32, #tpu.memory_space<vmem_shared>>
    tpu.wait_indirect_dma semaphore(%arg34 : memref<!tpu.dma_semaphore, #tpu.memory_space<semaphore_mem>>) src(%arg15 : memref<128x32xf32, #tpu.memory_space<vmem>>) dst(%dma_wait3A_132 : memref<10016x32xf32, #tpu.memory_space<vmem_shared>>)
    %barrier3A_133 = arith.constant 0 : index
    tpu.barrier barrier_id(%barrier3A_133)
    "tpu.region"() ({
      %run_scoped3A = tpu.sem_alloc : memref<!tpu.dma_semaphore, #tpu.memory_space<semaphore_mem>>
      %dma_start3A_134 = arith.constant 0 : i32
      %dma_start3A_135 = tpu.memref_slice %arg5[%arg0, %mul3A_2, %dma_start3A_134] : memref<2x10016x32xf32, #tpu.memory_space<hbm>> -> memref<1x626x32xf32, #tpu.memory_space<hbm>>
      %dma_start3A_136 = tpu.memref_squeeze %dma_start3A_135 : memref<1x626x32xf32, #tpu.memory_space<hbm>> -> memref<626x32xf32, #tpu.memory_space<hbm>>
      %dma_start3A_137 = arith.constant 0 : i32
      %dma_start3A_138 = tpu.memref_slice %arg18[%mul3A_2, %dma_start3A_137] : memref<10016x32xf32, #tpu.memory_space<vmem_shared>> -> memref<626x32xf32, #tpu.memory_space<vmem_shared>>
      tpu.enqueue_dma source(%dma_start3A_138 : memref<626x32xf32, #tpu.memory_space<vmem_shared>>) target(%dma_start3A_136 : memref<626x32xf32, #tpu.memory_space<hbm>>) target_semaphore(%run_scoped3A : memref<!tpu.dma_semaphore, #tpu.memory_space<semaphore_mem>>)
      %dma_wait3A_139 = arith.constant 0 : i32
      %dma_wait3A_140 = tpu.memref_slice %arg5[%arg0, %mul3A_2, %dma_wait3A_139] : memref<2x10016x32xf32, #tpu.memory_space<hbm>> -> memref<1x626x32xf32, #tpu.memory_space<hbm>>
      %dma_wait3A_141 = tpu.memref_squeeze %dma_wait3A_140 : memref<1x626x32xf32, #tpu.memory_space<hbm>> -> memref<626x32xf32, #tpu.memory_space<hbm>>
      %dma_wait3A_142 = arith.constant 0 : i32
      %dma_wait3A_143 = tpu.memref_slice %arg18[%mul3A_2, %dma_wait3A_142] : memref<10016x32xf32, #tpu.memory_space<vmem_shared>> -> memref<626x32xf32, #tpu.memory_space<vmem_shared>>
      tpu.wait_dma2 semaphore(%run_scoped3A : memref<!tpu.dma_semaphore, #tpu.memory_space<semaphore_mem>>) src(%dma_wait3A_143 : memref<626x32xf32, #tpu.memory_space<vmem_shared>>) dst(%dma_wait3A_141 : memref<626x32xf32, #tpu.memory_space<hbm>>)
      tpu.yield
    }) : () -> ()
    return
  }
}

#map = affine_map<(d0, d1) -> (0, 0)>
#map1 = affine_map<(d0, d1) -> (0, 0, 0)>
module attributes {stable_mosaic.version = 14 : i64} {
  func.func @_prop(%arg0: i32, %arg1: i32, %arg2: memref<10016x32xf32, #tpu.memory_space<hbm>>, %arg3: memref<32x80x128xi32, #tpu.memory_space<hbm>>, %arg4: memref<32x80x128xi32, #tpu.memory_space<hbm>>, %arg5: memref<2x10016x32xf32, #tpu.memory_space<hbm>>, %arg6: memref<80x128xi32, #tpu.memory_space<vmem>>, %arg7: memref<80x128xi32, #tpu.memory_space<vmem>>, %arg8: memref<128x32xf32, #tpu.memory_space<vmem>>, %arg9: memref<128x32xf32, #tpu.memory_space<vmem>>, %arg10: memref<128x32xf32, #tpu.memory_space<vmem>>, %arg11: memref<128x32xf32, #tpu.memory_space<vmem>>, %arg12: memref<128x32xf32, #tpu.memory_space<vmem>>, %arg13: memref<128x32xf32, #tpu.memory_space<vmem>>, %arg14: memref<128x32xf32, #tpu.memory_space<vmem>>, %arg15: memref<128x32xf32, #tpu.memory_space<vmem>>, %arg16: memref<128x32xf32, #tpu.memory_space<vmem>>, %arg17: memref<10016x32xf32, #tpu.memory_space<vmem_shared>>, %arg18: memref<10016x32xf32, #tpu.memory_space<vmem_shared>>, %arg19: memref<!tpu.dma_semaphore, #tpu.memory_space<semaphore_mem>>, %arg20: memref<!tpu.dma_semaphore, #tpu.memory_space<semaphore_mem>>, %arg21: memref<!tpu.dma_semaphore, #tpu.memory_space<semaphore_mem>>, %arg22: memref<!tpu.dma_semaphore, #tpu.memory_space<semaphore_mem>>, %arg23: memref<!tpu.dma_semaphore, #tpu.memory_space<semaphore_mem>>, %arg24: memref<!tpu.dma_semaphore, #tpu.memory_space<semaphore_mem>>, %arg25: memref<!tpu.dma_semaphore, #tpu.memory_space<semaphore_mem>>, %arg26: memref<!tpu.dma_semaphore, #tpu.memory_space<semaphore_mem>>, %arg27: memref<!tpu.dma_semaphore, #tpu.memory_space<semaphore_mem>>, %arg28: memref<!tpu.dma_semaphore, #tpu.memory_space<semaphore_mem>>, %arg29: memref<!tpu.dma_semaphore, #tpu.memory_space<semaphore_mem>>, %arg30: memref<!tpu.dma_semaphore, #tpu.memory_space<semaphore_mem>>, %arg31: memref<!tpu.dma_semaphore, #tpu.memory_space<semaphore_mem>>, %arg32: memref<!tpu.dma_semaphore, #tpu.memory_space<semaphore_mem>>, %arg33: memref<!tpu.dma_semaphore, #tpu.memory_space<semaphore_mem>>, %arg34: memref<!tpu.dma_semaphore, #tpu.memory_space<semaphore_mem>>) attributes {dimension_semantics = [#tpu.dimension_semantics<core_parallel>, #tpu.dimension_semantics<subcore_parallel>], iteration_bounds = array<i64: 2, 16>, scalar_prefetch = 0 : i64, scratch_operands = 29 : i64, tpu.core_type = #tpu.core_type<sc_vector_subcore>, window_params = [{transform_indices = #map}, {transform_indices = #map1}, {transform_indices = #map1}, {transform_indices = #map1}]} {
    %mul3A = arith.constant 16 : i32
    %mul3A_0 = arith.muli %arg0, %mul3A : i32
    %add3A = arith.addi %mul3A_0, %arg1 : i32
    %mul3A_1 = arith.constant 626 : i32
    %mul3A_2 = arith.muli %arg1, %mul3A_1 : i32
    "tpu.region"() ({
      %run_scoped3A = tpu.sem_alloc : memref<!tpu.dma_semaphore, #tpu.memory_space<semaphore_mem>>
      %dma_start3A_134 = arith.constant 0 : i32
      %dma_start3A_135 = tpu.memref_slice %arg17[%mul3A_2, %dma_start3A_134] : memref<10016x32xf32, #tpu.memory_space<vmem_shared>> -> memref<626x32xf32, #tpu.memory_space<vmem_shared>>
      %dma_start3A_136 = arith.constant 0 : i32
      %dma_start3A_137 = tpu.memref_slice %arg2[%mul3A_2, %dma_start3A_136] : memref<10016x32xf32, #tpu.memory_space<hbm>> -> memref<626x32xf32, #tpu.memory_space<hbm>>
      tpu.enqueue_dma source(%dma_start3A_137 : memref<626x32xf32, #tpu.memory_space<hbm>>) target(%dma_start3A_135 : memref<626x32xf32, #tpu.memory_space<vmem_shared>>) target_semaphore(%run_scoped3A : memref<!tpu.dma_semaphore, #tpu.memory_space<semaphore_mem>>)
      %dma_wait3A_138 = arith.constant 0 : i32
      %dma_wait3A_139 = tpu.memref_slice %arg17[%mul3A_2, %dma_wait3A_138] : memref<10016x32xf32, #tpu.memory_space<vmem_shared>> -> memref<626x32xf32, #tpu.memory_space<vmem_shared>>
      %dma_wait3A_140 = arith.constant 0 : i32
      %dma_wait3A_141 = tpu.memref_slice %arg2[%mul3A_2, %dma_wait3A_140] : memref<10016x32xf32, #tpu.memory_space<hbm>> -> memref<626x32xf32, #tpu.memory_space<hbm>>
      tpu.wait_dma2 semaphore(%run_scoped3A : memref<!tpu.dma_semaphore, #tpu.memory_space<semaphore_mem>>) src(%dma_wait3A_141 : memref<626x32xf32, #tpu.memory_space<hbm>>) dst(%dma_wait3A_139 : memref<626x32xf32, #tpu.memory_space<vmem_shared>>)
      tpu.yield
    }) : () -> ()
    %broadcast_in_dim3A = arith.constant 0.000000e+00 : f32
    %broadcast_in_dim3A_3 = vector.broadcast %broadcast_in_dim3A : f32 to vector<16xf32>
    %scan3A = arith.constant 0 : i32
    %scan3A_4 = arith.constant 128 : i32
    %scan3A_5 = arith.addi %scan3A, %scan3A_4 : i32
    %scan3A_6 = arith.constant 1 : i32
    scf.for %scan3A_134 = %scan3A to %scan3A_5 step %scan3A_6  : i32 {
      %mul3A_135 = arith.constant 1 : i32
      %mul3A_136 = arith.muli %scan3A_134, %mul3A_135 : i32
      %add3A_137 = arith.constant 0 : i32
      %add3A_138 = arith.addi %add3A_137, %mul3A_136 : i32
      %swap3A = arith.index_cast %add3A_138 : i32 to index
      %swap3A_139 = arith.constant 0 : index
      %swap3A_140 = tpu.vector_load %arg16[%swap3A, %swap3A_139] {strides = array<i32>} : memref<128x32xf32, #tpu.memory_space<vmem>>, vector<1x16xf32>,
      %swap3A_141 = vector.shape_cast %swap3A_140 : vector<1x16xf32> to vector<16xf32>
      %swap3A_142 = vector.shape_cast %broadcast_in_dim3A_3 : vector<16xf32> to vector<1x16xf32>
      tpu.vector_store %arg16[%swap3A, %swap3A_139], %swap3A_142 {strides = array<i32>} : memref<128x32xf32, #tpu.memory_space<vmem>>, vector<1x16xf32>,
      %swap3A_143 = arith.index_cast %add3A_138 : i32 to index
      %swap3A_144 = arith.constant 16 : index
      %swap3A_145 = tpu.vector_load %arg16[%swap3A_143, %swap3A_144] {strides = array<i32>} : memref<128x32xf32, #tpu.memory_space<vmem>>, vector<1x16xf32>,
      %swap3A_146 = vector.shape_cast %swap3A_145 : vector<1x16xf32> to vector<16xf32>
      %swap3A_147 = vector.shape_cast %broadcast_in_dim3A_3 : vector<16xf32> to vector<1x16xf32>
      tpu.vector_store %arg16[%swap3A_143, %swap3A_144], %swap3A_147 {strides = array<i32>} : memref<128x32xf32, #tpu.memory_space<vmem>>, vector<1x16xf32>,
    }
    %scan3A_7 = arith.constant 128 : i32
    %add3A_8 = arith.constant 0 : i32
    %add3A_9 = arith.addi %mul3A_2, %add3A_8 : i32
    "tpu.region"() ({
      %run_scoped3A = tpu.sem_alloc : memref<!tpu.dma_semaphore, #tpu.memory_space<semaphore_mem>>
      %dma_start3A_134 = arith.constant 0 : i32
      %dma_start3A_135 = arith.constant 0 : i32
      %dma_start3A_136 = tpu.memref_slice %arg16[%dma_start3A_134, %dma_start3A_135] : memref<128x32xf32, #tpu.memory_space<vmem>> -> memref<128x32xf32, #tpu.memory_space<vmem>>
      %dma_start3A_137 = arith.constant 0 : i32
      %dma_start3A_138 = tpu.memref_slice %arg18[%add3A_9, %dma_start3A_137] : memref<10016x32xf32, #tpu.memory_space<vmem_shared>> -> memref<128x32xf32, #tpu.memory_space<vmem_shared>>
      %dma_start3A_139 = arith.constant 0 : i32
      %dma_start3A_140 = tpu.memref_slice %arg18[%add3A_9, %dma_start3A_139] : memref<10016x32xf32, #tpu.memory_space<vmem_shared>> -> memref<128x32xf32, #tpu.memory_space<vmem_shared>>
      %dma_start3A_141 = arith.constant 0 : i32
      %dma_start3A_142 = arith.constant 0 : i32
      %dma_start3A_143 = tpu.memref_slice %arg16[%dma_start3A_141, %dma_start3A_142] : memref<128x32xf32, #tpu.memory_space<vmem>> -> memref<128x32xf32, #tpu.memory_space<vmem>>
      tpu.enqueue_dma source(%dma_start3A_143 : memref<128x32xf32, #tpu.memory_space<vmem>>) target(%dma_start3A_140 : memref<128x32xf32, #tpu.memory_space<vmem_shared>>) target_semaphore(%run_scoped3A : memref<!tpu.dma_semaphore, #tpu.memory_space<semaphore_mem>>)
      %dma_wait3A_144 = arith.constant 0 : i32
      %dma_wait3A_145 = arith.constant 0 : i32
      %dma_wait3A_146 = tpu.memref_slice %arg16[%dma_wait3A_144, %dma_wait3A_145] : memref<128x32xf32, #tpu.memory_space<vmem>> -> memref<128x32xf32, #tpu.memory_space<vmem>>
      %dma_wait3A_147 = arith.constant 0 : i32
      %dma_wait3A_148 = tpu.memref_slice %arg18[%add3A_9, %dma_wait3A_147] : memref<10016x32xf32, #tpu.memory_space<vmem_shared>> -> memref<128x32xf32, #tpu.memory_space<vmem_shared>>
      %dma_wait3A_149 = arith.constant 0 : i32
      %dma_wait3A_150 = tpu.memref_slice %arg18[%add3A_9, %dma_wait3A_149] : memref<10016x32xf32, #tpu.memory_space<vmem_shared>> -> memref<128x32xf32, #tpu.memory_space<vmem_shared>>
      %dma_wait3A_151 = arith.constant 0 : i32
      %dma_wait3A_152 = arith.constant 0 : i32
      %dma_wait3A_153 = tpu.memref_slice %arg16[%dma_wait3A_151, %dma_wait3A_152] : memref<128x32xf32, #tpu.memory_space<vmem>> -> memref<128x32xf32, #tpu.memory_space<vmem>>
      tpu.wait_dma2 semaphore(%run_scoped3A : memref<!tpu.dma_semaphore, #tpu.memory_space<semaphore_mem>>) src(%dma_wait3A_153 : memref<128x32xf32, #tpu.memory_space<vmem>>) dst(%dma_wait3A_150 : memref<128x32xf32, #tpu.memory_space<vmem_shared>>)
      tpu.yield
    }) : () -> ()
    %add3A_10 = arith.constant 128 : i32
    %add3A_11 = arith.addi %mul3A_2, %add3A_10 : i32
    "tpu.region"() ({
      %run_scoped3A = tpu.sem_alloc : memref<!tpu.dma_semaphore, #tpu.memory_space<semaphore_mem>>
      %dma_start3A_134 = arith.constant 0 : i32
      %dma_start3A_135 = arith.constant 0 : i32
      %dma_start3A_136 = tpu.memref_slice %arg16[%dma_start3A_134, %dma_start3A_135] : memref<128x32xf32, #tpu.memory_space<vmem>> -> memref<128x32xf32, #tpu.memory_space<vmem>>
      %dma_start3A_137 = arith.constant 0 : i32
      %dma_start3A_138 = tpu.memref_slice %arg18[%add3A_11, %dma_start3A_137] : memref<10016x32xf32, #tpu.memory_space<vmem_shared>> -> memref<128x32xf32, #tpu.memory_space<vmem_shared>>
      %dma_start3A_139 = arith.constant 0 : i32
      %dma_start3A_140 = tpu.memref_slice %arg18[%add3A_11, %dma_start3A_139] : memref<10016x32xf32, #tpu.memory_space<vmem_shared>> -> memref<128x32xf32, #tpu.memory_space<vmem_shared>>
      %dma_start3A_141 = arith.constant 0 : i32
      %dma_start3A_142 = arith.constant 0 : i32
      %dma_start3A_143 = tpu.memref_slice %arg16[%dma_start3A_141, %dma_start3A_142] : memref<128x32xf32, #tpu.memory_space<vmem>> -> memref<128x32xf32, #tpu.memory_space<vmem>>
      tpu.enqueue_dma source(%dma_start3A_143 : memref<128x32xf32, #tpu.memory_space<vmem>>) target(%dma_start3A_140 : memref<128x32xf32, #tpu.memory_space<vmem_shared>>) target_semaphore(%run_scoped3A : memref<!tpu.dma_semaphore, #tpu.memory_space<semaphore_mem>>)
      %dma_wait3A_144 = arith.constant 0 : i32
      %dma_wait3A_145 = arith.constant 0 : i32
      %dma_wait3A_146 = tpu.memref_slice %arg16[%dma_wait3A_144, %dma_wait3A_145] : memref<128x32xf32, #tpu.memory_space<vmem>> -> memref<128x32xf32, #tpu.memory_space<vmem>>
      %dma_wait3A_147 = arith.constant 0 : i32
      %dma_wait3A_148 = tpu.memref_slice %arg18[%add3A_11, %dma_wait3A_147] : memref<10016x32xf32, #tpu.memory_space<vmem_shared>> -> memref<128x32xf32, #tpu.memory_space<vmem_shared>>
      %dma_wait3A_149 = arith.constant 0 : i32
      %dma_wait3A_150 = tpu.memref_slice %arg18[%add3A_11, %dma_wait3A_149] : memref<10016x32xf32, #tpu.memory_space<vmem_shared>> -> memref<128x32xf32, #tpu.memory_space<vmem_shared>>
      %dma_wait3A_151 = arith.constant 0 : i32
      %dma_wait3A_152 = arith.constant 0 : i32
      %dma_wait3A_153 = tpu.memref_slice %arg16[%dma_wait3A_151, %dma_wait3A_152] : memref<128x32xf32, #tpu.memory_space<vmem>> -> memref<128x32xf32, #tpu.memory_space<vmem>>
      tpu.wait_dma2 semaphore(%run_scoped3A : memref<!tpu.dma_semaphore, #tpu.memory_space<semaphore_mem>>) src(%dma_wait3A_153 : memref<128x32xf32, #tpu.memory_space<vmem>>) dst(%dma_wait3A_150 : memref<128x32xf32, #tpu.memory_space<vmem_shared>>)
      tpu.yield
    }) : () -> ()
    %add3A_12 = arith.constant 256 : i32
    %add3A_13 = arith.addi %mul3A_2, %add3A_12 : i32
    "tpu.region"() ({
      %run_scoped3A = tpu.sem_alloc : memref<!tpu.dma_semaphore, #tpu.memory_space<semaphore_mem>>
      %dma_start3A_134 = arith.constant 0 : i32
      %dma_start3A_135 = arith.constant 0 : i32
      %dma_start3A_136 = tpu.memref_slice %arg16[%dma_start3A_134, %dma_start3A_135] : memref<128x32xf32, #tpu.memory_space<vmem>> -> memref<128x32xf32, #tpu.memory_space<vmem>>
      %dma_start3A_137 = arith.constant 0 : i32
      %dma_start3A_138 = tpu.memref_slice %arg18[%add3A_13, %dma_start3A_137] : memref<10016x32xf32, #tpu.memory_space<vmem_shared>> -> memref<128x32xf32, #tpu.memory_space<vmem_shared>>
      %dma_start3A_139 = arith.constant 0 : i32
      %dma_start3A_140 = tpu.memref_slice %arg18[%add3A_13, %dma_start3A_139] : memref<10016x32xf32, #tpu.memory_space<vmem_shared>> -> memref<128x32xf32, #tpu.memory_space<vmem_shared>>
      %dma_start3A_141 = arith.constant 0 : i32
      %dma_start3A_142 = arith.constant 0 : i32
      %dma_start3A_143 = tpu.memref_slice %arg16[%dma_start3A_141, %dma_start3A_142] : memref<128x32xf32, #tpu.memory_space<vmem>> -> memref<128x32xf32, #tpu.memory_space<vmem>>
      tpu.enqueue_dma source(%dma_start3A_143 : memref<128x32xf32, #tpu.memory_space<vmem>>) target(%dma_start3A_140 : memref<128x32xf32, #tpu.memory_space<vmem_shared>>) target_semaphore(%run_scoped3A : memref<!tpu.dma_semaphore, #tpu.memory_space<semaphore_mem>>)
      %dma_wait3A_144 = arith.constant 0 : i32
      %dma_wait3A_145 = arith.constant 0 : i32
      %dma_wait3A_146 = tpu.memref_slice %arg16[%dma_wait3A_144, %dma_wait3A_145] : memref<128x32xf32, #tpu.memory_space<vmem>> -> memref<128x32xf32, #tpu.memory_space<vmem>>
      %dma_wait3A_147 = arith.constant 0 : i32
      %dma_wait3A_148 = tpu.memref_slice %arg18[%add3A_13, %dma_wait3A_147] : memref<10016x32xf32, #tpu.memory_space<vmem_shared>> -> memref<128x32xf32, #tpu.memory_space<vmem_shared>>
      %dma_wait3A_149 = arith.constant 0 : i32
      %dma_wait3A_150 = tpu.memref_slice %arg18[%add3A_13, %dma_wait3A_149] : memref<10016x32xf32, #tpu.memory_space<vmem_shared>> -> memref<128x32xf32, #tpu.memory_space<vmem_shared>>
      %dma_wait3A_151 = arith.constant 0 : i32
      %dma_wait3A_152 = arith.constant 0 : i32
      %dma_wait3A_153 = tpu.memref_slice %arg16[%dma_wait3A_151, %dma_wait3A_152] : memref<128x32xf32, #tpu.memory_space<vmem>> -> memref<128x32xf32, #tpu.memory_space<vmem>>
      tpu.wait_dma2 semaphore(%run_scoped3A : memref<!tpu.dma_semaphore, #tpu.memory_space<semaphore_mem>>) src(%dma_wait3A_153 : memref<128x32xf32, #tpu.memory_space<vmem>>) dst(%dma_wait3A_150 : memref<128x32xf32, #tpu.memory_space<vmem_shared>>)
      tpu.yield
    }) : () -> ()
    %add3A_14 = arith.constant 384 : i32
    %add3A_15 = arith.addi %mul3A_2, %add3A_14 : i32
    "tpu.region"() ({
      %run_scoped3A = tpu.sem_alloc : memref<!tpu.dma_semaphore, #tpu.memory_space<semaphore_mem>>
      %dma_start3A_134 = arith.constant 0 : i32
      %dma_start3A_135 = arith.constant 0 : i32
      %dma_start3A_136 = tpu.memref_slice %arg16[%dma_start3A_134, %dma_start3A_135] : memref<128x32xf32, #tpu.memory_space<vmem>> -> memref<128x32xf32, #tpu.memory_space<vmem>>
      %dma_start3A_137 = arith.constant 0 : i32
      %dma_start3A_138 = tpu.memref_slice %arg18[%add3A_15, %dma_start3A_137] : memref<10016x32xf32, #tpu.memory_space<vmem_shared>> -> memref<128x32xf32, #tpu.memory_space<vmem_shared>>
      %dma_start3A_139 = arith.constant 0 : i32
      %dma_start3A_140 = tpu.memref_slice %arg18[%add3A_15, %dma_start3A_139] : memref<10016x32xf32, #tpu.memory_space<vmem_shared>> -> memref<128x32xf32, #tpu.memory_space<vmem_shared>>
      %dma_start3A_141 = arith.constant 0 : i32
      %dma_start3A_142 = arith.constant 0 : i32
      %dma_start3A_143 = tpu.memref_slice %arg16[%dma_start3A_141, %dma_start3A_142] : memref<128x32xf32, #tpu.memory_space<vmem>> -> memref<128x32xf32, #tpu.memory_space<vmem>>
      tpu.enqueue_dma source(%dma_start3A_143 : memref<128x32xf32, #tpu.memory_space<vmem>>) target(%dma_start3A_140 : memref<128x32xf32, #tpu.memory_space<vmem_shared>>) target_semaphore(%run_scoped3A : memref<!tpu.dma_semaphore, #tpu.memory_space<semaphore_mem>>)
      %dma_wait3A_144 = arith.constant 0 : i32
      %dma_wait3A_145 = arith.constant 0 : i32
      %dma_wait3A_146 = tpu.memref_slice %arg16[%dma_wait3A_144, %dma_wait3A_145] : memref<128x32xf32, #tpu.memory_space<vmem>> -> memref<128x32xf32, #tpu.memory_space<vmem>>
      %dma_wait3A_147 = arith.constant 0 : i32
      %dma_wait3A_148 = tpu.memref_slice %arg18[%add3A_15, %dma_wait3A_147] : memref<10016x32xf32, #tpu.memory_space<vmem_shared>> -> memref<128x32xf32, #tpu.memory_space<vmem_shared>>
      %dma_wait3A_149 = arith.constant 0 : i32
      %dma_wait3A_150 = tpu.memref_slice %arg18[%add3A_15, %dma_wait3A_149] : memref<10016x32xf32, #tpu.memory_space<vmem_shared>> -> memref<128x32xf32, #tpu.memory_space<vmem_shared>>
      %dma_wait3A_151 = arith.constant 0 : i32
      %dma_wait3A_152 = arith.constant 0 : i32
      %dma_wait3A_153 = tpu.memref_slice %arg16[%dma_wait3A_151, %dma_wait3A_152] : memref<128x32xf32, #tpu.memory_space<vmem>> -> memref<128x32xf32, #tpu.memory_space<vmem>>
      tpu.wait_dma2 semaphore(%run_scoped3A : memref<!tpu.dma_semaphore, #tpu.memory_space<semaphore_mem>>) src(%dma_wait3A_153 : memref<128x32xf32, #tpu.memory_space<vmem>>) dst(%dma_wait3A_150 : memref<128x32xf32, #tpu.memory_space<vmem_shared>>)
      tpu.yield
    }) : () -> ()
    %add3A_16 = arith.constant 512 : i32
    %add3A_17 = arith.addi %mul3A_2, %add3A_16 : i32
    "tpu.region"() ({
      %run_scoped3A = tpu.sem_alloc : memref<!tpu.dma_semaphore, #tpu.memory_space<semaphore_mem>>
      %dma_start3A_134 = arith.constant 0 : i32
      %dma_start3A_135 = arith.constant 0 : i32
      %dma_start3A_136 = tpu.memref_slice %arg16[%dma_start3A_134, %dma_start3A_135] : memref<128x32xf32, #tpu.memory_space<vmem>> -> memref<114x32xf32, #tpu.memory_space<vmem>>
      %dma_start3A_137 = arith.constant 0 : i32
      %dma_start3A_138 = tpu.memref_slice %arg18[%add3A_17, %dma_start3A_137] : memref<10016x32xf32, #tpu.memory_space<vmem_shared>> -> memref<114x32xf32, #tpu.memory_space<vmem_shared>>
      %dma_start3A_139 = arith.constant 0 : i32
      %dma_start3A_140 = tpu.memref_slice %arg18[%add3A_17, %dma_start3A_139] : memref<10016x32xf32, #tpu.memory_space<vmem_shared>> -> memref<114x32xf32, #tpu.memory_space<vmem_shared>>
      %dma_start3A_141 = arith.constant 0 : i32
      %dma_start3A_142 = arith.constant 0 : i32
      %dma_start3A_143 = tpu.memref_slice %arg16[%dma_start3A_141, %dma_start3A_142] : memref<128x32xf32, #tpu.memory_space<vmem>> -> memref<114x32xf32, #tpu.memory_space<vmem>>
      tpu.enqueue_dma source(%dma_start3A_143 : memref<114x32xf32, #tpu.memory_space<vmem>>) target(%dma_start3A_140 : memref<114x32xf32, #tpu.memory_space<vmem_shared>>) target_semaphore(%run_scoped3A : memref<!tpu.dma_semaphore, #tpu.memory_space<semaphore_mem>>)
      %dma_wait3A_144 = arith.constant 0 : i32
      %dma_wait3A_145 = arith.constant 0 : i32
      %dma_wait3A_146 = tpu.memref_slice %arg16[%dma_wait3A_144, %dma_wait3A_145] : memref<128x32xf32, #tpu.memory_space<vmem>> -> memref<114x32xf32, #tpu.memory_space<vmem>>
      %dma_wait3A_147 = arith.constant 0 : i32
      %dma_wait3A_148 = tpu.memref_slice %arg18[%add3A_17, %dma_wait3A_147] : memref<10016x32xf32, #tpu.memory_space<vmem_shared>> -> memref<114x32xf32, #tpu.memory_space<vmem_shared>>
      %dma_wait3A_149 = arith.constant 0 : i32
      %dma_wait3A_150 = tpu.memref_slice %arg18[%add3A_17, %dma_wait3A_149] : memref<10016x32xf32, #tpu.memory_space<vmem_shared>> -> memref<114x32xf32, #tpu.memory_space<vmem_shared>>
      %dma_wait3A_151 = arith.constant 0 : i32
      %dma_wait3A_152 = arith.constant 0 : i32
      %dma_wait3A_153 = tpu.memref_slice %arg16[%dma_wait3A_151, %dma_wait3A_152] : memref<128x32xf32, #tpu.memory_space<vmem>> -> memref<114x32xf32, #tpu.memory_space<vmem>>
      tpu.wait_dma2 semaphore(%run_scoped3A : memref<!tpu.dma_semaphore, #tpu.memory_space<semaphore_mem>>) src(%dma_wait3A_153 : memref<114x32xf32, #tpu.memory_space<vmem>>) dst(%dma_wait3A_150 : memref<114x32xf32, #tpu.memory_space<vmem_shared>>)
      tpu.yield
    }) : () -> ()
    "tpu.region"() ({
      %run_scoped3A = tpu.sem_alloc : memref<!tpu.dma_semaphore, #tpu.memory_space<semaphore_mem>>
      %dma_start3A_134 = arith.constant 0 : i32
      %dma_start3A_135 = arith.constant 0 : i32
      %dma_start3A_136 = tpu.memref_slice %arg3[%add3A, %dma_start3A_134, %dma_start3A_135] : memref<32x80x128xi32, #tpu.memory_space<hbm>> -> memref<1x80x128xi32, #tpu.memory_space<hbm>>
      %dma_start3A_137 = tpu.memref_squeeze %dma_start3A_136 : memref<1x80x128xi32, #tpu.memory_space<hbm>> -> memref<80x128xi32, #tpu.memory_space<hbm>>
      %dma_start3A_138 = arith.constant 0 : i32
      %dma_start3A_139 = arith.constant 0 : i32
      %dma_start3A_140 = tpu.memref_slice %arg3[%add3A, %dma_start3A_138, %dma_start3A_139] : memref<32x80x128xi32, #tpu.memory_space<hbm>> -> memref<1x80x128xi32, #tpu.memory_space<hbm>>
      %dma_start3A_141 = tpu.memref_squeeze %dma_start3A_140 : memref<1x80x128xi32, #tpu.memory_space<hbm>> -> memref<80x128xi32, #tpu.memory_space<hbm>>
      tpu.enqueue_dma source(%dma_start3A_141 : memref<80x128xi32, #tpu.memory_space<hbm>>) target(%arg6 : memref<80x128xi32, #tpu.memory_space<vmem>>) target_semaphore(%run_scoped3A : memref<!tpu.dma_semaphore, #tpu.memory_space<semaphore_mem>>)
      %dma_wait3A_142 = arith.constant 0 : i32
      %dma_wait3A_143 = arith.constant 0 : i32
      %dma_wait3A_144 = tpu.memref_slice %arg3[%add3A, %dma_wait3A_142, %dma_wait3A_143] : memref<32x80x128xi32, #tpu.memory_space<hbm>> -> memref<1x80x128xi32, #tpu.memory_space<hbm>>
      %dma_wait3A_145 = tpu.memref_squeeze %dma_wait3A_144 : memref<1x80x128xi32, #tpu.memory_space<hbm>> -> memref<80x128xi32, #tpu.memory_space<hbm>>
      %dma_wait3A_146 = arith.constant 0 : i32
      %dma_wait3A_147 = arith.constant 0 : i32
      %dma_wait3A_148 = tpu.memref_slice %arg3[%add3A, %dma_wait3A_146, %dma_wait3A_147] : memref<32x80x128xi32, #tpu.memory_space<hbm>> -> memref<1x80x128xi32, #tpu.memory_space<hbm>>
      %dma_wait3A_149 = tpu.memref_squeeze %dma_wait3A_148 : memref<1x80x128xi32, #tpu.memory_space<hbm>> -> memref<80x128xi32, #tpu.memory_space<hbm>>
      tpu.wait_dma2 semaphore(%run_scoped3A : memref<!tpu.dma_semaphore, #tpu.memory_space<semaphore_mem>>) src(%dma_wait3A_149 : memref<80x128xi32, #tpu.memory_space<hbm>>) dst(%arg6 : memref<80x128xi32, #tpu.memory_space<vmem>>)
      tpu.yield
    }) : () -> ()
    "tpu.region"() ({
      %run_scoped3A = tpu.sem_alloc : memref<!tpu.dma_semaphore, #tpu.memory_space<semaphore_mem>>
      %dma_start3A_134 = arith.constant 0 : i32
      %dma_start3A_135 = arith.constant 0 : i32
      %dma_start3A_136 = tpu.memref_slice %arg4[%add3A, %dma_start3A_134, %dma_start3A_135] : memref<32x80x128xi32, #tpu.memory_space<hbm>> -> memref<1x80x128xi32, #tpu.memory_space<hbm>>
      %dma_start3A_137 = tpu.memref_squeeze %dma_start3A_136 : memref<1x80x128xi32, #tpu.memory_space<hbm>> -> memref<80x128xi32, #tpu.memory_space<hbm>>
      %dma_start3A_138 = arith.constant 0 : i32
      %dma_start3A_139 = arith.constant 0 : i32
      %dma_start3A_140 = tpu.memref_slice %arg4[%add3A, %dma_start3A_138, %dma_start3A_139] : memref<32x80x128xi32, #tpu.memory_space<hbm>> -> memref<1x80x128xi32, #tpu.memory_space<hbm>>
      %dma_start3A_141 = tpu.memref_squeeze %dma_start3A_140 : memref<1x80x128xi32, #tpu.memory_space<hbm>> -> memref<80x128xi32, #tpu.memory_space<hbm>>
      tpu.enqueue_dma source(%dma_start3A_141 : memref<80x128xi32, #tpu.memory_space<hbm>>) target(%arg7 : memref<80x128xi32, #tpu.memory_space<vmem>>) target_semaphore(%run_scoped3A : memref<!tpu.dma_semaphore, #tpu.memory_space<semaphore_mem>>)
      %dma_wait3A_142 = arith.constant 0 : i32
      %dma_wait3A_143 = arith.constant 0 : i32
      %dma_wait3A_144 = tpu.memref_slice %arg4[%add3A, %dma_wait3A_142, %dma_wait3A_143] : memref<32x80x128xi32, #tpu.memory_space<hbm>> -> memref<1x80x128xi32, #tpu.memory_space<hbm>>
      %dma_wait3A_145 = tpu.memref_squeeze %dma_wait3A_144 : memref<1x80x128xi32, #tpu.memory_space<hbm>> -> memref<80x128xi32, #tpu.memory_space<hbm>>
      %dma_wait3A_146 = arith.constant 0 : i32
      %dma_wait3A_147 = arith.constant 0 : i32
      %dma_wait3A_148 = tpu.memref_slice %arg4[%add3A, %dma_wait3A_146, %dma_wait3A_147] : memref<32x80x128xi32, #tpu.memory_space<hbm>> -> memref<1x80x128xi32, #tpu.memory_space<hbm>>
      %dma_wait3A_149 = tpu.memref_squeeze %dma_wait3A_148 : memref<1x80x128xi32, #tpu.memory_space<hbm>> -> memref<80x128xi32, #tpu.memory_space<hbm>>
      tpu.wait_dma2 semaphore(%run_scoped3A : memref<!tpu.dma_semaphore, #tpu.memory_space<semaphore_mem>>) src(%dma_wait3A_149 : memref<80x128xi32, #tpu.memory_space<hbm>>) dst(%arg7 : memref<80x128xi32, #tpu.memory_space<vmem>>)
      tpu.yield
    }) : () -> ()
    %barrier3A = arith.constant 0 : index
    tpu.barrier barrier_id(%barrier3A)
    %dma_start3A = arith.constant 0 : i32
    %dma_start3A_18 = arith.constant 0 : i32
    %dma_start3A_19 = tpu.memref_slice %arg6[%dma_start3A, %dma_start3A_18] : memref<80x128xi32, #tpu.memory_space<vmem>> -> memref<1x128xi32, #tpu.memory_space<vmem>>
    %dma_start3A_20 = tpu.memref_squeeze %dma_start3A_19 : memref<1x128xi32, #tpu.memory_space<vmem>> -> memref<128xi32, #tpu.memory_space<vmem>>
    %dma_start3A_21 = arith.constant 0 : i32
    %dma_start3A_22 = arith.constant 0 : i32
    %dma_start3A_23 = tpu.memref_slice %arg17[%dma_start3A_21, %dma_start3A_22] : memref<10016x32xf32, #tpu.memory_space<vmem_shared>> -> memref<10016x32xf32, #tpu.memory_space<vmem_shared>>
    tpu.enqueue_indirect_dma source(%dma_start3A_23 : memref<10016x32xf32, #tpu.memory_space<vmem_shared>>) target(%arg8 : memref<128x32xf32, #tpu.memory_space<vmem>>) offsets(%dma_start3A_20 : memref<128xi32, #tpu.memory_space<vmem>>) semaphore(%arg19 : memref<!tpu.dma_semaphore, #tpu.memory_space<semaphore_mem>>)
    %dma_start3A_24 = arith.constant 1 : i32
    %dma_start3A_25 = arith.constant 0 : i32
    %dma_start3A_26 = tpu.memref_slice %arg6[%dma_start3A_24, %dma_start3A_25] : memref<80x128xi32, #tpu.memory_space<vmem>> -> memref<1x128xi32, #tpu.memory_space<vmem>>
    %dma_start3A_27 = tpu.memref_squeeze %dma_start3A_26 : memref<1x128xi32, #tpu.memory_space<vmem>> -> memref<128xi32, #tpu.memory_space<vmem>>
    %dma_start3A_28 = arith.constant 0 : i32
    %dma_start3A_29 = arith.constant 0 : i32
    %dma_start3A_30 = tpu.memref_slice %arg17[%dma_start3A_28, %dma_start3A_29] : memref<10016x32xf32, #tpu.memory_space<vmem_shared>> -> memref<10016x32xf32, #tpu.memory_space<vmem_shared>>
    tpu.enqueue_indirect_dma source(%dma_start3A_30 : memref<10016x32xf32, #tpu.memory_space<vmem_shared>>) target(%arg9 : memref<128x32xf32, #tpu.memory_space<vmem>>) offsets(%dma_start3A_27 : memref<128xi32, #tpu.memory_space<vmem>>) semaphore(%arg20 : memref<!tpu.dma_semaphore, #tpu.memory_space<semaphore_mem>>)
    %dma_start3A_31 = arith.constant 2 : i32
    %dma_start3A_32 = arith.constant 0 : i32
    %dma_start3A_33 = tpu.memref_slice %arg6[%dma_start3A_31, %dma_start3A_32] : memref<80x128xi32, #tpu.memory_space<vmem>> -> memref<1x128xi32, #tpu.memory_space<vmem>>
    %dma_start3A_34 = tpu.memref_squeeze %dma_start3A_33 : memref<1x128xi32, #tpu.memory_space<vmem>> -> memref<128xi32, #tpu.memory_space<vmem>>
    %dma_start3A_35 = arith.constant 0 : i32
    %dma_start3A_36 = arith.constant 0 : i32
    %dma_start3A_37 = tpu.memref_slice %arg17[%dma_start3A_35, %dma_start3A_36] : memref<10016x32xf32, #tpu.memory_space<vmem_shared>> -> memref<10016x32xf32, #tpu.memory_space<vmem_shared>>
    tpu.enqueue_indirect_dma source(%dma_start3A_37 : memref<10016x32xf32, #tpu.memory_space<vmem_shared>>) target(%arg10 : memref<128x32xf32, #tpu.memory_space<vmem>>) offsets(%dma_start3A_34 : memref<128xi32, #tpu.memory_space<vmem>>) semaphore(%arg21 : memref<!tpu.dma_semaphore, #tpu.memory_space<semaphore_mem>>)
    %dma_start3A_38 = arith.constant 3 : i32
    %dma_start3A_39 = arith.constant 0 : i32
    %dma_start3A_40 = tpu.memref_slice %arg6[%dma_start3A_38, %dma_start3A_39] : memref<80x128xi32, #tpu.memory_space<vmem>> -> memref<1x128xi32, #tpu.memory_space<vmem>>
    %dma_start3A_41 = tpu.memref_squeeze %dma_start3A_40 : memref<1x128xi32, #tpu.memory_space<vmem>> -> memref<128xi32, #tpu.memory_space<vmem>>
    %dma_start3A_42 = arith.constant 0 : i32
    %dma_start3A_43 = arith.constant 0 : i32
    %dma_start3A_44 = tpu.memref_slice %arg17[%dma_start3A_42, %dma_start3A_43] : memref<10016x32xf32, #tpu.memory_space<vmem_shared>> -> memref<10016x32xf32, #tpu.memory_space<vmem_shared>>
    tpu.enqueue_indirect_dma source(%dma_start3A_44 : memref<10016x32xf32, #tpu.memory_space<vmem_shared>>) target(%arg11 : memref<128x32xf32, #tpu.memory_space<vmem>>) offsets(%dma_start3A_41 : memref<128xi32, #tpu.memory_space<vmem>>) semaphore(%arg22 : memref<!tpu.dma_semaphore, #tpu.memory_space<semaphore_mem>>)
    %dma_start3A_45 = arith.constant 4 : i32
    %dma_start3A_46 = arith.constant 0 : i32
    %dma_start3A_47 = tpu.memref_slice %arg6[%dma_start3A_45, %dma_start3A_46] : memref<80x128xi32, #tpu.memory_space<vmem>> -> memref<1x128xi32, #tpu.memory_space<vmem>>
    %dma_start3A_48 = tpu.memref_squeeze %dma_start3A_47 : memref<1x128xi32, #tpu.memory_space<vmem>> -> memref<128xi32, #tpu.memory_space<vmem>>
    %dma_start3A_49 = arith.constant 0 : i32
    %dma_start3A_50 = arith.constant 0 : i32
    %dma_start3A_51 = tpu.memref_slice %arg17[%dma_start3A_49, %dma_start3A_50] : memref<10016x32xf32, #tpu.memory_space<vmem_shared>> -> memref<10016x32xf32, #tpu.memory_space<vmem_shared>>
    tpu.enqueue_indirect_dma source(%dma_start3A_51 : memref<10016x32xf32, #tpu.memory_space<vmem_shared>>) target(%arg12 : memref<128x32xf32, #tpu.memory_space<vmem>>) offsets(%dma_start3A_48 : memref<128xi32, #tpu.memory_space<vmem>>) semaphore(%arg23 : memref<!tpu.dma_semaphore, #tpu.memory_space<semaphore_mem>>)
    %dma_start3A_52 = arith.constant 5 : i32
    %dma_start3A_53 = arith.constant 0 : i32
    %dma_start3A_54 = tpu.memref_slice %arg6[%dma_start3A_52, %dma_start3A_53] : memref<80x128xi32, #tpu.memory_space<vmem>> -> memref<1x128xi32, #tpu.memory_space<vmem>>
    %dma_start3A_55 = tpu.memref_squeeze %dma_start3A_54 : memref<1x128xi32, #tpu.memory_space<vmem>> -> memref<128xi32, #tpu.memory_space<vmem>>
    %dma_start3A_56 = arith.constant 0 : i32
    %dma_start3A_57 = arith.constant 0 : i32
    %dma_start3A_58 = tpu.memref_slice %arg17[%dma_start3A_56, %dma_start3A_57] : memref<10016x32xf32, #tpu.memory_space<vmem_shared>> -> memref<10016x32xf32, #tpu.memory_space<vmem_shared>>
    tpu.enqueue_indirect_dma source(%dma_start3A_58 : memref<10016x32xf32, #tpu.memory_space<vmem_shared>>) target(%arg13 : memref<128x32xf32, #tpu.memory_space<vmem>>) offsets(%dma_start3A_55 : memref<128xi32, #tpu.memory_space<vmem>>) semaphore(%arg24 : memref<!tpu.dma_semaphore, #tpu.memory_space<semaphore_mem>>)
    %dma_start3A_59 = arith.constant 6 : i32
    %dma_start3A_60 = arith.constant 0 : i32
    %dma_start3A_61 = tpu.memref_slice %arg6[%dma_start3A_59, %dma_start3A_60] : memref<80x128xi32, #tpu.memory_space<vmem>> -> memref<1x128xi32, #tpu.memory_space<vmem>>
    %dma_start3A_62 = tpu.memref_squeeze %dma_start3A_61 : memref<1x128xi32, #tpu.memory_space<vmem>> -> memref<128xi32, #tpu.memory_space<vmem>>
    %dma_start3A_63 = arith.constant 0 : i32
    %dma_start3A_64 = arith.constant 0 : i32
    %dma_start3A_65 = tpu.memref_slice %arg17[%dma_start3A_63, %dma_start3A_64] : memref<10016x32xf32, #tpu.memory_space<vmem_shared>> -> memref<10016x32xf32, #tpu.memory_space<vmem_shared>>
    tpu.enqueue_indirect_dma source(%dma_start3A_65 : memref<10016x32xf32, #tpu.memory_space<vmem_shared>>) target(%arg14 : memref<128x32xf32, #tpu.memory_space<vmem>>) offsets(%dma_start3A_62 : memref<128xi32, #tpu.memory_space<vmem>>) semaphore(%arg25 : memref<!tpu.dma_semaphore, #tpu.memory_space<semaphore_mem>>)
    %dma_start3A_66 = arith.constant 7 : i32
    %dma_start3A_67 = arith.constant 0 : i32
    %dma_start3A_68 = tpu.memref_slice %arg6[%dma_start3A_66, %dma_start3A_67] : memref<80x128xi32, #tpu.memory_space<vmem>> -> memref<1x128xi32, #tpu.memory_space<vmem>>
    %dma_start3A_69 = tpu.memref_squeeze %dma_start3A_68 : memref<1x128xi32, #tpu.memory_space<vmem>> -> memref<128xi32, #tpu.memory_space<vmem>>
    %dma_start3A_70 = arith.constant 0 : i32
    %dma_start3A_71 = arith.constant 0 : i32
    %dma_start3A_72 = tpu.memref_slice %arg17[%dma_start3A_70, %dma_start3A_71] : memref<10016x32xf32, #tpu.memory_space<vmem_shared>> -> memref<10016x32xf32, #tpu.memory_space<vmem_shared>>
    tpu.enqueue_indirect_dma source(%dma_start3A_72 : memref<10016x32xf32, #tpu.memory_space<vmem_shared>>) target(%arg15 : memref<128x32xf32, #tpu.memory_space<vmem>>) offsets(%dma_start3A_69 : memref<128xi32, #tpu.memory_space<vmem>>) semaphore(%arg26 : memref<!tpu.dma_semaphore, #tpu.memory_space<semaphore_mem>>)
    %scan3A_73 = arith.constant 0 : i32
    %scan3A_74 = arith.constant 10 : i32
    %scan3A_75 = arith.addi %scan3A_73, %scan3A_74 : i32
    %scan3A_76 = arith.constant 1 : i32
    scf.for %scan3A_134 = %scan3A_73 to %scan3A_75 step %scan3A_76  : i32 {
      %mul3A_135 = arith.constant 8 : i32
      %mul3A_136 = arith.muli %scan3A_134, %mul3A_135 : i32
      %add3A_137 = arith.constant 0 : i32
      %add3A_138 = arith.addi %add3A_137, %mul3A_136 : i32
      %add3A_139 = arith.constant 0 : i32
      %add3A_140 = arith.addi %add3A_138, %add3A_139 : i32
      %dma_wait3A_141 = arith.constant 0 : i32
      %dma_wait3A_142 = tpu.memref_slice %arg6[%add3A_140, %dma_wait3A_141] : memref<80x128xi32, #tpu.memory_space<vmem>> -> memref<1x128xi32, #tpu.memory_space<vmem>>
      %dma_wait3A_143 = tpu.memref_squeeze %dma_wait3A_142 : memref<1x128xi32, #tpu.memory_space<vmem>> -> memref<128xi32, #tpu.memory_space<vmem>>
      %dma_wait3A_144 = arith.constant 0 : i32
      %dma_wait3A_145 = arith.constant 0 : i32
      %dma_wait3A_146 = tpu.memref_slice %arg17[%dma_wait3A_144, %dma_wait3A_145] : memref<10016x32xf32, #tpu.memory_space<vmem_shared>> -> memref<10016x32xf32, #tpu.memory_space<vmem_shared>>
      tpu.wait_indirect_dma semaphore(%arg19 : memref<!tpu.dma_semaphore, #tpu.memory_space<semaphore_mem>>) src(%dma_wait3A_146 : memref<10016x32xf32, #tpu.memory_space<vmem_shared>>) dst(%arg8 : memref<128x32xf32, #tpu.memory_space<vmem>>)
      %dma_start3A_147 = arith.constant 0 : i32
      %dma_start3A_148 = tpu.memref_slice %arg7[%add3A_140, %dma_start3A_147] : memref<80x128xi32, #tpu.memory_space<vmem>> -> memref<1x128xi32, #tpu.memory_space<vmem>>
      %dma_start3A_149 = tpu.memref_squeeze %dma_start3A_148 : memref<1x128xi32, #tpu.memory_space<vmem>> -> memref<128xi32, #tpu.memory_space<vmem>>
      %dma_start3A_150 = arith.constant 0 : i32
      %dma_start3A_151 = arith.constant 0 : i32
      %dma_start3A_152 = tpu.memref_slice %arg18[%dma_start3A_150, %dma_start3A_151] : memref<10016x32xf32, #tpu.memory_space<vmem_shared>> -> memref<10016x32xf32, #tpu.memory_space<vmem_shared>>
      tpu.enqueue_indirect_dma source(%arg8 : memref<128x32xf32, #tpu.memory_space<vmem>>) target(%dma_start3A_152 : memref<10016x32xf32, #tpu.memory_space<vmem_shared>>) offsets(%dma_start3A_149 : memref<128xi32, #tpu.memory_space<vmem>>) semaphore(%arg27 : memref<!tpu.dma_semaphore, #tpu.memory_space<semaphore_mem>>) {add = true}
      %add3A_153 = arith.constant 1 : i32
      %add3A_154 = arith.addi %add3A_138, %add3A_153 : i32
      %dma_wait3A_155 = arith.constant 0 : i32
      %dma_wait3A_156 = tpu.memref_slice %arg6[%add3A_154, %dma_wait3A_155] : memref<80x128xi32, #tpu.memory_space<vmem>> -> memref<1x128xi32, #tpu.memory_space<vmem>>
      %dma_wait3A_157 = tpu.memref_squeeze %dma_wait3A_156 : memref<1x128xi32, #tpu.memory_space<vmem>> -> memref<128xi32, #tpu.memory_space<vmem>>
      %dma_wait3A_158 = arith.constant 0 : i32
      %dma_wait3A_159 = arith.constant 0 : i32
      %dma_wait3A_160 = tpu.memref_slice %arg17[%dma_wait3A_158, %dma_wait3A_159] : memref<10016x32xf32, #tpu.memory_space<vmem_shared>> -> memref<10016x32xf32, #tpu.memory_space<vmem_shared>>
      tpu.wait_indirect_dma semaphore(%arg20 : memref<!tpu.dma_semaphore, #tpu.memory_space<semaphore_mem>>) src(%dma_wait3A_160 : memref<10016x32xf32, #tpu.memory_space<vmem_shared>>) dst(%arg9 : memref<128x32xf32, #tpu.memory_space<vmem>>)
      %dma_start3A_161 = arith.constant 0 : i32
      %dma_start3A_162 = tpu.memref_slice %arg7[%add3A_154, %dma_start3A_161] : memref<80x128xi32, #tpu.memory_space<vmem>> -> memref<1x128xi32, #tpu.memory_space<vmem>>
      %dma_start3A_163 = tpu.memref_squeeze %dma_start3A_162 : memref<1x128xi32, #tpu.memory_space<vmem>> -> memref<128xi32, #tpu.memory_space<vmem>>
      %dma_start3A_164 = arith.constant 0 : i32
      %dma_start3A_165 = arith.constant 0 : i32
      %dma_start3A_166 = tpu.memref_slice %arg18[%dma_start3A_164, %dma_start3A_165] : memref<10016x32xf32, #tpu.memory_space<vmem_shared>> -> memref<10016x32xf32, #tpu.memory_space<vmem_shared>>
      tpu.enqueue_indirect_dma source(%arg9 : memref<128x32xf32, #tpu.memory_space<vmem>>) target(%dma_start3A_166 : memref<10016x32xf32, #tpu.memory_space<vmem_shared>>) offsets(%dma_start3A_163 : memref<128xi32, #tpu.memory_space<vmem>>) semaphore(%arg28 : memref<!tpu.dma_semaphore, #tpu.memory_space<semaphore_mem>>) {add = true}
      %add3A_167 = arith.constant 2 : i32
      %add3A_168 = arith.addi %add3A_138, %add3A_167 : i32
      %dma_wait3A_169 = arith.constant 0 : i32
      %dma_wait3A_170 = tpu.memref_slice %arg6[%add3A_168, %dma_wait3A_169] : memref<80x128xi32, #tpu.memory_space<vmem>> -> memref<1x128xi32, #tpu.memory_space<vmem>>
      %dma_wait3A_171 = tpu.memref_squeeze %dma_wait3A_170 : memref<1x128xi32, #tpu.memory_space<vmem>> -> memref<128xi32, #tpu.memory_space<vmem>>
      %dma_wait3A_172 = arith.constant 0 : i32
      %dma_wait3A_173 = arith.constant 0 : i32
      %dma_wait3A_174 = tpu.memref_slice %arg17[%dma_wait3A_172, %dma_wait3A_173] : memref<10016x32xf32, #tpu.memory_space<vmem_shared>> -> memref<10016x32xf32, #tpu.memory_space<vmem_shared>>
      tpu.wait_indirect_dma semaphore(%arg21 : memref<!tpu.dma_semaphore, #tpu.memory_space<semaphore_mem>>) src(%dma_wait3A_174 : memref<10016x32xf32, #tpu.memory_space<vmem_shared>>) dst(%arg10 : memref<128x32xf32, #tpu.memory_space<vmem>>)
      %dma_start3A_175 = arith.constant 0 : i32
      %dma_start3A_176 = tpu.memref_slice %arg7[%add3A_168, %dma_start3A_175] : memref<80x128xi32, #tpu.memory_space<vmem>> -> memref<1x128xi32, #tpu.memory_space<vmem>>
      %dma_start3A_177 = tpu.memref_squeeze %dma_start3A_176 : memref<1x128xi32, #tpu.memory_space<vmem>> -> memref<128xi32, #tpu.memory_space<vmem>>
      %dma_start3A_178 = arith.constant 0 : i32
      %dma_start3A_179 = arith.constant 0 : i32
      %dma_start3A_180 = tpu.memref_slice %arg18[%dma_start3A_178, %dma_start3A_179] : memref<10016x32xf32, #tpu.memory_space<vmem_shared>> -> memref<10016x32xf32, #tpu.memory_space<vmem_shared>>
      tpu.enqueue_indirect_dma source(%arg10 : memref<128x32xf32, #tpu.memory_space<vmem>>) target(%dma_start3A_180 : memref<10016x32xf32, #tpu.memory_space<vmem_shared>>) offsets(%dma_start3A_177 : memref<128xi32, #tpu.memory_space<vmem>>) semaphore(%arg29 : memref<!tpu.dma_semaphore, #tpu.memory_space<semaphore_mem>>) {add = true}
      %add3A_181 = arith.constant 3 : i32
      %add3A_182 = arith.addi %add3A_138, %add3A_181 : i32
      %dma_wait3A_183 = arith.constant 0 : i32
      %dma_wait3A_184 = tpu.memref_slice %arg6[%add3A_182, %dma_wait3A_183] : memref<80x128xi32, #tpu.memory_space<vmem>> -> memref<1x128xi32, #tpu.memory_space<vmem>>
      %dma_wait3A_185 = tpu.memref_squeeze %dma_wait3A_184 : memref<1x128xi32, #tpu.memory_space<vmem>> -> memref<128xi32, #tpu.memory_space<vmem>>
      %dma_wait3A_186 = arith.constant 0 : i32
      %dma_wait3A_187 = arith.constant 0 : i32
      %dma_wait3A_188 = tpu.memref_slice %arg17[%dma_wait3A_186, %dma_wait3A_187] : memref<10016x32xf32, #tpu.memory_space<vmem_shared>> -> memref<10016x32xf32, #tpu.memory_space<vmem_shared>>
      tpu.wait_indirect_dma semaphore(%arg22 : memref<!tpu.dma_semaphore, #tpu.memory_space<semaphore_mem>>) src(%dma_wait3A_188 : memref<10016x32xf32, #tpu.memory_space<vmem_shared>>) dst(%arg11 : memref<128x32xf32, #tpu.memory_space<vmem>>)
      %dma_start3A_189 = arith.constant 0 : i32
      %dma_start3A_190 = tpu.memref_slice %arg7[%add3A_182, %dma_start3A_189] : memref<80x128xi32, #tpu.memory_space<vmem>> -> memref<1x128xi32, #tpu.memory_space<vmem>>
      %dma_start3A_191 = tpu.memref_squeeze %dma_start3A_190 : memref<1x128xi32, #tpu.memory_space<vmem>> -> memref<128xi32, #tpu.memory_space<vmem>>
      %dma_start3A_192 = arith.constant 0 : i32
      %dma_start3A_193 = arith.constant 0 : i32
      %dma_start3A_194 = tpu.memref_slice %arg18[%dma_start3A_192, %dma_start3A_193] : memref<10016x32xf32, #tpu.memory_space<vmem_shared>> -> memref<10016x32xf32, #tpu.memory_space<vmem_shared>>
      tpu.enqueue_indirect_dma source(%arg11 : memref<128x32xf32, #tpu.memory_space<vmem>>) target(%dma_start3A_194 : memref<10016x32xf32, #tpu.memory_space<vmem_shared>>) offsets(%dma_start3A_191 : memref<128xi32, #tpu.memory_space<vmem>>) semaphore(%arg30 : memref<!tpu.dma_semaphore, #tpu.memory_space<semaphore_mem>>) {add = true}
      %add3A_195 = arith.constant 4 : i32
      %add3A_196 = arith.addi %add3A_138, %add3A_195 : i32
      %dma_wait3A_197 = arith.constant 0 : i32
      %dma_wait3A_198 = tpu.memref_slice %arg6[%add3A_196, %dma_wait3A_197] : memref<80x128xi32, #tpu.memory_space<vmem>> -> memref<1x128xi32, #tpu.memory_space<vmem>>
      %dma_wait3A_199 = tpu.memref_squeeze %dma_wait3A_198 : memref<1x128xi32, #tpu.memory_space<vmem>> -> memref<128xi32, #tpu.memory_space<vmem>>
      %dma_wait3A_200 = arith.constant 0 : i32
      %dma_wait3A_201 = arith.constant 0 : i32
      %dma_wait3A_202 = tpu.memref_slice %arg17[%dma_wait3A_200, %dma_wait3A_201] : memref<10016x32xf32, #tpu.memory_space<vmem_shared>> -> memref<10016x32xf32, #tpu.memory_space<vmem_shared>>
      tpu.wait_indirect_dma semaphore(%arg23 : memref<!tpu.dma_semaphore, #tpu.memory_space<semaphore_mem>>) src(%dma_wait3A_202 : memref<10016x32xf32, #tpu.memory_space<vmem_shared>>) dst(%arg12 : memref<128x32xf32, #tpu.memory_space<vmem>>)
      %dma_start3A_203 = arith.constant 0 : i32
      %dma_start3A_204 = tpu.memref_slice %arg7[%add3A_196, %dma_start3A_203] : memref<80x128xi32, #tpu.memory_space<vmem>> -> memref<1x128xi32, #tpu.memory_space<vmem>>
      %dma_start3A_205 = tpu.memref_squeeze %dma_start3A_204 : memref<1x128xi32, #tpu.memory_space<vmem>> -> memref<128xi32, #tpu.memory_space<vmem>>
      %dma_start3A_206 = arith.constant 0 : i32
      %dma_start3A_207 = arith.constant 0 : i32
      %dma_start3A_208 = tpu.memref_slice %arg18[%dma_start3A_206, %dma_start3A_207] : memref<10016x32xf32, #tpu.memory_space<vmem_shared>> -> memref<10016x32xf32, #tpu.memory_space<vmem_shared>>
      tpu.enqueue_indirect_dma source(%arg12 : memref<128x32xf32, #tpu.memory_space<vmem>>) target(%dma_start3A_208 : memref<10016x32xf32, #tpu.memory_space<vmem_shared>>) offsets(%dma_start3A_205 : memref<128xi32, #tpu.memory_space<vmem>>) semaphore(%arg31 : memref<!tpu.dma_semaphore, #tpu.memory_space<semaphore_mem>>) {add = true}
      %add3A_209 = arith.constant 5 : i32
      %add3A_210 = arith.addi %add3A_138, %add3A_209 : i32
      %dma_wait3A_211 = arith.constant 0 : i32
      %dma_wait3A_212 = tpu.memref_slice %arg6[%add3A_210, %dma_wait3A_211] : memref<80x128xi32, #tpu.memory_space<vmem>> -> memref<1x128xi32, #tpu.memory_space<vmem>>
      %dma_wait3A_213 = tpu.memref_squeeze %dma_wait3A_212 : memref<1x128xi32, #tpu.memory_space<vmem>> -> memref<128xi32, #tpu.memory_space<vmem>>
      %dma_wait3A_214 = arith.constant 0 : i32
      %dma_wait3A_215 = arith.constant 0 : i32
      %dma_wait3A_216 = tpu.memref_slice %arg17[%dma_wait3A_214, %dma_wait3A_215] : memref<10016x32xf32, #tpu.memory_space<vmem_shared>> -> memref<10016x32xf32, #tpu.memory_space<vmem_shared>>
      tpu.wait_indirect_dma semaphore(%arg24 : memref<!tpu.dma_semaphore, #tpu.memory_space<semaphore_mem>>) src(%dma_wait3A_216 : memref<10016x32xf32, #tpu.memory_space<vmem_shared>>) dst(%arg13 : memref<128x32xf32, #tpu.memory_space<vmem>>)
      %dma_start3A_217 = arith.constant 0 : i32
      %dma_start3A_218 = tpu.memref_slice %arg7[%add3A_210, %dma_start3A_217] : memref<80x128xi32, #tpu.memory_space<vmem>> -> memref<1x128xi32, #tpu.memory_space<vmem>>
      %dma_start3A_219 = tpu.memref_squeeze %dma_start3A_218 : memref<1x128xi32, #tpu.memory_space<vmem>> -> memref<128xi32, #tpu.memory_space<vmem>>
      %dma_start3A_220 = arith.constant 0 : i32
      %dma_start3A_221 = arith.constant 0 : i32
      %dma_start3A_222 = tpu.memref_slice %arg18[%dma_start3A_220, %dma_start3A_221] : memref<10016x32xf32, #tpu.memory_space<vmem_shared>> -> memref<10016x32xf32, #tpu.memory_space<vmem_shared>>
      tpu.enqueue_indirect_dma source(%arg13 : memref<128x32xf32, #tpu.memory_space<vmem>>) target(%dma_start3A_222 : memref<10016x32xf32, #tpu.memory_space<vmem_shared>>) offsets(%dma_start3A_219 : memref<128xi32, #tpu.memory_space<vmem>>) semaphore(%arg32 : memref<!tpu.dma_semaphore, #tpu.memory_space<semaphore_mem>>) {add = true}
      %add3A_223 = arith.constant 6 : i32
      %add3A_224 = arith.addi %add3A_138, %add3A_223 : i32
      %dma_wait3A_225 = arith.constant 0 : i32
      %dma_wait3A_226 = tpu.memref_slice %arg6[%add3A_224, %dma_wait3A_225] : memref<80x128xi32, #tpu.memory_space<vmem>> -> memref<1x128xi32, #tpu.memory_space<vmem>>
      %dma_wait3A_227 = tpu.memref_squeeze %dma_wait3A_226 : memref<1x128xi32, #tpu.memory_space<vmem>> -> memref<128xi32, #tpu.memory_space<vmem>>
      %dma_wait3A_228 = arith.constant 0 : i32
      %dma_wait3A_229 = arith.constant 0 : i32
      %dma_wait3A_230 = tpu.memref_slice %arg17[%dma_wait3A_228, %dma_wait3A_229] : memref<10016x32xf32, #tpu.memory_space<vmem_shared>> -> memref<10016x32xf32, #tpu.memory_space<vmem_shared>>
      tpu.wait_indirect_dma semaphore(%arg25 : memref<!tpu.dma_semaphore, #tpu.memory_space<semaphore_mem>>) src(%dma_wait3A_230 : memref<10016x32xf32, #tpu.memory_space<vmem_shared>>) dst(%arg14 : memref<128x32xf32, #tpu.memory_space<vmem>>)
      %dma_start3A_231 = arith.constant 0 : i32
      %dma_start3A_232 = tpu.memref_slice %arg7[%add3A_224, %dma_start3A_231] : memref<80x128xi32, #tpu.memory_space<vmem>> -> memref<1x128xi32, #tpu.memory_space<vmem>>
      %dma_start3A_233 = tpu.memref_squeeze %dma_start3A_232 : memref<1x128xi32, #tpu.memory_space<vmem>> -> memref<128xi32, #tpu.memory_space<vmem>>
      %dma_start3A_234 = arith.constant 0 : i32
      %dma_start3A_235 = arith.constant 0 : i32
      %dma_start3A_236 = tpu.memref_slice %arg18[%dma_start3A_234, %dma_start3A_235] : memref<10016x32xf32, #tpu.memory_space<vmem_shared>> -> memref<10016x32xf32, #tpu.memory_space<vmem_shared>>
      tpu.enqueue_indirect_dma source(%arg14 : memref<128x32xf32, #tpu.memory_space<vmem>>) target(%dma_start3A_236 : memref<10016x32xf32, #tpu.memory_space<vmem_shared>>) offsets(%dma_start3A_233 : memref<128xi32, #tpu.memory_space<vmem>>) semaphore(%arg33 : memref<!tpu.dma_semaphore, #tpu.memory_space<semaphore_mem>>) {add = true}
      %add3A_237 = arith.constant 7 : i32
      %add3A_238 = arith.addi %add3A_138, %add3A_237 : i32
      %dma_wait3A_239 = arith.constant 0 : i32
      %dma_wait3A_240 = tpu.memref_slice %arg6[%add3A_238, %dma_wait3A_239] : memref<80x128xi32, #tpu.memory_space<vmem>> -> memref<1x128xi32, #tpu.memory_space<vmem>>
      %dma_wait3A_241 = tpu.memref_squeeze %dma_wait3A_240 : memref<1x128xi32, #tpu.memory_space<vmem>> -> memref<128xi32, #tpu.memory_space<vmem>>
      %dma_wait3A_242 = arith.constant 0 : i32
      %dma_wait3A_243 = arith.constant 0 : i32
      %dma_wait3A_244 = tpu.memref_slice %arg17[%dma_wait3A_242, %dma_wait3A_243] : memref<10016x32xf32, #tpu.memory_space<vmem_shared>> -> memref<10016x32xf32, #tpu.memory_space<vmem_shared>>
      tpu.wait_indirect_dma semaphore(%arg26 : memref<!tpu.dma_semaphore, #tpu.memory_space<semaphore_mem>>) src(%dma_wait3A_244 : memref<10016x32xf32, #tpu.memory_space<vmem_shared>>) dst(%arg15 : memref<128x32xf32, #tpu.memory_space<vmem>>)
      %dma_start3A_245 = arith.constant 0 : i32
      %dma_start3A_246 = tpu.memref_slice %arg7[%add3A_238, %dma_start3A_245] : memref<80x128xi32, #tpu.memory_space<vmem>> -> memref<1x128xi32, #tpu.memory_space<vmem>>
      %dma_start3A_247 = tpu.memref_squeeze %dma_start3A_246 : memref<1x128xi32, #tpu.memory_space<vmem>> -> memref<128xi32, #tpu.memory_space<vmem>>
      %dma_start3A_248 = arith.constant 0 : i32
      %dma_start3A_249 = arith.constant 0 : i32
      %dma_start3A_250 = tpu.memref_slice %arg18[%dma_start3A_248, %dma_start3A_249] : memref<10016x32xf32, #tpu.memory_space<vmem_shared>> -> memref<10016x32xf32, #tpu.memory_space<vmem_shared>>
      tpu.enqueue_indirect_dma source(%arg15 : memref<128x32xf32, #tpu.memory_space<vmem>>) target(%dma_start3A_250 : memref<10016x32xf32, #tpu.memory_space<vmem_shared>>) offsets(%dma_start3A_247 : memref<128xi32, #tpu.memory_space<vmem>>) semaphore(%arg34 : memref<!tpu.dma_semaphore, #tpu.memory_space<semaphore_mem>>) {add = true}
      %add3A_251 = arith.constant 0 : i32
      %add3A_252 = arith.addi %add3A_138, %add3A_251 : i32
      %add3A_253 = arith.constant 8 : i32
      %add3A_254 = arith.addi %add3A_252, %add3A_253 : i32
      %lt3A = arith.constant 80 : i32
      %lt3A_255 = arith.cmpi slt, %add3A_254, %lt3A : i32
      %convert_element_type3A = arith.extui %lt3A_255 : i1 to i32
      %cond3A = arith.constant 0 : i32
      %cond3A_256 = arith.cmpi ne, %convert_element_type3A, %cond3A : i32
      scf.if %cond3A_256 {
        %dma_wait3A_320 = arith.constant 0 : i32
        %dma_wait3A_321 = arith.constant 0 : i32
        %dma_wait3A_322 = tpu.memref_slice %arg7[%dma_wait3A_320, %dma_wait3A_321] : memref<80x128xi32, #tpu.memory_space<vmem>> -> memref<1x128xi32, #tpu.memory_space<vmem>>
        %dma_wait3A_323 = tpu.memref_squeeze %dma_wait3A_322 : memref<1x128xi32, #tpu.memory_space<vmem>> -> memref<128xi32, #tpu.memory_space<vmem>>
        %dma_wait3A_324 = arith.constant 0 : i32
        %dma_wait3A_325 = arith.constant 0 : i32
        %dma_wait3A_326 = tpu.memref_slice %arg18[%dma_wait3A_324, %dma_wait3A_325] : memref<10016x32xf32, #tpu.memory_space<vmem_shared>> -> memref<10016x32xf32, #tpu.memory_space<vmem_shared>>
        tpu.wait_indirect_dma semaphore(%arg27 : memref<!tpu.dma_semaphore, #tpu.memory_space<semaphore_mem>>) src(%arg8 : memref<128x32xf32, #tpu.memory_space<vmem>>) dst(%dma_wait3A_326 : memref<10016x32xf32, #tpu.memory_space<vmem_shared>>)
        %dma_start3A_327 = arith.constant 0 : i32
        %dma_start3A_328 = tpu.memref_slice %arg6[%add3A_254, %dma_start3A_327] : memref<80x128xi32, #tpu.memory_space<vmem>> -> memref<1x128xi32, #tpu.memory_space<vmem>>
        %dma_start3A_329 = tpu.memref_squeeze %dma_start3A_328 : memref<1x128xi32, #tpu.memory_space<vmem>> -> memref<128xi32, #tpu.memory_space<vmem>>
        %dma_start3A_330 = arith.constant 0 : i32
        %dma_start3A_331 = arith.constant 0 : i32
        %dma_start3A_332 = tpu.memref_slice %arg17[%dma_start3A_330, %dma_start3A_331] : memref<10016x32xf32, #tpu.memory_space<vmem_shared>> -> memref<10016x32xf32, #tpu.memory_space<vmem_shared>>
        tpu.enqueue_indirect_dma source(%dma_start3A_332 : memref<10016x32xf32, #tpu.memory_space<vmem_shared>>) target(%arg8 : memref<128x32xf32, #tpu.memory_space<vmem>>) offsets(%dma_start3A_329 : memref<128xi32, #tpu.memory_space<vmem>>) semaphore(%arg19 : memref<!tpu.dma_semaphore, #tpu.memory_space<semaphore_mem>>)
      } else {
      }
      %add3A_257 = arith.constant 1 : i32
      %add3A_258 = arith.addi %add3A_138, %add3A_257 : i32
      %add3A_259 = arith.constant 8 : i32
      %add3A_260 = arith.addi %add3A_258, %add3A_259 : i32
      %lt3A_261 = arith.constant 80 : i32
      %lt3A_262 = arith.cmpi slt, %add3A_260, %lt3A_261 : i32
      %convert_element_type3A_263 = arith.extui %lt3A_262 : i1 to i32
      %cond3A_264 = arith.constant 0 : i32
      %cond3A_265 = arith.cmpi ne, %convert_element_type3A_263, %cond3A_264 : i32
      scf.if %cond3A_265 {
        %dma_wait3A_320 = arith.constant 0 : i32
        %dma_wait3A_321 = arith.constant 0 : i32
        %dma_wait3A_322 = tpu.memref_slice %arg7[%dma_wait3A_320, %dma_wait3A_321] : memref<80x128xi32, #tpu.memory_space<vmem>> -> memref<1x128xi32, #tpu.memory_space<vmem>>
        %dma_wait3A_323 = tpu.memref_squeeze %dma_wait3A_322 : memref<1x128xi32, #tpu.memory_space<vmem>> -> memref<128xi32, #tpu.memory_space<vmem>>
        %dma_wait3A_324 = arith.constant 0 : i32
        %dma_wait3A_325 = arith.constant 0 : i32
        %dma_wait3A_326 = tpu.memref_slice %arg18[%dma_wait3A_324, %dma_wait3A_325] : memref<10016x32xf32, #tpu.memory_space<vmem_shared>> -> memref<10016x32xf32, #tpu.memory_space<vmem_shared>>
        tpu.wait_indirect_dma semaphore(%arg28 : memref<!tpu.dma_semaphore, #tpu.memory_space<semaphore_mem>>) src(%arg9 : memref<128x32xf32, #tpu.memory_space<vmem>>) dst(%dma_wait3A_326 : memref<10016x32xf32, #tpu.memory_space<vmem_shared>>)
        %dma_start3A_327 = arith.constant 0 : i32
        %dma_start3A_328 = tpu.memref_slice %arg6[%add3A_260, %dma_start3A_327] : memref<80x128xi32, #tpu.memory_space<vmem>> -> memref<1x128xi32, #tpu.memory_space<vmem>>
        %dma_start3A_329 = tpu.memref_squeeze %dma_start3A_328 : memref<1x128xi32, #tpu.memory_space<vmem>> -> memref<128xi32, #tpu.memory_space<vmem>>
        %dma_start3A_330 = arith.constant 0 : i32
        %dma_start3A_331 = arith.constant 0 : i32
        %dma_start3A_332 = tpu.memref_slice %arg17[%dma_start3A_330, %dma_start3A_331] : memref<10016x32xf32, #tpu.memory_space<vmem_shared>> -> memref<10016x32xf32, #tpu.memory_space<vmem_shared>>
        tpu.enqueue_indirect_dma source(%dma_start3A_332 : memref<10016x32xf32, #tpu.memory_space<vmem_shared>>) target(%arg9 : memref<128x32xf32, #tpu.memory_space<vmem>>) offsets(%dma_start3A_329 : memref<128xi32, #tpu.memory_space<vmem>>) semaphore(%arg20 : memref<!tpu.dma_semaphore, #tpu.memory_space<semaphore_mem>>)
      } else {
      }
      %add3A_266 = arith.constant 2 : i32
      %add3A_267 = arith.addi %add3A_138, %add3A_266 : i32
      %add3A_268 = arith.constant 8 : i32
      %add3A_269 = arith.addi %add3A_267, %add3A_268 : i32
      %lt3A_270 = arith.constant 80 : i32
      %lt3A_271 = arith.cmpi slt, %add3A_269, %lt3A_270 : i32
      %convert_element_type3A_272 = arith.extui %lt3A_271 : i1 to i32
      %cond3A_273 = arith.constant 0 : i32
      %cond3A_274 = arith.cmpi ne, %convert_element_type3A_272, %cond3A_273 : i32
      scf.if %cond3A_274 {
        %dma_wait3A_320 = arith.constant 0 : i32
        %dma_wait3A_321 = arith.constant 0 : i32
        %dma_wait3A_322 = tpu.memref_slice %arg7[%dma_wait3A_320, %dma_wait3A_321] : memref<80x128xi32, #tpu.memory_space<vmem>> -> memref<1x128xi32, #tpu.memory_space<vmem>>
        %dma_wait3A_323 = tpu.memref_squeeze %dma_wait3A_322 : memref<1x128xi32, #tpu.memory_space<vmem>> -> memref<128xi32, #tpu.memory_space<vmem>>
        %dma_wait3A_324 = arith.constant 0 : i32
        %dma_wait3A_325 = arith.constant 0 : i32
        %dma_wait3A_326 = tpu.memref_slice %arg18[%dma_wait3A_324, %dma_wait3A_325] : memref<10016x32xf32, #tpu.memory_space<vmem_shared>> -> memref<10016x32xf32, #tpu.memory_space<vmem_shared>>
        tpu.wait_indirect_dma semaphore(%arg29 : memref<!tpu.dma_semaphore, #tpu.memory_space<semaphore_mem>>) src(%arg10 : memref<128x32xf32, #tpu.memory_space<vmem>>) dst(%dma_wait3A_326 : memref<10016x32xf32, #tpu.memory_space<vmem_shared>>)
        %dma_start3A_327 = arith.constant 0 : i32
        %dma_start3A_328 = tpu.memref_slice %arg6[%add3A_269, %dma_start3A_327] : memref<80x128xi32, #tpu.memory_space<vmem>> -> memref<1x128xi32, #tpu.memory_space<vmem>>
        %dma_start3A_329 = tpu.memref_squeeze %dma_start3A_328 : memref<1x128xi32, #tpu.memory_space<vmem>> -> memref<128xi32, #tpu.memory_space<vmem>>
        %dma_start3A_330 = arith.constant 0 : i32
        %dma_start3A_331 = arith.constant 0 : i32
        %dma_start3A_332 = tpu.memref_slice %arg17[%dma_start3A_330, %dma_start3A_331] : memref<10016x32xf32, #tpu.memory_space<vmem_shared>> -> memref<10016x32xf32, #tpu.memory_space<vmem_shared>>
        tpu.enqueue_indirect_dma source(%dma_start3A_332 : memref<10016x32xf32, #tpu.memory_space<vmem_shared>>) target(%arg10 : memref<128x32xf32, #tpu.memory_space<vmem>>) offsets(%dma_start3A_329 : memref<128xi32, #tpu.memory_space<vmem>>) semaphore(%arg21 : memref<!tpu.dma_semaphore, #tpu.memory_space<semaphore_mem>>)
      } else {
      }
      %add3A_275 = arith.constant 3 : i32
      %add3A_276 = arith.addi %add3A_138, %add3A_275 : i32
      %add3A_277 = arith.constant 8 : i32
      %add3A_278 = arith.addi %add3A_276, %add3A_277 : i32
      %lt3A_279 = arith.constant 80 : i32
      %lt3A_280 = arith.cmpi slt, %add3A_278, %lt3A_279 : i32
      %convert_element_type3A_281 = arith.extui %lt3A_280 : i1 to i32
      %cond3A_282 = arith.constant 0 : i32
      %cond3A_283 = arith.cmpi ne, %convert_element_type3A_281, %cond3A_282 : i32
      scf.if %cond3A_283 {
        %dma_wait3A_320 = arith.constant 0 : i32
        %dma_wait3A_321 = arith.constant 0 : i32
        %dma_wait3A_322 = tpu.memref_slice %arg7[%dma_wait3A_320, %dma_wait3A_321] : memref<80x128xi32, #tpu.memory_space<vmem>> -> memref<1x128xi32, #tpu.memory_space<vmem>>
        %dma_wait3A_323 = tpu.memref_squeeze %dma_wait3A_322 : memref<1x128xi32, #tpu.memory_space<vmem>> -> memref<128xi32, #tpu.memory_space<vmem>>
        %dma_wait3A_324 = arith.constant 0 : i32
        %dma_wait3A_325 = arith.constant 0 : i32
        %dma_wait3A_326 = tpu.memref_slice %arg18[%dma_wait3A_324, %dma_wait3A_325] : memref<10016x32xf32, #tpu.memory_space<vmem_shared>> -> memref<10016x32xf32, #tpu.memory_space<vmem_shared>>
        tpu.wait_indirect_dma semaphore(%arg30 : memref<!tpu.dma_semaphore, #tpu.memory_space<semaphore_mem>>) src(%arg11 : memref<128x32xf32, #tpu.memory_space<vmem>>) dst(%dma_wait3A_326 : memref<10016x32xf32, #tpu.memory_space<vmem_shared>>)
        %dma_start3A_327 = arith.constant 0 : i32
        %dma_start3A_328 = tpu.memref_slice %arg6[%add3A_278, %dma_start3A_327] : memref<80x128xi32, #tpu.memory_space<vmem>> -> memref<1x128xi32, #tpu.memory_space<vmem>>
        %dma_start3A_329 = tpu.memref_squeeze %dma_start3A_328 : memref<1x128xi32, #tpu.memory_space<vmem>> -> memref<128xi32, #tpu.memory_space<vmem>>
        %dma_start3A_330 = arith.constant 0 : i32
        %dma_start3A_331 = arith.constant 0 : i32
        %dma_start3A_332 = tpu.memref_slice %arg17[%dma_start3A_330, %dma_start3A_331] : memref<10016x32xf32, #tpu.memory_space<vmem_shared>> -> memref<10016x32xf32, #tpu.memory_space<vmem_shared>>
        tpu.enqueue_indirect_dma source(%dma_start3A_332 : memref<10016x32xf32, #tpu.memory_space<vmem_shared>>) target(%arg11 : memref<128x32xf32, #tpu.memory_space<vmem>>) offsets(%dma_start3A_329 : memref<128xi32, #tpu.memory_space<vmem>>) semaphore(%arg22 : memref<!tpu.dma_semaphore, #tpu.memory_space<semaphore_mem>>)
      } else {
      }
      %add3A_284 = arith.constant 4 : i32
      %add3A_285 = arith.addi %add3A_138, %add3A_284 : i32
      %add3A_286 = arith.constant 8 : i32
      %add3A_287 = arith.addi %add3A_285, %add3A_286 : i32
      %lt3A_288 = arith.constant 80 : i32
      %lt3A_289 = arith.cmpi slt, %add3A_287, %lt3A_288 : i32
      %convert_element_type3A_290 = arith.extui %lt3A_289 : i1 to i32
      %cond3A_291 = arith.constant 0 : i32
      %cond3A_292 = arith.cmpi ne, %convert_element_type3A_290, %cond3A_291 : i32
      scf.if %cond3A_292 {
        %dma_wait3A_320 = arith.constant 0 : i32
        %dma_wait3A_321 = arith.constant 0 : i32
        %dma_wait3A_322 = tpu.memref_slice %arg7[%dma_wait3A_320, %dma_wait3A_321] : memref<80x128xi32, #tpu.memory_space<vmem>> -> memref<1x128xi32, #tpu.memory_space<vmem>>
        %dma_wait3A_323 = tpu.memref_squeeze %dma_wait3A_322 : memref<1x128xi32, #tpu.memory_space<vmem>> -> memref<128xi32, #tpu.memory_space<vmem>>
        %dma_wait3A_324 = arith.constant 0 : i32
        %dma_wait3A_325 = arith.constant 0 : i32
        %dma_wait3A_326 = tpu.memref_slice %arg18[%dma_wait3A_324, %dma_wait3A_325] : memref<10016x32xf32, #tpu.memory_space<vmem_shared>> -> memref<10016x32xf32, #tpu.memory_space<vmem_shared>>
        tpu.wait_indirect_dma semaphore(%arg31 : memref<!tpu.dma_semaphore, #tpu.memory_space<semaphore_mem>>) src(%arg12 : memref<128x32xf32, #tpu.memory_space<vmem>>) dst(%dma_wait3A_326 : memref<10016x32xf32, #tpu.memory_space<vmem_shared>>)
        %dma_start3A_327 = arith.constant 0 : i32
        %dma_start3A_328 = tpu.memref_slice %arg6[%add3A_287, %dma_start3A_327] : memref<80x128xi32, #tpu.memory_space<vmem>> -> memref<1x128xi32, #tpu.memory_space<vmem>>
        %dma_start3A_329 = tpu.memref_squeeze %dma_start3A_328 : memref<1x128xi32, #tpu.memory_space<vmem>> -> memref<128xi32, #tpu.memory_space<vmem>>
        %dma_start3A_330 = arith.constant 0 : i32
        %dma_start3A_331 = arith.constant 0 : i32
        %dma_start3A_332 = tpu.memref_slice %arg17[%dma_start3A_330, %dma_start3A_331] : memref<10016x32xf32, #tpu.memory_space<vmem_shared>> -> memref<10016x32xf32, #tpu.memory_space<vmem_shared>>
        tpu.enqueue_indirect_dma source(%dma_start3A_332 : memref<10016x32xf32, #tpu.memory_space<vmem_shared>>) target(%arg12 : memref<128x32xf32, #tpu.memory_space<vmem>>) offsets(%dma_start3A_329 : memref<128xi32, #tpu.memory_space<vmem>>) semaphore(%arg23 : memref<!tpu.dma_semaphore, #tpu.memory_space<semaphore_mem>>)
      } else {
      }
      %add3A_293 = arith.constant 5 : i32
      %add3A_294 = arith.addi %add3A_138, %add3A_293 : i32
      %add3A_295 = arith.constant 8 : i32
      %add3A_296 = arith.addi %add3A_294, %add3A_295 : i32
      %lt3A_297 = arith.constant 80 : i32
      %lt3A_298 = arith.cmpi slt, %add3A_296, %lt3A_297 : i32
      %convert_element_type3A_299 = arith.extui %lt3A_298 : i1 to i32
      %cond3A_300 = arith.constant 0 : i32
      %cond3A_301 = arith.cmpi ne, %convert_element_type3A_299, %cond3A_300 : i32
      scf.if %cond3A_301 {
        %dma_wait3A_320 = arith.constant 0 : i32
        %dma_wait3A_321 = arith.constant 0 : i32
        %dma_wait3A_322 = tpu.memref_slice %arg7[%dma_wait3A_320, %dma_wait3A_321] : memref<80x128xi32, #tpu.memory_space<vmem>> -> memref<1x128xi32, #tpu.memory_space<vmem>>
        %dma_wait3A_323 = tpu.memref_squeeze %dma_wait3A_322 : memref<1x128xi32, #tpu.memory_space<vmem>> -> memref<128xi32, #tpu.memory_space<vmem>>
        %dma_wait3A_324 = arith.constant 0 : i32
        %dma_wait3A_325 = arith.constant 0 : i32
        %dma_wait3A_326 = tpu.memref_slice %arg18[%dma_wait3A_324, %dma_wait3A_325] : memref<10016x32xf32, #tpu.memory_space<vmem_shared>> -> memref<10016x32xf32, #tpu.memory_space<vmem_shared>>
        tpu.wait_indirect_dma semaphore(%arg32 : memref<!tpu.dma_semaphore, #tpu.memory_space<semaphore_mem>>) src(%arg13 : memref<128x32xf32, #tpu.memory_space<vmem>>) dst(%dma_wait3A_326 : memref<10016x32xf32, #tpu.memory_space<vmem_shared>>)
        %dma_start3A_327 = arith.constant 0 : i32
        %dma_start3A_328 = tpu.memref_slice %arg6[%add3A_296, %dma_start3A_327] : memref<80x128xi32, #tpu.memory_space<vmem>> -> memref<1x128xi32, #tpu.memory_space<vmem>>
        %dma_start3A_329 = tpu.memref_squeeze %dma_start3A_328 : memref<1x128xi32, #tpu.memory_space<vmem>> -> memref<128xi32, #tpu.memory_space<vmem>>
        %dma_start3A_330 = arith.constant 0 : i32
        %dma_start3A_331 = arith.constant 0 : i32
        %dma_start3A_332 = tpu.memref_slice %arg17[%dma_start3A_330, %dma_start3A_331] : memref<10016x32xf32, #tpu.memory_space<vmem_shared>> -> memref<10016x32xf32, #tpu.memory_space<vmem_shared>>
        tpu.enqueue_indirect_dma source(%dma_start3A_332 : memref<10016x32xf32, #tpu.memory_space<vmem_shared>>) target(%arg13 : memref<128x32xf32, #tpu.memory_space<vmem>>) offsets(%dma_start3A_329 : memref<128xi32, #tpu.memory_space<vmem>>) semaphore(%arg24 : memref<!tpu.dma_semaphore, #tpu.memory_space<semaphore_mem>>)
      } else {
      }
      %add3A_302 = arith.constant 6 : i32
      %add3A_303 = arith.addi %add3A_138, %add3A_302 : i32
      %add3A_304 = arith.constant 8 : i32
      %add3A_305 = arith.addi %add3A_303, %add3A_304 : i32
      %lt3A_306 = arith.constant 80 : i32
      %lt3A_307 = arith.cmpi slt, %add3A_305, %lt3A_306 : i32
      %convert_element_type3A_308 = arith.extui %lt3A_307 : i1 to i32
      %cond3A_309 = arith.constant 0 : i32
      %cond3A_310 = arith.cmpi ne, %convert_element_type3A_308, %cond3A_309 : i32
      scf.if %cond3A_310 {
        %dma_wait3A_320 = arith.constant 0 : i32
        %dma_wait3A_321 = arith.constant 0 : i32
        %dma_wait3A_322 = tpu.memref_slice %arg7[%dma_wait3A_320, %dma_wait3A_321] : memref<80x128xi32, #tpu.memory_space<vmem>> -> memref<1x128xi32, #tpu.memory_space<vmem>>
        %dma_wait3A_323 = tpu.memref_squeeze %dma_wait3A_322 : memref<1x128xi32, #tpu.memory_space<vmem>> -> memref<128xi32, #tpu.memory_space<vmem>>
        %dma_wait3A_324 = arith.constant 0 : i32
        %dma_wait3A_325 = arith.constant 0 : i32
        %dma_wait3A_326 = tpu.memref_slice %arg18[%dma_wait3A_324, %dma_wait3A_325] : memref<10016x32xf32, #tpu.memory_space<vmem_shared>> -> memref<10016x32xf32, #tpu.memory_space<vmem_shared>>
        tpu.wait_indirect_dma semaphore(%arg33 : memref<!tpu.dma_semaphore, #tpu.memory_space<semaphore_mem>>) src(%arg14 : memref<128x32xf32, #tpu.memory_space<vmem>>) dst(%dma_wait3A_326 : memref<10016x32xf32, #tpu.memory_space<vmem_shared>>)
        %dma_start3A_327 = arith.constant 0 : i32
        %dma_start3A_328 = tpu.memref_slice %arg6[%add3A_305, %dma_start3A_327] : memref<80x128xi32, #tpu.memory_space<vmem>> -> memref<1x128xi32, #tpu.memory_space<vmem>>
        %dma_start3A_329 = tpu.memref_squeeze %dma_start3A_328 : memref<1x128xi32, #tpu.memory_space<vmem>> -> memref<128xi32, #tpu.memory_space<vmem>>
        %dma_start3A_330 = arith.constant 0 : i32
        %dma_start3A_331 = arith.constant 0 : i32
        %dma_start3A_332 = tpu.memref_slice %arg17[%dma_start3A_330, %dma_start3A_331] : memref<10016x32xf32, #tpu.memory_space<vmem_shared>> -> memref<10016x32xf32, #tpu.memory_space<vmem_shared>>
        tpu.enqueue_indirect_dma source(%dma_start3A_332 : memref<10016x32xf32, #tpu.memory_space<vmem_shared>>) target(%arg14 : memref<128x32xf32, #tpu.memory_space<vmem>>) offsets(%dma_start3A_329 : memref<128xi32, #tpu.memory_space<vmem>>) semaphore(%arg25 : memref<!tpu.dma_semaphore, #tpu.memory_space<semaphore_mem>>)
      } else {
      }
      %add3A_311 = arith.constant 7 : i32
      %add3A_312 = arith.addi %add3A_138, %add3A_311 : i32
      %add3A_313 = arith.constant 8 : i32
      %add3A_314 = arith.addi %add3A_312, %add3A_313 : i32
      %lt3A_315 = arith.constant 80 : i32
      %lt3A_316 = arith.cmpi slt, %add3A_314, %lt3A_315 : i32
      %convert_element_type3A_317 = arith.extui %lt3A_316 : i1 to i32
      %cond3A_318 = arith.constant 0 : i32
      %cond3A_319 = arith.cmpi ne, %convert_element_type3A_317, %cond3A_318 : i32
      scf.if %cond3A_319 {
        %dma_wait3A_320 = arith.constant 0 : i32
        %dma_wait3A_321 = arith.constant 0 : i32
        %dma_wait3A_322 = tpu.memref_slice %arg7[%dma_wait3A_320, %dma_wait3A_321] : memref<80x128xi32, #tpu.memory_space<vmem>> -> memref<1x128xi32, #tpu.memory_space<vmem>>
        %dma_wait3A_323 = tpu.memref_squeeze %dma_wait3A_322 : memref<1x128xi32, #tpu.memory_space<vmem>> -> memref<128xi32, #tpu.memory_space<vmem>>
        %dma_wait3A_324 = arith.constant 0 : i32
        %dma_wait3A_325 = arith.constant 0 : i32
        %dma_wait3A_326 = tpu.memref_slice %arg18[%dma_wait3A_324, %dma_wait3A_325] : memref<10016x32xf32, #tpu.memory_space<vmem_shared>> -> memref<10016x32xf32, #tpu.memory_space<vmem_shared>>
        tpu.wait_indirect_dma semaphore(%arg34 : memref<!tpu.dma_semaphore, #tpu.memory_space<semaphore_mem>>) src(%arg15 : memref<128x32xf32, #tpu.memory_space<vmem>>) dst(%dma_wait3A_326 : memref<10016x32xf32, #tpu.memory_space<vmem_shared>>)
        %dma_start3A_327 = arith.constant 0 : i32
        %dma_start3A_328 = tpu.memref_slice %arg6[%add3A_314, %dma_start3A_327] : memref<80x128xi32, #tpu.memory_space<vmem>> -> memref<1x128xi32, #tpu.memory_space<vmem>>
        %dma_start3A_329 = tpu.memref_squeeze %dma_start3A_328 : memref<1x128xi32, #tpu.memory_space<vmem>> -> memref<128xi32, #tpu.memory_space<vmem>>
        %dma_start3A_330 = arith.constant 0 : i32
        %dma_start3A_331 = arith.constant 0 : i32
        %dma_start3A_332 = tpu.memref_slice %arg17[%dma_start3A_330, %dma_start3A_331] : memref<10016x32xf32, #tpu.memory_space<vmem_shared>> -> memref<10016x32xf32, #tpu.memory_space<vmem_shared>>
        tpu.enqueue_indirect_dma source(%dma_start3A_332 : memref<10016x32xf32, #tpu.memory_space<vmem_shared>>) target(%arg15 : memref<128x32xf32, #tpu.memory_space<vmem>>) offsets(%dma_start3A_329 : memref<128xi32, #tpu.memory_space<vmem>>) semaphore(%arg26 : memref<!tpu.dma_semaphore, #tpu.memory_space<semaphore_mem>>)
      } else {
      }
    }
    %scan3A_77 = arith.constant 10 : i32
    %dma_wait3A = arith.constant 0 : i32
    %dma_wait3A_78 = arith.constant 0 : i32
    %dma_wait3A_79 = tpu.memref_slice %arg7[%dma_wait3A, %dma_wait3A_78] : memref<80x128xi32, #tpu.memory_space<vmem>> -> memref<1x128xi32, #tpu.memory_space<vmem>>
    %dma_wait3A_80 = tpu.memref_squeeze %dma_wait3A_79 : memref<1x128xi32, #tpu.memory_space<vmem>> -> memref<128xi32, #tpu.memory_space<vmem>>
    %dma_wait3A_81 = arith.constant 0 : i32
    %dma_wait3A_82 = arith.constant 0 : i32
    %dma_wait3A_83 = tpu.memref_slice %arg18[%dma_wait3A_81, %dma_wait3A_82] : memref<10016x32xf32, #tpu.memory_space<vmem_shared>> -> memref<10016x32xf32, #tpu.memory_space<vmem_shared>>
    tpu.wait_indirect_dma semaphore(%arg27 : memref<!tpu.dma_semaphore, #tpu.memory_space<semaphore_mem>>) src(%arg8 : memref<128x32xf32, #tpu.memory_space<vmem>>) dst(%dma_wait3A_83 : memref<10016x32xf32, #tpu.memory_space<vmem_shared>>)
    %dma_wait3A_84 = arith.constant 0 : i32
    %dma_wait3A_85 = arith.constant 0 : i32
    %dma_wait3A_86 = tpu.memref_slice %arg7[%dma_wait3A_84, %dma_wait3A_85] : memref<80x128xi32, #tpu.memory_space<vmem>> -> memref<1x128xi32, #tpu.memory_space<vmem>>
    %dma_wait3A_87 = tpu.memref_squeeze %dma_wait3A_86 : memref<1x128xi32, #tpu.memory_space<vmem>> -> memref<128xi32, #tpu.memory_space<vmem>>
    %dma_wait3A_88 = arith.constant 0 : i32
    %dma_wait3A_89 = arith.constant 0 : i32
    %dma_wait3A_90 = tpu.memref_slice %arg18[%dma_wait3A_88, %dma_wait3A_89] : memref<10016x32xf32, #tpu.memory_space<vmem_shared>> -> memref<10016x32xf32, #tpu.memory_space<vmem_shared>>
    tpu.wait_indirect_dma semaphore(%arg28 : memref<!tpu.dma_semaphore, #tpu.memory_space<semaphore_mem>>) src(%arg9 : memref<128x32xf32, #tpu.memory_space<vmem>>) dst(%dma_wait3A_90 : memref<10016x32xf32, #tpu.memory_space<vmem_shared>>)
    %dma_wait3A_91 = arith.constant 0 : i32
    %dma_wait3A_92 = arith.constant 0 : i32
    %dma_wait3A_93 = tpu.memref_slice %arg7[%dma_wait3A_91, %dma_wait3A_92] : memref<80x128xi32, #tpu.memory_space<vmem>> -> memref<1x128xi32, #tpu.memory_space<vmem>>
    %dma_wait3A_94 = tpu.memref_squeeze %dma_wait3A_93 : memref<1x128xi32, #tpu.memory_space<vmem>> -> memref<128xi32, #tpu.memory_space<vmem>>
    %dma_wait3A_95 = arith.constant 0 : i32
    %dma_wait3A_96 = arith.constant 0 : i32
    %dma_wait3A_97 = tpu.memref_slice %arg18[%dma_wait3A_95, %dma_wait3A_96] : memref<10016x32xf32, #tpu.memory_space<vmem_shared>> -> memref<10016x32xf32, #tpu.memory_space<vmem_shared>>
    tpu.wait_indirect_dma semaphore(%arg29 : memref<!tpu.dma_semaphore, #tpu.memory_space<semaphore_mem>>) src(%arg10 : memref<128x32xf32, #tpu.memory_space<vmem>>) dst(%dma_wait3A_97 : memref<10016x32xf32, #tpu.memory_space<vmem_shared>>)
    %dma_wait3A_98 = arith.constant 0 : i32
    %dma_wait3A_99 = arith.constant 0 : i32
    %dma_wait3A_100 = tpu.memref_slice %arg7[%dma_wait3A_98, %dma_wait3A_99] : memref<80x128xi32, #tpu.memory_space<vmem>> -> memref<1x128xi32, #tpu.memory_space<vmem>>
    %dma_wait3A_101 = tpu.memref_squeeze %dma_wait3A_100 : memref<1x128xi32, #tpu.memory_space<vmem>> -> memref<128xi32, #tpu.memory_space<vmem>>
    %dma_wait3A_102 = arith.constant 0 : i32
    %dma_wait3A_103 = arith.constant 0 : i32
    %dma_wait3A_104 = tpu.memref_slice %arg18[%dma_wait3A_102, %dma_wait3A_103] : memref<10016x32xf32, #tpu.memory_space<vmem_shared>> -> memref<10016x32xf32, #tpu.memory_space<vmem_shared>>
    tpu.wait_indirect_dma semaphore(%arg30 : memref<!tpu.dma_semaphore, #tpu.memory_space<semaphore_mem>>) src(%arg11 : memref<128x32xf32, #tpu.memory_space<vmem>>) dst(%dma_wait3A_104 : memref<10016x32xf32, #tpu.memory_space<vmem_shared>>)
    %dma_wait3A_105 = arith.constant 0 : i32
    %dma_wait3A_106 = arith.constant 0 : i32
    %dma_wait3A_107 = tpu.memref_slice %arg7[%dma_wait3A_105, %dma_wait3A_106] : memref<80x128xi32, #tpu.memory_space<vmem>> -> memref<1x128xi32, #tpu.memory_space<vmem>>
    %dma_wait3A_108 = tpu.memref_squeeze %dma_wait3A_107 : memref<1x128xi32, #tpu.memory_space<vmem>> -> memref<128xi32, #tpu.memory_space<vmem>>
    %dma_wait3A_109 = arith.constant 0 : i32
    %dma_wait3A_110 = arith.constant 0 : i32
    %dma_wait3A_111 = tpu.memref_slice %arg18[%dma_wait3A_109, %dma_wait3A_110] : memref<10016x32xf32, #tpu.memory_space<vmem_shared>> -> memref<10016x32xf32, #tpu.memory_space<vmem_shared>>
    tpu.wait_indirect_dma semaphore(%arg31 : memref<!tpu.dma_semaphore, #tpu.memory_space<semaphore_mem>>) src(%arg12 : memref<128x32xf32, #tpu.memory_space<vmem>>) dst(%dma_wait3A_111 : memref<10016x32xf32, #tpu.memory_space<vmem_shared>>)
    %dma_wait3A_112 = arith.constant 0 : i32
    %dma_wait3A_113 = arith.constant 0 : i32
    %dma_wait3A_114 = tpu.memref_slice %arg7[%dma_wait3A_112, %dma_wait3A_113] : memref<80x128xi32, #tpu.memory_space<vmem>> -> memref<1x128xi32, #tpu.memory_space<vmem>>
    %dma_wait3A_115 = tpu.memref_squeeze %dma_wait3A_114 : memref<1x128xi32, #tpu.memory_space<vmem>> -> memref<128xi32, #tpu.memory_space<vmem>>
    %dma_wait3A_116 = arith.constant 0 : i32
    %dma_wait3A_117 = arith.constant 0 : i32
    %dma_wait3A_118 = tpu.memref_slice %arg18[%dma_wait3A_116, %dma_wait3A_117] : memref<10016x32xf32, #tpu.memory_space<vmem_shared>> -> memref<10016x32xf32, #tpu.memory_space<vmem_shared>>
    tpu.wait_indirect_dma semaphore(%arg32 : memref<!tpu.dma_semaphore, #tpu.memory_space<semaphore_mem>>) src(%arg13 : memref<128x32xf32, #tpu.memory_space<vmem>>) dst(%dma_wait3A_118 : memref<10016x32xf32, #tpu.memory_space<vmem_shared>>)
    %dma_wait3A_119 = arith.constant 0 : i32
    %dma_wait3A_120 = arith.constant 0 : i32
    %dma_wait3A_121 = tpu.memref_slice %arg7[%dma_wait3A_119, %dma_wait3A_120] : memref<80x128xi32, #tpu.memory_space<vmem>> -> memref<1x128xi32, #tpu.memory_space<vmem>>
    %dma_wait3A_122 = tpu.memref_squeeze %dma_wait3A_121 : memref<1x128xi32, #tpu.memory_space<vmem>> -> memref<128xi32, #tpu.memory_space<vmem>>
    %dma_wait3A_123 = arith.constant 0 : i32
    %dma_wait3A_124 = arith.constant 0 : i32
    %dma_wait3A_125 = tpu.memref_slice %arg18[%dma_wait3A_123, %dma_wait3A_124] : memref<10016x32xf32, #tpu.memory_space<vmem_shared>> -> memref<10016x32xf32, #tpu.memory_space<vmem_shared>>
    tpu.wait_indirect_dma semaphore(%arg33 : memref<!tpu.dma_semaphore, #tpu.memory_space<semaphore_mem>>) src(%arg14 : memref<128x32xf32, #tpu.memory_space<vmem>>) dst(%dma_wait3A_125 : memref<10016x32xf32, #tpu.memory_space<vmem_shared>>)
    %dma_wait3A_126 = arith.constant 0 : i32
    %dma_wait3A_127 = arith.constant 0 : i32
    %dma_wait3A_128 = tpu.memref_slice %arg7[%dma_wait3A_126, %dma_wait3A_127] : memref<80x128xi32, #tpu.memory_space<vmem>> -> memref<1x128xi32, #tpu.memory_space<vmem>>
    %dma_wait3A_129 = tpu.memref_squeeze %dma_wait3A_128 : memref<1x128xi32, #tpu.memory_space<vmem>> -> memref<128xi32, #tpu.memory_space<vmem>>
    %dma_wait3A_130 = arith.constant 0 : i32
    %dma_wait3A_131 = arith.constant 0 : i32
    %dma_wait3A_132 = tpu.memref_slice %arg18[%dma_wait3A_130, %dma_wait3A_131] : memref<10016x32xf32, #tpu.memory_space<vmem_shared>> -> memref<10016x32xf32, #tpu.memory_space<vmem_shared>>
    tpu.wait_indirect_dma semaphore(%arg34 : memref<!tpu.dma_semaphore, #tpu.memory_space<semaphore_mem>>) src(%arg15 : memref<128x32xf32, #tpu.memory_space<vmem>>) dst(%dma_wait3A_132 : memref<10016x32xf32, #tpu.memory_space<vmem_shared>>)
    %barrier3A_133 = arith.constant 0 : index
    tpu.barrier barrier_id(%barrier3A_133)
    "tpu.region"() ({
      %run_scoped3A = tpu.sem_alloc : memref<!tpu.dma_semaphore, #tpu.memory_space<semaphore_mem>>
      %dma_start3A_134 = arith.constant 0 : i32
      %dma_start3A_135 = tpu.memref_slice %arg5[%arg0, %mul3A_2, %dma_start3A_134] : memref<2x10016x32xf32, #tpu.memory_space<hbm>> -> memref<1x626x32xf32, #tpu.memory_space<hbm>>
      %dma_start3A_136 = tpu.memref_squeeze %dma_start3A_135 : memref<1x626x32xf32, #tpu.memory_space<hbm>> -> memref<626x32xf32, #tpu.memory_space<hbm>>
      %dma_start3A_137 = arith.constant 0 : i32
      %dma_start3A_138 = tpu.memref_slice %arg18[%mul3A_2, %dma_start3A_137] : memref<10016x32xf32, #tpu.memory_space<vmem_shared>> -> memref<626x32xf32, #tpu.memory_space<vmem_shared>>
      tpu.enqueue_dma source(%dma_start3A_138 : memref<626x32xf32, #tpu.memory_space<vmem_shared>>) target(%dma_start3A_136 : memref<626x32xf32, #tpu.memory_space<hbm>>) target_semaphore(%run_scoped3A : memref<!tpu.dma_semaphore, #tpu.memory_space<semaphore_mem>>)
      %dma_wait3A_139 = arith.constant 0 : i32
      %dma_wait3A_140 = tpu.memref_slice %arg5[%arg0, %mul3A_2, %dma_wait3A_139] : memref<2x10016x32xf32, #tpu.memory_space<hbm>> -> memref<1x626x32xf32, #tpu.memory_space<hbm>>
      %dma_wait3A_141 = tpu.memref_squeeze %dma_wait3A_140 : memref<1x626x32xf32, #tpu.memory_space<hbm>> -> memref<626x32xf32, #tpu.memory_space<hbm>>
      %dma_wait3A_142 = arith.constant 0 : i32
      %dma_wait3A_143 = tpu.memref_slice %arg18[%mul3A_2, %dma_wait3A_142] : memref<10016x32xf32, #tpu.memory_space<vmem_shared>> -> memref<626x32xf32, #tpu.memory_space<vmem_shared>>
      tpu.wait_dma2 semaphore(%run_scoped3A : memref<!tpu.dma_semaphore, #tpu.memory_space<semaphore_mem>>) src(%dma_wait3A_143 : memref<626x32xf32, #tpu.memory_space<vmem_shared>>) dst(%dma_wait3A_141 : memref<626x32xf32, #tpu.memory_space<hbm>>)
      tpu.yield
    }) : () -> ()
    return
  }
}

module attributes {stable_mosaic.version = 14 : i64} {
  func.func @_prep_body(%arg0: i32, %arg1: memref<2x512x16xf32, #tpu.memory_space<vmem>>, %arg2: memref<512x128xf32, #tpu.memory_space<vmem>>, %arg3: memref<128x64xf32, #tpu.memory_space<vmem>>, %arg4: memref<512x1xf32, #tpu.memory_space<vmem>>, %arg5: memref<512x32xf32, #tpu.memory_space<vmem>>, %arg6: memref<512x32xf32, #tpu.memory_space<vmem>>) attributes {dimension_semantics = [#tpu.dimension_semantics<arbitrary>], iteration_bounds = array<i64: 20>, scalar_prefetch = 0 : i64, scratch_operands = 0 : i64, tpu.core_type = #tpu.core_type<tc>, window_params = [{transform_indices = @transform_0, window_bounds = array<i64: 2, 512, 16>}, {transform_indices = @transform_1, window_bounds = array<i64: 512, 128>}, {pipeline_mode = #tpu.pipeline_mode<synchronous>, transform_indices = @transform_2, window_bounds = array<i64: 128, 64>}, {transform_indices = @transform_3, window_bounds = array<i64: 512, 1>}, {transform_indices = @transform_4, window_bounds = array<i64: 512, 32>}, {transform_indices = @transform_5, window_bounds = array<i64: 512, 32>}]} {
    %get3A = arith.constant 0 : index
    %get3A_0 = arith.constant 0 : index
    %get3A_1 = vector.load %arg2[%get3A, %get3A_0] : memref<512x128xf32, #tpu.memory_space<vmem>>, vector<512x128xf32>
    %get3A_2 = arith.constant 0 : index
    %get3A_3 = arith.constant 0 : index
    %get3A_4 = vector.load %arg3[%get3A_2, %get3A_3] : memref<128x64xf32, #tpu.memory_space<vmem>>, vector<128x64xf32>
    %dot_general3A = arith.constant dense<0.000000e+00> : vector<512x64xf32>
    %dot_general3A_5 = tpu.matmul %get3A_1, %get3A_4, %dot_general3A {dimension_numbers = #tpu.dot_dimension_numbers<[1], [0], [0], [1], [0, 0, 1, 1], [], []>, precision = #tpu.contract_precision<fp32>, transpose_lhs_hint = false} : vector<512x128xf32>, vector<128x64xf32>, vector<512x64xf32> -> vector<512x64xf32>
    %get3A_6 = arith.constant 0 : index
    %get3A_7 = arith.constant 0 : index
    %get3A_8 = arith.constant 0 : index
    %get3A_9 = vector.load %arg1[%get3A_6, %get3A_7, %get3A_8] : memref<2x512x16xf32, #tpu.memory_space<vmem>>, vector<1x512x1xf32>
    %get3A_10 = vector.shape_cast %get3A_9 : vector<1x512x1xf32> to vector<512x1xf32>
    %get3A_11 = arith.constant 1 : index
    %get3A_12 = arith.constant 0 : index
    %get3A_13 = arith.constant 0 : index
    %get3A_14 = vector.load %arg1[%get3A_11, %get3A_12, %get3A_13] : memref<2x512x16xf32, #tpu.memory_space<vmem>>, vector<1x512x1xf32>
    %get3A_15 = vector.shape_cast %get3A_14 : vector<1x512x1xf32> to vector<512x1xf32>
    %add3A = arith.addf %get3A_10, %get3A_15 : vector<512x1xf32>
    %add3A_16 = arith.constant 1.000000e+00 : f32
    %add3A_17 = vector.broadcast %add3A_16 : f32 to vector<512x1xf32>
    %add3A_18 = arith.addf %add3A, %add3A_17 : vector<512x1xf32>
    %rsqrt3A = math.rsqrt %add3A_18 : vector<512x1xf32>
    %swap3A = arith.constant 0 : index
    %swap3A_19 = arith.constant 0 : index
    %swap3A_20 = vector.load %arg4[%swap3A, %swap3A_19] : memref<512x1xf32, #tpu.memory_space<vmem>>, vector<512x1xf32>
    tpu.vector_store %arg4[%swap3A, %swap3A_19], %rsqrt3A {strides = array<i32>} : memref<512x1xf32, #tpu.memory_space<vmem>>, vector<512x1xf32>,
    %mul3A = vector.broadcast %rsqrt3A : vector<512x1xf32> to vector<512x64xf32>
    %mul3A_21 = arith.mulf %dot_general3A_5, %mul3A : vector<512x64xf32>
    %slice3A = vector.extract_strided_slice %mul3A_21 {offsets = [0, 0], sizes = [512, 32], strides = [1, 1]} : vector<512x64xf32> to vector<512x32xf32>
    %swap3A_22 = arith.constant 0 : index
    %swap3A_23 = arith.constant 0 : index
    %swap3A_24 = vector.load %arg5[%swap3A_22, %swap3A_23] : memref<512x32xf32, #tpu.memory_space<vmem>>, vector<512x32xf32>
    tpu.vector_store %arg5[%swap3A_22, %swap3A_23], %slice3A {strides = array<i32>} : memref<512x32xf32, #tpu.memory_space<vmem>>, vector<512x32xf32>,
    %slice3A_25 = vector.extract_strided_slice %mul3A_21 {offsets = [0, 32], sizes = [512, 32], strides = [1, 1]} : vector<512x64xf32> to vector<512x32xf32>
    %swap3A_26 = arith.constant 0 : index
    %swap3A_27 = arith.constant 0 : index
    %swap3A_28 = vector.load %arg6[%swap3A_26, %swap3A_27] : memref<512x32xf32, #tpu.memory_space<vmem>>, vector<512x32xf32>
    tpu.vector_store %arg6[%swap3A_26, %swap3A_27], %slice3A_25 {strides = array<i32>} : memref<512x32xf32, #tpu.memory_space<vmem>>, vector<512x32xf32>,
    return
  }
  func.func @transform_0(%arg0: i32) -> (i32, i32, i32) {
    %c0_i32 = arith.constant 0 : i32
    %c0_i32_0 = arith.constant 0 : i32
    %c0_i32_1 = arith.constant 0 : i32
    return %c0_i32, %arg0, %c0_i32_0 : i32, i32, i32
  }
  func.func @transform_1(%arg0: i32) -> (i32, i32) {
    %c0_i32 = arith.constant 0 : i32
    %c0_i32_0 = arith.constant 0 : i32
    return %arg0, %c0_i32 : i32, i32
  }
  func.func @transform_2(%arg0: i32) -> (i32, i32) {
    %c0_i32 = arith.constant 0 : i32
    %c0_i32_0 = arith.constant 0 : i32
    %c0_i32_1 = arith.constant 0 : i32
    return %c0_i32, %c0_i32_0 : i32, i32
  }
  func.func @transform_3(%arg0: i32) -> (i32, i32) {
    %c0_i32 = arith.constant 0 : i32
    %c0_i32_0 = arith.constant 0 : i32
    return %arg0, %c0_i32 : i32, i32
  }
  func.func @transform_4(%arg0: i32) -> (i32, i32) {
    %c0_i32 = arith.constant 0 : i32
    %c0_i32_0 = arith.constant 0 : i32
    return %arg0, %c0_i32 : i32, i32
  }
  func.func @transform_5(%arg0: i32) -> (i32, i32) {
    %c0_i32 = arith.constant 0 : i32
    %c0_i32_0 = arith.constant 0 : i32
    return %arg0, %c0_i32 : i32, i32
  }
}

module attributes {stable_mosaic.version = 14 : i64} {
  func.func @_mid_body(%arg0: i32, %arg1: memref<2x512x32xf32, #tpu.memory_space<vmem>>, %arg2: memref<2x512x32xf32, #tpu.memory_space<vmem>>, %arg3: memref<512x32xf32, #tpu.memory_space<vmem>>, %arg4: memref<512x32xf32, #tpu.memory_space<vmem>>, %arg5: memref<512x1xf32, #tpu.memory_space<vmem>>, %arg6: memref<1x64xf32, #tpu.memory_space<vmem>>, %arg7: memref<64x32xf32, #tpu.memory_space<vmem>>, %arg8: memref<512x32xf32, #tpu.memory_space<vmem>>) attributes {dimension_semantics = [#tpu.dimension_semantics<arbitrary>], iteration_bounds = array<i64: 20>, scalar_prefetch = 0 : i64, scratch_operands = 0 : i64, tpu.core_type = #tpu.core_type<tc>, window_params = [{transform_indices = @transform_0, window_bounds = array<i64: 2, 512, 32>}, {transform_indices = @transform_1, window_bounds = array<i64: 2, 512, 32>}, {transform_indices = @transform_2, window_bounds = array<i64: 512, 32>}, {transform_indices = @transform_3, window_bounds = array<i64: 512, 32>}, {transform_indices = @transform_4, window_bounds = array<i64: 512, 1>}, {pipeline_mode = #tpu.pipeline_mode<synchronous>, transform_indices = @transform_5, window_bounds = array<i64: 1, 64>}, {pipeline_mode = #tpu.pipeline_mode<synchronous>, transform_indices = @transform_6, window_bounds = array<i64: 64, 32>}, {transform_indices = @transform_7, window_bounds = array<i64: 512, 32>}]} {
    %get3A = arith.constant 0 : index
    %get3A_0 = arith.constant 0 : index
    %get3A_1 = arith.constant 0 : index
    %get3A_2 = vector.load %arg1[%get3A, %get3A_0, %get3A_1] : memref<2x512x32xf32, #tpu.memory_space<vmem>>, vector<1x512x32xf32>
    %get3A_3 = vector.shape_cast %get3A_2 : vector<1x512x32xf32> to vector<512x32xf32>
    %get3A_4 = arith.constant 1 : index
    %get3A_5 = arith.constant 0 : index
    %get3A_6 = arith.constant 0 : index
    %get3A_7 = vector.load %arg1[%get3A_4, %get3A_5, %get3A_6] : memref<2x512x32xf32, #tpu.memory_space<vmem>>, vector<1x512x32xf32>
    %get3A_8 = vector.shape_cast %get3A_7 : vector<1x512x32xf32> to vector<512x32xf32>
    %add3A = arith.addf %get3A_3, %get3A_8 : vector<512x32xf32>
    %get3A_9 = arith.constant 0 : index
    %get3A_10 = arith.constant 0 : index
    %get3A_11 = vector.load %arg3[%get3A_9, %get3A_10] : memref<512x32xf32, #tpu.memory_space<vmem>>, vector<512x32xf32>
    %add3A_12 = arith.addf %add3A, %get3A_11 : vector<512x32xf32>
    %get3A_13 = arith.constant 0 : index
    %get3A_14 = arith.constant 0 : index
    %get3A_15 = arith.constant 0 : index
    %get3A_16 = vector.load %arg2[%get3A_13, %get3A_14, %get3A_15] : memref<2x512x32xf32, #tpu.memory_space<vmem>>, vector<1x512x32xf32>
    %get3A_17 = vector.shape_cast %get3A_16 : vector<1x512x32xf32> to vector<512x32xf32>
    %get3A_18 = arith.constant 1 : index
    %get3A_19 = arith.constant 0 : index
    %get3A_20 = arith.constant 0 : index
    %get3A_21 = vector.load %arg2[%get3A_18, %get3A_19, %get3A_20] : memref<2x512x32xf32, #tpu.memory_space<vmem>>, vector<1x512x32xf32>
    %get3A_22 = vector.shape_cast %get3A_21 : vector<1x512x32xf32> to vector<512x32xf32>
    %add3A_23 = arith.addf %get3A_17, %get3A_22 : vector<512x32xf32>
    %get3A_24 = arith.constant 0 : index
    %get3A_25 = arith.constant 0 : index
    %get3A_26 = vector.load %arg4[%get3A_24, %get3A_25] : memref<512x32xf32, #tpu.memory_space<vmem>>, vector<512x32xf32>
    %add3A_27 = arith.addf %add3A_23, %get3A_26 : vector<512x32xf32>
    %concatenate3A = tpu.concatenate %add3A_12, %add3A_27 in 1 : vector<512x32xf32>, vector<512x32xf32> -> vector<512x64xf32>
    %get3A_28 = arith.constant 0 : index
    %get3A_29 = arith.constant 0 : index
    %get3A_30 = vector.load %arg5[%get3A_28, %get3A_29] : memref<512x1xf32, #tpu.memory_space<vmem>>, vector<512x1xf32>
    %mul3A = vector.broadcast %get3A_30 : vector<512x1xf32> to vector<512x64xf32>
    %mul3A_31 = arith.mulf %concatenate3A, %mul3A : vector<512x64xf32>
    %get3A_32 = arith.constant 0 : index
    %get3A_33 = arith.constant 0 : index
    %get3A_34 = vector.load %arg6[%get3A_32, %get3A_33] : memref<1x64xf32, #tpu.memory_space<vmem>>, vector<1x64xf32>
    %add3A_35 = vector.broadcast %get3A_34 : vector<1x64xf32> to vector<512x64xf32>
    %add3A_36 = arith.addf %mul3A_31, %add3A_35 : vector<512x64xf32>
    %max3A = arith.constant 0.000000e+00 : f32
    %max3A_37 = vector.broadcast %max3A : f32 to vector<512x64xf32>
    %max3A_38 = arith.maximumf %add3A_36, %max3A_37 : vector<512x64xf32>
    %get3A_39 = arith.constant 0 : index
    %get3A_40 = arith.constant 0 : index
    %get3A_41 = vector.load %arg7[%get3A_39, %get3A_40] : memref<64x32xf32, #tpu.memory_space<vmem>>, vector<64x32xf32>
    %dot_general3A = arith.constant dense<0.000000e+00> : vector<512x32xf32>
    %dot_general3A_42 = tpu.matmul %max3A_38, %get3A_41, %dot_general3A {dimension_numbers = #tpu.dot_dimension_numbers<[1], [0], [0], [1], [0, 0, 1, 1], [], []>, precision = #tpu.contract_precision<fp32>, transpose_lhs_hint = false} : vector<512x64xf32>, vector<64x32xf32>, vector<512x32xf32> -> vector<512x32xf32>
    %get3A_43 = arith.constant 0 : index
    %get3A_44 = arith.constant 0 : index
    %get3A_45 = vector.load %arg5[%get3A_43, %get3A_44] : memref<512x1xf32, #tpu.memory_space<vmem>>, vector<512x1xf32>
    %mul3A_46 = vector.broadcast %get3A_45 : vector<512x1xf32> to vector<512x32xf32>
    %mul3A_47 = arith.mulf %dot_general3A_42, %mul3A_46 : vector<512x32xf32>
    %swap3A = arith.constant 0 : index
    %swap3A_48 = arith.constant 0 : index
    %swap3A_49 = vector.load %arg8[%swap3A, %swap3A_48] : memref<512x32xf32, #tpu.memory_space<vmem>>, vector<512x32xf32>
    tpu.vector_store %arg8[%swap3A, %swap3A_48], %mul3A_47 {strides = array<i32>} : memref<512x32xf32, #tpu.memory_space<vmem>>, vector<512x32xf32>,
    return
  }
  func.func @transform_0(%arg0: i32) -> (i32, i32, i32) {
    %c0_i32 = arith.constant 0 : i32
    %c0_i32_0 = arith.constant 0 : i32
    %c0_i32_1 = arith.constant 0 : i32
    return %c0_i32, %arg0, %c0_i32_0 : i32, i32, i32
  }
  func.func @transform_1(%arg0: i32) -> (i32, i32, i32) {
    %c0_i32 = arith.constant 0 : i32
    %c0_i32_0 = arith.constant 0 : i32
    %c0_i32_1 = arith.constant 0 : i32
    return %c0_i32, %arg0, %c0_i32_0 : i32, i32, i32
  }
  func.func @transform_2(%arg0: i32) -> (i32, i32) {
    %c0_i32 = arith.constant 0 : i32
    %c0_i32_0 = arith.constant 0 : i32
    return %arg0, %c0_i32 : i32, i32
  }
  func.func @transform_3(%arg0: i32) -> (i32, i32) {
    %c0_i32 = arith.constant 0 : i32
    %c0_i32_0 = arith.constant 0 : i32
    return %arg0, %c0_i32 : i32, i32
  }
  func.func @transform_4(%arg0: i32) -> (i32, i32) {
    %c0_i32 = arith.constant 0 : i32
    %c0_i32_0 = arith.constant 0 : i32
    return %arg0, %c0_i32 : i32, i32
  }
  func.func @transform_5(%arg0: i32) -> (i32, i32) {
    %c0_i32 = arith.constant 0 : i32
    %c0_i32_0 = arith.constant 0 : i32
    %c0_i32_1 = arith.constant 0 : i32
    return %c0_i32, %c0_i32_0 : i32, i32
  }
  func.func @transform_6(%arg0: i32) -> (i32, i32) {
    %c0_i32 = arith.constant 0 : i32
    %c0_i32_0 = arith.constant 0 : i32
    %c0_i32_1 = arith.constant 0 : i32
    return %c0_i32, %c0_i32_0 : i32, i32
  }
  func.func @transform_7(%arg0: i32) -> (i32, i32) {
    %c0_i32 = arith.constant 0 : i32
    %c0_i32_0 = arith.constant 0 : i32
    return %arg0, %c0_i32 : i32, i32
  }
}

module attributes {stable_mosaic.version = 14 : i64} {
  func.func @_final_body(%arg0: i32, %arg1: memref<2x512x32xf32, #tpu.memory_space<vmem>>, %arg2: memref<512x32xf32, #tpu.memory_space<vmem>>, %arg3: memref<512x1xf32, #tpu.memory_space<vmem>>, %arg4: memref<1x32xf32, #tpu.memory_space<vmem>>, %arg5: memref<512x32xf32, #tpu.memory_space<vmem>>) attributes {dimension_semantics = [#tpu.dimension_semantics<arbitrary>], iteration_bounds = array<i64: 20>, scalar_prefetch = 0 : i64, scratch_operands = 0 : i64, tpu.core_type = #tpu.core_type<tc>, window_params = [{transform_indices = @transform_0, window_bounds = array<i64: 2, 512, 32>}, {transform_indices = @transform_1, window_bounds = array<i64: 512, 32>}, {transform_indices = @transform_2, window_bounds = array<i64: 512, 1>}, {pipeline_mode = #tpu.pipeline_mode<synchronous>, transform_indices = @transform_3, window_bounds = array<i64: 1, 32>}, {transform_indices = @transform_4, window_bounds = array<i64: 512, 32>}]} {
    %get3A = arith.constant 0 : index
    %get3A_0 = arith.constant 0 : index
    %get3A_1 = arith.constant 0 : index
    %get3A_2 = vector.load %arg1[%get3A, %get3A_0, %get3A_1] : memref<2x512x32xf32, #tpu.memory_space<vmem>>, vector<1x512x32xf32>
    %get3A_3 = vector.shape_cast %get3A_2 : vector<1x512x32xf32> to vector<512x32xf32>
    %get3A_4 = arith.constant 1 : index
    %get3A_5 = arith.constant 0 : index
    %get3A_6 = arith.constant 0 : index
    %get3A_7 = vector.load %arg1[%get3A_4, %get3A_5, %get3A_6] : memref<2x512x32xf32, #tpu.memory_space<vmem>>, vector<1x512x32xf32>
    %get3A_8 = vector.shape_cast %get3A_7 : vector<1x512x32xf32> to vector<512x32xf32>
    %add3A = arith.addf %get3A_3, %get3A_8 : vector<512x32xf32>
    %get3A_9 = arith.constant 0 : index
    %get3A_10 = arith.constant 0 : index
    %get3A_11 = vector.load %arg2[%get3A_9, %get3A_10] : memref<512x32xf32, #tpu.memory_space<vmem>>, vector<512x32xf32>
    %add3A_12 = arith.addf %add3A, %get3A_11 : vector<512x32xf32>
    %get3A_13 = arith.constant 0 : index
    %get3A_14 = arith.constant 0 : index
    %get3A_15 = vector.load %arg3[%get3A_13, %get3A_14] : memref<512x1xf32, #tpu.memory_space<vmem>>, vector<512x1xf32>
    %mul3A = vector.broadcast %get3A_15 : vector<512x1xf32> to vector<512x32xf32>
    %mul3A_16 = arith.mulf %add3A_12, %mul3A : vector<512x32xf32>
    %get3A_17 = arith.constant 0 : index
    %get3A_18 = arith.constant 0 : index
    %get3A_19 = vector.load %arg4[%get3A_17, %get3A_18] : memref<1x32xf32, #tpu.memory_space<vmem>>, vector<1x32xf32>
    %add3A_20 = vector.broadcast %get3A_19 : vector<1x32xf32> to vector<512x32xf32>
    %add3A_21 = arith.addf %mul3A_16, %add3A_20 : vector<512x32xf32>
    %swap3A = arith.constant 0 : index
    %swap3A_22 = arith.constant 0 : index
    %swap3A_23 = vector.load %arg5[%swap3A, %swap3A_22] : memref<512x32xf32, #tpu.memory_space<vmem>>, vector<512x32xf32>
    tpu.vector_store %arg5[%swap3A, %swap3A_22], %add3A_21 {strides = array<i32>} : memref<512x32xf32, #tpu.memory_space<vmem>>, vector<512x32xf32>,
    return
  }
  func.func @transform_0(%arg0: i32) -> (i32, i32, i32) {
    %c0_i32 = arith.constant 0 : i32
    %c0_i32_0 = arith.constant 0 : i32
    %c0_i32_1 = arith.constant 0 : i32
    return %c0_i32, %arg0, %c0_i32_0 : i32, i32, i32
  }
  func.func @transform_1(%arg0: i32) -> (i32, i32) {
    %c0_i32 = arith.constant 0 : i32
    %c0_i32_0 = arith.constant 0 : i32
    return %arg0, %c0_i32 : i32, i32
  }
  func.func @transform_2(%arg0: i32) -> (i32, i32) {
    %c0_i32 = arith.constant 0 : i32
    %c0_i32_0 = arith.constant 0 : i32
    return %arg0, %c0_i32 : i32, i32
  }
  func.func @transform_3(%arg0: i32) -> (i32, i32) {
    %c0_i32 = arith.constant 0 : i32
    %c0_i32_0 = arith.constant 0 : i32
    %c0_i32_1 = arith.constant 0 : i32
    return %c0_i32, %c0_i32_0 : i32, i32
  }
  func.func @transform_4(%arg0: i32) -> (i32, i32) {
    %c0_i32 = arith.constant 0 : i32
    %c0_i32_0 = arith.constant 0 : i32
    return %arg0, %c0_i32 : i32, i32
  }
}

</mosaic_0001>

<sc_bundles>
// kernel: kernel.12.cloned.1.call-start
scs
__scs_entry_jumppad:
0x0: {  	(pc) =	sbr.rel $0x88, $3  }
0x1: {  	(tag) =	ssettag $0x0;
	lr =	simm.s32 $0x1  }
0x2: {  	[smem:$0x3F9B] =	sst lr;
	_ =	strace $0xD0000000  }
0x3: {  	_ = 	snop  }
0x4: {  	_ = 	snop  }
0x5: {  	_ = 	snop  }
0x6: {  	_ = 	snop  }
0x7: {  	_ = 	snop  }
__scs_overlays_trampoline_lowered:
0x8: {  	[smem:$0x3FAA] =	sst s0  }
0x9: {  	[smem:$0x3FAB] =	sst s1  }
0xa: {  	[smem:$0x3FAC] =	sst s2  }
0xb: {  	[smem:$0x3FAD] =	sst s3  }
0xc: {  	[smem:$0x3FAE] =	sst s4  }
0xd: {  	[smem:$0x3FAF] =	sst s5  }
0xe: {  	[smem:$0x3FB0] =	sst s6  }
0xf: {  	[smem:$0x3FB1] =	sst s7  }
0x10: {  	[smem:$0x3FB2] =	sst s8  }
0x11: {  	[smem:$0x3FB3] =	sst s9;
	s0 =	simm.s32 @!p0 $0x0  }
0x12: {  	s1 =	sld [smem:$0x3F99];
	s0 =	simm.s32 @p0 $0x1  }
0x13: {  	[smem:$0x3FB4] =	sst s0;
	s0 =	simm.s32 @!p1 $0x0  }
0x14: {  	s2 =	sld [smem:$0x3F98];
	s0 =	simm.s32 @p1 $0x1  }
0x15: {  	[smem:$0x3FB5] =	sst s0;
	s0 =	simm.s32 @!p2 $0x0  }
0x16: {  	s3 =	sld [smem:$0x3FDB];
	s0 =	simm.s32 @p2 $0x1  }
0x17: {  	s4 =	simm.s32 $0x1BF5;
	[smem:$0x3FB7] =	sst s0  }
0x18: {  	s0 =	sld [smem:$0x3F9A];
	_ =	swait.ge [sflag:s4], $0x0  }
0x19: {  	s7 =	sld [smem:$0x3F9B]  }
0x1a: {  	s8 =	sadd.s32 $0xFFFFE003, lr  }
0x1b: {  	s9 =	sadd.s32 $0xFFFFFEF7, lr;
	s5 =	simm.s32 $0xFFFFFFFF;
	p2 =	slt.u32 s8, $0xFFFFF086  }
0x1c: {  	p1 =	slt.u32 s9, $0xF7A;
	s5 =	simm.s32 @!p2 $0x0  }
0x1d: {  	s5 =	simm.s32 @p1 $0x1;
	p0 =	seq.s32 s7, s2  }
0x1e: {  	s7 =	smul.u32 @!p0 $0xF7A, s2;
	p2 =	seq.s32 @!p0 s5, $0x0  }
0x1f: {  	s9 =	smul.u32 $0xF7A, s1;
	s8 =	simm.s32 @!p0 $0x1BF5;
	p2 =	por !p2, p0  }
0x20: {  	[sflag:s8] =	ssyncset.s32 @!p0 $0xFFFFF086;
	s6 =	sadd.s32 @!p0 s3, s7;
	s7 =	simm.s32 @!p0 $0x108  }
0x21: {  	s3 =	sadd.s32 s3, s9;
	s6 =	sadd.s32 @!p0 $0x88, s6;
	s7 =	simm.s32 @p2 $0x1082  }
0x22: {  	[simem:s7], [sflag:s8] =	dma.local @!p0 [hbm:s6], $0xF7A  }
0x23: {  	s9 =	sor.u32 $0xD0000000, s2;
	s6 =	simm.s32 $0x108;
	_ =	swait.ge @!p0 [sflag:s8], $0x0  }
0x24: {  	s3 =	sadd.s32 $0x88, s3;
	s6 =	simm.s32 @!p1 $0x1082;
	[sflag:s4] =	ssyncset.s32 $0xFFFFF086  }
0x25: {  	[simem:s6], [sflag:s4] =	dma.local [hbm:s3], $0xF7A  }
0x26: {  	[smem:$0x3F9B] =	sst s1;
	(tag) =	ssettag s2;
	_ =	strace s9  }
0x27: {  	s1 =	sld [smem:$0x3FAB]  }
0x28: {  	s2 =	sld [smem:$0x3FAC]  }
0x29: {  	s4 =	sld [smem:$0x3FAE]  }
0x2a: {  	p0 =	seq.s32 s5, $0x0;
	s5 =	sld [smem:$0x3FAF]  }
0x2b: {  	s6 =	sld [smem:$0x3FB0]  }
0x2c: {  	s7 =	sld [smem:$0x3FB1]  }
0x2d: {  	s3 =	simm.s32 $0x108;
	s8 =	sld [smem:$0x3FB2]  }
0x2e: {  	s3 =	simm.s32 @!p0 $0x1082;
	s9 =	sld [smem:$0x3FB3]  }
0x2f: {  	lr =	sadd.s32 s0, s3;
	s0 =	sld [smem:$0x3FAA]  }
0x30: {  	s3 =	sld [smem:$0x3FAD]  }
0x31: {  	[smem:$0x3FB6] =	sst s10  }
0x32: {  	s10 =	sld [smem:$0x3FB4];
	_ =	sdelay $0x3  }
0x33: {  	p0 =	seq.s32 s10, $0x1;
	s10 =	sld [smem:$0x3FB6];
	_ =	sdelay $0x3  }
0x34: {  	[smem:$0x3FB6] =	sst s10  }
0x35: {  	s10 =	sld [smem:$0x3FB5];
	_ =	sdelay $0x3  }
0x36: {  	p1 =	seq.s32 s10, $0x1;
	s10 =	sld [smem:$0x3FB6];
	_ =	sdelay $0x3  }
0x37: {  	[smem:$0x3FB6] =	sst s10  }
0x38: {  	s10 =	sld [smem:$0x3FB7]  }
0x39: {  	_ = 	snop;
	(pc) =	sbr.ind lr, $3  }
0x3a: {  	_ = 	snop  }
0x3b: {  	_ = 	snop  }
0x3c: {  	p2 =	seq.s32 s10, $0x1;
	s10 =	sld [smem:$0x3FB6]  }
0x3d: {  	_ =	shalt  }
0x3e: {  	_ =	shalt  }
0x3f: {  	_ =	shalt  }
0x40: {  	_ =	shalt  }
0x41: {  	_ =	shalt  }
0x42: {  	_ =	shalt  }
0x43: {  	_ =	shalt  }
0x44: {  	_ =	shalt  }
0x45: {  	_ =	shalt  }
0x46: {  	_ =	shalt  }
0x47: {  	_ =	shalt  }
0x48: {  	_ =	shalt  }
0x49: {  	_ =	shalt  }
0x4a: {  	_ =	shalt  }
0x4b: {  	_ =	shalt  }
0x4c: {  	_ =	shalt  }
0x4d: {  	_ =	shalt  }
0x4e: {  	_ =	shalt  }
0x4f: {  	_ =	shalt  }
0x50: {  	_ =	shalt  }
0x51: {  	_ =	shalt  }
0x52: {  	_ =	shalt  }
0x53: {  	_ =	shalt  }
0x54: {  	_ =	shalt  }
0x55: {  	_ =	shalt  }
0x56: {  	_ =	shalt  }
0x57: {  	_ =	shalt  }
0x58: {  	_ =	shalt  }
0x59: {  	_ =	shalt  }
0x5a: {  	_ =	shalt  }
0x5b: {  	_ =	shalt  }
0x5c: {  	_ =	shalt  }
0x5d: {  	_ =	shalt  }
0x5e: {  	_ =	shalt  }
0x5f: {  	_ =	shalt  }
0x60: {  	_ =	shalt  }
0x61: {  	_ =	shalt  }
0x62: {  	_ =	shalt  }
0x63: {  	_ =	shalt  }
0x64: {  	_ =	shalt  }
0x65: {  	_ =	shalt  }
0x66: {  	_ =	shalt  }
0x67: {  	_ =	shalt  }
0x68: {  	_ =	shalt  }
0x69: {  	_ =	shalt  }
0x6a: {  	_ =	shalt  }
0x6b: {  	_ =	shalt  }
0x6c: {  	_ =	shalt  }
0x6d: {  	_ =	shalt  }
0x6e: {  	_ =	shalt  }
0x6f: {  	_ =	shalt  }
0x70: {  	_ =	shalt  }
0x71: {  	_ =	shalt  }
0x72: {  	_ =	shalt  }
0x73: {  	_ =	shalt  }
0x74: {  	_ =	shalt  }
0x75: {  	_ =	shalt  }
0x76: {  	_ =	shalt  }
0x77: {  	_ =	shalt  }
0x78: {  	_ =	shalt  }
0x79: {  	_ =	shalt  }
0x7a: {  	_ =	shalt  }
0x7b: {  	_ =	shalt  }
0x7c: {  	_ =	shalt  }
0x7d: {  	_ =	shalt  }
0x7e: {  	_ =	shalt  }
0x7f: {  	_ =	shalt  }
0x80: {  	_ =	shalt  }
0x81: {  	_ =	shalt  }
0x82: {  	_ =	shalt  }
0x83: {  	_ =	shalt  }
0x84: {  	_ =	shalt  }
0x85: {  	_ =	shalt  }
0x86: {  	_ =	shalt  }
0x87: {  	_ =	shalt  }
.Lfunc_end0:
.L_simem_size_0:
called_computation.1_lowered:
.L_overlay_start_0:
0x88: {  	s2 =	sld [smem:$0x3FD9]  }
0x89: {  	s3 =	sld [smem:$0x3FFE];
	_ =	sdelay $0x1  }
0x8a: {  	s1 =	srdreg.scid  }
0x8b: {  	s0 =	sand.u32 $0x1, s1  }
0x8c: {  	s17 =	sshll.u32 s0, $0xA;
	s2 =	sadd.s32 s3, s2  }
0x8d: {  	s2 =	sadd.s32 s2, s17  }
0x8e: {  	[smem:$0x3FC2] =	sst s2  }
0x8f: {  	_ = 	snop  }
0x90: {  	s2 =	sld [smem:$0x3FD0];
	(tm) =	ssettm $0x1  }
0x91: {  	s18 =	sld [smem:$0x3FFB];
	_ =	sdelay $0x3  }
0x92: {  	_ =	strace s18  }
0x93: {  	s3 =	sld [smem:$0x3FFC];
	_ =	sdelay $0x3  }
0x94: {  	_ =	strace s3  }
0x95: {  	s3 =	sld [smem:$0x3FFD];
	_ =	sdelay $0x3  }
0x96: {  	_ =	strace s3  }
0x97: {  	_ =	strace $0x8FFFFFFF  }
0x98: {  	s19 =	sld [smem:$0x3FDB];
	_ =	sdelay $0x1  }
0x99: {  	s4 =	simm.s32 $_scs_section_size  }
0x9a: {  	s5 =	simm.s32 $_size__tile_overlayer_lowered;
	s6 =	simm.s32 $_tile_overlayer_lowered  }
0x9b: {  	s22 =	simm.s32 $0x1BFF;
	s21 =	sshll.u32 s6, $0x1;
	s3 =	sadd.s32 s4, s19  }
0x9c: {  	s7 =	simm.s32 $0x0;
	s20 =	sshll.u32 s5, $0x1;
	s5 =	sadd.s32 s21, s3  }
0x9d: {  	[timem:s7], [sflag:s22] =	dma.local [hbm:s5], s20  }
0x9e: {  	_ =	swait.ge [sflag:s22], s20  }
0x9f: {  	s4 =	ssub.s32 $0x0, s20;
	[sflag:s22] =	ssyncset.done $0x0  }
0xa0: {  	[sflag:s22] =	ssyncadd.s32 s4;
	_ =	sdelay $0x1  }
0xa1: {  	s23 =	simm.s32 $0x1B8B  }
0xa2: {  	_ =	swait.ge [sflag:s23], $0x1  }
0xa3: {  	[sflag:s23] =	ssyncset.done $0x0  }
0xa4: {  	s25 =	simm.s32 $0x1B8E;
	s24 =	sld [smem:$0x3FFE];
	[sflag:s23] =	ssyncadd.s32 $0xFFFFFFFF  }
0xa5: {  	s26 =	simm.s32 $execute0_lowered;
	[smem:$0x3FD2] =	sst s25  }
0xa6: {  	s5 =	sshll.u32 s26, $0x1;
	_ =	strace $0x80000049;
	[dreg:$0x1] =	wrdreg $0xFFFFFFFF  }
0xa7: {  	s28 =	simm.s32 $_size_execute0_lowered;
	s3 =	sadd.s32 s3, s5;
	[dreg:$0x0] =	wrdreg $0x0  }
0xa8: {  	s5 =	sshll.u32 s28, $0x1;
	[dreg:$0x2] =	wrdreg s3  }
0xa9: {  	[dreg:$0x3] =	wrdreg s5  }
0xaa: {  	[dreg:$0x4] =	wrdreg $0xC0  }
0xab: {  	_ =	task [dreg:s7], $0x5FFFF  }
0xac: {  	[dreg:$0x1] =	wrdreg $0xFFFFFFFF  }
0xad: {  	[dreg:$0x0] =	wrdreg $0x60  }
0xae: {  	[dreg:$0x2] =	wrdreg s2  }
0xaf: {  	[dreg:$0x3] =	wrdreg s24  }
0xb0: {  	[dreg:$0x4] =	wrdreg $0xE0000  }
0xb1: {  	[dreg:$0x5] =	wrdreg $0x12E400  }
0xb2: {  	[dreg:$0x6] =	wrdreg $0x9  }
0xb3: {  	_ =	task.clear_ibuf [dreg:s7], $0x7FFFF;
	_ =	strace $0x90000049  }
0xb4: {  	s29 =	simm.s32 $0x9;
	_ =	strace $0x8000004B  }
0xb5: {  	_ =	swait.ge [sflag:s29], $0x1  }
0xb6: {  	[sflag:s29] =	ssyncadd.s32 $0xFFFFFFFF  }
0xb7: {  	_ =	strace $0x9000004B  }
0xb8: {  	_ =	sfence  }
0xb9: {  	s30 =	sld [smem:$0x0];
	_ =	sdelay $0x2  }
0xba: {  	s31 =	sshll.u32 s1, $0xD;
	s1 =	sshrl.u32 s1, $0x2  }
0xbb: {  	s3 =	sand.u32 $0x4000, s31;
	s1 =	sadd.s32 s1, s30  }
0xbc: {  	s0 =	sor.u32 s3, s0;
	s1 =	sshll.u32 s1, $0x11  }
0xbd: {  	s0 =	sor.u32 s1, s0  }
0xbe: {  	s0 =	sadd.s32 $0x8F2B, s0  }
0xbf: {  	[sflag:s0] =	ssyncadd.remote.s32 $0x1  }
0xc0: {  	_ =	sfence.sel $0xFFFF  }
0xc1: {  	[dreg:$0x0] =	wrdreg $0xFFFFFFFF;
	(pc) =	sbr.abs _section_cstart, $3  }
0xc2: {  	[dreg:$0x1] =	wrdreg $0xFFFFFFFF  }
0xc3: {  	_ =	task.clear_ibuf [dreg:s7], $0x2FFFF;
	_ =	strace $0x9FFFFFFF  }
0xc4: {  	(tm) =	ssettm $0x7FFFFFFF  }
0xc5: {  	_ =	shalt  }
tec
execute0_lowered:
.L_overlay_start_1:
0x0: {  	(tag) =	ssettag $0x1  }
0x1: {  	s0 =	rddreg [dreg:$0x0]  }
0x2: {  	s1 =	rddreg [dreg:$0x1]  }
0x3: {  	s2 =	rddreg [dreg:$0x2];
	s4 =	srdreg.scid  }
0x4: {  	s3 =	rddreg [dreg:$0x3];
	s11 =	stileid.u32  }
0x5: {  	s29 =	simm.s32 $0x9000;
	s31 =	simm.s32 $0xA000;
	s28 =	simm.s32 $0x2  }
0x6: {  	s30 =	simm.s32 $0x3;
	s12 =	simm.s32 $0xB;
	s7 =	smul.u32 $0x4E40, s11  }
0x7: {  	s5 =	sand.u32 $0x1, s4;
	s4 =	simm.s32 $0x0;
	s9 =	smul.u32 $0x13900, s11  }
0x8: {  	s15 =	sshll.u32 s11, $0x6;
	s6 =	sshll.u32 s5, $0x4;
	s8 =	smul.u32 $0x4E400, s5  }
0x9: {  	[smem:$0x7FF] =	sst s4;
	s5 =	ssub.s32 $0x2, s5;
	s18 =	sor.u32 $0x1C11, s15  }
0xa: {  	s15 =	simm.s32 $0xE;
	s6 =	sor.u32 s11, s6;
	_ =	strace $0x8000004A  }
0xb: {  	s13 =	sshrl.u32 s5, $0x1;
	s14 =	sadd.s32 s7, s2;
	s10 =	sshrl.u32 s7, $0x3  }
0xc: {  	s9 =	sshrl.u32 s9, $0x2;
	s16 =	sadd.s32 s7, s3;
	s11 =	simm.s32 $0xA  }
0xd: {  	[dreg:$0x7] =	wrdreg s18;
	s6 =	smul.u32 $0x500, s6;
	s8 =	sadd.s32 s7, s8  }
0xe: {  	s5 =	ssub.s32 s5, s13;
	s0 =	sadd.s32 s0, s10;
	[dreg:$0x8] =	wrdreg s16  }
0xf: {  	s17 =	sadd.s32 s9, s3;
	s26 =	sshrl.u32 s14, $0x3;
	s9 =	simm.s32 $0x8  }
0x10: {  	s10 =	simm.s32 $0x9;
	s13 =	simm.s32 $0xC;
	s14 =	simm.s32 $0xD  }
0x11: {  	s16 =	simm.s32 $0xF;
	s8 =	sshrl.u32 s8, $0x3;
	[dreg:$0x6] =	wrdreg s0  }
0x12: {  	s19 =	sadd.s32 $0x1000, s17;
	s20 =	sadd.s32 $0x2000, s17;
	[dreg:$0x11] =	wrdreg s26  }
0x13: {  	s21 =	sadd.s32 $0x3000, s17;
	s0 =	sadd.s32 $0x4000, s17;
	[dreg:$0x9] =	wrdreg s19  }
0x14: {  	s25 =	smax.u32 s5, $0x1;
	s17 =	simm.s32 $0x11;
	[dreg:$0xa] =	wrdreg s20  }
0x15: {  	s26 =	simm.s32 $0x8000;
	s5 =	simm.s32 $0x6;
	[dreg:$0xb] =	wrdreg s21  }
0x16: {  	s6 =	sadd.s32 s6, s1;
	s1 =	sadd.s32 s8, s1;
	[dreg:$0xc] =	wrdreg s0  }
0x17: {  	[dreg:$0x10] =	wrdreg s25;
	s20 =	simm.s32 $0x80;
	s21 =	simm.s32 $0x5000  }
0x18: {  	s25 =	simm.s32 $0x1;
	s0 =	simm.s32 $0x4;
	s22 =	sadd.s32 $0xC400, s6  }
0x19: {  	s19 =	simm.s32 $0x5;
	s23 =	sadd.s32 $0x2400, s6;
	[dreg:$0xd] =	wrdreg s22  }
0x1a: {  	s8 =	simm.s32 $0x7;
	s24 =	sadd.s32 $0x3D600, s1;
	[dreg:$0xe] =	wrdreg s23  }
0x1b: {  	s1 =	simm.s32 $0xB000;
	s6 =	simm.s32 $0x10;
	[dreg:$0xf] =	wrdreg s24  }
0x1c: {  	v0 =	vimm.f32 $0.0e+00;
	s22 =	simm.s32 $0x6000;
	s24 =	simm.s32 $0x7000;
	s23 =	simm.s32 $0xC000  }
.LBB2_1:
0x1d: {  	[dreg:$0x5] =	wrdreg s4  }
0x1e: {  	s4 =	rddreg [dreg:$0x6]  }
0x1f: {  	s7 =	rddreg [dreg:$0x11]  }
0x20: {  	[spmem:s7], [sflag:s18] =	dma.local [hbm:s4], $0x9C8  }
0x21: {  	_ =	swait.ge [sflag:s17], $0x9C8  }
0x22: {  	[sflag:s17] =	ssyncset.done $0x0  }
0x23: {  	s7 =	simm.s32 $0x80;
	s18 =	simm.s32 $0x0;
	[sflag:s17] =	ssyncadd.s32 $0xFFFFF638  }
.LBB2_2:
0x24: {  	p0 =	sne.s32 s7, $0x3F80;
	[tilespmem:s18+$0xD000] =	vst v0;
	s4 =	smov.u32 s7;
	s7 =	sadd.s32 $0x80, s7  }
.Ltmp0:
0x25: {  	[tilespmem:s18+$0xD010] =	vst v0;
	(pc) =	sbr.rel @p0 .LBB2_2-.Ltmp0, $2  }
0x26: {  	_ =	sdelay $0x2  }
0x27: {  	s18 =	sshra.s32 s4, $0x2  }
0x28: {  	[tilespmem:s18+$0xD000] =	vst v0  }
0x29: {  	[tilespmem:s18+$0xD010] =	vst v0;
	s4 =	rddreg [dreg:$0x8];
	s7 =	simm.s32 $0xD000  }
0x2a: {  	[spmem:s4] =	stream.linear.scatter [tilespmem:s7], [sflag:$0x11], $0x1000, $0x38;
	[tilespmem:$0x17C80] =	vst v63  }
0x2b: {  	_ =	swait.ge [sflag:s17], $0x1000  }
0x2c: {  	[sflag:s17] =	ssyncset.done $0x0  }
0x2d: {  	s18 =	rddreg [dreg:$0x9];
	[sflag:s17] =	ssyncadd.s32 $0xFFFFF000  }
0x2e: {  	[spmem:s18] =	stream.linear.scatter [tilespmem:s7], [sflag:$0x11], $0x1000, $0x38;
	[tilespmem:$0x17C80] =	vst v63  }
0x2f: {  	_ =	swait.ge [sflag:s17], $0x1000  }
0x30: {  	[sflag:s17] =	ssyncset.done $0x0  }
0x31: {  	s18 =	rddreg [dreg:$0xa];
	[sflag:s17] =	ssyncadd.s32 $0xFFFFF000  }
0x32: {  	[spmem:s18] =	stream.linear.scatter [tilespmem:s7], [sflag:$0x11], $0x1000, $0x38;
	[tilespmem:$0x17C80] =	vst v63  }
0x33: {  	_ =	swait.ge [sflag:s17], $0x1000  }
0x34: {  	[sflag:s17] =	ssyncset.done $0x0  }
0x35: {  	s18 =	rddreg [dreg:$0xb];
	[sflag:s17] =	ssyncadd.s32 $0xFFFFF000  }
0x36: {  	[spmem:s18] =	stream.linear.scatter [tilespmem:s7], [sflag:$0x11], $0x1000, $0x38;
	[tilespmem:$0x17C80] =	vst v63  }
0x37: {  	_ =	swait.ge [sflag:s17], $0x1000  }
0x38: {  	[sflag:s17] =	ssyncset.done $0x0  }
0x39: {  	s18 =	rddreg [dreg:$0xc];
	[sflag:s17] =	ssyncadd.s32 $0xFFFFF000  }
0x3a: {  	[spmem:s18] =	stream.linear.scatter [tilespmem:s7], [sflag:$0x11], $0xE40, $0x38;
	[tilespmem:$0x17C80] =	vst v63  }
0x3b: {  	_ =	swait.ge [sflag:s17], $0xE40  }
0x3c: {  	[sflag:s17] =	ssyncset.done $0x0  }
0x3d: {  	s4 =	simm.s32 $0x0;
	s18 =	rddreg [dreg:$0xd];
	[sflag:s17] =	ssyncadd.s32 $0xFFFFF1C0  }
0x3e: {  	[tilespmem:s4], [sflag:$0x11] =	stream.linear.gather [hbm4b:s18+s4], $0x2800, $0x38;
	[tilespmem:$0x17C80] =	vst v63  }
0x3f: {  	_ =	swait.ge [sflag:s17], $0x2800  }
0x40: {  	[sflag:s17] =	ssyncset.done $0x0  }
0x41: {  	s18 =	simm.s32 $0x2800;
	s7 =	rddreg [dreg:$0xe];
	[sflag:s17] =	ssyncadd.s32 $0xFFFFD800  }
0x42: {  	[tilespmem:s18], [sflag:$0x11] =	stream.linear.gather [hbm4b:s7+s4], $0x2800, $0x38;
	[tilespmem:$0x17C80] =	vst v63  }
0x43: {  	_ =	swait.ge [sflag:s17], $0x2800  }
0x44: {  	[sflag:s17] =	ssyncset.done $0x0  }
0x45: {  	[sflag:s17] =	ssyncadd.s32 $0xFFFFD800  }
0x46: {  	[bflag:$0x0] =	sbarrier.arrive $0xFFFF  }
0x47: {  	[tilespmem:s21], [sflag:$0x1] =	stream.indirect.gather [spmem:s2], $0x20, s4, s20, $0xb8;
	[tilespmem:$0x17C80] =	vst v63  }
0x48: {  	_ = 	snop  }
0x49: {  	[tilespmem:s22], [sflag:$0x2] =	stream.indirect.gather [spmem:s2], $0x20, s20, s20, $0xb8;
	[tilespmem:$0x17C80] =	vst v63  }
0x4a: {  	s18 =	simm.s32 $0x100  }
0x4b: {  	[tilespmem:s24], [sflag:$0x3] =	stream.indirect.gather [spmem:s2], $0x20, s18, s20, $0xb8;
	[tilespmem:$0x17C80] =	vst v63  }
0x4c: {  	s7 =	simm.s32 $0x180  }
0x4d: {  	[tilespmem:s26], [sflag:$0x4] =	stream.indirect.gather [spmem:s2], $0x20, s7, s20, $0xb8;
	[tilespmem:$0x17C80] =	vst v63  }
0x4e: {  	s18 =	simm.s32 $0x200  }
0x4f: {  	[tilespmem:s29], [sflag:$0x5] =	stream.indirect.gather [spmem:s2], $0x20, s18, s20, $0xb8;
	[tilespmem:$0x17C80] =	vst v63  }
0x50: {  	s7 =	simm.s32 $0x280  }
0x51: {  	[tilespmem:s31], [sflag:$0x6] =	stream.indirect.gather [spmem:s2], $0x20, s7, s20, $0xb8;
	[tilespmem:$0x17C80] =	vst v63  }
0x52: {  	s18 =	simm.s32 $0x300  }
0x53: {  	[tilespmem:s1], [sflag:$0x7] =	stream.indirect.gather [spmem:s2], $0x20, s18, s20, $0xb8;
	[tilespmem:$0x17C80] =	vst v63  }
0x54: {  	s7 =	simm.s32 $0x380  }
0x55: {  	[tilespmem:s23], [sflag:$0x8] =	stream.indirect.gather [spmem:s2], $0x20, s7, s20, $0xb8;
	[tilespmem:$0x17C80] =	vst v63  }
0x56: {  	_ =	swait.ge [sflag:s25], $0x1000  }
0x57: {  	[sflag:s25] =	ssyncset.done $0x0  }
0x58: {  	s18 =	simm.s32 $0x2800;
	[sflag:s25] =	ssyncadd.s32 $0xFFFFF000  }
0x59: {  	[spmem:s3] =	stream.indirect.scatter.add.f32 [tilespmem:s21], [sflag:$0x9], $0x20, s18, s20, $0xb8;
	[tilespmem:$0x17C80] =	vst v63  }
0x5a: {  	_ =	swait.ge [sflag:s28], $0x1000  }
0x5b: {  	[sflag:s28] =	ssyncset.done $0x0  }
0x5c: {  	s7 =	simm.s32 $0x2880;
	[sflag:s28] =	ssyncadd.s32 $0xFFFFF000  }
0x5d: {  	[spmem:s3] =	stream.indirect.scatter.add.f32 [tilespmem:s22], [sflag:$0xA], $0x20, s7, s20, $0xb8;
	[tilespmem:$0x17C80] =	vst v63  }
0x5e: {  	_ =	swait.ge [sflag:s30], $0x1000  }
0x5f: {  	[sflag:s30] =	ssyncset.done $0x0  }
0x60: {  	s18 =	simm.s32 $0x2900;
	[sflag:s30] =	ssyncadd.s32 $0xFFFFF000  }
0x61: {  	[spmem:s3] =	stream.indirect.scatter.add.f32 [tilespmem:s24], [sflag:$0xB], $0x20, s18, s20, $0xb8;
	[tilespmem:$0x17C80] =	vst v63  }
0x62: {  	_ =	swait.ge [sflag:s0], $0x1000  }
0x63: {  	[sflag:s0] =	ssyncset.done $0x0  }
0x64: {  	s7 =	simm.s32 $0x2980;
	[sflag:s0] =	ssyncadd.s32 $0xFFFFF000  }
0x65: {  	[spmem:s3] =	stream.indirect.scatter.add.f32 [tilespmem:s26], [sflag:$0xC], $0x20, s7, s20, $0xb8;
	[tilespmem:$0x17C80] =	vst v63  }
0x66: {  	_ =	swait.ge [sflag:s19], $0x1000  }
0x67: {  	[sflag:s19] =	ssyncset.done $0x0  }
0x68: {  	s18 =	simm.s32 $0x2A00;
	[sflag:s19] =	ssyncadd.s32 $0xFFFFF000  }
0x69: {  	[spmem:s3] =	stream.indirect.scatter.add.f32 [tilespmem:s29], [sflag:$0xD], $0x20, s18, s20, $0xb8;
	[tilespmem:$0x17C80] =	vst v63  }
0x6a: {  	_ =	swait.ge [sflag:s5], $0x1000  }
0x6b: {  	[sflag:s5] =	ssyncset.done $0x0  }
0x6c: {  	s7 =	simm.s32 $0x2A80;
	[sflag:s5] =	ssyncadd.s32 $0xFFFFF000  }
0x6d: {  	[spmem:s3] =	stream.indirect.scatter.add.f32 [tilespmem:s31], [sflag:$0xE], $0x20, s7, s20, $0xb8;
	[tilespmem:$0x17C80] =	vst v63  }
0x6e: {  	_ =	swait.ge [sflag:s8], $0x1000  }
0x6f: {  	[sflag:s8] =	ssyncset.done $0x0  }
0x70: {  	s18 =	simm.s32 $0x2B00;
	[sflag:s8] =	ssyncadd.s32 $0xFFFFF000  }
0x71: {  	[spmem:s3] =	stream.indirect.scatter.add.f32 [tilespmem:s1], [sflag:$0xF], $0x20, s18, s20, $0xb8;
	[tilespmem:$0x17C80] =	vst v63  }
0x72: {  	_ =	swait.ge [sflag:s9], $0x1000  }
0x73: {  	[sflag:s9] =	ssyncset.done $0x0  }
0x74: {  	s7 =	simm.s32 $0x2B80;
	[sflag:s9] =	ssyncadd.s32 $0xFFFFF000  }
0x75: {  	[spmem:s3] =	stream.indirect.scatter.add.f32 [tilespmem:s23], [sflag:$0x10], $0x20, s7, s20, $0xb8;
	[tilespmem:$0x17C80] =	vst v63  }
0x76: {  	_ =	swait.ge [sflag:s10], $0x1000  }
0x77: {  	[sflag:s10] =	ssyncset.done $0x0  }
0x78: {  	s18 =	simm.s32 $0x400;
	[sflag:s10] =	ssyncadd.s32 $0xFFFFF000  }
0x79: {  	[tilespmem:s21], [sflag:$0x1] =	stream.indirect.gather [spmem:s2], $0x20, s18, s20, $0xb8;
	[tilespmem:$0x17C80] =	vst v63  }
0x7a: {  	_ =	swait.ge [sflag:s11], $0x1000  }
0x7b: {  	[sflag:s11] =	ssyncset.done $0x0  }
0x7c: {  	s7 =	simm.s32 $0x480;
	[sflag:s11] =	ssyncadd.s32 $0xFFFFF000  }
0x7d: {  	[tilespmem:s22], [sflag:$0x2] =	stream.indirect.gather [spmem:s2], $0x20, s7, s20, $0xb8;
	[tilespmem:$0x17C80] =	vst v63  }
0x7e: {  	_ =	swait.ge [sflag:s12], $0x1000  }
0x7f: {  	[sflag:s12] =	ssyncset.done $0x0  }
0x80: {  	s18 =	simm.s32 $0x500;
	[sflag:s12] =	ssyncadd.s32 $0xFFFFF000  }
0x81: {  	[tilespmem:s24], [sflag:$0x3] =	stream.indirect.gather [spmem:s2], $0x20, s18, s20, $0xb8;
	[tilespmem:$0x17C80] =	vst v63  }
0x82: {  	_ =	swait.ge [sflag:s13], $0x1000  }
0x83: {  	[sflag:s13] =	ssyncset.done $0x0  }
0x84: {  	s7 =	simm.s32 $0x580;
	[sflag:s13] =	ssyncadd.s32 $0xFFFFF000  }
0x85: {  	[tilespmem:s26], [sflag:$0x4] =	stream.indirect.gather [spmem:s2], $0x20, s7, s20, $0xb8;
	[tilespmem:$0x17C80] =	vst v63  }
0x86: {  	_ =	swait.ge [sflag:s14], $0x1000  }
0x87: {  	[sflag:s14] =	ssyncset.done $0x0  }
0x88: {  	s18 =	simm.s32 $0x600;
	[sflag:s14] =	ssyncadd.s32 $0xFFFFF000  }
0x89: {  	[tilespmem:s29], [sflag:$0x5] =	stream.indirect.gather [spmem:s2], $0x20, s18, s20, $0xb8;
	[tilespmem:$0x17C80] =	vst v63  }
0x8a: {  	_ =	swait.ge [sflag:s15], $0x1000  }
0x8b: {  	[sflag:s15] =	ssyncset.done $0x0  }
0x8c: {  	s7 =	simm.s32 $0x680;
	[sflag:s15] =	ssyncadd.s32 $0xFFFFF000  }
0x8d: {  	[tilespmem:s31], [sflag:$0x6] =	stream.indirect.gather [spmem:s2], $0x20, s7, s20, $0xb8;
	[tilespmem:$0x17C80] =	vst v63  }
0x8e: {  	_ =	swait.ge [sflag:s16], $0x1000  }
0x8f: {  	[sflag:s16] =	ssyncset.done $0x0  }
0x90: {  	s18 =	simm.s32 $0x700;
	[sflag:s16] =	ssyncadd.s32 $0xFFFFF000  }
0x91: {  	[tilespmem:s1], [sflag:$0x7] =	stream.indirect.gather [spmem:s2], $0x20, s18, s20, $0xb8;
	[tilespmem:$0x17C80] =	vst v63  }
0x92: {  	_ =	swait.ge [sflag:s6], $0x1000  }
0x93: {  	[sflag:s6] =	ssyncset.done $0x0  }
0x94: {  	s7 =	simm.s32 $0x1000;
	s18 =	simm.s32 $0x780;
	[sflag:s6] =	ssyncadd.s32 $0xFFFFF000  }
.LBB2_4:
0x95: {  	[tilespmem:s23], [sflag:$0x8] =	stream.indirect.gather [spmem:s2], $0x20, s18, s20, $0xb8;
	[tilespmem:$0x17C80] =	vst v63  }
0x96: {  	s4 =	smov.u32 s7  }
0x97: {  	p0 =	sne.s32 s7, $0x8000;
	s7 =	sadd.s32 $0x1000, s7;
	_ =	swait.ge [sflag:s25], $0x1000  }
0x98: {  	s18 =	sshra.s32 s4, $0x2;
	[sflag:s25] =	ssyncset.done $0x0  }
0x99: {  	s4 =	sadd.s32 $0x2800, s18;
	[sflag:s25] =	ssyncadd.s32 $0xFFFFF000  }
0x9a: {  	[spmem:s3] =	stream.indirect.scatter.add.f32 [tilespmem:s21], [sflag:$0x9], $0x20, s4, s20, $0xb8;
	[tilespmem:$0x17C80] =	vst v63  }
0x9b: {  	_ =	swait.ge [sflag:s28], $0x1000  }
0x9c: {  	[sflag:s28] =	ssyncset.done $0x0  }
0x9d: {  	s4 =	sadd.s32 $0x2880, s18;
	[sflag:s28] =	ssyncadd.s32 $0xFFFFF000  }
0x9e: {  	[spmem:s3] =	stream.indirect.scatter.add.f32 [tilespmem:s22], [sflag:$0xA], $0x20, s4, s20, $0xb8;
	[tilespmem:$0x17C80] =	vst v63  }
0x9f: {  	_ =	swait.ge [sflag:s30], $0x1000  }
0xa0: {  	[sflag:s30] =	ssyncset.done $0x0  }
0xa1: {  	s4 =	sadd.s32 $0x2900, s18;
	[sflag:s30] =	ssyncadd.s32 $0xFFFFF000  }
0xa2: {  	[spmem:s3] =	stream.indirect.scatter.add.f32 [tilespmem:s24], [sflag:$0xB], $0x20, s4, s20, $0xb8;
	[tilespmem:$0x17C80] =	vst v63  }
0xa3: {  	_ =	swait.ge [sflag:s0], $0x1000  }
0xa4: {  	[sflag:s0] =	ssyncset.done $0x0  }
0xa5: {  	s4 =	sadd.s32 $0x2980, s18;
	[sflag:s0] =	ssyncadd.s32 $0xFFFFF000  }
0xa6: {  	[spmem:s3] =	stream.indirect.scatter.add.f32 [tilespmem:s26], [sflag:$0xC], $0x20, s4, s20, $0xb8;
	[tilespmem:$0x17C80] =	vst v63  }
0xa7: {  	_ =	swait.ge [sflag:s19], $0x1000  }
0xa8: {  	[sflag:s19] =	ssyncset.done $0x0  }
0xa9: {  	s4 =	sadd.s32 $0x2A00, s18;
	[sflag:s19] =	ssyncadd.s32 $0xFFFFF000  }
0xaa: {  	[spmem:s3] =	stream.indirect.scatter.add.f32 [tilespmem:s29], [sflag:$0xD], $0x20, s4, s20, $0xb8;
	[tilespmem:$0x17C80] =	vst v63  }
0xab: {  	_ =	swait.ge [sflag:s5], $0x1000  }
0xac: {  	[sflag:s5] =	ssyncset.done $0x0  }
0xad: {  	s4 =	sadd.s32 $0x2A80, s18;
	[sflag:s5] =	ssyncadd.s32 $0xFFFFF000  }
0xae: {  	[spmem:s3] =	stream.indirect.scatter.add.f32 [tilespmem:s31], [sflag:$0xE], $0x20, s4, s20, $0xb8;
	[tilespmem:$0x17C80] =	vst v63  }
0xaf: {  	_ =	swait.ge [sflag:s8], $0x1000  }
0xb0: {  	[sflag:s8] =	ssyncset.done $0x0  }
0xb1: {  	s4 =	sadd.s32 $0x2B00, s18;
	[sflag:s8] =	ssyncadd.s32 $0xFFFFF000  }
0xb2: {  	[spmem:s3] =	stream.indirect.scatter.add.f32 [tilespmem:s1], [sflag:$0xF], $0x20, s4, s20, $0xb8;
	[tilespmem:$0x17C80] =	vst v63  }
0xb3: {  	_ =	swait.ge [sflag:s9], $0x1000  }
0xb4: {  	[sflag:s9] =	ssyncset.done $0x0  }
0xb5: {  	s4 =	sadd.s32 $0x2B80, s18;
	[sflag:s9] =	ssyncadd.s32 $0xFFFFF000  }
0xb6: {  	[spmem:s3] =	stream.indirect.scatter.add.f32 [tilespmem:s23], [sflag:$0x10], $0x20, s4, s20, $0xb8;
	[tilespmem:$0x17C80] =	vst v63  }
0xb7: {  	_ =	swait.ge [sflag:s10], $0x1000  }
0xb8: {  	[sflag:s10] =	ssyncset.done $0x0  }
0xb9: {  	s4 =	sadd.s32 $0x400, s18;
	[sflag:s10] =	ssyncadd.s32 $0xFFFFF000  }
0xba: {  	[tilespmem:s21], [sflag:$0x1] =	stream.indirect.gather [spmem:s2], $0x20, s4, s20, $0xb8;
	[tilespmem:$0x17C80] =	vst v63  }
0xbb: {  	_ =	swait.ge [sflag:s11], $0x1000  }
0xbc: {  	[sflag:s11] =	ssyncset.done $0x0  }
0xbd: {  	s4 =	sadd.s32 $0x480, s18;
	[sflag:s11] =	ssyncadd.s32 $0xFFFFF000  }
0xbe: {  	[tilespmem:s22], [sflag:$0x2] =	stream.indirect.gather [spmem:s2], $0x20, s4, s20, $0xb8;
	[tilespmem:$0x17C80] =	vst v63  }
0xbf: {  	_ =	swait.ge [sflag:s12], $0x1000  }
0xc0: {  	[sflag:s12] =	ssyncset.done $0x0  }
0xc1: {  	s4 =	sadd.s32 $0x500, s18;
	[sflag:s12] =	ssyncadd.s32 $0xFFFFF000  }
0xc2: {  	[tilespmem:s24], [sflag:$0x3] =	stream.indirect.gather [spmem:s2], $0x20, s4, s20, $0xb8;
	[tilespmem:$0x17C80] =	vst v63  }
0xc3: {  	_ =	swait.ge [sflag:s13], $0x1000  }
0xc4: {  	[sflag:s13] =	ssyncset.done $0x0  }
0xc5: {  	s4 =	sadd.s32 $0x580, s18;
	[sflag:s13] =	ssyncadd.s32 $0xFFFFF000  }
0xc6: {  	[tilespmem:s26], [sflag:$0x4] =	stream.indirect.gather [spmem:s2], $0x20, s4, s20, $0xb8;
	[tilespmem:$0x17C80] =	vst v63  }
0xc7: {  	_ =	swait.ge [sflag:s14], $0x1000  }
0xc8: {  	[sflag:s14] =	ssyncset.done $0x0  }
0xc9: {  	s4 =	sadd.s32 $0x600, s18;
	[sflag:s14] =	ssyncadd.s32 $0xFFFFF000  }
0xca: {  	[tilespmem:s29], [sflag:$0x5] =	stream.indirect.gather [spmem:s2], $0x20, s4, s20, $0xb8;
	[tilespmem:$0x17C80] =	vst v63  }
0xcb: {  	_ =	swait.ge [sflag:s15], $0x1000  }
0xcc: {  	[sflag:s15] =	ssyncset.done $0x0  }
0xcd: {  	s4 =	sadd.s32 $0x680, s18;
	[sflag:s15] =	ssyncadd.s32 $0xFFFFF000  }
0xce: {  	[tilespmem:s31], [sflag:$0x6] =	stream.indirect.gather [spmem:s2], $0x20, s4, s20, $0xb8;
	[tilespmem:$0x17C80] =	vst v63  }
0xcf: {  	_ =	swait.ge [sflag:s16], $0x1000  }
0xd0: {  	[sflag:s16] =	ssyncset.done $0x0  }
.Ltmp1:
0xd1: {  	s4 =	sadd.s32 $0x700, s18;
	[sflag:s16] =	ssyncadd.s32 $0xFFFFF000;
	(pc) =	sbr.rel @p0 .LBB2_4-.Ltmp1, $4  }
0xd2: {  	[tilespmem:s1], [sflag:$0x7] =	stream.indirect.gather [spmem:s2], $0x20, s4, s20, $0xb8;
	[tilespmem:$0x17C80] =	vst v63  }
0xd3: {  	_ =	swait.ge [sflag:s6], $0x1000  }
0xd4: {  	[sflag:s6] =	ssyncset.done $0x0  }
0xd5: {  	s18 =	sadd.s32 $0x780, s18;
	[sflag:s6] =	ssyncadd.s32 $0xFFFFF000  }
0xd6: {  	[tilespmem:s23], [sflag:$0x8] =	stream.indirect.gather [spmem:s2], $0x20, s18, s20, $0xb8;
	[tilespmem:$0x17C80] =	vst v63  }
0xd7: {  	_ =	swait.ge [sflag:s25], $0x1000  }
0xd8: {  	[sflag:s25] =	ssyncset.done $0x0  }
0xd9: {  	s4 =	simm.s32 $0x4C00;
	[sflag:s25] =	ssyncadd.s32 $0xFFFFF000  }
0xda: {  	[spmem:s3] =	stream.indirect.scatter.add.f32 [tilespmem:s21], [sflag:$0x9], $0x20, s4, s20, $0xb8;
	[tilespmem:$0x17C80] =	vst v63  }
0xdb: {  	_ =	swait.ge [sflag:s28], $0x1000  }
0xdc: {  	[sflag:s28] =	ssyncset.done $0x0  }
0xdd: {  	s7 =	simm.s32 $0x4C80;
	[sflag:s28] =	ssyncadd.s32 $0xFFFFF000  }
0xde: {  	[spmem:s3] =	stream.indirect.scatter.add.f32 [tilespmem:s22], [sflag:$0xA], $0x20, s7, s20, $0xb8;
	[tilespmem:$0x17C80] =	vst v63  }
0xdf: {  	_ =	swait.ge [sflag:s30], $0x1000  }
0xe0: {  	[sflag:s30] =	ssyncset.done $0x0  }
0xe1: {  	s18 =	simm.s32 $0x4D00;
	[sflag:s30] =	ssyncadd.s32 $0xFFFFF000  }
0xe2: {  	[spmem:s3] =	stream.indirect.scatter.add.f32 [tilespmem:s24], [sflag:$0xB], $0x20, s18, s20, $0xb8;
	[tilespmem:$0x17C80] =	vst v63  }
0xe3: {  	_ =	swait.ge [sflag:s0], $0x1000  }
0xe4: {  	[sflag:s0] =	ssyncset.done $0x0  }
0xe5: {  	s7 =	simm.s32 $0x4D80;
	[sflag:s0] =	ssyncadd.s32 $0xFFFFF000  }
0xe6: {  	[spmem:s3] =	stream.indirect.scatter.add.f32 [tilespmem:s26], [sflag:$0xC], $0x20, s7, s20, $0xb8;
	[tilespmem:$0x17C80] =	vst v63  }
0xe7: {  	_ =	swait.ge [sflag:s19], $0x1000  }
0xe8: {  	[sflag:s19] =	ssyncset.done $0x0  }
0xe9: {  	s18 =	simm.s32 $0x4E00;
	[sflag:s19] =	ssyncadd.s32 $0xFFFFF000  }
0xea: {  	[spmem:s3] =	stream.indirect.scatter.add.f32 [tilespmem:s29], [sflag:$0xD], $0x20, s18, s20, $0xb8;
	[tilespmem:$0x17C80] =	vst v63  }
0xeb: {  	_ =	swait.ge [sflag:s5], $0x1000  }
0xec: {  	[sflag:s5] =	ssyncset.done $0x0  }
0xed: {  	s7 =	simm.s32 $0x4E80;
	[sflag:s5] =	ssyncadd.s32 $0xFFFFF000  }
0xee: {  	[spmem:s3] =	stream.indirect.scatter.add.f32 [tilespmem:s31], [sflag:$0xE], $0x20, s7, s20, $0xb8;
	[tilespmem:$0x17C80] =	vst v63  }
0xef: {  	_ =	swait.ge [sflag:s8], $0x1000  }
0xf0: {  	[sflag:s8] =	ssyncset.done $0x0  }
0xf1: {  	s18 =	simm.s32 $0x4F00;
	[sflag:s8] =	ssyncadd.s32 $0xFFFFF000  }
0xf2: {  	[spmem:s3] =	stream.indirect.scatter.add.f32 [tilespmem:s1], [sflag:$0xF], $0x20, s18, s20, $0xb8;
	[tilespmem:$0x17C80] =	vst v63  }
0xf3: {  	_ =	swait.ge [sflag:s9], $0x1000  }
0xf4: {  	[sflag:s9] =	ssyncset.done $0x0  }
0xf5: {  	s7 =	simm.s32 $0x4F80;
	[sflag:s9] =	ssyncadd.s32 $0xFFFFF000  }
0xf6: {  	[spmem:s3] =	stream.indirect.scatter.add.f32 [tilespmem:s23], [sflag:$0x10], $0x20, s7, s20, $0xb8;
	[tilespmem:$0x17C80] =	vst v63  }
0xf7: {  	_ =	swait.ge [sflag:s10], $0x1000  }
0xf8: {  	[sflag:s10] =	ssyncset.done $0x0  }
0xf9: {  	[sflag:s10] =	ssyncadd.s32 $0xFFFFF000  }
0xfa: {  	_ =	swait.ge [sflag:s11], $0x1000  }
0xfb: {  	[sflag:s11] =	ssyncset.done $0x0  }
0xfc: {  	[sflag:s11] =	ssyncadd.s32 $0xFFFFF000  }
0xfd: {  	_ =	swait.ge [sflag:s12], $0x1000  }
0xfe: {  	[sflag:s12] =	ssyncset.done $0x0  }
0xff: {  	[sflag:s12] =	ssyncadd.s32 $0xFFFFF000  }
0x100: {  	_ =	swait.ge [sflag:s13], $0x1000  }
0x101: {  	[sflag:s13] =	ssyncset.done $0x0  }
0x102: {  	[sflag:s13] =	ssyncadd.s32 $0xFFFFF000  }
0x103: {  	_ =	swait.ge [sflag:s14], $0x1000  }
0x104: {  	[sflag:s14] =	ssyncset.done $0x0  }
0x105: {  	[sflag:s14] =	ssyncadd.s32 $0xFFFFF000  }
0x106: {  	_ =	swait.ge [sflag:s15], $0x1000  }
0x107: {  	[sflag:s15] =	ssyncset.done $0x0  }
0x108: {  	[sflag:s15] =	ssyncadd.s32 $0xFFFFF000  }
0x109: {  	_ =	swait.ge [sflag:s16], $0x1000  }
0x10a: {  	[sflag:s16] =	ssyncset.done $0x0  }
0x10b: {  	[sflag:s16] =	ssyncadd.s32 $0xFFFFF000  }
0x10c: {  	_ =	swait.ge [sflag:s6], $0x1000  }
0x10d: {  	[sflag:s6] =	ssyncset.done $0x0  }
0x10e: {  	[sflag:s6] =	ssyncadd.s32 $0xFFFFF000  }
0x10f: {  	[bflag:$0x0] =	sbarrier.arrive $0xFFFF  }
0x110: {  	s18 =	rddreg [dreg:$0x8]  }
0x111: {  	s7 =	rddreg [dreg:$0xf]  }
0x112: {  	s4 =	sshrl.u32 s18, $0x3;
	s18 =	rddreg [dreg:$0x7]  }
0x113: {  	[hbm:s7], [sflag:s18] =	dma.local [spmem:s4], $0x9C8  }
0x114: {  	_ =	swait.ge [sflag:s17], $0x9C8  }
0x115: {  	s7 =	rddreg [dreg:$0x5]  }
0x116: {  	s4 =	sadd.s32 $0x1, s7;
	s7 =	rddreg [dreg:$0x10]  }
0x117: {  	p0 =	sne.s32 s4, s7  }
.Ltmp2:
0x118: {  	_ = 	snop;
	(pc) =	sbr.rel @p0 .LBB2_1-.Ltmp2, $3  }
0x119: {  	_ =	sdelay $0x1  }
0x11a: {  	[sflag:s17] =	ssyncset.done $0x0  }
0x11b: {  	[sflag:s17] =	ssyncadd.s32 $0xFFFFF638  }
0x11c: {  	_ =	sfence.sel $0x180000  }
0x11d: {  	[bflag:$0x0] =	sbarrier.arrive $0xFFFF  }
0x11e: {  	_ =	strace $0x9000004A  }
0x11f: {  	s0 =	stileid.u32;
	[bflag:$0x2] =	sbarrier.arrive $0xFFFF  }
0x120: {  	p0 =	sne.s32 s0, $0x0;
	s0 =	rddreg [dreg:$0x4]  }
0x121: {  	s0 =	sadd.s32 @!p0 $0x100000, s0  }
0x122: {  	[sflag:s0] =	ssyncadd.tile.s32 @!p0 $0x1;
	_ =	shalt  }
.Lfunc_end2:
_tile_overlayer_lowered:
.L_overlay_start_2:
0x123: {  	(tag) =	ssettag $0x2  }
0x124: {  	s0 =	rddreg [dreg:$0x0];
	s2 =	stileid.u32  }
0x125: {  	s1 =	rddreg [dreg:$0x1];
	p0 =	sne.s32 s2, $0x0  }
0x126: {  	s3 =	rddreg [dreg:$0x2];
	[bflag:$0x3] =	sbarrier.arrive $0xFFFF;
	s2 =	simm.s32 @!p0 $0x1C11  }
0x127: {  	[timem:s3], [sflag:s2] =	dma.local @!p0 [hbm:s0], s1  }
0x128: {  	s0 =	simm.s32 @!p0 $0x11  }
0x129: {  	_ =	swait.ge @!p0 [sflag:s0], s1  }
0x12a: {  	s1 =	ssub.s32 @!p0 $0x0, s1;
	[sflag:s0] =	ssyncset.done @!p0 $0x0  }
0x12b: {  	[sflag:s0] =	ssyncadd.s32 @!p0 s1  }
0x12c: {  	[bflag:$0x3] =	sbarrier.arrive $0xFFFF  }
0x12d: {  	_ =	shalt  }

// kernel: kernel.15.cloned.1.call-start
scs
__scs_entry_jumppad:
0x0: {  	(pc) =	sbr.rel $0x88, $3  }
0x1: {  	(tag) =	ssettag $0x0;
	lr =	simm.s32 $0x1  }
0x2: {  	[smem:$0x3F9B] =	sst lr;
	_ =	strace $0xD0000000  }
0x3: {  	_ = 	snop  }
0x4: {  	_ = 	snop  }
0x5: {  	_ = 	snop  }
0x6: {  	_ = 	snop  }
0x7: {  	_ = 	snop  }
__scs_overlays_trampoline_lowered:
0x8: {  	[smem:$0x3FAA] =	sst s0  }
0x9: {  	[smem:$0x3FAB] =	sst s1  }
0xa: {  	[smem:$0x3FAC] =	sst s2  }
0xb: {  	[smem:$0x3FAD] =	sst s3  }
0xc: {  	[smem:$0x3FAE] =	sst s4  }
0xd: {  	[smem:$0x3FAF] =	sst s5  }
0xe: {  	[smem:$0x3FB0] =	sst s6  }
0xf: {  	[smem:$0x3FB1] =	sst s7  }
0x10: {  	[smem:$0x3FB2] =	sst s8  }
0x11: {  	[smem:$0x3FB3] =	sst s9;
	s0 =	simm.s32 @!p0 $0x0  }
0x12: {  	s1 =	sld [smem:$0x3F99];
	s0 =	simm.s32 @p0 $0x1  }
0x13: {  	[smem:$0x3FB4] =	sst s0;
	s0 =	simm.s32 @!p1 $0x0  }
0x14: {  	s2 =	sld [smem:$0x3F98];
	s0 =	simm.s32 @p1 $0x1  }
0x15: {  	[smem:$0x3FB5] =	sst s0;
	s0 =	simm.s32 @!p2 $0x0  }
0x16: {  	s3 =	sld [smem:$0x3FDB];
	s0 =	simm.s32 @p2 $0x1  }
0x17: {  	s4 =	simm.s32 $0x1BF5;
	[smem:$0x3FB7] =	sst s0  }
0x18: {  	s0 =	sld [smem:$0x3F9A];
	_ =	swait.ge [sflag:s4], $0x0  }
0x19: {  	s7 =	sld [smem:$0x3F9B]  }
0x1a: {  	s8 =	sadd.s32 $0xFFFFE003, lr  }
0x1b: {  	s9 =	sadd.s32 $0xFFFFFEF7, lr;
	s5 =	simm.s32 $0xFFFFFFFF;
	p2 =	slt.u32 s8, $0xFFFFF086  }
0x1c: {  	p1 =	slt.u32 s9, $0xF7A;
	s5 =	simm.s32 @!p2 $0x0  }
0x1d: {  	s5 =	simm.s32 @p1 $0x1;
	p0 =	seq.s32 s7, s2  }
0x1e: {  	s7 =	smul.u32 @!p0 $0xF7A, s2;
	p2 =	seq.s32 @!p0 s5, $0x0  }
0x1f: {  	s9 =	smul.u32 $0xF7A, s1;
	s8 =	simm.s32 @!p0 $0x1BF5;
	p2 =	por !p2, p0  }
0x20: {  	[sflag:s8] =	ssyncset.s32 @!p0 $0xFFFFF086;
	s6 =	sadd.s32 @!p0 s3, s7;
	s7 =	simm.s32 @!p0 $0x108  }
0x21: {  	s3 =	sadd.s32 s3, s9;
	s6 =	sadd.s32 @!p0 $0x88, s6;
	s7 =	simm.s32 @p2 $0x1082  }
0x22: {  	[simem:s7], [sflag:s8] =	dma.local @!p0 [hbm:s6], $0xF7A  }
0x23: {  	s9 =	sor.u32 $0xD0000000, s2;
	s6 =	simm.s32 $0x108;
	_ =	swait.ge @!p0 [sflag:s8], $0x0  }
0x24: {  	s3 =	sadd.s32 $0x88, s3;
	s6 =	simm.s32 @!p1 $0x1082;
	[sflag:s4] =	ssyncset.s32 $0xFFFFF086  }
0x25: {  	[simem:s6], [sflag:s4] =	dma.local [hbm:s3], $0xF7A  }
0x26: {  	[smem:$0x3F9B] =	sst s1;
	(tag) =	ssettag s2;
	_ =	strace s9  }
0x27: {  	s1 =	sld [smem:$0x3FAB]  }
0x28: {  	s2 =	sld [smem:$0x3FAC]  }
0x29: {  	s4 =	sld [smem:$0x3FAE]  }
0x2a: {  	p0 =	seq.s32 s5, $0x0;
	s5 =	sld [smem:$0x3FAF]  }
0x2b: {  	s6 =	sld [smem:$0x3FB0]  }
0x2c: {  	s7 =	sld [smem:$0x3FB1]  }
0x2d: {  	s3 =	simm.s32 $0x108;
	s8 =	sld [smem:$0x3FB2]  }
0x2e: {  	s3 =	simm.s32 @!p0 $0x1082;
	s9 =	sld [smem:$0x3FB3]  }
0x2f: {  	lr =	sadd.s32 s0, s3;
	s0 =	sld [smem:$0x3FAA]  }
0x30: {  	s3 =	sld [smem:$0x3FAD]  }
0x31: {  	[smem:$0x3FB6] =	sst s10  }
0x32: {  	s10 =	sld [smem:$0x3FB4];
	_ =	sdelay $0x3  }
0x33: {  	p0 =	seq.s32 s10, $0x1;
	s10 =	sld [smem:$0x3FB6];
	_ =	sdelay $0x3  }
0x34: {  	[smem:$0x3FB6] =	sst s10  }
0x35: {  	s10 =	sld [smem:$0x3FB5];
	_ =	sdelay $0x3  }
0x36: {  	p1 =	seq.s32 s10, $0x1;
	s10 =	sld [smem:$0x3FB6];
	_ =	sdelay $0x3  }
0x37: {  	[smem:$0x3FB6] =	sst s10  }
0x38: {  	s10 =	sld [smem:$0x3FB7]  }
0x39: {  	_ = 	snop;
	(pc) =	sbr.ind lr, $3  }
0x3a: {  	_ = 	snop  }
0x3b: {  	_ = 	snop  }
0x3c: {  	p2 =	seq.s32 s10, $0x1;
	s10 =	sld [smem:$0x3FB6]  }
0x3d: {  	_ =	shalt  }
0x3e: {  	_ =	shalt  }
0x3f: {  	_ =	shalt  }
0x40: {  	_ =	shalt  }
0x41: {  	_ =	shalt  }
0x42: {  	_ =	shalt  }
0x43: {  	_ =	shalt  }
0x44: {  	_ =	shalt  }
0x45: {  	_ =	shalt  }
0x46: {  	_ =	shalt  }
0x47: {  	_ =	shalt  }
0x48: {  	_ =	shalt  }
0x49: {  	_ =	shalt  }
0x4a: {  	_ =	shalt  }
0x4b: {  	_ =	shalt  }
0x4c: {  	_ =	shalt  }
0x4d: {  	_ =	shalt  }
0x4e: {  	_ =	shalt  }
0x4f: {  	_ =	shalt  }
0x50: {  	_ =	shalt  }
0x51: {  	_ =	shalt  }
0x52: {  	_ =	shalt  }
0x53: {  	_ =	shalt  }
0x54: {  	_ =	shalt  }
0x55: {  	_ =	shalt  }
0x56: {  	_ =	shalt  }
0x57: {  	_ =	shalt  }
0x58: {  	_ =	shalt  }
0x59: {  	_ =	shalt  }
0x5a: {  	_ =	shalt  }
0x5b: {  	_ =	shalt  }
0x5c: {  	_ =	shalt  }
0x5d: {  	_ =	shalt  }
0x5e: {  	_ =	shalt  }
0x5f: {  	_ =	shalt  }
0x60: {  	_ =	shalt  }
0x61: {  	_ =	shalt  }
0x62: {  	_ =	shalt  }
0x63: {  	_ =	shalt  }
0x64: {  	_ =	shalt  }
0x65: {  	_ =	shalt  }
0x66: {  	_ =	shalt  }
0x67: {  	_ =	shalt  }
0x68: {  	_ =	shalt  }
0x69: {  	_ =	shalt  }
0x6a: {  	_ =	shalt  }
0x6b: {  	_ =	shalt  }
0x6c: {  	_ =	shalt  }
0x6d: {  	_ =	shalt  }
0x6e: {  	_ =	shalt  }
0x6f: {  	_ =	shalt  }
0x70: {  	_ =	shalt  }
0x71: {  	_ =	shalt  }
0x72: {  	_ =	shalt  }
0x73: {  	_ =	shalt  }
0x74: {  	_ =	shalt  }
0x75: {  	_ =	shalt  }
0x76: {  	_ =	shalt  }
0x77: {  	_ =	shalt  }
0x78: {  	_ =	shalt  }
0x79: {  	_ =	shalt  }
0x7a: {  	_ =	shalt  }
0x7b: {  	_ =	shalt  }
0x7c: {  	_ =	shalt  }
0x7d: {  	_ =	shalt  }
0x7e: {  	_ =	shalt  }
0x7f: {  	_ =	shalt  }
0x80: {  	_ =	shalt  }
0x81: {  	_ =	shalt  }
0x82: {  	_ =	shalt  }
0x83: {  	_ =	shalt  }
0x84: {  	_ =	shalt  }
0x85: {  	_ =	shalt  }
0x86: {  	_ =	shalt  }
0x87: {  	_ =	shalt  }
.Lfunc_end0:
.L_simem_size_0:
called_computation.2_lowered:
.L_overlay_start_0:
0x88: {  	s2 =	sld [smem:$0x3FD9]  }
0x89: {  	s3 =	sld [smem:$0x3FFE];
	_ =	sdelay $0x1  }
0x8a: {  	s1 =	srdreg.scid  }
0x8b: {  	s0 =	sand.u32 $0x1, s1  }
0x8c: {  	s17 =	sshll.u32 s0, $0xA;
	s2 =	sadd.s32 s3, s2  }
0x8d: {  	s2 =	sadd.s32 s2, s17  }
0x8e: {  	[smem:$0x3FC2] =	sst s2  }
0x8f: {  	_ = 	snop  }
0x90: {  	(tm) =	ssettm $0x1  }
0x91: {  	s18 =	sld [smem:$0x3FFB];
	_ =	sdelay $0x3  }
0x92: {  	_ =	strace s18  }
0x93: {  	s2 =	sld [smem:$0x3FFC];
	_ =	sdelay $0x3  }
0x94: {  	_ =	strace s2  }
0x95: {  	s2 =	sld [smem:$0x3FFD];
	_ =	sdelay $0x3  }
0x96: {  	_ =	strace s2  }
0x97: {  	_ =	strace $0x8FFFFFFF  }
0x98: {  	s19 =	sld [smem:$0x3FDB];
	_ =	sdelay $0x1  }
0x99: {  	s20 =	simm.s32 $_scs_section_size  }
0x9a: {  	s4 =	simm.s32 $_size__tile_overlayer_lowered;
	s5 =	simm.s32 $_tile_overlayer_lowered  }
0x9b: {  	s6 =	simm.s32 $0x1BFF;
	s21 =	sshll.u32 s5, $0x1;
	s3 =	sadd.s32 s20, s19  }
0x9c: {  	s22 =	simm.s32 $0x0;
	s4 =	sshll.u32 s4, $0x1;
	s5 =	sadd.s32 s21, s3  }
0x9d: {  	[timem:s22], [sflag:s6] =	dma.local [hbm:s5], s4  }
0x9e: {  	_ =	swait.ge [sflag:s6], s4  }
0x9f: {  	s4 =	ssub.s32 $0x0, s4;
	[sflag:s6] =	ssyncset.done $0x0  }
0xa0: {  	[sflag:s6] =	ssyncadd.s32 s4;
	_ =	sdelay $0x1  }
0xa1: {  	s23 =	simm.s32 $0x1B8B  }
0xa2: {  	_ =	swait.ge [sflag:s23], $0x1  }
0xa3: {  	[sflag:s23] =	ssyncset.done $0x0  }
0xa4: {  	[sflag:s23] =	ssyncadd.s32 $0xFFFFFFFF  }
0xa5: {  	s4 =	sld [smem:$0x0]  }
0xa6: {  	s5 =	sand.u32 $0xFFFFFFFE, s1  }
0xa7: {  	p0 =	sne.s32 s1, s5  }
0xa8: {  	s5 =	sshll.u32 @p0 s5, $0xE  }
0xa9: {  	s5 =	sadd.s32 @p0 $0x11B8D, s5;
	s6 =	sshll.u32 @p0 s4, $0x11  }
0xaa: {  	s5 =	sor.u32 @p0 s6, s5  }
0xab: {  	[sflag:s5] =	ssyncadd.remote.s32 @p0 $0x1;
	_ =	sdelay $0x1  }
0xac: {  	s5 =	simm.s32 @p0 $0x1B8D  }
0xad: {  	_ =	swait.eq @p0 [sflag:s5], $0x1  }
0xae: {  	[sflag:s5] =	ssyncadd.s32 @p0 $0xFFFFFFFF  }
0xaf: {  	s6 =	sshll.u32 @!p0 s1, $0xE  }
0xb0: {  	s6 =	sor.u32 @!p0 $0x4000, s6;
	s5 =	simm.s32 @!p0 $0x1B8D  }
0xb1: {  	s4 =	sshll.u32 @!p0 s4, $0x11;
	s6 =	sadd.s32 @!p0 $0x11B8D, s6;
	_ =	swait.eq @!p0 [sflag:s5], $0x1  }
0xb2: {  	s4 =	sor.u32 @!p0 s4, s6;
	[sflag:s5] =	ssyncadd.s32 @!p0 $0xFFFFFFFF  }
0xb3: {  	s25 =	simm.s32 $0x1B8E;
	s24 =	sld [smem:$0x3FFE];
	[sflag:s4] =	ssyncadd.remote.s32 @!p0 $0x1  }
0xb4: {  	s26 =	simm.s32 $execute0_lowered;
	[smem:$0x3FD2] =	sst s25  }
0xb5: {  	s5 =	sshll.u32 s26, $0x1;
	_ =	strace $0x8000004C;
	[dreg:$0x1] =	wrdreg $0xFFFFFFFF  }
0xb6: {  	s28 =	simm.s32 $_size_execute0_lowered;
	s3 =	sadd.s32 s3, s5;
	[dreg:$0x0] =	wrdreg $0x0  }
0xb7: {  	s5 =	sshll.u32 s28, $0x1;
	[dreg:$0x2] =	wrdreg s3  }
0xb8: {  	[dreg:$0x3] =	wrdreg s5  }
0xb9: {  	[dreg:$0x4] =	wrdreg $0xC0  }
0xba: {  	_ =	task [dreg:s22], $0x5FFFF  }
0xbb: {  	[dreg:$0x1] =	wrdreg $0xFFFFFFFF  }
0xbc: {  	[dreg:$0x0] =	wrdreg $0x60  }
0xbd: {  	[dreg:$0x2] =	wrdreg s24  }
0xbe: {  	[dreg:$0x3] =	wrdreg $0xE0000  }
0xbf: {  	[dreg:$0x4] =	wrdreg $0x12E400  }
0xc0: {  	[dreg:$0x5] =	wrdreg $0xA  }
0xc1: {  	_ =	task.clear_ibuf [dreg:s22], $0x6FFFF;
	_ =	strace $0x9000004C  }
0xc2: {  	s29 =	simm.s32 $0xA;
	_ =	strace $0x8000004E  }
0xc3: {  	_ =	swait.ge [sflag:s29], $0x1  }
0xc4: {  	[sflag:s29] =	ssyncadd.s32 $0xFFFFFFFF  }
0xc5: {  	_ =	strace $0x9000004E  }
0xc6: {  	_ =	sfence  }
0xc7: {  	s30 =	sld [smem:$0x0];
	_ =	sdelay $0x2  }
0xc8: {  	s31 =	sshll.u32 s1, $0xD;
	s1 =	sshrl.u32 s1, $0x2  }
0xc9: {  	s4 =	sand.u32 $0x4000, s31;
	s1 =	sadd.s32 s1, s30  }
0xca: {  	s0 =	sor.u32 s4, s0;
	s1 =	sshll.u32 s1, $0x11  }
0xcb: {  	s0 =	sor.u32 s1, s0  }
0xcc: {  	s0 =	sadd.s32 $0x8F2B, s0  }
0xcd: {  	[sflag:s0] =	ssyncadd.remote.s32 $0x1  }
0xce: {  	_ =	sfence.sel $0xFFFF  }
0xcf: {  	[dreg:$0x0] =	wrdreg $0xFFFFFFFF;
	(pc) =	sbr.abs _section_cstart, $3  }
0xd0: {  	[dreg:$0x1] =	wrdreg $0xFFFFFFFF  }
0xd1: {  	_ =	task.clear_ibuf [dreg:s22], $0x2FFFF;
	_ =	strace $0x9FFFFFFF  }
0xd2: {  	(tm) =	ssettm $0x7FFFFFFF  }
0xd3: {  	_ =	shalt  }
tec
execute0_lowered:
.L_overlay_start_1:
0x0: {  	(tag) =	ssettag $0x1  }
0x1: {  	s1 =	rddreg [dreg:$0x0]  }
0x2: {  	s0 =	srdreg.scid;
	s2 =	rddreg [dreg:$0x1]  }
0x3: {  	s11 =	stileid.u32;
	s3 =	rddreg [dreg:$0x2];
	s17 =	simm.s32 $0x11  }
0x4: {  	s29 =	simm.s32 $0x9000;
	s31 =	simm.s32 $0xA000;
	s28 =	simm.s32 $0x2  }
0x5: {  	s30 =	simm.s32 $0x3;
	s12 =	simm.s32 $0xB;
	s13 =	simm.s32 $0xC  }
0x6: {  	s14 =	simm.s32 $0xD;
	s15 =	simm.s32 $0xE;
	s5 =	smul.u32 $0x4E40, s11  }
0x7: {  	s16 =	simm.s32 $0xF;
	s0 =	sand.u32 $0x1, s0;
	s10 =	smul.u32 $0x13900, s11  }
0x8: {  	s19 =	sshll.u32 s11, $0x6;
	s4 =	sshll.u32 s0, $0x4;
	s8 =	smul.u32 $0x4E400, s0  }
0x9: {  	s0 =	ssub.s32 $0x2, s0;
	s6 =	sor.u32 s11, s4;
	s4 =	simm.s32 $0x0  }
0xa: {  	s7 =	sshrl.u32 s5, $0x3;
	s9 =	sshrl.u32 s0, $0x1;
	s18 =	sadd.s32 s5, s2  }
0xb: {  	s20 =	sshrl.u32 s10, $0x2;
	s10 =	simm.s32 $0x9;
	s11 =	simm.s32 $0xA  }
0xc: {  	s6 =	smul.u32 $0x500, s6;
	[smem:$0x7FF] =	sst s4;
	s7 =	sadd.s32 s7, s1  }
0xd: {  	s8 =	sadd.s32 s5, s8;
	s0 =	ssub.s32 s0, s9;
	s5 =	sadd.s32 s5, s3  }
0xe: {  	s26 =	sshrl.u32 s18, $0x3;
	_ =	strace $0x8000004D;
	[dreg:$0x7] =	wrdreg s5  }
0xf: {  	s21 =	sadd.s32 s20, s3;
	s7 =	sadd.s32 $0x51000, s7;
	[dreg:$0x10] =	wrdreg s26  }
0x10: {  	s20 =	simm.s32 $0x80;
	s9 =	sadd.s32 $0x1000, s21;
	[dreg:$0x5] =	wrdreg s7  }
0x11: {  	s8 =	sshrl.u32 s8, $0x3;
	s22 =	sadd.s32 $0x2000, s21;
	[dreg:$0x8] =	wrdreg s9  }
0x12: {  	s23 =	sadd.s32 $0x3000, s21;
	s5 =	sadd.s32 $0x4000, s21;
	[dreg:$0x9] =	wrdreg s22  }
0x13: {  	s0 =	smax.u32 s0, $0x1;
	s21 =	simm.s32 $0x5000;
	[dreg:$0xa] =	wrdreg s23  }
0x14: {  	s26 =	simm.s32 $0x8000;
	s6 =	sadd.s32 s6, s1;
	[dreg:$0xb] =	wrdreg s5  }
0x15: {  	s1 =	sadd.s32 s8, s1;
	s7 =	sor.u32 $0x1C11, s19;
	[dreg:$0xf] =	wrdreg s0  }
0x16: {  	s22 =	simm.s32 $0x6000;
	s0 =	simm.s32 $0xB000;
	s23 =	simm.s32 $0xC000  }
0x17: {  	s19 =	simm.s32 $0x5;
	s24 =	sadd.s32 $0xC400, s6;
	[dreg:$0x6] =	wrdreg s7  }
0x18: {  	s5 =	simm.s32 $0x6;
	s25 =	sadd.s32 $0x2400, s6;
	[dreg:$0xc] =	wrdreg s24  }
0x19: {  	s8 =	simm.s32 $0x7;
	s1 =	sadd.s32 $0x5AE00, s1;
	[dreg:$0xd] =	wrdreg s25  }
0x1a: {  	s9 =	simm.s32 $0x8;
	s6 =	simm.s32 $0x10;
	[dreg:$0xe] =	wrdreg s1  }
0x1b: {  	v0 =	vimm.f32 $0.0e+00;
	s24 =	simm.s32 $0x7000;
	s25 =	simm.s32 $0x1;
	s1 =	simm.s32 $0x4  }
.LBB2_1:
0x1c: {  	[dreg:$0x4] =	wrdreg s4  }
0x1d: {  	s4 =	rddreg [dreg:$0x5]  }
0x1e: {  	s18 =	rddreg [dreg:$0x10]  }
0x1f: {  	[spmem:s18], [sflag:s7] =	dma.local [hbm:s4], $0x9C8  }
0x20: {  	_ =	swait.ge [sflag:s17], $0x9C8  }
0x21: {  	[sflag:s17] =	ssyncset.done $0x0  }
0x22: {  	s7 =	simm.s32 $0x80;
	s18 =	simm.s32 $0x0;
	[sflag:s17] =	ssyncadd.s32 $0xFFFFF638  }
.LBB2_2:
0x23: {  	p0 =	sne.s32 s7, $0x3F80;
	[tilespmem:s18+$0xD000] =	vst v0;
	s4 =	smov.u32 s7;
	s7 =	sadd.s32 $0x80, s7  }
.Ltmp0:
0x24: {  	[tilespmem:s18+$0xD010] =	vst v0;
	(pc) =	sbr.rel @p0 .LBB2_2-.Ltmp0, $2  }
0x25: {  	_ =	sdelay $0x2  }
0x26: {  	s18 =	sshra.s32 s4, $0x2  }
0x27: {  	[tilespmem:s18+$0xD000] =	vst v0  }
0x28: {  	[tilespmem:s18+$0xD010] =	vst v0;
	s4 =	rddreg [dreg:$0x7];
	s7 =	simm.s32 $0xD000  }
0x29: {  	[spmem:s4] =	stream.linear.scatter [tilespmem:s7], [sflag:$0x11], $0x1000, $0x38;
	[tilespmem:$0x17C80] =	vst v63  }
0x2a: {  	_ =	swait.ge [sflag:s17], $0x1000  }
0x2b: {  	[sflag:s17] =	ssyncset.done $0x0  }
0x2c: {  	s18 =	rddreg [dreg:$0x8];
	[sflag:s17] =	ssyncadd.s32 $0xFFFFF000  }
0x2d: {  	[spmem:s18] =	stream.linear.scatter [tilespmem:s7], [sflag:$0x11], $0x1000, $0x38;
	[tilespmem:$0x17C80] =	vst v63  }
0x2e: {  	_ =	swait.ge [sflag:s17], $0x1000  }
0x2f: {  	[sflag:s17] =	ssyncset.done $0x0  }
0x30: {  	s18 =	rddreg [dreg:$0x9];
	[sflag:s17] =	ssyncadd.s32 $0xFFFFF000  }
0x31: {  	[spmem:s18] =	stream.linear.scatter [tilespmem:s7], [sflag:$0x11], $0x1000, $0x38;
	[tilespmem:$0x17C80] =	vst v63  }
0x32: {  	_ =	swait.ge [sflag:s17], $0x1000  }
0x33: {  	[sflag:s17] =	ssyncset.done $0x0  }
0x34: {  	s18 =	rddreg [dreg:$0xa];
	[sflag:s17] =	ssyncadd.s32 $0xFFFFF000  }
0x35: {  	[spmem:s18] =	stream.linear.scatter [tilespmem:s7], [sflag:$0x11], $0x1000, $0x38;
	[tilespmem:$0x17C80] =	vst v63  }
0x36: {  	_ =	swait.ge [sflag:s17], $0x1000  }
0x37: {  	[sflag:s17] =	ssyncset.done $0x0  }
0x38: {  	s18 =	rddreg [dreg:$0xb];
	[sflag:s17] =	ssyncadd.s32 $0xFFFFF000  }
0x39: {  	[spmem:s18] =	stream.linear.scatter [tilespmem:s7], [sflag:$0x11], $0xE40, $0x38;
	[tilespmem:$0x17C80] =	vst v63  }
0x3a: {  	_ =	swait.ge [sflag:s17], $0xE40  }
0x3b: {  	[sflag:s17] =	ssyncset.done $0x0  }
0x3c: {  	s4 =	simm.s32 $0x0;
	s18 =	rddreg [dreg:$0xc];
	[sflag:s17] =	ssyncadd.s32 $0xFFFFF1C0  }
0x3d: {  	[tilespmem:s4], [sflag:$0x11] =	stream.linear.gather [hbm4b:s18+s4], $0x2800, $0x38;
	[tilespmem:$0x17C80] =	vst v63  }
0x3e: {  	_ =	swait.ge [sflag:s17], $0x2800  }
0x3f: {  	[sflag:s17] =	ssyncset.done $0x0  }
0x40: {  	s18 =	simm.s32 $0x2800;
	s7 =	rddreg [dreg:$0xd];
	[sflag:s17] =	ssyncadd.s32 $0xFFFFD800  }
0x41: {  	[tilespmem:s18], [sflag:$0x11] =	stream.linear.gather [hbm4b:s7+s4], $0x2800, $0x38;
	[tilespmem:$0x17C80] =	vst v63  }
0x42: {  	_ =	swait.ge [sflag:s17], $0x2800  }
0x43: {  	[sflag:s17] =	ssyncset.done $0x0  }
0x44: {  	[sflag:s17] =	ssyncadd.s32 $0xFFFFD800  }
0x45: {  	[bflag:$0x0] =	sbarrier.arrive $0xFFFF  }
0x46: {  	[tilespmem:s21], [sflag:$0x1] =	stream.indirect.gather [spmem:s2], $0x20, s4, s20, $0xb8;
	[tilespmem:$0x17C80] =	vst v63  }
0x47: {  	_ = 	snop  }
0x48: {  	[tilespmem:s22], [sflag:$0x2] =	stream.indirect.gather [spmem:s2], $0x20, s20, s20, $0xb8;
	[tilespmem:$0x17C80] =	vst v63  }
0x49: {  	s18 =	simm.s32 $0x100  }
0x4a: {  	[tilespmem:s24], [sflag:$0x3] =	stream.indirect.gather [spmem:s2], $0x20, s18, s20, $0xb8;
	[tilespmem:$0x17C80] =	vst v63  }
0x4b: {  	s7 =	simm.s32 $0x180  }
0x4c: {  	[tilespmem:s26], [sflag:$0x4] =	stream.indirect.gather [spmem:s2], $0x20, s7, s20, $0xb8;
	[tilespmem:$0x17C80] =	vst v63  }
0x4d: {  	s18 =	simm.s32 $0x200  }
0x4e: {  	[tilespmem:s29], [sflag:$0x5] =	stream.indirect.gather [spmem:s2], $0x20, s18, s20, $0xb8;
	[tilespmem:$0x17C80] =	vst v63  }
0x4f: {  	s7 =	simm.s32 $0x280  }
0x50: {  	[tilespmem:s31], [sflag:$0x6] =	stream.indirect.gather [spmem:s2], $0x20, s7, s20, $0xb8;
	[tilespmem:$0x17C80] =	vst v63  }
0x51: {  	s18 =	simm.s32 $0x300  }
0x52: {  	[tilespmem:s0], [sflag:$0x7] =	stream.indirect.gather [spmem:s2], $0x20, s18, s20, $0xb8;
	[tilespmem:$0x17C80] =	vst v63  }
0x53: {  	s7 =	simm.s32 $0x380  }
0x54: {  	[tilespmem:s23], [sflag:$0x8] =	stream.indirect.gather [spmem:s2], $0x20, s7, s20, $0xb8;
	[tilespmem:$0x17C80] =	vst v63  }
0x55: {  	_ =	swait.ge [sflag:s25], $0x1000  }
0x56: {  	[sflag:s25] =	ssyncset.done $0x0  }
0x57: {  	s18 =	simm.s32 $0x2800;
	[sflag:s25] =	ssyncadd.s32 $0xFFFFF000  }
0x58: {  	[spmem:s3] =	stream.indirect.scatter.add.f32 [tilespmem:s21], [sflag:$0x9], $0x20, s18, s20, $0xb8;
	[tilespmem:$0x17C80] =	vst v63  }
0x59: {  	_ =	swait.ge [sflag:s28], $0x1000  }
0x5a: {  	[sflag:s28] =	ssyncset.done $0x0  }
0x5b: {  	s7 =	simm.s32 $0x2880;
	[sflag:s28] =	ssyncadd.s32 $0xFFFFF000  }
0x5c: {  	[spmem:s3] =	stream.indirect.scatter.add.f32 [tilespmem:s22], [sflag:$0xA], $0x20, s7, s20, $0xb8;
	[tilespmem:$0x17C80] =	vst v63  }
0x5d: {  	_ =	swait.ge [sflag:s30], $0x1000  }
0x5e: {  	[sflag:s30] =	ssyncset.done $0x0  }
0x5f: {  	s18 =	simm.s32 $0x2900;
	[sflag:s30] =	ssyncadd.s32 $0xFFFFF000  }
0x60: {  	[spmem:s3] =	stream.indirect.scatter.add.f32 [tilespmem:s24], [sflag:$0xB], $0x20, s18, s20, $0xb8;
	[tilespmem:$0x17C80] =	vst v63  }
0x61: {  	_ =	swait.ge [sflag:s1], $0x1000  }
0x62: {  	[sflag:s1] =	ssyncset.done $0x0  }
0x63: {  	s7 =	simm.s32 $0x2980;
	[sflag:s1] =	ssyncadd.s32 $0xFFFFF000  }
0x64: {  	[spmem:s3] =	stream.indirect.scatter.add.f32 [tilespmem:s26], [sflag:$0xC], $0x20, s7, s20, $0xb8;
	[tilespmem:$0x17C80] =	vst v63  }
0x65: {  	_ =	swait.ge [sflag:s19], $0x1000  }
0x66: {  	[sflag:s19] =	ssyncset.done $0x0  }
0x67: {  	s18 =	simm.s32 $0x2A00;
	[sflag:s19] =	ssyncadd.s32 $0xFFFFF000  }
0x68: {  	[spmem:s3] =	stream.indirect.scatter.add.f32 [tilespmem:s29], [sflag:$0xD], $0x20, s18, s20, $0xb8;
	[tilespmem:$0x17C80] =	vst v63  }
0x69: {  	_ =	swait.ge [sflag:s5], $0x1000  }
0x6a: {  	[sflag:s5] =	ssyncset.done $0x0  }
0x6b: {  	s7 =	simm.s32 $0x2A80;
	[sflag:s5] =	ssyncadd.s32 $0xFFFFF000  }
0x6c: {  	[spmem:s3] =	stream.indirect.scatter.add.f32 [tilespmem:s31], [sflag:$0xE], $0x20, s7, s20, $0xb8;
	[tilespmem:$0x17C80] =	vst v63  }
0x6d: {  	_ =	swait.ge [sflag:s8], $0x1000  }
0x6e: {  	[sflag:s8] =	ssyncset.done $0x0  }
0x6f: {  	s18 =	simm.s32 $0x2B00;
	[sflag:s8] =	ssyncadd.s32 $0xFFFFF000  }
0x70: {  	[spmem:s3] =	stream.indirect.scatter.add.f32 [tilespmem:s0], [sflag:$0xF], $0x20, s18, s20, $0xb8;
	[tilespmem:$0x17C80] =	vst v63  }
0x71: {  	_ =	swait.ge [sflag:s9], $0x1000  }
0x72: {  	[sflag:s9] =	ssyncset.done $0x0  }
0x73: {  	s7 =	simm.s32 $0x2B80;
	[sflag:s9] =	ssyncadd.s32 $0xFFFFF000  }
0x74: {  	[spmem:s3] =	stream.indirect.scatter.add.f32 [tilespmem:s23], [sflag:$0x10], $0x20, s7, s20, $0xb8;
	[tilespmem:$0x17C80] =	vst v63  }
0x75: {  	_ =	swait.ge [sflag:s10], $0x1000  }
0x76: {  	[sflag:s10] =	ssyncset.done $0x0  }
0x77: {  	s18 =	simm.s32 $0x400;
	[sflag:s10] =	ssyncadd.s32 $0xFFFFF000  }
0x78: {  	[tilespmem:s21], [sflag:$0x1] =	stream.indirect.gather [spmem:s2], $0x20, s18, s20, $0xb8;
	[tilespmem:$0x17C80] =	vst v63  }
0x79: {  	_ =	swait.ge [sflag:s11], $0x1000  }
0x7a: {  	[sflag:s11] =	ssyncset.done $0x0  }
0x7b: {  	s7 =	simm.s32 $0x480;
	[sflag:s11] =	ssyncadd.s32 $0xFFFFF000  }
0x7c: {  	[tilespmem:s22], [sflag:$0x2] =	stream.indirect.gather [spmem:s2], $0x20, s7, s20, $0xb8;
	[tilespmem:$0x17C80] =	vst v63  }
0x7d: {  	_ =	swait.ge [sflag:s12], $0x1000  }
0x7e: {  	[sflag:s12] =	ssyncset.done $0x0  }
0x7f: {  	s18 =	simm.s32 $0x500;
	[sflag:s12] =	ssyncadd.s32 $0xFFFFF000  }
0x80: {  	[tilespmem:s24], [sflag:$0x3] =	stream.indirect.gather [spmem:s2], $0x20, s18, s20, $0xb8;
	[tilespmem:$0x17C80] =	vst v63  }
0x81: {  	_ =	swait.ge [sflag:s13], $0x1000  }
0x82: {  	[sflag:s13] =	ssyncset.done $0x0  }
0x83: {  	s7 =	simm.s32 $0x580;
	[sflag:s13] =	ssyncadd.s32 $0xFFFFF000  }
0x84: {  	[tilespmem:s26], [sflag:$0x4] =	stream.indirect.gather [spmem:s2], $0x20, s7, s20, $0xb8;
	[tilespmem:$0x17C80] =	vst v63  }
0x85: {  	_ =	swait.ge [sflag:s14], $0x1000  }
0x86: {  	[sflag:s14] =	ssyncset.done $0x0  }
0x87: {  	s18 =	simm.s32 $0x600;
	[sflag:s14] =	ssyncadd.s32 $0xFFFFF000  }
0x88: {  	[tilespmem:s29], [sflag:$0x5] =	stream.indirect.gather [spmem:s2], $0x20, s18, s20, $0xb8;
	[tilespmem:$0x17C80] =	vst v63  }
0x89: {  	_ =	swait.ge [sflag:s15], $0x1000  }
0x8a: {  	[sflag:s15] =	ssyncset.done $0x0  }
0x8b: {  	s7 =	simm.s32 $0x680;
	[sflag:s15] =	ssyncadd.s32 $0xFFFFF000  }
0x8c: {  	[tilespmem:s31], [sflag:$0x6] =	stream.indirect.gather [spmem:s2], $0x20, s7, s20, $0xb8;
	[tilespmem:$0x17C80] =	vst v63  }
0x8d: {  	_ =	swait.ge [sflag:s16], $0x1000  }
0x8e: {  	[sflag:s16] =	ssyncset.done $0x0  }
0x8f: {  	s18 =	simm.s32 $0x700;
	[sflag:s16] =	ssyncadd.s32 $0xFFFFF000  }
0x90: {  	[tilespmem:s0], [sflag:$0x7] =	stream.indirect.gather [spmem:s2], $0x20, s18, s20, $0xb8;
	[tilespmem:$0x17C80] =	vst v63  }
0x91: {  	_ =	swait.ge [sflag:s6], $0x1000  }
0x92: {  	[sflag:s6] =	ssyncset.done $0x0  }
0x93: {  	s7 =	simm.s32 $0x1000;
	s18 =	simm.s32 $0x780;
	[sflag:s6] =	ssyncadd.s32 $0xFFFFF000  }
.LBB2_4:
0x94: {  	[tilespmem:s23], [sflag:$0x8] =	stream.indirect.gather [spmem:s2], $0x20, s18, s20, $0xb8;
	[tilespmem:$0x17C80] =	vst v63  }
0x95: {  	s4 =	smov.u32 s7  }
0x96: {  	p0 =	sne.s32 s7, $0x8000;
	s7 =	sadd.s32 $0x1000, s7;
	_ =	swait.ge [sflag:s25], $0x1000  }
0x97: {  	s18 =	sshra.s32 s4, $0x2;
	[sflag:s25] =	ssyncset.done $0x0  }
0x98: {  	s4 =	sadd.s32 $0x2800, s18;
	[sflag:s25] =	ssyncadd.s32 $0xFFFFF000  }
0x99: {  	[spmem:s3] =	stream.indirect.scatter.add.f32 [tilespmem:s21], [sflag:$0x9], $0x20, s4, s20, $0xb8;
	[tilespmem:$0x17C80] =	vst v63  }
0x9a: {  	_ =	swait.ge [sflag:s28], $0x1000  }
0x9b: {  	[sflag:s28] =	ssyncset.done $0x0  }
0x9c: {  	s4 =	sadd.s32 $0x2880, s18;
	[sflag:s28] =	ssyncadd.s32 $0xFFFFF000  }
0x9d: {  	[spmem:s3] =	stream.indirect.scatter.add.f32 [tilespmem:s22], [sflag:$0xA], $0x20, s4, s20, $0xb8;
	[tilespmem:$0x17C80] =	vst v63  }
0x9e: {  	_ =	swait.ge [sflag:s30], $0x1000  }
0x9f: {  	[sflag:s30] =	ssyncset.done $0x0  }
0xa0: {  	s4 =	sadd.s32 $0x2900, s18;
	[sflag:s30] =	ssyncadd.s32 $0xFFFFF000  }
0xa1: {  	[spmem:s3] =	stream.indirect.scatter.add.f32 [tilespmem:s24], [sflag:$0xB], $0x20, s4, s20, $0xb8;
	[tilespmem:$0x17C80] =	vst v63  }
0xa2: {  	_ =	swait.ge [sflag:s1], $0x1000  }
0xa3: {  	[sflag:s1] =	ssyncset.done $0x0  }
0xa4: {  	s4 =	sadd.s32 $0x2980, s18;
	[sflag:s1] =	ssyncadd.s32 $0xFFFFF000  }
0xa5: {  	[spmem:s3] =	stream.indirect.scatter.add.f32 [tilespmem:s26], [sflag:$0xC], $0x20, s4, s20, $0xb8;
	[tilespmem:$0x17C80] =	vst v63  }
0xa6: {  	_ =	swait.ge [sflag:s19], $0x1000  }
0xa7: {  	[sflag:s19] =	ssyncset.done $0x0  }
0xa8: {  	s4 =	sadd.s32 $0x2A00, s18;
	[sflag:s19] =	ssyncadd.s32 $0xFFFFF000  }
0xa9: {  	[spmem:s3] =	stream.indirect.scatter.add.f32 [tilespmem:s29], [sflag:$0xD], $0x20, s4, s20, $0xb8;
	[tilespmem:$0x17C80] =	vst v63  }
0xaa: {  	_ =	swait.ge [sflag:s5], $0x1000  }
0xab: {  	[sflag:s5] =	ssyncset.done $0x0  }
0xac: {  	s4 =	sadd.s32 $0x2A80, s18;
	[sflag:s5] =	ssyncadd.s32 $0xFFFFF000  }
0xad: {  	[spmem:s3] =	stream.indirect.scatter.add.f32 [tilespmem:s31], [sflag:$0xE], $0x20, s4, s20, $0xb8;
	[tilespmem:$0x17C80] =	vst v63  }
0xae: {  	_ =	swait.ge [sflag:s8], $0x1000  }
0xaf: {  	[sflag:s8] =	ssyncset.done $0x0  }
0xb0: {  	s4 =	sadd.s32 $0x2B00, s18;
	[sflag:s8] =	ssyncadd.s32 $0xFFFFF000  }
0xb1: {  	[spmem:s3] =	stream.indirect.scatter.add.f32 [tilespmem:s0], [sflag:$0xF], $0x20, s4, s20, $0xb8;
	[tilespmem:$0x17C80] =	vst v63  }
0xb2: {  	_ =	swait.ge [sflag:s9], $0x1000  }
0xb3: {  	[sflag:s9] =	ssyncset.done $0x0  }
0xb4: {  	s4 =	sadd.s32 $0x2B80, s18;
	[sflag:s9] =	ssyncadd.s32 $0xFFFFF000  }
0xb5: {  	[spmem:s3] =	stream.indirect.scatter.add.f32 [tilespmem:s23], [sflag:$0x10], $0x20, s4, s20, $0xb8;
	[tilespmem:$0x17C80] =	vst v63  }
0xb6: {  	_ =	swait.ge [sflag:s10], $0x1000  }
0xb7: {  	[sflag:s10] =	ssyncset.done $0x0  }
0xb8: {  	s4 =	sadd.s32 $0x400, s18;
	[sflag:s10] =	ssyncadd.s32 $0xFFFFF000  }
0xb9: {  	[tilespmem:s21], [sflag:$0x1] =	stream.indirect.gather [spmem:s2], $0x20, s4, s20, $0xb8;
	[tilespmem:$0x17C80] =	vst v63  }
0xba: {  	_ =	swait.ge [sflag:s11], $0x1000  }
0xbb: {  	[sflag:s11] =	ssyncset.done $0x0  }
0xbc: {  	s4 =	sadd.s32 $0x480, s18;
	[sflag:s11] =	ssyncadd.s32 $0xFFFFF000  }
0xbd: {  	[tilespmem:s22], [sflag:$0x2] =	stream.indirect.gather [spmem:s2], $0x20, s4, s20, $0xb8;
	[tilespmem:$0x17C80] =	vst v63  }
0xbe: {  	_ =	swait.ge [sflag:s12], $0x1000  }
0xbf: {  	[sflag:s12] =	ssyncset.done $0x0  }
0xc0: {  	s4 =	sadd.s32 $0x500, s18;
	[sflag:s12] =	ssyncadd.s32 $0xFFFFF000  }
0xc1: {  	[tilespmem:s24], [sflag:$0x3] =	stream.indirect.gather [spmem:s2], $0x20, s4, s20, $0xb8;
	[tilespmem:$0x17C80] =	vst v63  }
0xc2: {  	_ =	swait.ge [sflag:s13], $0x1000  }
0xc3: {  	[sflag:s13] =	ssyncset.done $0x0  }
0xc4: {  	s4 =	sadd.s32 $0x580, s18;
	[sflag:s13] =	ssyncadd.s32 $0xFFFFF000  }
0xc5: {  	[tilespmem:s26], [sflag:$0x4] =	stream.indirect.gather [spmem:s2], $0x20, s4, s20, $0xb8;
	[tilespmem:$0x17C80] =	vst v63  }
0xc6: {  	_ =	swait.ge [sflag:s14], $0x1000  }
0xc7: {  	[sflag:s14] =	ssyncset.done $0x0  }
0xc8: {  	s4 =	sadd.s32 $0x600, s18;
	[sflag:s14] =	ssyncadd.s32 $0xFFFFF000  }
0xc9: {  	[tilespmem:s29], [sflag:$0x5] =	stream.indirect.gather [spmem:s2], $0x20, s4, s20, $0xb8;
	[tilespmem:$0x17C80] =	vst v63  }
0xca: {  	_ =	swait.ge [sflag:s15], $0x1000  }
0xcb: {  	[sflag:s15] =	ssyncset.done $0x0  }
0xcc: {  	s4 =	sadd.s32 $0x680, s18;
	[sflag:s15] =	ssyncadd.s32 $0xFFFFF000  }
0xcd: {  	[tilespmem:s31], [sflag:$0x6] =	stream.indirect.gather [spmem:s2], $0x20, s4, s20, $0xb8;
	[tilespmem:$0x17C80] =	vst v63  }
0xce: {  	_ =	swait.ge [sflag:s16], $0x1000  }
0xcf: {  	[sflag:s16] =	ssyncset.done $0x0  }
.Ltmp1:
0xd0: {  	s4 =	sadd.s32 $0x700, s18;
	[sflag:s16] =	ssyncadd.s32 $0xFFFFF000;
	(pc) =	sbr.rel @p0 .LBB2_4-.Ltmp1, $4  }
0xd1: {  	[tilespmem:s0], [sflag:$0x7] =	stream.indirect.gather [spmem:s2], $0x20, s4, s20, $0xb8;
	[tilespmem:$0x17C80] =	vst v63  }
0xd2: {  	_ =	swait.ge [sflag:s6], $0x1000  }
0xd3: {  	[sflag:s6] =	ssyncset.done $0x0  }
0xd4: {  	s18 =	sadd.s32 $0x780, s18;
	[sflag:s6] =	ssyncadd.s32 $0xFFFFF000  }
0xd5: {  	[tilespmem:s23], [sflag:$0x8] =	stream.indirect.gather [spmem:s2], $0x20, s18, s20, $0xb8;
	[tilespmem:$0x17C80] =	vst v63  }
0xd6: {  	_ =	swait.ge [sflag:s25], $0x1000  }
0xd7: {  	[sflag:s25] =	ssyncset.done $0x0  }
0xd8: {  	s4 =	simm.s32 $0x4C00;
	[sflag:s25] =	ssyncadd.s32 $0xFFFFF000  }
0xd9: {  	[spmem:s3] =	stream.indirect.scatter.add.f32 [tilespmem:s21], [sflag:$0x9], $0x20, s4, s20, $0xb8;
	[tilespmem:$0x17C80] =	vst v63  }
0xda: {  	_ =	swait.ge [sflag:s28], $0x1000  }
0xdb: {  	[sflag:s28] =	ssyncset.done $0x0  }
0xdc: {  	s18 =	simm.s32 $0x4C80;
	[sflag:s28] =	ssyncadd.s32 $0xFFFFF000  }
0xdd: {  	[spmem:s3] =	stream.indirect.scatter.add.f32 [tilespmem:s22], [sflag:$0xA], $0x20, s18, s20, $0xb8;
	[tilespmem:$0x17C80] =	vst v63  }
0xde: {  	_ =	swait.ge [sflag:s30], $0x1000  }
0xdf: {  	[sflag:s30] =	ssyncset.done $0x0  }
0xe0: {  	s7 =	simm.s32 $0x4D00;
	[sflag:s30] =	ssyncadd.s32 $0xFFFFF000  }
0xe1: {  	[spmem:s3] =	stream.indirect.scatter.add.f32 [tilespmem:s24], [sflag:$0xB], $0x20, s7, s20, $0xb8;
	[tilespmem:$0x17C80] =	vst v63  }
0xe2: {  	_ =	swait.ge [sflag:s1], $0x1000  }
0xe3: {  	[sflag:s1] =	ssyncset.done $0x0  }
0xe4: {  	s18 =	simm.s32 $0x4D80;
	[sflag:s1] =	ssyncadd.s32 $0xFFFFF000  }
0xe5: {  	[spmem:s3] =	stream.indirect.scatter.add.f32 [tilespmem:s26], [sflag:$0xC], $0x20, s18, s20, $0xb8;
	[tilespmem:$0x17C80] =	vst v63  }
0xe6: {  	_ =	swait.ge [sflag:s19], $0x1000  }
0xe7: {  	[sflag:s19] =	ssyncset.done $0x0  }
0xe8: {  	s7 =	simm.s32 $0x4E00;
	[sflag:s19] =	ssyncadd.s32 $0xFFFFF000  }
0xe9: {  	[spmem:s3] =	stream.indirect.scatter.add.f32 [tilespmem:s29], [sflag:$0xD], $0x20, s7, s20, $0xb8;
	[tilespmem:$0x17C80] =	vst v63  }
0xea: {  	_ =	swait.ge [sflag:s5], $0x1000  }
0xeb: {  	[sflag:s5] =	ssyncset.done $0x0  }
0xec: {  	s18 =	simm.s32 $0x4E80;
	[sflag:s5] =	ssyncadd.s32 $0xFFFFF000  }
0xed: {  	[spmem:s3] =	stream.indirect.scatter.add.f32 [tilespmem:s31], [sflag:$0xE], $0x20, s18, s20, $0xb8;
	[tilespmem:$0x17C80] =	vst v63  }
0xee: {  	_ =	swait.ge [sflag:s8], $0x1000  }
0xef: {  	[sflag:s8] =	ssyncset.done $0x0  }
0xf0: {  	s7 =	simm.s32 $0x4F00;
	[sflag:s8] =	ssyncadd.s32 $0xFFFFF000  }
0xf1: {  	[spmem:s3] =	stream.indirect.scatter.add.f32 [tilespmem:s0], [sflag:$0xF], $0x20, s7, s20, $0xb8;
	[tilespmem:$0x17C80] =	vst v63  }
0xf2: {  	_ =	swait.ge [sflag:s9], $0x1000  }
0xf3: {  	[sflag:s9] =	ssyncset.done $0x0  }
0xf4: {  	s18 =	simm.s32 $0x4F80;
	[sflag:s9] =	ssyncadd.s32 $0xFFFFF000  }
0xf5: {  	[spmem:s3] =	stream.indirect.scatter.add.f32 [tilespmem:s23], [sflag:$0x10], $0x20, s18, s20, $0xb8;
	[tilespmem:$0x17C80] =	vst v63  }
0xf6: {  	_ =	swait.ge [sflag:s10], $0x1000  }
0xf7: {  	[sflag:s10] =	ssyncset.done $0x0  }
0xf8: {  	[sflag:s10] =	ssyncadd.s32 $0xFFFFF000  }
0xf9: {  	_ =	swait.ge [sflag:s11], $0x1000  }
0xfa: {  	[sflag:s11] =	ssyncset.done $0x0  }
0xfb: {  	[sflag:s11] =	ssyncadd.s32 $0xFFFFF000  }
0xfc: {  	_ =	swait.ge [sflag:s12], $0x1000  }
0xfd: {  	[sflag:s12] =	ssyncset.done $0x0  }
0xfe: {  	[sflag:s12] =	ssyncadd.s32 $0xFFFFF000  }
0xff: {  	_ =	swait.ge [sflag:s13], $0x1000  }
0x100: {  	[sflag:s13] =	ssyncset.done $0x0  }
0x101: {  	[sflag:s13] =	ssyncadd.s32 $0xFFFFF000  }
0x102: {  	_ =	swait.ge [sflag:s14], $0x1000  }
0x103: {  	[sflag:s14] =	ssyncset.done $0x0  }
0x104: {  	[sflag:s14] =	ssyncadd.s32 $0xFFFFF000  }
0x105: {  	_ =	swait.ge [sflag:s15], $0x1000  }
0x106: {  	[sflag:s15] =	ssyncset.done $0x0  }
0x107: {  	[sflag:s15] =	ssyncadd.s32 $0xFFFFF000  }
0x108: {  	_ =	swait.ge [sflag:s16], $0x1000  }
0x109: {  	[sflag:s16] =	ssyncset.done $0x0  }
0x10a: {  	[sflag:s16] =	ssyncadd.s32 $0xFFFFF000  }
0x10b: {  	_ =	swait.ge [sflag:s6], $0x1000  }
0x10c: {  	[sflag:s6] =	ssyncset.done $0x0  }
0x10d: {  	[sflag:s6] =	ssyncadd.s32 $0xFFFFF000  }
0x10e: {  	[bflag:$0x0] =	sbarrier.arrive $0xFFFF  }
0x10f: {  	s7 =	rddreg [dreg:$0x7]  }
0x110: {  	s18 =	rddreg [dreg:$0xe]  }
0x111: {  	s4 =	sshrl.u32 s7, $0x3;
	s7 =	rddreg [dreg:$0x6]  }
0x112: {  	[hbm:s18], [sflag:s7] =	dma.local [spmem:s4], $0x9C8  }
0x113: {  	_ =	swait.ge [sflag:s17], $0x9C8  }
0x114: {  	s18 =	rddreg [dreg:$0x4]  }
0x115: {  	s4 =	sadd.s32 $0x1, s18;
	s18 =	rddreg [dreg:$0xf]  }
0x116: {  	p0 =	sne.s32 s4, s18  }
.Ltmp2:
0x117: {  	_ = 	snop;
	(pc) =	sbr.rel @p0 .LBB2_1-.Ltmp2, $3  }
0x118: {  	_ =	sdelay $0x1  }
0x119: {  	[sflag:s17] =	ssyncset.done $0x0  }
0x11a: {  	[sflag:s17] =	ssyncadd.s32 $0xFFFFF638  }
0x11b: {  	_ =	sfence.sel $0x180000  }
0x11c: {  	[bflag:$0x0] =	sbarrier.arrive $0xFFFF  }
0x11d: {  	_ =	strace $0x9000004D  }
0x11e: {  	s0 =	stileid.u32;
	[bflag:$0x2] =	sbarrier.arrive $0xFFFF  }
0x11f: {  	p0 =	sne.s32 s0, $0x0;
	s0 =	rddreg [dreg:$0x3]  }
0x120: {  	s0 =	sadd.s32 @!p0 $0x100000, s0  }
0x121: {  	[sflag:s0] =	ssyncadd.tile.s32 @!p0 $0x1;
	_ =	shalt  }
.Lfunc_end2:
_tile_overlayer_lowered:
.L_overlay_start_2:
0x122: {  	(tag) =	ssettag $0x2  }
0x123: {  	s0 =	rddreg [dreg:$0x0];
	s2 =	stileid.u32  }
0x124: {  	s1 =	rddreg [dreg:$0x1];
	p0 =	sne.s32 s2, $0x0  }
0x125: {  	s3 =	rddreg [dreg:$0x2];
	[bflag:$0x3] =	sbarrier.arrive $0xFFFF;
	s2 =	simm.s32 @!p0 $0x1C11  }
0x126: {  	[timem:s3], [sflag:s2] =	dma.local @!p0 [hbm:s0], s1  }
0x127: {  	s0 =	simm.s32 @!p0 $0x11  }
0x128: {  	_ =	swait.ge @!p0 [sflag:s0], s1  }
0x129: {  	s1 =	ssub.s32 @!p0 $0x0, s1;
	[sflag:s0] =	ssyncset.done @!p0 $0x0  }
0x12a: {  	[sflag:s0] =	ssyncadd.s32 @!p0 s1  }
0x12b: {  	[bflag:$0x3] =	sbarrier.arrive $0xFFFF  }
0x12c: {  	_ =	shalt  }

// kernel: kernel.18.cloned.1.call-start
scs
__scs_entry_jumppad:
0x0: {  	(pc) =	sbr.rel $0x88, $3  }
0x1: {  	(tag) =	ssettag $0x0;
	lr =	simm.s32 $0x1  }
0x2: {  	[smem:$0x3F9B] =	sst lr;
	_ =	strace $0xD0000000  }
0x3: {  	_ = 	snop  }
0x4: {  	_ = 	snop  }
0x5: {  	_ = 	snop  }
0x6: {  	_ = 	snop  }
0x7: {  	_ = 	snop  }
__scs_overlays_trampoline_lowered:
0x8: {  	[smem:$0x3FAA] =	sst s0  }
0x9: {  	[smem:$0x3FAB] =	sst s1  }
0xa: {  	[smem:$0x3FAC] =	sst s2  }
0xb: {  	[smem:$0x3FAD] =	sst s3  }
0xc: {  	[smem:$0x3FAE] =	sst s4  }
0xd: {  	[smem:$0x3FAF] =	sst s5  }
0xe: {  	[smem:$0x3FB0] =	sst s6  }
0xf: {  	[smem:$0x3FB1] =	sst s7  }
0x10: {  	[smem:$0x3FB2] =	sst s8  }
0x11: {  	[smem:$0x3FB3] =	sst s9;
	s0 =	simm.s32 @!p0 $0x0  }
0x12: {  	s1 =	sld [smem:$0x3F99];
	s0 =	simm.s32 @p0 $0x1  }
0x13: {  	[smem:$0x3FB4] =	sst s0;
	s0 =	simm.s32 @!p1 $0x0  }
0x14: {  	s2 =	sld [smem:$0x3F98];
	s0 =	simm.s32 @p1 $0x1  }
0x15: {  	[smem:$0x3FB5] =	sst s0;
	s0 =	simm.s32 @!p2 $0x0  }
0x16: {  	s3 =	sld [smem:$0x3FDB];
	s0 =	simm.s32 @p2 $0x1  }
0x17: {  	s4 =	simm.s32 $0x1BF5;
	[smem:$0x3FB7] =	sst s0  }
0x18: {  	s0 =	sld [smem:$0x3F9A];
	_ =	swait.ge [sflag:s4], $0x0  }
0x19: {  	s7 =	sld [smem:$0x3F9B]  }
0x1a: {  	s8 =	sadd.s32 $0xFFFFE003, lr  }
0x1b: {  	s9 =	sadd.s32 $0xFFFFFEF7, lr;
	s5 =	simm.s32 $0xFFFFFFFF;
	p2 =	slt.u32 s8, $0xFFFFF086  }
0x1c: {  	p1 =	slt.u32 s9, $0xF7A;
	s5 =	simm.s32 @!p2 $0x0  }
0x1d: {  	s5 =	simm.s32 @p1 $0x1;
	p0 =	seq.s32 s7, s2  }
0x1e: {  	s7 =	smul.u32 @!p0 $0xF7A, s2;
	p2 =	seq.s32 @!p0 s5, $0x0  }
0x1f: {  	s9 =	smul.u32 $0xF7A, s1;
	s8 =	simm.s32 @!p0 $0x1BF5;
	p2 =	por !p2, p0  }
0x20: {  	[sflag:s8] =	ssyncset.s32 @!p0 $0xFFFFF086;
	s6 =	sadd.s32 @!p0 s3, s7;
	s7 =	simm.s32 @!p0 $0x108  }
0x21: {  	s3 =	sadd.s32 s3, s9;
	s6 =	sadd.s32 @!p0 $0x88, s6;
	s7 =	simm.s32 @p2 $0x1082  }
0x22: {  	[simem:s7], [sflag:s8] =	dma.local @!p0 [hbm:s6], $0xF7A  }
0x23: {  	s9 =	sor.u32 $0xD0000000, s2;
	s6 =	simm.s32 $0x108;
	_ =	swait.ge @!p0 [sflag:s8], $0x0  }
0x24: {  	s3 =	sadd.s32 $0x88, s3;
	s6 =	simm.s32 @!p1 $0x1082;
	[sflag:s4] =	ssyncset.s32 $0xFFFFF086  }
0x25: {  	[simem:s6], [sflag:s4] =	dma.local [hbm:s3], $0xF7A  }
0x26: {  	[smem:$0x3F9B] =	sst s1;
	(tag) =	ssettag s2;
	_ =	strace s9  }
0x27: {  	s1 =	sld [smem:$0x3FAB]  }
0x28: {  	s2 =	sld [smem:$0x3FAC]  }
0x29: {  	s4 =	sld [smem:$0x3FAE]  }
0x2a: {  	p0 =	seq.s32 s5, $0x0;
	s5 =	sld [smem:$0x3FAF]  }
0x2b: {  	s6 =	sld [smem:$0x3FB0]  }
0x2c: {  	s7 =	sld [smem:$0x3FB1]  }
0x2d: {  	s3 =	simm.s32 $0x108;
	s8 =	sld [smem:$0x3FB2]  }
0x2e: {  	s3 =	simm.s32 @!p0 $0x1082;
	s9 =	sld [smem:$0x3FB3]  }
0x2f: {  	lr =	sadd.s32 s0, s3;
	s0 =	sld [smem:$0x3FAA]  }
0x30: {  	s3 =	sld [smem:$0x3FAD]  }
0x31: {  	[smem:$0x3FB6] =	sst s10  }
0x32: {  	s10 =	sld [smem:$0x3FB4];
	_ =	sdelay $0x3  }
0x33: {  	p0 =	seq.s32 s10, $0x1;
	s10 =	sld [smem:$0x3FB6];
	_ =	sdelay $0x3  }
0x34: {  	[smem:$0x3FB6] =	sst s10  }
0x35: {  	s10 =	sld [smem:$0x3FB5];
	_ =	sdelay $0x3  }
0x36: {  	p1 =	seq.s32 s10, $0x1;
	s10 =	sld [smem:$0x3FB6];
	_ =	sdelay $0x3  }
0x37: {  	[smem:$0x3FB6] =	sst s10  }
0x38: {  	s10 =	sld [smem:$0x3FB7]  }
0x39: {  	_ = 	snop;
	(pc) =	sbr.ind lr, $3  }
0x3a: {  	_ = 	snop  }
0x3b: {  	_ = 	snop  }
0x3c: {  	p2 =	seq.s32 s10, $0x1;
	s10 =	sld [smem:$0x3FB6]  }
0x3d: {  	_ =	shalt  }
0x3e: {  	_ =	shalt  }
0x3f: {  	_ =	shalt  }
0x40: {  	_ =	shalt  }
0x41: {  	_ =	shalt  }
0x42: {  	_ =	shalt  }
0x43: {  	_ =	shalt  }
0x44: {  	_ =	shalt  }
0x45: {  	_ =	shalt  }
0x46: {  	_ =	shalt  }
0x47: {  	_ =	shalt  }
0x48: {  	_ =	shalt  }
0x49: {  	_ =	shalt  }
0x4a: {  	_ =	shalt  }
0x4b: {  	_ =	shalt  }
0x4c: {  	_ =	shalt  }
0x4d: {  	_ =	shalt  }
0x4e: {  	_ =	shalt  }
0x4f: {  	_ =	shalt  }
0x50: {  	_ =	shalt  }
0x51: {  	_ =	shalt  }
0x52: {  	_ =	shalt  }
0x53: {  	_ =	shalt  }
0x54: {  	_ =	shalt  }
0x55: {  	_ =	shalt  }
0x56: {  	_ =	shalt  }
0x57: {  	_ =	shalt  }
0x58: {  	_ =	shalt  }
0x59: {  	_ =	shalt  }
0x5a: {  	_ =	shalt  }
0x5b: {  	_ =	shalt  }
0x5c: {  	_ =	shalt  }
0x5d: {  	_ =	shalt  }
0x5e: {  	_ =	shalt  }
0x5f: {  	_ =	shalt  }
0x60: {  	_ =	shalt  }
0x61: {  	_ =	shalt  }
0x62: {  	_ =	shalt  }
0x63: {  	_ =	shalt  }
0x64: {  	_ =	shalt  }
0x65: {  	_ =	shalt  }
0x66: {  	_ =	shalt  }
0x67: {  	_ =	shalt  }
0x68: {  	_ =	shalt  }
0x69: {  	_ =	shalt  }
0x6a: {  	_ =	shalt  }
0x6b: {  	_ =	shalt  }
0x6c: {  	_ =	shalt  }
0x6d: {  	_ =	shalt  }
0x6e: {  	_ =	shalt  }
0x6f: {  	_ =	shalt  }
0x70: {  	_ =	shalt  }
0x71: {  	_ =	shalt  }
0x72: {  	_ =	shalt  }
0x73: {  	_ =	shalt  }
0x74: {  	_ =	shalt  }
0x75: {  	_ =	shalt  }
0x76: {  	_ =	shalt  }
0x77: {  	_ =	shalt  }
0x78: {  	_ =	shalt  }
0x79: {  	_ =	shalt  }
0x7a: {  	_ =	shalt  }
0x7b: {  	_ =	shalt  }
0x7c: {  	_ =	shalt  }
0x7d: {  	_ =	shalt  }
0x7e: {  	_ =	shalt  }
0x7f: {  	_ =	shalt  }
0x80: {  	_ =	shalt  }
0x81: {  	_ =	shalt  }
0x82: {  	_ =	shalt  }
0x83: {  	_ =	shalt  }
0x84: {  	_ =	shalt  }
0x85: {  	_ =	shalt  }
0x86: {  	_ =	shalt  }
0x87: {  	_ =	shalt  }
.Lfunc_end0:
.L_simem_size_0:
called_computation.3_lowered:
.L_overlay_start_0:
0x88: {  	s2 =	sld [smem:$0x3FD9]  }
0x89: {  	s3 =	sld [smem:$0x3FFE];
	_ =	sdelay $0x1  }
0x8a: {  	s1 =	srdreg.scid  }
0x8b: {  	s0 =	sand.u32 $0x1, s1  }
0x8c: {  	s17 =	sshll.u32 s0, $0xA;
	s2 =	sadd.s32 s3, s2  }
0x8d: {  	s2 =	sadd.s32 s2, s17  }
0x8e: {  	[smem:$0x3FC2] =	sst s2  }
0x8f: {  	_ = 	snop  }
0x90: {  	s2 =	sld [smem:$0x3FD0];
	(tm) =	ssettm $0x1  }
0x91: {  	s18 =	sld [smem:$0x3FFB];
	_ =	sdelay $0x3  }
0x92: {  	_ =	strace s18  }
0x93: {  	s3 =	sld [smem:$0x3FFC];
	_ =	sdelay $0x3  }
0x94: {  	_ =	strace s3  }
0x95: {  	s3 =	sld [smem:$0x3FFD];
	_ =	sdelay $0x3  }
0x96: {  	_ =	strace s3  }
0x97: {  	_ =	strace $0x8FFFFFFF  }
0x98: {  	s19 =	sld [smem:$0x3FDB];
	_ =	sdelay $0x1  }
0x99: {  	s4 =	simm.s32 $_scs_section_size  }
0x9a: {  	s5 =	simm.s32 $_size__tile_overlayer_lowered;
	s6 =	simm.s32 $_tile_overlayer_lowered  }
0x9b: {  	s22 =	simm.s32 $0x1BFF;
	s21 =	sshll.u32 s6, $0x1;
	s3 =	sadd.s32 s4, s19  }
0x9c: {  	s7 =	simm.s32 $0x0;
	s20 =	sshll.u32 s5, $0x1;
	s5 =	sadd.s32 s21, s3  }
0x9d: {  	[timem:s7], [sflag:s22] =	dma.local [hbm:s5], s20  }
0x9e: {  	_ =	swait.ge [sflag:s22], s20  }
0x9f: {  	s4 =	ssub.s32 $0x0, s20;
	[sflag:s22] =	ssyncset.done $0x0  }
0xa0: {  	[sflag:s22] =	ssyncadd.s32 s4;
	_ =	sdelay $0x1  }
0xa1: {  	s23 =	simm.s32 $0x1B8B  }
0xa2: {  	_ =	swait.ge [sflag:s23], $0x1  }
0xa3: {  	[sflag:s23] =	ssyncset.done $0x0  }
0xa4: {  	s25 =	simm.s32 $0x1B8E;
	s24 =	sld [smem:$0x3FFE];
	[sflag:s23] =	ssyncadd.s32 $0xFFFFFFFF  }
0xa5: {  	s26 =	simm.s32 $execute0_lowered;
	[smem:$0x3FD2] =	sst s25  }
0xa6: {  	s5 =	sshll.u32 s26, $0x1;
	_ =	strace $0x8000004F;
	[dreg:$0x1] =	wrdreg $0xFFFFFFFF  }
0xa7: {  	s28 =	simm.s32 $_size_execute0_lowered;
	s3 =	sadd.s32 s3, s5;
	[dreg:$0x0] =	wrdreg $0x0  }
0xa8: {  	s5 =	sshll.u32 s28, $0x1;
	[dreg:$0x2] =	wrdreg s3  }
0xa9: {  	[dreg:$0x3] =	wrdreg s5  }
0xaa: {  	[dreg:$0x4] =	wrdreg $0xC0  }
0xab: {  	_ =	task [dreg:s7], $0x5FFFF  }
0xac: {  	[dreg:$0x1] =	wrdreg $0xFFFFFFFF  }
0xad: {  	[dreg:$0x0] =	wrdreg $0x60  }
0xae: {  	[dreg:$0x2] =	wrdreg s2  }
0xaf: {  	[dreg:$0x3] =	wrdreg s24  }
0xb0: {  	[dreg:$0x4] =	wrdreg $0xE0000  }
0xb1: {  	[dreg:$0x5] =	wrdreg $0x12E400  }
0xb2: {  	[dreg:$0x6] =	wrdreg $0x9  }
0xb3: {  	_ =	task.clear_ibuf [dreg:s7], $0x7FFFF;
	_ =	strace $0x9000004F  }
0xb4: {  	s29 =	simm.s32 $0x9;
	_ =	strace $0x80000051  }
0xb5: {  	_ =	swait.ge [sflag:s29], $0x1  }
0xb6: {  	[sflag:s29] =	ssyncadd.s32 $0xFFFFFFFF  }
0xb7: {  	_ =	strace $0x90000051  }
0xb8: {  	_ =	sfence  }
0xb9: {  	s30 =	sld [smem:$0x0];
	_ =	sdelay $0x2  }
0xba: {  	s31 =	sshll.u32 s1, $0xD;
	s1 =	sshrl.u32 s1, $0x2  }
0xbb: {  	s3 =	sand.u32 $0x4000, s31;
	s1 =	sadd.s32 s1, s30  }
0xbc: {  	s0 =	sor.u32 s3, s0;
	s1 =	sshll.u32 s1, $0x11  }
0xbd: {  	s0 =	sor.u32 s1, s0  }
0xbe: {  	s0 =	sadd.s32 $0x8F2B, s0  }
0xbf: {  	[sflag:s0] =	ssyncadd.remote.s32 $0x1  }
0xc0: {  	_ =	sfence.sel $0xFFFF  }
0xc1: {  	[dreg:$0x0] =	wrdreg $0xFFFFFFFF;
	(pc) =	sbr.abs _section_cstart, $3  }
0xc2: {  	[dreg:$0x1] =	wrdreg $0xFFFFFFFF  }
0xc3: {  	_ =	task.clear_ibuf [dreg:s7], $0x2FFFF;
	_ =	strace $0x9FFFFFFF  }
0xc4: {  	(tm) =	ssettm $0x7FFFFFFF  }
0xc5: {  	_ =	shalt  }
tec
execute0_lowered:
.L_overlay_start_1:
0x0: {  	(tag) =	ssettag $0x1  }
0x1: {  	s0 =	rddreg [dreg:$0x0]  }
0x2: {  	s1 =	rddreg [dreg:$0x1]  }
0x3: {  	s2 =	rddreg [dreg:$0x2];
	s4 =	srdreg.scid  }
0x4: {  	s3 =	rddreg [dreg:$0x3];
	s11 =	stileid.u32  }
0x5: {  	s29 =	simm.s32 $0x9000;
	s31 =	simm.s32 $0xA000;
	s28 =	simm.s32 $0x2  }
0x6: {  	s30 =	simm.s32 $0x3;
	s12 =	simm.s32 $0xB;
	s7 =	smul.u32 $0x4E40, s11  }
0x7: {  	s5 =	sand.u32 $0x1, s4;
	s4 =	simm.s32 $0x0;
	s9 =	smul.u32 $0x13900, s11  }
0x8: {  	s15 =	sshll.u32 s11, $0x6;
	s6 =	sshll.u32 s5, $0x4;
	s8 =	smul.u32 $0x4E400, s5  }
0x9: {  	[smem:$0x7FF] =	sst s4;
	s5 =	ssub.s32 $0x2, s5;
	s18 =	sor.u32 $0x1C11, s15  }
0xa: {  	s15 =	simm.s32 $0xE;
	s6 =	sor.u32 s11, s6;
	_ =	strace $0x80000050  }
0xb: {  	s13 =	sshrl.u32 s5, $0x1;
	s14 =	sadd.s32 s7, s2;
	s10 =	sshrl.u32 s7, $0x3  }
0xc: {  	s9 =	sshrl.u32 s9, $0x2;
	s16 =	sadd.s32 s7, s3;
	s11 =	simm.s32 $0xA  }
0xd: {  	[dreg:$0x7] =	wrdreg s18;
	s6 =	smul.u32 $0x500, s6;
	s8 =	sadd.s32 s7, s8  }
0xe: {  	s5 =	ssub.s32 s5, s13;
	s0 =	sadd.s32 s0, s10;
	[dreg:$0x8] =	wrdreg s16  }
0xf: {  	s17 =	sadd.s32 s9, s3;
	s26 =	sshrl.u32 s14, $0x3;
	s9 =	simm.s32 $0x8  }
0x10: {  	s10 =	simm.s32 $0x9;
	s13 =	simm.s32 $0xC;
	s14 =	simm.s32 $0xD  }
0x11: {  	s16 =	simm.s32 $0xF;
	s8 =	sshrl.u32 s8, $0x3;
	[dreg:$0x6] =	wrdreg s0  }
0x12: {  	s19 =	sadd.s32 $0x1000, s17;
	s20 =	sadd.s32 $0x2000, s17;
	[dreg:$0x11] =	wrdreg s26  }
0x13: {  	s21 =	sadd.s32 $0x3000, s17;
	s0 =	sadd.s32 $0x4000, s17;
	[dreg:$0x9] =	wrdreg s19  }
0x14: {  	s25 =	smax.u32 s5, $0x1;
	s17 =	simm.s32 $0x11;
	[dreg:$0xa] =	wrdreg s20  }
0x15: {  	s26 =	simm.s32 $0x8000;
	s5 =	simm.s32 $0x6;
	[dreg:$0xb] =	wrdreg s21  }
0x16: {  	s6 =	sadd.s32 s6, s1;
	s1 =	sadd.s32 s8, s1;
	[dreg:$0xc] =	wrdreg s0  }
0x17: {  	[dreg:$0x10] =	wrdreg s25;
	s20 =	simm.s32 $0x80;
	s21 =	simm.s32 $0x5000  }
0x18: {  	s25 =	simm.s32 $0x1;
	s0 =	simm.s32 $0x4;
	s22 =	sadd.s32 $0xC400, s6  }
0x19: {  	s19 =	simm.s32 $0x5;
	s23 =	sadd.s32 $0x2400, s6;
	[dreg:$0xd] =	wrdreg s22  }
0x1a: {  	s8 =	simm.s32 $0x7;
	s24 =	sadd.s32 $0x3D600, s1;
	[dreg:$0xe] =	wrdreg s23  }
0x1b: {  	s1 =	simm.s32 $0xB000;
	s6 =	simm.s32 $0x10;
	[dreg:$0xf] =	wrdreg s24  }
0x1c: {  	v0 =	vimm.f32 $0.0e+00;
	s22 =	simm.s32 $0x6000;
	s24 =	simm.s32 $0x7000;
	s23 =	simm.s32 $0xC000  }
.LBB2_1:
0x1d: {  	[dreg:$0x5] =	wrdreg s4  }
0x1e: {  	s4 =	rddreg [dreg:$0x6]  }
0x1f: {  	s7 =	rddreg [dreg:$0x11]  }
0x20: {  	[spmem:s7], [sflag:s18] =	dma.local [hbm:s4], $0x9C8  }
0x21: {  	_ =	swait.ge [sflag:s17], $0x9C8  }
0x22: {  	[sflag:s17] =	ssyncset.done $0x0  }
0x23: {  	s7 =	simm.s32 $0x80;
	s18 =	simm.s32 $0x0;
	[sflag:s17] =	ssyncadd.s32 $0xFFFFF638  }
.LBB2_2:
0x24: {  	p0 =	sne.s32 s7, $0x3F80;
	[tilespmem:s18+$0xD000] =	vst v0;
	s4 =	smov.u32 s7;
	s7 =	sadd.s32 $0x80, s7  }
.Ltmp0:
0x25: {  	[tilespmem:s18+$0xD010] =	vst v0;
	(pc) =	sbr.rel @p0 .LBB2_2-.Ltmp0, $2  }
0x26: {  	_ =	sdelay $0x2  }
0x27: {  	s18 =	sshra.s32 s4, $0x2  }
0x28: {  	[tilespmem:s18+$0xD000] =	vst v0  }
0x29: {  	[tilespmem:s18+$0xD010] =	vst v0;
	s4 =	rddreg [dreg:$0x8];
	s7 =	simm.s32 $0xD000  }
0x2a: {  	[spmem:s4] =	stream.linear.scatter [tilespmem:s7], [sflag:$0x11], $0x1000, $0x38;
	[tilespmem:$0x17C80] =	vst v63  }
0x2b: {  	_ =	swait.ge [sflag:s17], $0x1000  }
0x2c: {  	[sflag:s17] =	ssyncset.done $0x0  }
0x2d: {  	s18 =	rddreg [dreg:$0x9];
	[sflag:s17] =	ssyncadd.s32 $0xFFFFF000  }
0x2e: {  	[spmem:s18] =	stream.linear.scatter [tilespmem:s7], [sflag:$0x11], $0x1000, $0x38;
	[tilespmem:$0x17C80] =	vst v63  }
0x2f: {  	_ =	swait.ge [sflag:s17], $0x1000  }
0x30: {  	[sflag:s17] =	ssyncset.done $0x0  }
0x31: {  	s18 =	rddreg [dreg:$0xa];
	[sflag:s17] =	ssyncadd.s32 $0xFFFFF000  }
0x32: {  	[spmem:s18] =	stream.linear.scatter [tilespmem:s7], [sflag:$0x11], $0x1000, $0x38;
	[tilespmem:$0x17C80] =	vst v63  }
0x33: {  	_ =	swait.ge [sflag:s17], $0x1000  }
0x34: {  	[sflag:s17] =	ssyncset.done $0x0  }
0x35: {  	s18 =	rddreg [dreg:$0xb];
	[sflag:s17] =	ssyncadd.s32 $0xFFFFF000  }
0x36: {  	[spmem:s18] =	stream.linear.scatter [tilespmem:s7], [sflag:$0x11], $0x1000, $0x38;
	[tilespmem:$0x17C80] =	vst v63  }
0x37: {  	_ =	swait.ge [sflag:s17], $0x1000  }
0x38: {  	[sflag:s17] =	ssyncset.done $0x0  }
0x39: {  	s18 =	rddreg [dreg:$0xc];
	[sflag:s17] =	ssyncadd.s32 $0xFFFFF000  }
0x3a: {  	[spmem:s18] =	stream.linear.scatter [tilespmem:s7], [sflag:$0x11], $0xE40, $0x38;
	[tilespmem:$0x17C80] =	vst v63  }
0x3b: {  	_ =	swait.ge [sflag:s17], $0xE40  }
0x3c: {  	[sflag:s17] =	ssyncset.done $0x0  }
0x3d: {  	s4 =	simm.s32 $0x0;
	s18 =	rddreg [dreg:$0xd];
	[sflag:s17] =	ssyncadd.s32 $0xFFFFF1C0  }
0x3e: {  	[tilespmem:s4], [sflag:$0x11] =	stream.linear.gather [hbm4b:s18+s4], $0x2800, $0x38;
	[tilespmem:$0x17C80] =	vst v63  }
0x3f: {  	_ =	swait.ge [sflag:s17], $0x2800  }
0x40: {  	[sflag:s17] =	ssyncset.done $0x0  }
0x41: {  	s18 =	simm.s32 $0x2800;
	s7 =	rddreg [dreg:$0xe];
	[sflag:s17] =	ssyncadd.s32 $0xFFFFD800  }
0x42: {  	[tilespmem:s18], [sflag:$0x11] =	stream.linear.gather [hbm4b:s7+s4], $0x2800, $0x38;
	[tilespmem:$0x17C80] =	vst v63  }
0x43: {  	_ =	swait.ge [sflag:s17], $0x2800  }
0x44: {  	[sflag:s17] =	ssyncset.done $0x0  }
0x45: {  	[sflag:s17] =	ssyncadd.s32 $0xFFFFD800  }
0x46: {  	[bflag:$0x0] =	sbarrier.arrive $0xFFFF  }
0x47: {  	[tilespmem:s21], [sflag:$0x1] =	stream.indirect.gather [spmem:s2], $0x20, s4, s20, $0xb8;
	[tilespmem:$0x17C80] =	vst v63  }
0x48: {  	_ = 	snop  }
0x49: {  	[tilespmem:s22], [sflag:$0x2] =	stream.indirect.gather [spmem:s2], $0x20, s20, s20, $0xb8;
	[tilespmem:$0x17C80] =	vst v63  }
0x4a: {  	s18 =	simm.s32 $0x100  }
0x4b: {  	[tilespmem:s24], [sflag:$0x3] =	stream.indirect.gather [spmem:s2], $0x20, s18, s20, $0xb8;
	[tilespmem:$0x17C80] =	vst v63  }
0x4c: {  	s7 =	simm.s32 $0x180  }
0x4d: {  	[tilespmem:s26], [sflag:$0x4] =	stream.indirect.gather [spmem:s2], $0x20, s7, s20, $0xb8;
	[tilespmem:$0x17C80] =	vst v63  }
0x4e: {  	s18 =	simm.s32 $0x200  }
0x4f: {  	[tilespmem:s29], [sflag:$0x5] =	stream.indirect.gather [spmem:s2], $0x20, s18, s20, $0xb8;
	[tilespmem:$0x17C80] =	vst v63  }
0x50: {  	s7 =	simm.s32 $0x280  }
0x51: {  	[tilespmem:s31], [sflag:$0x6] =	stream.indirect.gather [spmem:s2], $0x20, s7, s20, $0xb8;
	[tilespmem:$0x17C80] =	vst v63  }
0x52: {  	s18 =	simm.s32 $0x300  }
0x53: {  	[tilespmem:s1], [sflag:$0x7] =	stream.indirect.gather [spmem:s2], $0x20, s18, s20, $0xb8;
	[tilespmem:$0x17C80] =	vst v63  }
0x54: {  	s7 =	simm.s32 $0x380  }
0x55: {  	[tilespmem:s23], [sflag:$0x8] =	stream.indirect.gather [spmem:s2], $0x20, s7, s20, $0xb8;
	[tilespmem:$0x17C80] =	vst v63  }
0x56: {  	_ =	swait.ge [sflag:s25], $0x1000  }
0x57: {  	[sflag:s25] =	ssyncset.done $0x0  }
0x58: {  	s18 =	simm.s32 $0x2800;
	[sflag:s25] =	ssyncadd.s32 $0xFFFFF000  }
0x59: {  	[spmem:s3] =	stream.indirect.scatter.add.f32 [tilespmem:s21], [sflag:$0x9], $0x20, s18, s20, $0xb8;
	[tilespmem:$0x17C80] =	vst v63  }
0x5a: {  	_ =	swait.ge [sflag:s28], $0x1000  }
0x5b: {  	[sflag:s28] =	ssyncset.done $0x0  }
0x5c: {  	s7 =	simm.s32 $0x2880;
	[sflag:s28] =	ssyncadd.s32 $0xFFFFF000  }
0x5d: {  	[spmem:s3] =	stream.indirect.scatter.add.f32 [tilespmem:s22], [sflag:$0xA], $0x20, s7, s20, $0xb8;
	[tilespmem:$0x17C80] =	vst v63  }
0x5e: {  	_ =	swait.ge [sflag:s30], $0x1000  }
0x5f: {  	[sflag:s30] =	ssyncset.done $0x0  }
0x60: {  	s18 =	simm.s32 $0x2900;
	[sflag:s30] =	ssyncadd.s32 $0xFFFFF000  }
0x61: {  	[spmem:s3] =	stream.indirect.scatter.add.f32 [tilespmem:s24], [sflag:$0xB], $0x20, s18, s20, $0xb8;
	[tilespmem:$0x17C80] =	vst v63  }
0x62: {  	_ =	swait.ge [sflag:s0], $0x1000  }
0x63: {  	[sflag:s0] =	ssyncset.done $0x0  }
0x64: {  	s7 =	simm.s32 $0x2980;
	[sflag:s0] =	ssyncadd.s32 $0xFFFFF000  }
0x65: {  	[spmem:s3] =	stream.indirect.scatter.add.f32 [tilespmem:s26], [sflag:$0xC], $0x20, s7, s20, $0xb8;
	[tilespmem:$0x17C80] =	vst v63  }
0x66: {  	_ =	swait.ge [sflag:s19], $0x1000  }
0x67: {  	[sflag:s19] =	ssyncset.done $0x0  }
0x68: {  	s18 =	simm.s32 $0x2A00;
	[sflag:s19] =	ssyncadd.s32 $0xFFFFF000  }
0x69: {  	[spmem:s3] =	stream.indirect.scatter.add.f32 [tilespmem:s29], [sflag:$0xD], $0x20, s18, s20, $0xb8;
	[tilespmem:$0x17C80] =	vst v63  }
0x6a: {  	_ =	swait.ge [sflag:s5], $0x1000  }
0x6b: {  	[sflag:s5] =	ssyncset.done $0x0  }
0x6c: {  	s7 =	simm.s32 $0x2A80;
	[sflag:s5] =	ssyncadd.s32 $0xFFFFF000  }
0x6d: {  	[spmem:s3] =	stream.indirect.scatter.add.f32 [tilespmem:s31], [sflag:$0xE], $0x20, s7, s20, $0xb8;
	[tilespmem:$0x17C80] =	vst v63  }
0x6e: {  	_ =	swait.ge [sflag:s8], $0x1000  }
0x6f: {  	[sflag:s8] =	ssyncset.done $0x0  }
0x70: {  	s18 =	simm.s32 $0x2B00;
	[sflag:s8] =	ssyncadd.s32 $0xFFFFF000  }
0x71: {  	[spmem:s3] =	stream.indirect.scatter.add.f32 [tilespmem:s1], [sflag:$0xF], $0x20, s18, s20, $0xb8;
	[tilespmem:$0x17C80] =	vst v63  }
0x72: {  	_ =	swait.ge [sflag:s9], $0x1000  }
0x73: {  	[sflag:s9] =	ssyncset.done $0x0  }
0x74: {  	s7 =	simm.s32 $0x2B80;
	[sflag:s9] =	ssyncadd.s32 $0xFFFFF000  }
0x75: {  	[spmem:s3] =	stream.indirect.scatter.add.f32 [tilespmem:s23], [sflag:$0x10], $0x20, s7, s20, $0xb8;
	[tilespmem:$0x17C80] =	vst v63  }
0x76: {  	_ =	swait.ge [sflag:s10], $0x1000  }
0x77: {  	[sflag:s10] =	ssyncset.done $0x0  }
0x78: {  	s18 =	simm.s32 $0x400;
	[sflag:s10] =	ssyncadd.s32 $0xFFFFF000  }
0x79: {  	[tilespmem:s21], [sflag:$0x1] =	stream.indirect.gather [spmem:s2], $0x20, s18, s20, $0xb8;
	[tilespmem:$0x17C80] =	vst v63  }
0x7a: {  	_ =	swait.ge [sflag:s11], $0x1000  }
0x7b: {  	[sflag:s11] =	ssyncset.done $0x0  }
0x7c: {  	s7 =	simm.s32 $0x480;
	[sflag:s11] =	ssyncadd.s32 $0xFFFFF000  }
0x7d: {  	[tilespmem:s22], [sflag:$0x2] =	stream.indirect.gather [spmem:s2], $0x20, s7, s20, $0xb8;
	[tilespmem:$0x17C80] =	vst v63  }
0x7e: {  	_ =	swait.ge [sflag:s12], $0x1000  }
0x7f: {  	[sflag:s12] =	ssyncset.done $0x0  }
0x80: {  	s18 =	simm.s32 $0x500;
	[sflag:s12] =	ssyncadd.s32 $0xFFFFF000  }
0x81: {  	[tilespmem:s24], [sflag:$0x3] =	stream.indirect.gather [spmem:s2], $0x20, s18, s20, $0xb8;
	[tilespmem:$0x17C80] =	vst v63  }
0x82: {  	_ =	swait.ge [sflag:s13], $0x1000  }
0x83: {  	[sflag:s13] =	ssyncset.done $0x0  }
0x84: {  	s7 =	simm.s32 $0x580;
	[sflag:s13] =	ssyncadd.s32 $0xFFFFF000  }
0x85: {  	[tilespmem:s26], [sflag:$0x4] =	stream.indirect.gather [spmem:s2], $0x20, s7, s20, $0xb8;
	[tilespmem:$0x17C80] =	vst v63  }
0x86: {  	_ =	swait.ge [sflag:s14], $0x1000  }
0x87: {  	[sflag:s14] =	ssyncset.done $0x0  }
0x88: {  	s18 =	simm.s32 $0x600;
	[sflag:s14] =	ssyncadd.s32 $0xFFFFF000  }
0x89: {  	[tilespmem:s29], [sflag:$0x5] =	stream.indirect.gather [spmem:s2], $0x20, s18, s20, $0xb8;
	[tilespmem:$0x17C80] =	vst v63  }
0x8a: {  	_ =	swait.ge [sflag:s15], $0x1000  }
0x8b: {  	[sflag:s15] =	ssyncset.done $0x0  }
0x8c: {  	s7 =	simm.s32 $0x680;
	[sflag:s15] =	ssyncadd.s32 $0xFFFFF000  }
0x8d: {  	[tilespmem:s31], [sflag:$0x6] =	stream.indirect.gather [spmem:s2], $0x20, s7, s20, $0xb8;
	[tilespmem:$0x17C80] =	vst v63  }
0x8e: {  	_ =	swait.ge [sflag:s16], $0x1000  }
0x8f: {  	[sflag:s16] =	ssyncset.done $0x0  }
0x90: {  	s18 =	simm.s32 $0x700;
	[sflag:s16] =	ssyncadd.s32 $0xFFFFF000  }
0x91: {  	[tilespmem:s1], [sflag:$0x7] =	stream.indirect.gather [spmem:s2], $0x20, s18, s20, $0xb8;
	[tilespmem:$0x17C80] =	vst v63  }
0x92: {  	_ =	swait.ge [sflag:s6], $0x1000  }
0x93: {  	[sflag:s6] =	ssyncset.done $0x0  }
0x94: {  	s7 =	simm.s32 $0x1000;
	s18 =	simm.s32 $0x780;
	[sflag:s6] =	ssyncadd.s32 $0xFFFFF000  }
.LBB2_4:
0x95: {  	[tilespmem:s23], [sflag:$0x8] =	stream.indirect.gather [spmem:s2], $0x20, s18, s20, $0xb8;
	[tilespmem:$0x17C80] =	vst v63  }
0x96: {  	s4 =	smov.u32 s7  }
0x97: {  	p0 =	sne.s32 s7, $0x8000;
	s7 =	sadd.s32 $0x1000, s7;
	_ =	swait.ge [sflag:s25], $0x1000  }
0x98: {  	s18 =	sshra.s32 s4, $0x2;
	[sflag:s25] =	ssyncset.done $0x0  }
0x99: {  	s4 =	sadd.s32 $0x2800, s18;
	[sflag:s25] =	ssyncadd.s32 $0xFFFFF000  }
0x9a: {  	[spmem:s3] =	stream.indirect.scatter.add.f32 [tilespmem:s21], [sflag:$0x9], $0x20, s4, s20, $0xb8;
	[tilespmem:$0x17C80] =	vst v63  }
0x9b: {  	_ =	swait.ge [sflag:s28], $0x1000  }
0x9c: {  	[sflag:s28] =	ssyncset.done $0x0  }
0x9d: {  	s4 =	sadd.s32 $0x2880, s18;
	[sflag:s28] =	ssyncadd.s32 $0xFFFFF000  }
0x9e: {  	[spmem:s3] =	stream.indirect.scatter.add.f32 [tilespmem:s22], [sflag:$0xA], $0x20, s4, s20, $0xb8;
	[tilespmem:$0x17C80] =	vst v63  }
0x9f: {  	_ =	swait.ge [sflag:s30], $0x1000  }
0xa0: {  	[sflag:s30] =	ssyncset.done $0x0  }
0xa1: {  	s4 =	sadd.s32 $0x2900, s18;
	[sflag:s30] =	ssyncadd.s32 $0xFFFFF000  }
0xa2: {  	[spmem:s3] =	stream.indirect.scatter.add.f32 [tilespmem:s24], [sflag:$0xB], $0x20, s4, s20, $0xb8;
	[tilespmem:$0x17C80] =	vst v63  }
0xa3: {  	_ =	swait.ge [sflag:s0], $0x1000  }
0xa4: {  	[sflag:s0] =	ssyncset.done $0x0  }
0xa5: {  	s4 =	sadd.s32 $0x2980, s18;
	[sflag:s0] =	ssyncadd.s32 $0xFFFFF000  }
0xa6: {  	[spmem:s3] =	stream.indirect.scatter.add.f32 [tilespmem:s26], [sflag:$0xC], $0x20, s4, s20, $0xb8;
	[tilespmem:$0x17C80] =	vst v63  }
0xa7: {  	_ =	swait.ge [sflag:s19], $0x1000  }
0xa8: {  	[sflag:s19] =	ssyncset.done $0x0  }
0xa9: {  	s4 =	sadd.s32 $0x2A00, s18;
	[sflag:s19] =	ssyncadd.s32 $0xFFFFF000  }
0xaa: {  	[spmem:s3] =	stream.indirect.scatter.add.f32 [tilespmem:s29], [sflag:$0xD], $0x20, s4, s20, $0xb8;
	[tilespmem:$0x17C80] =	vst v63  }
0xab: {  	_ =	swait.ge [sflag:s5], $0x1000  }
0xac: {  	[sflag:s5] =	ssyncset.done $0x0  }
0xad: {  	s4 =	sadd.s32 $0x2A80, s18;
	[sflag:s5] =	ssyncadd.s32 $0xFFFFF000  }
0xae: {  	[spmem:s3] =	stream.indirect.scatter.add.f32 [tilespmem:s31], [sflag:$0xE], $0x20, s4, s20, $0xb8;
	[tilespmem:$0x17C80] =	vst v63  }
0xaf: {  	_ =	swait.ge [sflag:s8], $0x1000  }
0xb0: {  	[sflag:s8] =	ssyncset.done $0x0  }
0xb1: {  	s4 =	sadd.s32 $0x2B00, s18;
	[sflag:s8] =	ssyncadd.s32 $0xFFFFF000  }
0xb2: {  	[spmem:s3] =	stream.indirect.scatter.add.f32 [tilespmem:s1], [sflag:$0xF], $0x20, s4, s20, $0xb8;
	[tilespmem:$0x17C80] =	vst v63  }
0xb3: {  	_ =	swait.ge [sflag:s9], $0x1000  }
0xb4: {  	[sflag:s9] =	ssyncset.done $0x0  }
0xb5: {  	s4 =	sadd.s32 $0x2B80, s18;
	[sflag:s9] =	ssyncadd.s32 $0xFFFFF000  }
0xb6: {  	[spmem:s3] =	stream.indirect.scatter.add.f32 [tilespmem:s23], [sflag:$0x10], $0x20, s4, s20, $0xb8;
	[tilespmem:$0x17C80] =	vst v63  }
0xb7: {  	_ =	swait.ge [sflag:s10], $0x1000  }
0xb8: {  	[sflag:s10] =	ssyncset.done $0x0  }
0xb9: {  	s4 =	sadd.s32 $0x400, s18;
	[sflag:s10] =	ssyncadd.s32 $0xFFFFF000  }
0xba: {  	[tilespmem:s21], [sflag:$0x1] =	stream.indirect.gather [spmem:s2], $0x20, s4, s20, $0xb8;
	[tilespmem:$0x17C80] =	vst v63  }
0xbb: {  	_ =	swait.ge [sflag:s11], $0x1000  }
0xbc: {  	[sflag:s11] =	ssyncset.done $0x0  }
0xbd: {  	s4 =	sadd.s32 $0x480, s18;
	[sflag:s11] =	ssyncadd.s32 $0xFFFFF000  }
0xbe: {  	[tilespmem:s22], [sflag:$0x2] =	stream.indirect.gather [spmem:s2], $0x20, s4, s20, $0xb8;
	[tilespmem:$0x17C80] =	vst v63  }
0xbf: {  	_ =	swait.ge [sflag:s12], $0x1000  }
0xc0: {  	[sflag:s12] =	ssyncset.done $0x0  }
0xc1: {  	s4 =	sadd.s32 $0x500, s18;
	[sflag:s12] =	ssyncadd.s32 $0xFFFFF000  }
0xc2: {  	[tilespmem:s24], [sflag:$0x3] =	stream.indirect.gather [spmem:s2], $0x20, s4, s20, $0xb8;
	[tilespmem:$0x17C80] =	vst v63  }
0xc3: {  	_ =	swait.ge [sflag:s13], $0x1000  }
0xc4: {  	[sflag:s13] =	ssyncset.done $0x0  }
0xc5: {  	s4 =	sadd.s32 $0x580, s18;
	[sflag:s13] =	ssyncadd.s32 $0xFFFFF000  }
0xc6: {  	[tilespmem:s26], [sflag:$0x4] =	stream.indirect.gather [spmem:s2], $0x20, s4, s20, $0xb8;
	[tilespmem:$0x17C80] =	vst v63  }
0xc7: {  	_ =	swait.ge [sflag:s14], $0x1000  }
0xc8: {  	[sflag:s14] =	ssyncset.done $0x0  }
0xc9: {  	s4 =	sadd.s32 $0x600, s18;
	[sflag:s14] =	ssyncadd.s32 $0xFFFFF000  }
0xca: {  	[tilespmem:s29], [sflag:$0x5] =	stream.indirect.gather [spmem:s2], $0x20, s4, s20, $0xb8;
	[tilespmem:$0x17C80] =	vst v63  }
0xcb: {  	_ =	swait.ge [sflag:s15], $0x1000  }
0xcc: {  	[sflag:s15] =	ssyncset.done $0x0  }
0xcd: {  	s4 =	sadd.s32 $0x680, s18;
	[sflag:s15] =	ssyncadd.s32 $0xFFFFF000  }
0xce: {  	[tilespmem:s31], [sflag:$0x6] =	stream.indirect.gather [spmem:s2], $0x20, s4, s20, $0xb8;
	[tilespmem:$0x17C80] =	vst v63  }
0xcf: {  	_ =	swait.ge [sflag:s16], $0x1000  }
0xd0: {  	[sflag:s16] =	ssyncset.done $0x0  }
.Ltmp1:
0xd1: {  	s4 =	sadd.s32 $0x700, s18;
	[sflag:s16] =	ssyncadd.s32 $0xFFFFF000;
	(pc) =	sbr.rel @p0 .LBB2_4-.Ltmp1, $4  }
0xd2: {  	[tilespmem:s1], [sflag:$0x7] =	stream.indirect.gather [spmem:s2], $0x20, s4, s20, $0xb8;
	[tilespmem:$0x17C80] =	vst v63  }
0xd3: {  	_ =	swait.ge [sflag:s6], $0x1000  }
0xd4: {  	[sflag:s6] =	ssyncset.done $0x0  }
0xd5: {  	s18 =	sadd.s32 $0x780, s18;
	[sflag:s6] =	ssyncadd.s32 $0xFFFFF000  }
0xd6: {  	[tilespmem:s23], [sflag:$0x8] =	stream.indirect.gather [spmem:s2], $0x20, s18, s20, $0xb8;
	[tilespmem:$0x17C80] =	vst v63  }
0xd7: {  	_ =	swait.ge [sflag:s25], $0x1000  }
0xd8: {  	[sflag:s25] =	ssyncset.done $0x0  }
0xd9: {  	s4 =	simm.s32 $0x4C00;
	[sflag:s25] =	ssyncadd.s32 $0xFFFFF000  }
0xda: {  	[spmem:s3] =	stream.indirect.scatter.add.f32 [tilespmem:s21], [sflag:$0x9], $0x20, s4, s20, $0xb8;
	[tilespmem:$0x17C80] =	vst v63  }
0xdb: {  	_ =	swait.ge [sflag:s28], $0x1000  }
0xdc: {  	[sflag:s28] =	ssyncset.done $0x0  }
0xdd: {  	s7 =	simm.s32 $0x4C80;
	[sflag:s28] =	ssyncadd.s32 $0xFFFFF000  }
0xde: {  	[spmem:s3] =	stream.indirect.scatter.add.f32 [tilespmem:s22], [sflag:$0xA], $0x20, s7, s20, $0xb8;
	[tilespmem:$0x17C80] =	vst v63  }
0xdf: {  	_ =	swait.ge [sflag:s30], $0x1000  }
0xe0: {  	[sflag:s30] =	ssyncset.done $0x0  }
0xe1: {  	s18 =	simm.s32 $0x4D00;
	[sflag:s30] =	ssyncadd.s32 $0xFFFFF000  }
0xe2: {  	[spmem:s3] =	stream.indirect.scatter.add.f32 [tilespmem:s24], [sflag:$0xB], $0x20, s18, s20, $0xb8;
	[tilespmem:$0x17C80] =	vst v63  }
0xe3: {  	_ =	swait.ge [sflag:s0], $0x1000  }
0xe4: {  	[sflag:s0] =	ssyncset.done $0x0  }
0xe5: {  	s7 =	simm.s32 $0x4D80;
	[sflag:s0] =	ssyncadd.s32 $0xFFFFF000  }
0xe6: {  	[spmem:s3] =	stream.indirect.scatter.add.f32 [tilespmem:s26], [sflag:$0xC], $0x20, s7, s20, $0xb8;
	[tilespmem:$0x17C80] =	vst v63  }
0xe7: {  	_ =	swait.ge [sflag:s19], $0x1000  }
0xe8: {  	[sflag:s19] =	ssyncset.done $0x0  }
0xe9: {  	s18 =	simm.s32 $0x4E00;
	[sflag:s19] =	ssyncadd.s32 $0xFFFFF000  }
0xea: {  	[spmem:s3] =	stream.indirect.scatter.add.f32 [tilespmem:s29], [sflag:$0xD], $0x20, s18, s20, $0xb8;
	[tilespmem:$0x17C80] =	vst v63  }
0xeb: {  	_ =	swait.ge [sflag:s5], $0x1000  }
0xec: {  	[sflag:s5] =	ssyncset.done $0x0  }
0xed: {  	s7 =	simm.s32 $0x4E80;
	[sflag:s5] =	ssyncadd.s32 $0xFFFFF000  }
0xee: {  	[spmem:s3] =	stream.indirect.scatter.add.f32 [tilespmem:s31], [sflag:$0xE], $0x20, s7, s20, $0xb8;
	[tilespmem:$0x17C80] =	vst v63  }
0xef: {  	_ =	swait.ge [sflag:s8], $0x1000  }
0xf0: {  	[sflag:s8] =	ssyncset.done $0x0  }
0xf1: {  	s18 =	simm.s32 $0x4F00;
	[sflag:s8] =	ssyncadd.s32 $0xFFFFF000  }
0xf2: {  	[spmem:s3] =	stream.indirect.scatter.add.f32 [tilespmem:s1], [sflag:$0xF], $0x20, s18, s20, $0xb8;
	[tilespmem:$0x17C80] =	vst v63  }
0xf3: {  	_ =	swait.ge [sflag:s9], $0x1000  }
0xf4: {  	[sflag:s9] =	ssyncset.done $0x0  }
0xf5: {  	s7 =	simm.s32 $0x4F80;
	[sflag:s9] =	ssyncadd.s32 $0xFFFFF000  }
0xf6: {  	[spmem:s3] =	stream.indirect.scatter.add.f32 [tilespmem:s23], [sflag:$0x10], $0x20, s7, s20, $0xb8;
	[tilespmem:$0x17C80] =	vst v63  }
0xf7: {  	_ =	swait.ge [sflag:s10], $0x1000  }
0xf8: {  	[sflag:s10] =	ssyncset.done $0x0  }
0xf9: {  	[sflag:s10] =	ssyncadd.s32 $0xFFFFF000  }
0xfa: {  	_ =	swait.ge [sflag:s11], $0x1000  }
0xfb: {  	[sflag:s11] =	ssyncset.done $0x0  }
0xfc: {  	[sflag:s11] =	ssyncadd.s32 $0xFFFFF000  }
0xfd: {  	_ =	swait.ge [sflag:s12], $0x1000  }
0xfe: {  	[sflag:s12] =	ssyncset.done $0x0  }
0xff: {  	[sflag:s12] =	ssyncadd.s32 $0xFFFFF000  }
0x100: {  	_ =	swait.ge [sflag:s13], $0x1000  }
0x101: {  	[sflag:s13] =	ssyncset.done $0x0  }
0x102: {  	[sflag:s13] =	ssyncadd.s32 $0xFFFFF000  }
0x103: {  	_ =	swait.ge [sflag:s14], $0x1000  }
0x104: {  	[sflag:s14] =	ssyncset.done $0x0  }
0x105: {  	[sflag:s14] =	ssyncadd.s32 $0xFFFFF000  }
0x106: {  	_ =	swait.ge [sflag:s15], $0x1000  }
0x107: {  	[sflag:s15] =	ssyncset.done $0x0  }
0x108: {  	[sflag:s15] =	ssyncadd.s32 $0xFFFFF000  }
0x109: {  	_ =	swait.ge [sflag:s16], $0x1000  }
0x10a: {  	[sflag:s16] =	ssyncset.done $0x0  }
0x10b: {  	[sflag:s16] =	ssyncadd.s32 $0xFFFFF000  }
0x10c: {  	_ =	swait.ge [sflag:s6], $0x1000  }
0x10d: {  	[sflag:s6] =	ssyncset.done $0x0  }
0x10e: {  	[sflag:s6] =	ssyncadd.s32 $0xFFFFF000  }
0x10f: {  	[bflag:$0x0] =	sbarrier.arrive $0xFFFF  }
0x110: {  	s18 =	rddreg [dreg:$0x8]  }
0x111: {  	s7 =	rddreg [dreg:$0xf]  }
0x112: {  	s4 =	sshrl.u32 s18, $0x3;
	s18 =	rddreg [dreg:$0x7]  }
0x113: {  	[hbm:s7], [sflag:s18] =	dma.local [spmem:s4], $0x9C8  }
0x114: {  	_ =	swait.ge [sflag:s17], $0x9C8  }
0x115: {  	s7 =	rddreg [dreg:$0x5]  }
0x116: {  	s4 =	sadd.s32 $0x1, s7;
	s7 =	rddreg [dreg:$0x10]  }
0x117: {  	p0 =	sne.s32 s4, s7  }
.Ltmp2:
0x118: {  	_ = 	snop;
	(pc) =	sbr.rel @p0 .LBB2_1-.Ltmp2, $3  }
0x119: {  	_ =	sdelay $0x1  }
0x11a: {  	[sflag:s17] =	ssyncset.done $0x0  }
0x11b: {  	[sflag:s17] =	ssyncadd.s32 $0xFFFFF638  }
0x11c: {  	_ =	sfence.sel $0x180000  }
0x11d: {  	[bflag:$0x0] =	sbarrier.arrive $0xFFFF  }
0x11e: {  	_ =	strace $0x90000050  }
0x11f: {  	s0 =	stileid.u32;
	[bflag:$0x2] =	sbarrier.arrive $0xFFFF  }
0x120: {  	p0 =	sne.s32 s0, $0x0;
	s0 =	rddreg [dreg:$0x4]  }
0x121: {  	s0 =	sadd.s32 @!p0 $0x100000, s0  }
0x122: {  	[sflag:s0] =	ssyncadd.tile.s32 @!p0 $0x1;
	_ =	shalt  }
.Lfunc_end2:
_tile_overlayer_lowered:
.L_overlay_start_2:
0x123: {  	(tag) =	ssettag $0x2  }
0x124: {  	s0 =	rddreg [dreg:$0x0];
	s2 =	stileid.u32  }
0x125: {  	s1 =	rddreg [dreg:$0x1];
	p0 =	sne.s32 s2, $0x0  }
0x126: {  	s3 =	rddreg [dreg:$0x2];
	[bflag:$0x3] =	sbarrier.arrive $0xFFFF;
	s2 =	simm.s32 @!p0 $0x1C11  }
0x127: {  	[timem:s3], [sflag:s2] =	dma.local @!p0 [hbm:s0], s1  }
0x128: {  	s0 =	simm.s32 @!p0 $0x11  }
0x129: {  	_ =	swait.ge @!p0 [sflag:s0], s1  }
0x12a: {  	s1 =	ssub.s32 @!p0 $0x0, s1;
	[sflag:s0] =	ssyncset.done @!p0 $0x0  }
0x12b: {  	[sflag:s0] =	ssyncadd.s32 @!p0 s1  }
0x12c: {  	[bflag:$0x3] =	sbarrier.arrive $0xFFFF  }
0x12d: {  	_ =	shalt  }

// kernel: kernel.9.cloned.1.call-start
scs
__scs_entry_jumppad:
0x0: {  	(pc) =	sbr.rel $0x88, $3  }
0x1: {  	(tag) =	ssettag $0x0;
	lr =	simm.s32 $0x1  }
0x2: {  	[smem:$0x3F9B] =	sst lr;
	_ =	strace $0xD0000000  }
0x3: {  	_ = 	snop  }
0x4: {  	_ = 	snop  }
0x5: {  	_ = 	snop  }
0x6: {  	_ = 	snop  }
0x7: {  	_ = 	snop  }
__scs_overlays_trampoline_lowered:
0x8: {  	[smem:$0x3FAA] =	sst s0  }
0x9: {  	[smem:$0x3FAB] =	sst s1  }
0xa: {  	[smem:$0x3FAC] =	sst s2  }
0xb: {  	[smem:$0x3FAD] =	sst s3  }
0xc: {  	[smem:$0x3FAE] =	sst s4  }
0xd: {  	[smem:$0x3FAF] =	sst s5  }
0xe: {  	[smem:$0x3FB0] =	sst s6  }
0xf: {  	[smem:$0x3FB1] =	sst s7  }
0x10: {  	[smem:$0x3FB2] =	sst s8  }
0x11: {  	[smem:$0x3FB3] =	sst s9;
	s0 =	simm.s32 @!p0 $0x0  }
0x12: {  	s1 =	sld [smem:$0x3F99];
	s0 =	simm.s32 @p0 $0x1  }
0x13: {  	[smem:$0x3FB4] =	sst s0;
	s0 =	simm.s32 @!p1 $0x0  }
0x14: {  	s2 =	sld [smem:$0x3F98];
	s0 =	simm.s32 @p1 $0x1  }
0x15: {  	[smem:$0x3FB5] =	sst s0;
	s0 =	simm.s32 @!p2 $0x0  }
0x16: {  	s3 =	sld [smem:$0x3FDB];
	s0 =	simm.s32 @p2 $0x1  }
0x17: {  	s4 =	simm.s32 $0x1BF5;
	[smem:$0x3FB7] =	sst s0  }
0x18: {  	s0 =	sld [smem:$0x3F9A];
	_ =	swait.ge [sflag:s4], $0x0  }
0x19: {  	s7 =	sld [smem:$0x3F9B]  }
0x1a: {  	s8 =	sadd.s32 $0xFFFFE003, lr  }
0x1b: {  	s9 =	sadd.s32 $0xFFFFFEF7, lr;
	s5 =	simm.s32 $0xFFFFFFFF;
	p2 =	slt.u32 s8, $0xFFFFF086  }
0x1c: {  	p1 =	slt.u32 s9, $0xF7A;
	s5 =	simm.s32 @!p2 $0x0  }
0x1d: {  	s5 =	simm.s32 @p1 $0x1;
	p0 =	seq.s32 s7, s2  }
0x1e: {  	s7 =	smul.u32 @!p0 $0xF7A, s2;
	p2 =	seq.s32 @!p0 s5, $0x0  }
0x1f: {  	s9 =	smul.u32 $0xF7A, s1;
	s8 =	simm.s32 @!p0 $0x1BF5;
	p2 =	por !p2, p0  }
0x20: {  	[sflag:s8] =	ssyncset.s32 @!p0 $0xFFFFF086;
	s6 =	sadd.s32 @!p0 s3, s7;
	s7 =	simm.s32 @!p0 $0x108  }
0x21: {  	s3 =	sadd.s32 s3, s9;
	s6 =	sadd.s32 @!p0 $0x88, s6;
	s7 =	simm.s32 @p2 $0x1082  }
0x22: {  	[simem:s7], [sflag:s8] =	dma.local @!p0 [hbm:s6], $0xF7A  }
0x23: {  	s9 =	sor.u32 $0xD0000000, s2;
	s6 =	simm.s32 $0x108;
	_ =	swait.ge @!p0 [sflag:s8], $0x0  }
0x24: {  	s3 =	sadd.s32 $0x88, s3;
	s6 =	simm.s32 @!p1 $0x1082;
	[sflag:s4] =	ssyncset.s32 $0xFFFFF086  }
0x25: {  	[simem:s6], [sflag:s4] =	dma.local [hbm:s3], $0xF7A  }
0x26: {  	[smem:$0x3F9B] =	sst s1;
	(tag) =	ssettag s2;
	_ =	strace s9  }
0x27: {  	s1 =	sld [smem:$0x3FAB]  }
0x28: {  	s2 =	sld [smem:$0x3FAC]  }
0x29: {  	s4 =	sld [smem:$0x3FAE]  }
0x2a: {  	p0 =	seq.s32 s5, $0x0;
	s5 =	sld [smem:$0x3FAF]  }
0x2b: {  	s6 =	sld [smem:$0x3FB0]  }
0x2c: {  	s7 =	sld [smem:$0x3FB1]  }
0x2d: {  	s3 =	simm.s32 $0x108;
	s8 =	sld [smem:$0x3FB2]  }
0x2e: {  	s3 =	simm.s32 @!p0 $0x1082;
	s9 =	sld [smem:$0x3FB3]  }
0x2f: {  	lr =	sadd.s32 s0, s3;
	s0 =	sld [smem:$0x3FAA]  }
0x30: {  	s3 =	sld [smem:$0x3FAD]  }
0x31: {  	[smem:$0x3FB6] =	sst s10  }
0x32: {  	s10 =	sld [smem:$0x3FB4];
	_ =	sdelay $0x3  }
0x33: {  	p0 =	seq.s32 s10, $0x1;
	s10 =	sld [smem:$0x3FB6];
	_ =	sdelay $0x3  }
0x34: {  	[smem:$0x3FB6] =	sst s10  }
0x35: {  	s10 =	sld [smem:$0x3FB5];
	_ =	sdelay $0x3  }
0x36: {  	p1 =	seq.s32 s10, $0x1;
	s10 =	sld [smem:$0x3FB6];
	_ =	sdelay $0x3  }
0x37: {  	[smem:$0x3FB6] =	sst s10  }
0x38: {  	s10 =	sld [smem:$0x3FB7]  }
0x39: {  	_ = 	snop;
	(pc) =	sbr.ind lr, $3  }
0x3a: {  	_ = 	snop  }
0x3b: {  	_ = 	snop  }
0x3c: {  	p2 =	seq.s32 s10, $0x1;
	s10 =	sld [smem:$0x3FB6]  }
0x3d: {  	_ =	shalt  }
0x3e: {  	_ =	shalt  }
0x3f: {  	_ =	shalt  }
0x40: {  	_ =	shalt  }
0x41: {  	_ =	shalt  }
0x42: {  	_ =	shalt  }
0x43: {  	_ =	shalt  }
0x44: {  	_ =	shalt  }
0x45: {  	_ =	shalt  }
0x46: {  	_ =	shalt  }
0x47: {  	_ =	shalt  }
0x48: {  	_ =	shalt  }
0x49: {  	_ =	shalt  }
0x4a: {  	_ =	shalt  }
0x4b: {  	_ =	shalt  }
0x4c: {  	_ =	shalt  }
0x4d: {  	_ =	shalt  }
0x4e: {  	_ =	shalt  }
0x4f: {  	_ =	shalt  }
0x50: {  	_ =	shalt  }
0x51: {  	_ =	shalt  }
0x52: {  	_ =	shalt  }
0x53: {  	_ =	shalt  }
0x54: {  	_ =	shalt  }
0x55: {  	_ =	shalt  }
0x56: {  	_ =	shalt  }
0x57: {  	_ =	shalt  }
0x58: {  	_ =	shalt  }
0x59: {  	_ =	shalt  }
0x5a: {  	_ =	shalt  }
0x5b: {  	_ =	shalt  }
0x5c: {  	_ =	shalt  }
0x5d: {  	_ =	shalt  }
0x5e: {  	_ =	shalt  }
0x5f: {  	_ =	shalt  }
0x60: {  	_ =	shalt  }
0x61: {  	_ =	shalt  }
0x62: {  	_ =	shalt  }
0x63: {  	_ =	shalt  }
0x64: {  	_ =	shalt  }
0x65: {  	_ =	shalt  }
0x66: {  	_ =	shalt  }
0x67: {  	_ =	shalt  }
0x68: {  	_ =	shalt  }
0x69: {  	_ =	shalt  }
0x6a: {  	_ =	shalt  }
0x6b: {  	_ =	shalt  }
0x6c: {  	_ =	shalt  }
0x6d: {  	_ =	shalt  }
0x6e: {  	_ =	shalt  }
0x6f: {  	_ =	shalt  }
0x70: {  	_ =	shalt  }
0x71: {  	_ =	shalt  }
0x72: {  	_ =	shalt  }
0x73: {  	_ =	shalt  }
0x74: {  	_ =	shalt  }
0x75: {  	_ =	shalt  }
0x76: {  	_ =	shalt  }
0x77: {  	_ =	shalt  }
0x78: {  	_ =	shalt  }
0x79: {  	_ =	shalt  }
0x7a: {  	_ =	shalt  }
0x7b: {  	_ =	shalt  }
0x7c: {  	_ =	shalt  }
0x7d: {  	_ =	shalt  }
0x7e: {  	_ =	shalt  }
0x7f: {  	_ =	shalt  }
0x80: {  	_ =	shalt  }
0x81: {  	_ =	shalt  }
0x82: {  	_ =	shalt  }
0x83: {  	_ =	shalt  }
0x84: {  	_ =	shalt  }
0x85: {  	_ =	shalt  }
0x86: {  	_ =	shalt  }
0x87: {  	_ =	shalt  }
.Lfunc_end0:
.L_simem_size_0:
called_computation_lowered:
.L_overlay_start_0:
0x88: {  	s2 =	sld [smem:$0x3FD9]  }
0x89: {  	s3 =	sld [smem:$0x3FFE];
	_ =	sdelay $0x1  }
0x8a: {  	s1 =	srdreg.scid  }
0x8b: {  	s0 =	sand.u32 $0x1, s1  }
0x8c: {  	s17 =	sshll.u32 s0, $0xA;
	s2 =	sadd.s32 s3, s2  }
0x8d: {  	s2 =	sadd.s32 s2, s17  }
0x8e: {  	[smem:$0x3FC2] =	sst s2  }
0x8f: {  	_ = 	snop  }
0x90: {  	s2 =	sld [smem:$0x3FD0];
	(tm) =	ssettm $0x1  }
0x91: {  	s18 =	sld [smem:$0x3FFB];
	_ =	sdelay $0x3  }
0x92: {  	_ =	strace s18  }
0x93: {  	s3 =	sld [smem:$0x3FFC];
	_ =	sdelay $0x3  }
0x94: {  	_ =	strace s3  }
0x95: {  	s3 =	sld [smem:$0x3FFD];
	_ =	sdelay $0x3  }
0x96: {  	_ =	strace s3  }
0x97: {  	_ =	strace $0x8FFFFFFF  }
0x98: {  	s19 =	sld [smem:$0x3FDB];
	_ =	sdelay $0x1  }
0x99: {  	s4 =	simm.s32 $_scs_section_size  }
0x9a: {  	s5 =	simm.s32 $_size__tile_overlayer_lowered;
	s6 =	simm.s32 $_tile_overlayer_lowered  }
0x9b: {  	s22 =	simm.s32 $0x1BFF;
	s21 =	sshll.u32 s6, $0x1;
	s3 =	sadd.s32 s4, s19  }
0x9c: {  	s7 =	simm.s32 $0x0;
	s20 =	sshll.u32 s5, $0x1;
	s5 =	sadd.s32 s21, s3  }
0x9d: {  	[timem:s7], [sflag:s22] =	dma.local [hbm:s5], s20  }
0x9e: {  	_ =	swait.ge [sflag:s22], s20  }
0x9f: {  	s4 =	ssub.s32 $0x0, s20;
	[sflag:s22] =	ssyncset.done $0x0  }
0xa0: {  	[sflag:s22] =	ssyncadd.s32 s4;
	_ =	sdelay $0x1  }
0xa1: {  	s23 =	simm.s32 $0x1B8B  }
0xa2: {  	_ =	swait.ge [sflag:s23], $0x1  }
0xa3: {  	[sflag:s23] =	ssyncset.done $0x0  }
0xa4: {  	s25 =	simm.s32 $0x1B8E;
	s24 =	sld [smem:$0x3FFE];
	[sflag:s23] =	ssyncadd.s32 $0xFFFFFFFF  }
0xa5: {  	s26 =	simm.s32 $execute0_lowered;
	[smem:$0x3FD2] =	sst s25  }
0xa6: {  	s5 =	sshll.u32 s26, $0x1;
	_ =	strace $0x80000046;
	[dreg:$0x1] =	wrdreg $0xFFFFFFFF  }
0xa7: {  	s28 =	simm.s32 $_size_execute0_lowered;
	s3 =	sadd.s32 s3, s5;
	[dreg:$0x0] =	wrdreg $0x0  }
0xa8: {  	s5 =	sshll.u32 s28, $0x1;
	[dreg:$0x2] =	wrdreg s3  }
0xa9: {  	[dreg:$0x3] =	wrdreg s5  }
0xaa: {  	[dreg:$0x4] =	wrdreg $0xC0  }
0xab: {  	_ =	task [dreg:s7], $0x5FFFF  }
0xac: {  	[dreg:$0x1] =	wrdreg $0xFFFFFFFF  }
0xad: {  	[dreg:$0x0] =	wrdreg $0x60  }
0xae: {  	[dreg:$0x2] =	wrdreg s24  }
0xaf: {  	[dreg:$0x3] =	wrdreg s2  }
0xb0: {  	[dreg:$0x4] =	wrdreg $0x38000  }
0xb1: {  	[dreg:$0x5] =	wrdreg $0x9  }
0xb2: {  	_ =	task.clear_ibuf [dreg:s7], $0x6FFFF;
	_ =	strace $0x90000046  }
0xb3: {  	s29 =	simm.s32 $0x9;
	_ =	strace $0x80000048  }
0xb4: {  	_ =	swait.ge [sflag:s29], $0x1  }
0xb5: {  	[sflag:s29] =	ssyncadd.s32 $0xFFFFFFFF  }
0xb6: {  	_ =	strace $0x90000048  }
0xb7: {  	_ =	sfence  }
0xb8: {  	s30 =	sld [smem:$0x0];
	_ =	sdelay $0x2  }
0xb9: {  	s31 =	sshll.u32 s1, $0xD;
	s1 =	sshrl.u32 s1, $0x2  }
0xba: {  	s3 =	sand.u32 $0x4000, s31;
	s1 =	sadd.s32 s1, s30  }
0xbb: {  	s0 =	sor.u32 s3, s0;
	s1 =	sshll.u32 s1, $0x11  }
0xbc: {  	s0 =	sor.u32 s1, s0  }
0xbd: {  	s0 =	sadd.s32 $0x8F2B, s0  }
0xbe: {  	[sflag:s0] =	ssyncadd.remote.s32 $0x1  }
0xbf: {  	_ =	sfence.sel $0xFFFF  }
0xc0: {  	[dreg:$0x0] =	wrdreg $0xFFFFFFFF;
	(pc) =	sbr.abs _section_cstart, $3  }
0xc1: {  	[dreg:$0x1] =	wrdreg $0xFFFFFFFF  }
0xc2: {  	_ =	task.clear_ibuf [dreg:s7], $0x2FFFF;
	_ =	strace $0x9FFFFFFF  }
0xc3: {  	(tm) =	ssettm $0x7FFFFFFF  }
tec
execute0_lowered:
.L_overlay_start_1:
0x0: {  	(tag) =	ssettag $0x1  }
0x1: {  	s4 =	rddreg [dreg:$0x0]  }
0x2: {  	s0 =	srdreg.scid;
	s10 =	rddreg [dreg:$0x1]  }
0x3: {  	s2 =	rddreg [dreg:$0x2];
	s5 =	sand.u32 $0x1, s0;
	s0 =	stileid.u32  }
0x4: {  	s3 =	simm.s32 $0x0;
	s14 =	simm.s32 $0x80;
	s7 =	smul.u32 $0x9C80, s0  }
0x5: {  	s15 =	simm.s32 $0x2800;
	[smem:$0x7FF] =	sst s3;
	s8 =	smul.u32 $0x2720, s0  }
0x6: {  	s1 =	sshll.u32 s5, $0x4;
	s28 =	ssub.s32 $0x2, s5;
	s12 =	smul.u32 $0x27200, s5  }
0x7: {  	s16 =	sshll.u32 s0, $0x6;
	s6 =	sor.u32 s0, s1;
	s1 =	rddreg [dreg:$0x3]  }
0x8: {  	_ =	strace $0x80000047;
	s30 =	sshrl.u32 s28, $0x1;
	s16 =	sor.u32 $0x1C01, s16  }
0x9: {  	s6 =	smul.u32 $0x500, s6;
	s29 =	sshrl.u32 s7, $0x2;
	s12 =	sadd.s32 s8, s12  }
0xa: {  	s13 =	ssub.s32 s28, s30;
	s11 =	sadd.s32 s29, s2;
	s31 =	sshrl.u32 s12, $0x3  }
0xb: {  	s12 =	simm.s32 $0x3000;
	s9 =	sadd.s32 s6, s4;
	s4 =	sadd.s32 s8, s2  }
0xc: {  	s5 =	sadd.s32 $0x800, s11;
	s6 =	sadd.s32 $0x1000, s11;
	s7 =	sadd.s32 $0x1800, s11  }
0xd: {  	s8 =	sadd.s32 $0x2000, s11;
	s10 =	sadd.s32 s10, s31;
	s11 =	smax.u32 s13, $0x1  }
0xe: {  	v0 =	vimm.f32 $1.000000000e+00;
	v1 =	vimm.f32 $0.0e+00;
	s13 =	simm.s32 $0x1;
	s9 =	sadd.s32 $0x2400, s9;
	s17 =	sshrl.u32 s4, $0x3  }
.LBB2_1:
0xf: {  	s18 =	simm.s32 $0x0  }
.LBB2_2:
0x10: {  	p0 =	sne.s32 s18, $0x1FC0  }
.Ltmp0:
0x11: {  	_ = 	snop;
	(pc) =	sbr.rel @p0 .LBB2_2-.Ltmp0, $3  }
0x12: {  	_ =	sdelay $0x1  }
0x13: {  	s19 =	sshra.s32 s18, $0x2  }
0x14: {  	s18 =	sadd.s32 $0x40, s18;
	[tilespmem:s19+$0x2800] =	vst v0  }
0x15: {  	s18 =	simm.s32 $0x40;
	s19 =	simm.s32 $0x0  }
.LBB2_4:
0x16: {  	p0 =	sne.s32 s18, $0x1FC0;
	[tilespmem:s19+$0x3000] =	vst v1;
	s19 =	smov.u32 s18;
	s18 =	sadd.s32 $0x40, s18  }
.Ltmp1:
0x17: {  	(pc) =	sbr.rel @p0 .LBB2_4-.Ltmp1, $2  }
0x18: {  	_ =	sdelay $0x2  }
0x19: {  	s19 =	sshra.s32 s19, $0x2  }
0x1a: {  	[tilespmem:s19+$0x3000] =	vst v1  }
0x1b: {  	[spmem:s4] =	stream.linear.scatter [tilespmem:s12], [sflag:$0x1], $0x800, $0x38;
	[tilespmem:$0x5F20] =	vst v63  }
0x1c: {  	_ =	swait.ge [sflag:s13], $0x800  }
0x1d: {  	[sflag:s13] =	ssyncset.done $0x0  }
0x1e: {  	[sflag:s13] =	ssyncadd.s32 $0xFFFFF800  }
0x1f: {  	[spmem:s5] =	stream.linear.scatter [tilespmem:s12], [sflag:$0x1], $0x800, $0x38;
	[tilespmem:$0x5F20] =	vst v63  }
0x20: {  	_ =	swait.ge [sflag:s13], $0x800  }
0x21: {  	[sflag:s13] =	ssyncset.done $0x0  }
0x22: {  	[sflag:s13] =	ssyncadd.s32 $0xFFFFF800  }
0x23: {  	[spmem:s6] =	stream.linear.scatter [tilespmem:s12], [sflag:$0x1], $0x800, $0x38;
	[tilespmem:$0x5F20] =	vst v63  }
0x24: {  	_ =	swait.ge [sflag:s13], $0x800  }
0x25: {  	[sflag:s13] =	ssyncset.done $0x0  }
0x26: {  	[sflag:s13] =	ssyncadd.s32 $0xFFFFF800  }
0x27: {  	[spmem:s7] =	stream.linear.scatter [tilespmem:s12], [sflag:$0x1], $0x800, $0x38;
	[tilespmem:$0x5F20] =	vst v63  }
0x28: {  	_ =	swait.ge [sflag:s13], $0x800  }
0x29: {  	[sflag:s13] =	ssyncset.done $0x0  }
0x2a: {  	[sflag:s13] =	ssyncadd.s32 $0xFFFFF800  }
0x2b: {  	[spmem:s8] =	stream.linear.scatter [tilespmem:s12], [sflag:$0x1], $0x720, $0x38;
	[tilespmem:$0x5F20] =	vst v63  }
0x2c: {  	_ =	swait.ge [sflag:s13], $0x720  }
0x2d: {  	[sflag:s13] =	ssyncset.done $0x0  }
0x2e: {  	s18 =	simm.s32 $0x0;
	[sflag:s13] =	ssyncadd.s32 $0xFFFFF8E0  }
0x2f: {  	[tilespmem:s18], [sflag:$0x1] =	stream.linear.gather [hbm4b:s9+s18], $0x2800, $0x38;
	[tilespmem:$0x5F20] =	vst v63  }
0x30: {  	_ =	swait.ge [sflag:s13], $0x2800  }
0x31: {  	[sflag:s13] =	ssyncset.done $0x0  }
0x32: {  	[sflag:s13] =	ssyncadd.s32 $0xFFFFD800  }
0x33: {  	s31 =	simm.s32 $0x0;
	[bflag:$0x0] =	sbarrier.arrive $0xFFFF  }
0x34: {  	[spmem:s2] =	stream.indirect.scatter.add.f32 [tilespmem:s15], [sflag:$0x1], $0x10, s31, s14, $0xb8;
	[tilespmem:$0x5F20] =	vst v63  }
0x35: {  	_ =	swait.ge [sflag:s13], $0x800  }
0x36: {  	s18 =	simm.s32 $0x200;
	[sflag:s13] =	ssyncset.done $0x0  }
.LBB2_6:
0x37: {  	s19 =	sshra.s32 s18, $0x2;
	[sflag:s13] =	ssyncadd.s32 $0xFFFFF800;
	p0 =	sne.s32 s18, $0x9E00  }
0x38: {  	[spmem:s2] =	stream.indirect.scatter.add.f32 [tilespmem:s15], [sflag:$0x1], $0x10, s19, s14, $0xb8;
	[tilespmem:$0x5F20] =	vst v63  }
.Ltmp2:
0x39: {  	_ = 	snop;
	(pc) =	sbr.rel @p0 .LBB2_6-.Ltmp2, $4  }
0x3a: {  	_ = 	snop  }
0x3b: {  	s18 =	sadd.s32 $0x200, s18  }
0x3c: {  	_ =	swait.ge [sflag:s13], $0x800  }
0x3d: {  	[sflag:s13] =	ssyncset.done $0x0  }
0x3e: {  	s3 =	sadd.s32 $0x1, s3  }
0x3f: {  	[sflag:s13] =	ssyncadd.s32 $0xFFFFF800;
	p0 =	sne.s32 s3, s11  }
.Ltmp3:
0x40: {  	[bflag:$0x0] =	sbarrier.arrive $0xFFFF;
	(pc) =	sbr.rel @p0 .LBB2_1-.Ltmp3, $4  }
0x41: {  	[hbm:s10], [sflag:s16] =	dma.local [spmem:s17], $0x4E4  }
0x42: {  	_ =	swait.ge [sflag:s13], $0x4E4  }
0x43: {  	[sflag:s13] =	ssyncset.done $0x0  }
0x44: {  	[sflag:s13] =	ssyncadd.s32 $0xFFFFFB1C  }
0x45: {  	_ =	sfence.sel $0x180000  }
0x46: {  	[bflag:$0x0] =	sbarrier.arrive $0xFFFF  }
0x47: {  	p0 =	sne.s32 s0, $0x0;
	_ =	strace $0x90000047  }
0x48: {  	s0 =	sadd.s32 @!p0 $0x100000, s1;
	[bflag:$0x2] =	sbarrier.arrive $0xFFFF  }
0x49: {  	[sflag:s0] =	ssyncadd.tile.s32 @!p0 $0x1;
	_ =	shalt  }
.Lfunc_end2:
_tile_overlayer_lowered:
.L_overlay_start_2:
0x4a: {  	(tag) =	ssettag $0x2  }
0x4b: {  	s0 =	rddreg [dreg:$0x0];
	s2 =	stileid.u32  }
0x4c: {  	s1 =	rddreg [dreg:$0x1];
	p0 =	sne.s32 s2, $0x0  }
0x4d: {  	s3 =	rddreg [dreg:$0x2];
	[bflag:$0x3] =	sbarrier.arrive $0xFFFF;
	s2 =	simm.s32 @!p0 $0x1C01  }
0x4e: {  	[timem:s3], [sflag:s2] =	dma.local @!p0 [hbm:s0], s1  }
0x4f: {  	s0 =	simm.s32 @!p0 $0x1  }
0x50: {  	_ =	swait.ge @!p0 [sflag:s0], s1  }
0x51: {  	s1 =	ssub.s32 @!p0 $0x0, s1;
	[sflag:s0] =	ssyncset.done @!p0 $0x0  }
0x52: {  	[sflag:s0] =	ssyncadd.s32 @!p0 s1  }
0x53: {  	[bflag:$0x3] =	sbarrier.arrive $0xFFFF  }
0x54: {  	_ =	shalt  }

</sc_bundles>
